<compile_context>
chip_gen: v7x
topology: tpu7x:2x2x1
jax: 0.10.2.dev20260603
libtpu: 0.0.44.dev20260713+nightly
codegen_flags: <defaults>
</compile_context>

<pallas_src>
import functools

import jax
import jax.numpy as jnp
from jax import lax
from jax.experimental import pallas as pl
from jax.experimental.pallas import tpu as pltpu
from jax.experimental.pallas import tpu_sc as plsc

N_USERS = 1000000
N_ITEMS = 1000000
N_FACTORS = 128
BATCH = 16384

NC = 2
NS = 16
NW = NC * NS
B_PER_W = BATCH // NW
CHUNK = 128
NCHUNK = B_PER_W // CHUNK
TAIL0 = 999424
TAIL_N = N_USERS - TAIL0
DCHUNK = 64
DNCHUNK = B_PER_W // DCHUNK


def _shuf(x, idx):
    return lax.gather(
        x, idx[:, None],
        dimension_numbers=lax.GatherDimensionNumbers(
            offset_dims=(), collapsed_slice_dims=(0,), start_index_map=(0,)),
        slice_sizes=(1,),
        mode=lax.GatherScatterMode.PROMISE_IN_BOUNDS,
    )


def _dots_body(users_hbm, items_hbm, uf_hbm, if_hbm, out_hbm,
               u_idx, i_idx, uf_a, if_a, uf_b, if_b, uf_c, if_c, uf_d, if_d,
               p_dot, out_v, sem_a, sem_b, sem_c, sem_d):
    wid = lax.axis_index("s") * NC + lax.axis_index("c")
    base = wid * B_PER_W
    pltpu.sync_copy(users_hbm.at[pl.ds(base, B_PER_W)], u_idx)
    pltpu.sync_copy(items_hbm.at[pl.ds(base, B_PER_W)], i_idx)
    lane = lax.iota(jnp.int32, 16)

    bufs = [(uf_a, if_a), (uf_b, if_b), (uf_c, if_c), (uf_d, if_d)]
    sems = [sem_a, sem_b, sem_c, sem_d]
    NBUF = 4

    def fire(c):
        sl = pl.ds(c * DCHUNK, DCHUNK)
        uf_r, if_r = bufs[c % NBUF]
        sem = sems[c % NBUF]
        return [
            pltpu.async_copy(uf_hbm.at[u_idx.at[sl]], uf_r, sem),
            pltpu.async_copy(if_hbm.at[i_idx.at[sl]], if_r, sem),
        ]

    pending = {c: fire(c) for c in range(min(NBUF - 1, DNCHUNK))}
    for c in range(DNCHUNK):
        if c + NBUF - 1 < DNCHUNK:
            pending[c + NBUF - 1] = fire(c + NBUF - 1)
        for cp in pending.pop(c):
            cp.wait()
        uf_rows, if_rows = bufs[c % NBUF]

        @plsc.parallel_loop(0, DCHUNK, unroll=4)
        def rowbody(r):
            t0 = uf_rows[r, pl.ds(0, 16)] * if_rows[r, pl.ds(0, 16)]
            t1 = uf_rows[r, pl.ds(16, 16)] * if_rows[r, pl.ds(16, 16)]
            t2 = uf_rows[r, pl.ds(32, 16)] * if_rows[r, pl.ds(32, 16)]
            t3 = uf_rows[r, pl.ds(48, 16)] * if_rows[r, pl.ds(48, 16)]
            t4 = uf_rows[r, pl.ds(64, 16)] * if_rows[r, pl.ds(64, 16)]
            t5 = uf_rows[r, pl.ds(80, 16)] * if_rows[r, pl.ds(80, 16)]
            t6 = uf_rows[r, pl.ds(96, 16)] * if_rows[r, pl.ds(96, 16)]
            t7 = uf_rows[r, pl.ds(112, 16)] * if_rows[r, pl.ds(112, 16)]
            s = ((t0 + t1) + (t2 + t3)) + ((t4 + t5) + (t6 + t7))
            for k in (8, 4, 2, 1):
                s = s + _shuf(s, lane ^ k)
            p_dot[r, pl.ds(0, 16)] = s

        def gout(g, _):
            off = c * DCHUNK + g * 16
            d16 = plsc.load_gather(p_dot, [g * 16 + lane, lane])
            out_v[pl.ds(off, 16)] = d16
            return 0

        lax.fori_loop(0, DCHUNK // 16, gout, 0)
    pltpu.sync_copy(out_v, out_hbm.at[pl.ds(base, B_PER_W)])


def _bias_body(users_hbm, items_hbm, dots_hbm, ub_hbm, ib_hbm,
               ubt_hbm, ibt_hbm, out_hbm,
               u_idx, i_idx, cu_idx, ci_idx, ub_v, ib_v, ub_tl, ib_tl,
               dots_v, out_v, sem):
    wid = lax.axis_index("s") * NC + lax.axis_index("c")
    base = wid * B_PER_W
    pltpu.sync_copy(users_hbm.at[pl.ds(base, B_PER_W)], u_idx)
    pltpu.sync_copy(items_hbm.at[pl.ds(base, B_PER_W)], i_idx)
    lane = lax.iota(jnp.int32, 16)

    def crow(g, _):
        gsl = pl.ds(g * 16, 16)
        cu_idx[gsl] = jnp.minimum(u_idx[gsl], TAIL0 - 1)
        ci_idx[gsl] = jnp.minimum(i_idx[gsl], TAIL0 - 1)
        return 0

    lax.fori_loop(0, B_PER_W // 16, crow, 0)

    cps = []
    for c in range(NCHUNK):
        sl = pl.ds(c * CHUNK, CHUNK)
        cps.append(pltpu.async_copy(ub_hbm.at[cu_idx.at[sl]], ub_v.at[sl], sem))
        cps.append(pltpu.async_copy(ib_hbm.at[ci_idx.at[sl]], ib_v.at[sl], sem))
    pltpu.sync_copy(dots_hbm.at[pl.ds(base, B_PER_W)], dots_v)
    pltpu.sync_copy(ubt_hbm, ub_tl)
    pltpu.sync_copy(ibt_hbm, ib_tl)
    for cp in cps:
        cp.wait()

    def gout(g, _):
        gsl = pl.ds(g * 16, 16)
        u16 = u_idx[gsl]
        i16 = i_idx[gsl]
        ub16 = ub_v[gsl]
        ib16 = ib_v[gsl]
        ubt16 = plsc.load_gather(
            ub_tl, [jnp.maximum(jnp.minimum(u16 - TAIL0, TAIL_N - 1), 0)])
        ibt16 = plsc.load_gather(
            ib_tl, [jnp.maximum(jnp.minimum(i16 - TAIL0, TAIL_N - 1), 0)])
        ub16 = jnp.where(u16 >= TAIL0, ubt16, ub16)
        ib16 = jnp.where(i16 >= TAIL0, ibt16, ib16)
        out_v[gsl] = dots_v[gsl] + ub16 + ib16
        return 0

    lax.fori_loop(0, B_PER_W // 16, gout, 0)
    pltpu.sync_copy(out_v, out_hbm.at[pl.ds(base, B_PER_W)])


@jax.jit
def kernel(users, items, user_factors, item_factors, user_biases, item_biases):
    ub_flat = user_biases[:TAIL0].reshape(TAIL0)
    ib_flat = item_biases[:TAIL0].reshape(TAIL0)
    ub_tail = user_biases[TAIL0:].reshape(TAIL_N)
    ib_tail = item_biases[TAIL0:].reshape(TAIL_N)

    mesh = plsc.VectorSubcoreMesh(core_axis_name="c", subcore_axis_name="s")
    run_dots = functools.partial(
        pl.kernel,
        out_type=jax.ShapeDtypeStruct((BATCH,), jnp.float32),
        mesh=mesh,
        compiler_params=pltpu.CompilerParams(needs_layout_passes=False),
        scratch_types=[
            pltpu.VMEM((B_PER_W,), jnp.int32),
            pltpu.VMEM((B_PER_W,), jnp.int32),
            pltpu.VMEM((DCHUNK, N_FACTORS), jnp.float32),
            pltpu.VMEM((DCHUNK, N_FACTORS), jnp.float32),
            pltpu.VMEM((DCHUNK, N_FACTORS), jnp.float32),
            pltpu.VMEM((DCHUNK, N_FACTORS), jnp.float32),
            pltpu.VMEM((DCHUNK, N_FACTORS), jnp.float32),
            pltpu.VMEM((DCHUNK, N_FACTORS), jnp.float32),
            pltpu.VMEM((DCHUNK, N_FACTORS), jnp.float32),
            pltpu.VMEM((DCHUNK, N_FACTORS), jnp.float32),
            pltpu.VMEM((DCHUNK, 16), jnp.float32),
            pltpu.VMEM((B_PER_W,), jnp.float32),
            pltpu.SemaphoreType.DMA,
            pltpu.SemaphoreType.DMA,
            pltpu.SemaphoreType.DMA,
            pltpu.SemaphoreType.DMA,
        ],
    )(_dots_body)
    dots = run_dots(users, items, user_factors, item_factors)

    run_bias = functools.partial(
        pl.kernel,
        out_type=jax.ShapeDtypeStruct((BATCH,), jnp.float32),
        mesh=mesh,
        compiler_params=pltpu.CompilerParams(needs_layout_passes=False),
        scratch_types=[
            pltpu.VMEM((B_PER_W,), jnp.int32),
            pltpu.VMEM((B_PER_W,), jnp.int32),
            pltpu.VMEM((B_PER_W,), jnp.int32),
            pltpu.VMEM((B_PER_W,), jnp.int32),
            pltpu.VMEM((B_PER_W,), jnp.float32),
            pltpu.VMEM((B_PER_W,), jnp.float32),
            pltpu.VMEM((TAIL_N,), jnp.float32),
            pltpu.VMEM((TAIL_N,), jnp.float32),
            pltpu.VMEM((B_PER_W,), jnp.float32),
            pltpu.VMEM((B_PER_W,), jnp.float32),
            pltpu.SemaphoreType.DMA,
        ],
    )(_bias_body)
    return run_bias(users, items, dots, ub_flat, ib_flat, ub_tail, ib_tail)

# --- scband reference (transcript-rebuilt; emitter-appended) ---
"""Pipeline reference for scband-mf-74672301408319 (READ-ONLY COPY).

The authoritative reference and input builder live on the scoring server;
editing this copy changes nothing except your own understanding.
"""

import jax, jax.numpy as jnp
import numpy as np

N_USERS = 1000000
N_ITEMS = 1000000
N_FACTORS = 128
BATCH = 16384

def setup_inputs(seed: int = 0) -> dict:
    key = jax.random.key(seed)
    k1, k2, k3, k4, k5, k6 = jax.random.split(key, 6)
    users = jax.random.randint(k1, (BATCH,), 0, N_USERS, dtype=jnp.int64 if jax.config.jax_enable_x64 else jnp.int32).astype(jnp.int32)
    items = jax.random.randint(k2, (BATCH,), 0, N_ITEMS, dtype=jnp.int64 if jax.config.jax_enable_x64 else jnp.int32).astype(jnp.int32)
    # xavier_normal_ for Embedding weight [num, dim]: std = sqrt(2/(num+dim))
    uf_std = float(np.sqrt(2.0 / (N_USERS + N_FACTORS)))
    if_std = float(np.sqrt(2.0 / (N_ITEMS + N_FACTORS)))
    user_factors = jax.random.normal(k3, (N_USERS, N_FACTORS), dtype=jnp.float32) * uf_std
    item_factors = jax.random.normal(k4, (N_ITEMS, N_FACTORS), dtype=jnp.float32) * if_std
    user_biases = jax.random.normal(k5, (N_USERS, 1), dtype=jnp.float32)
    item_biases = jax.random.normal(k6, (N_ITEMS, 1), dtype=jnp.float32)
    return {"users": users, "items": items,
            "user_factors": user_factors, "item_factors": item_factors,
            "user_biases": user_biases, "item_biases": item_biases}

def reference(users, items, user_factors, item_factors, user_biases, item_biases):
    ub = jnp.take(user_biases, users, axis=0)            # [B, 1]
    ib = jnp.take(item_biases, items, axis=0)            # [B, 1]
    uf = jnp.take(user_factors, users, axis=0)           # [B, F]
    itf = jnp.take(item_factors, items, axis=0)          # [B, F]
    pred = ub + ib + jnp.sum(uf * itf, axis=1, keepdims=True)
    return jnp.squeeze(pred, axis=-1)                    # [B]

if __name__ == "__main__":
    import jax
    _d = setup_inputs()
    print(jax.jit(kernel)(*tuple(_d.values())))

</pallas_src>

<mosaic_0001>
#map = affine_map<(d0, d1) -> (0)>
module attributes {stable_mosaic.version = 14 : i64} {
  func.func @_bias_body(%arg0: i32, %arg1: i32, %arg2: memref<16384xi32, #tpu.memory_space<hbm>>, %arg3: memref<16384xi32, #tpu.memory_space<hbm>>, %arg4: memref<16384xf32, #tpu.memory_space<hbm>>, %arg5: memref<999424xf32, #tpu.memory_space<hbm>>, %arg6: memref<999424xf32, #tpu.memory_space<hbm>>, %arg7: memref<576xf32, #tpu.memory_space<hbm>>, %arg8: memref<576xf32, #tpu.memory_space<hbm>>, %arg9: memref<16384xf32, #tpu.memory_space<hbm>>, %arg10: memref<512xi32, #tpu.memory_space<vmem>>, %arg11: memref<512xi32, #tpu.memory_space<vmem>>, %arg12: memref<512xi32, #tpu.memory_space<vmem>>, %arg13: memref<512xi32, #tpu.memory_space<vmem>>, %arg14: memref<512xf32, #tpu.memory_space<vmem>>, %arg15: memref<512xf32, #tpu.memory_space<vmem>>, %arg16: memref<576xf32, #tpu.memory_space<vmem>>, %arg17: memref<576xf32, #tpu.memory_space<vmem>>, %arg18: memref<512xf32, #tpu.memory_space<vmem>>, %arg19: memref<512xf32, #tpu.memory_space<vmem>>, %arg20: memref<!tpu.dma_semaphore, #tpu.memory_space<semaphore_mem>>) attributes {dimension_semantics = [#tpu.dimension_semantics<core_parallel>, #tpu.dimension_semantics<subcore_parallel>], iteration_bounds = array<i64: 2, 16>, scalar_prefetch = 0 : i64, scratch_operands = 11 : i64, tpu.core_type = #tpu.core_type<sc_vector_subcore>, window_params = [{transform_indices = #map}, {transform_indices = #map}, {transform_indices = #map}, {transform_indices = #map}, {transform_indices = #map}, {transform_indices = #map}, {transform_indices = #map}, {transform_indices = #map}]} {
    %mul3A = arith.constant 2 : i32
    %mul3A_0 = arith.muli %arg1, %mul3A : i32
    %add3A = arith.addi %mul3A_0, %arg0 : i32
    %mul3A_1 = arith.constant 512 : i32
    %mul3A_2 = arith.muli %add3A, %mul3A_1 : i32
    "tpu.region"() ({
      %run_scoped3A = tpu.sem_alloc : memref<!tpu.dma_semaphore, #tpu.memory_space<semaphore_mem>>
      %dma_start3A_110 = tpu.memref_slice %arg2[%mul3A_2] : memref<16384xi32, #tpu.memory_space<hbm>> -> memref<512xi32, #tpu.memory_space<hbm>>
      %dma_start3A_111 = tpu.memref_slice %arg2[%mul3A_2] : memref<16384xi32, #tpu.memory_space<hbm>> -> memref<512xi32, #tpu.memory_space<hbm>>
      tpu.enqueue_dma source(%dma_start3A_111 : memref<512xi32, #tpu.memory_space<hbm>>) target(%arg10 : memref<512xi32, #tpu.memory_space<vmem>>) target_semaphore(%run_scoped3A : memref<!tpu.dma_semaphore, #tpu.memory_space<semaphore_mem>>)
      %dma_wait3A_112 = tpu.memref_slice %arg2[%mul3A_2] : memref<16384xi32, #tpu.memory_space<hbm>> -> memref<512xi32, #tpu.memory_space<hbm>>
      %dma_wait3A_113 = tpu.memref_slice %arg2[%mul3A_2] : memref<16384xi32, #tpu.memory_space<hbm>> -> memref<512xi32, #tpu.memory_space<hbm>>
      tpu.wait_dma2 semaphore(%run_scoped3A : memref<!tpu.dma_semaphore, #tpu.memory_space<semaphore_mem>>) src(%dma_wait3A_113 : memref<512xi32, #tpu.memory_space<hbm>>) dst(%arg10 : memref<512xi32, #tpu.memory_space<vmem>>)
      tpu.yield
    }) : () -> ()
    "tpu.region"() ({
      %run_scoped3A = tpu.sem_alloc : memref<!tpu.dma_semaphore, #tpu.memory_space<semaphore_mem>>
      %dma_start3A_110 = tpu.memref_slice %arg3[%mul3A_2] : memref<16384xi32, #tpu.memory_space<hbm>> -> memref<512xi32, #tpu.memory_space<hbm>>
      %dma_start3A_111 = tpu.memref_slice %arg3[%mul3A_2] : memref<16384xi32, #tpu.memory_space<hbm>> -> memref<512xi32, #tpu.memory_space<hbm>>
      tpu.enqueue_dma source(%dma_start3A_111 : memref<512xi32, #tpu.memory_space<hbm>>) target(%arg11 : memref<512xi32, #tpu.memory_space<vmem>>) target_semaphore(%run_scoped3A : memref<!tpu.dma_semaphore, #tpu.memory_space<semaphore_mem>>)
      %dma_wait3A_112 = tpu.memref_slice %arg3[%mul3A_2] : memref<16384xi32, #tpu.memory_space<hbm>> -> memref<512xi32, #tpu.memory_space<hbm>>
      %dma_wait3A_113 = tpu.memref_slice %arg3[%mul3A_2] : memref<16384xi32, #tpu.memory_space<hbm>> -> memref<512xi32, #tpu.memory_space<hbm>>
      tpu.wait_dma2 semaphore(%run_scoped3A : memref<!tpu.dma_semaphore, #tpu.memory_space<semaphore_mem>>) src(%dma_wait3A_113 : memref<512xi32, #tpu.memory_space<hbm>>) dst(%arg11 : memref<512xi32, #tpu.memory_space<vmem>>)
      tpu.yield
    }) : () -> ()
    %iota3A = tpu.iota {dimensions = array<i32: 0>} : vector<16xi32>
    %scan3A = arith.constant 0 : i32
    %scan3A_3 = arith.constant 0 : i32
    %scan3A_4 = arith.constant 32 : i32
    %scan3A_5 = arith.addi %scan3A_3, %scan3A_4 : i32
    %scan3A_6 = arith.constant 1 : i32
    %scan3A_7 = scf.for %scan3A_110 = %scan3A_3 to %scan3A_5 step %scan3A_6 iter_args(%scan3A_111 = %scan3A) -> (i32)  : i32 {
      %mul3A_112 = arith.constant 16 : i32
      %mul3A_113 = arith.muli %scan3A_110, %mul3A_112 : i32
      %get3A = arith.index_cast %mul3A_113 : i32 to index
      %get3A_114 = tpu.vector_load %arg10[%get3A] {strides = array<i32>} : memref<512xi32, #tpu.memory_space<vmem>>, vector<16xi32>,
      %min3A = arith.constant 999423 : i32
      %min3A_115 = vector.broadcast %min3A : i32 to vector<16xi32>
      %min3A_116 = arith.minsi %get3A_114, %min3A_115 : vector<16xi32>
      %swap3A = arith.index_cast %mul3A_113 : i32 to index
      %swap3A_117 = tpu.vector_load %arg12[%swap3A] {strides = array<i32>} : memref<512xi32, #tpu.memory_space<vmem>>, vector<16xi32>,
      tpu.vector_store %arg12[%swap3A], %min3A_116 {strides = array<i32>} : memref<512xi32, #tpu.memory_space<vmem>>, vector<16xi32>,
      %get3A_118 = arith.index_cast %mul3A_113 : i32 to index
      %get3A_119 = tpu.vector_load %arg11[%get3A_118] {strides = array<i32>} : memref<512xi32, #tpu.memory_space<vmem>>, vector<16xi32>,
      %min3A_120 = arith.constant 999423 : i32
      %min3A_121 = vector.broadcast %min3A_120 : i32 to vector<16xi32>
      %min3A_122 = arith.minsi %get3A_119, %min3A_121 : vector<16xi32>
      %swap3A_123 = arith.index_cast %mul3A_113 : i32 to index
      %swap3A_124 = tpu.vector_load %arg13[%swap3A_123] {strides = array<i32>} : memref<512xi32, #tpu.memory_space<vmem>>, vector<16xi32>,
      tpu.vector_store %arg13[%swap3A_123], %min3A_122 {strides = array<i32>} : memref<512xi32, #tpu.memory_space<vmem>>, vector<16xi32>,
      %scan3A_125 = arith.constant 0 : i32
      scf.yield %scan3A_125 : i32
    }
    %scan3A_8 = arith.constant 32 : i32
    %dma_start3A = arith.constant 0 : i32
    %dma_start3A_9 = tpu.memref_slice %arg14[%dma_start3A] : memref<512xf32, #tpu.memory_space<vmem>> -> memref<128xf32, #tpu.memory_space<vmem>>
    %dma_start3A_10 = arith.constant 0 : i32
    %dma_start3A_11 = tpu.memref_slice %arg12[%dma_start3A_10] : memref<512xi32, #tpu.memory_space<vmem>> -> memref<128xi32, #tpu.memory_space<vmem>>
    %dma_start3A_12 = arith.constant 0 : i32
    %dma_start3A_13 = tpu.memref_slice %arg5[%dma_start3A_12] : memref<999424xf32, #tpu.memory_space<hbm>> -> memref<999424xf32, #tpu.memory_space<hbm>>
    tpu.enqueue_indirect_dma source(%dma_start3A_13 : memref<999424xf32, #tpu.memory_space<hbm>>) target(%dma_start3A_9 : memref<128xf32, #tpu.memory_space<vmem>>) offsets(%dma_start3A_11 : memref<128xi32, #tpu.memory_space<vmem>>) semaphore(%arg20 : memref<!tpu.dma_semaphore, #tpu.memory_space<semaphore_mem>>)
    %dma_start3A_14 = arith.constant 0 : i32
    %dma_start3A_15 = tpu.memref_slice %arg15[%dma_start3A_14] : memref<512xf32, #tpu.memory_space<vmem>> -> memref<128xf32, #tpu.memory_space<vmem>>
    %dma_start3A_16 = arith.constant 0 : i32
    %dma_start3A_17 = tpu.memref_slice %arg13[%dma_start3A_16] : memref<512xi32, #tpu.memory_space<vmem>> -> memref<128xi32, #tpu.memory_space<vmem>>
    %dma_start3A_18 = arith.constant 0 : i32
    %dma_start3A_19 = tpu.memref_slice %arg6[%dma_start3A_18] : memref<999424xf32, #tpu.memory_space<hbm>> -> memref<999424xf32, #tpu.memory_space<hbm>>
    tpu.enqueue_indirect_dma source(%dma_start3A_19 : memref<999424xf32, #tpu.memory_space<hbm>>) target(%dma_start3A_15 : memref<128xf32, #tpu.memory_space<vmem>>) offsets(%dma_start3A_17 : memref<128xi32, #tpu.memory_space<vmem>>) semaphore(%arg20 : memref<!tpu.dma_semaphore, #tpu.memory_space<semaphore_mem>>)
    %dma_start3A_20 = arith.constant 128 : i32
    %dma_start3A_21 = tpu.memref_slice %arg14[%dma_start3A_20] : memref<512xf32, #tpu.memory_space<vmem>> -> memref<128xf32, #tpu.memory_space<vmem>>
    %dma_start3A_22 = arith.constant 128 : i32
    %dma_start3A_23 = tpu.memref_slice %arg12[%dma_start3A_22] : memref<512xi32, #tpu.memory_space<vmem>> -> memref<128xi32, #tpu.memory_space<vmem>>
    %dma_start3A_24 = arith.constant 0 : i32
    %dma_start3A_25 = tpu.memref_slice %arg5[%dma_start3A_24] : memref<999424xf32, #tpu.memory_space<hbm>> -> memref<999424xf32, #tpu.memory_space<hbm>>
    tpu.enqueue_indirect_dma source(%dma_start3A_25 : memref<999424xf32, #tpu.memory_space<hbm>>) target(%dma_start3A_21 : memref<128xf32, #tpu.memory_space<vmem>>) offsets(%dma_start3A_23 : memref<128xi32, #tpu.memory_space<vmem>>) semaphore(%arg20 : memref<!tpu.dma_semaphore, #tpu.memory_space<semaphore_mem>>)
    %dma_start3A_26 = arith.constant 128 : i32
    %dma_start3A_27 = tpu.memref_slice %arg15[%dma_start3A_26] : memref<512xf32, #tpu.memory_space<vmem>> -> memref<128xf32, #tpu.memory_space<vmem>>
    %dma_start3A_28 = arith.constant 128 : i32
    %dma_start3A_29 = tpu.memref_slice %arg13[%dma_start3A_28] : memref<512xi32, #tpu.memory_space<vmem>> -> memref<128xi32, #tpu.memory_space<vmem>>
    %dma_start3A_30 = arith.constant 0 : i32
    %dma_start3A_31 = tpu.memref_slice %arg6[%dma_start3A_30] : memref<999424xf32, #tpu.memory_space<hbm>> -> memref<999424xf32, #tpu.memory_space<hbm>>
    tpu.enqueue_indirect_dma source(%dma_start3A_31 : memref<999424xf32, #tpu.memory_space<hbm>>) target(%dma_start3A_27 : memref<128xf32, #tpu.memory_space<vmem>>) offsets(%dma_start3A_29 : memref<128xi32, #tpu.memory_space<vmem>>) semaphore(%arg20 : memref<!tpu.dma_semaphore, #tpu.memory_space<semaphore_mem>>)
    %dma_start3A_32 = arith.constant 256 : i32
    %dma_start3A_33 = tpu.memref_slice %arg14[%dma_start3A_32] : memref<512xf32, #tpu.memory_space<vmem>> -> memref<128xf32, #tpu.memory_space<vmem>>
    %dma_start3A_34 = arith.constant 256 : i32
    %dma_start3A_35 = tpu.memref_slice %arg12[%dma_start3A_34] : memref<512xi32, #tpu.memory_space<vmem>> -> memref<128xi32, #tpu.memory_space<vmem>>
    %dma_start3A_36 = arith.constant 0 : i32
    %dma_start3A_37 = tpu.memref_slice %arg5[%dma_start3A_36] : memref<999424xf32, #tpu.memory_space<hbm>> -> memref<999424xf32, #tpu.memory_space<hbm>>
    tpu.enqueue_indirect_dma source(%dma_start3A_37 : memref<999424xf32, #tpu.memory_space<hbm>>) target(%dma_start3A_33 : memref<128xf32, #tpu.memory_space<vmem>>) offsets(%dma_start3A_35 : memref<128xi32, #tpu.memory_space<vmem>>) semaphore(%arg20 : memref<!tpu.dma_semaphore, #tpu.memory_space<semaphore_mem>>)
    %dma_start3A_38 = arith.constant 256 : i32
    %dma_start3A_39 = tpu.memref_slice %arg15[%dma_start3A_38] : memref<512xf32, #tpu.memory_space<vmem>> -> memref<128xf32, #tpu.memory_space<vmem>>
    %dma_start3A_40 = arith.constant 256 : i32
    %dma_start3A_41 = tpu.memref_slice %arg13[%dma_start3A_40] : memref<512xi32, #tpu.memory_space<vmem>> -> memref<128xi32, #tpu.memory_space<vmem>>
    %dma_start3A_42 = arith.constant 0 : i32
    %dma_start3A_43 = tpu.memref_slice %arg6[%dma_start3A_42] : memref<999424xf32, #tpu.memory_space<hbm>> -> memref<999424xf32, #tpu.memory_space<hbm>>
    tpu.enqueue_indirect_dma source(%dma_start3A_43 : memref<999424xf32, #tpu.memory_space<hbm>>) target(%dma_start3A_39 : memref<128xf32, #tpu.memory_space<vmem>>) offsets(%dma_start3A_41 : memref<128xi32, #tpu.memory_space<vmem>>) semaphore(%arg20 : memref<!tpu.dma_semaphore, #tpu.memory_space<semaphore_mem>>)
    %dma_start3A_44 = arith.constant 384 : i32
    %dma_start3A_45 = tpu.memref_slice %arg14[%dma_start3A_44] : memref<512xf32, #tpu.memory_space<vmem>> -> memref<128xf32, #tpu.memory_space<vmem>>
    %dma_start3A_46 = arith.constant 384 : i32
    %dma_start3A_47 = tpu.memref_slice %arg12[%dma_start3A_46] : memref<512xi32, #tpu.memory_space<vmem>> -> memref<128xi32, #tpu.memory_space<vmem>>
    %dma_start3A_48 = arith.constant 0 : i32
    %dma_start3A_49 = tpu.memref_slice %arg5[%dma_start3A_48] : memref<999424xf32, #tpu.memory_space<hbm>> -> memref<999424xf32, #tpu.memory_space<hbm>>
    tpu.enqueue_indirect_dma source(%dma_start3A_49 : memref<999424xf32, #tpu.memory_space<hbm>>) target(%dma_start3A_45 : memref<128xf32, #tpu.memory_space<vmem>>) offsets(%dma_start3A_47 : memref<128xi32, #tpu.memory_space<vmem>>) semaphore(%arg20 : memref<!tpu.dma_semaphore, #tpu.memory_space<semaphore_mem>>)
    %dma_start3A_50 = arith.constant 384 : i32
    %dma_start3A_51 = tpu.memref_slice %arg15[%dma_start3A_50] : memref<512xf32, #tpu.memory_space<vmem>> -> memref<128xf32, #tpu.memory_space<vmem>>
    %dma_start3A_52 = arith.constant 384 : i32
    %dma_start3A_53 = tpu.memref_slice %arg13[%dma_start3A_52] : memref<512xi32, #tpu.memory_space<vmem>> -> memref<128xi32, #tpu.memory_space<vmem>>
    %dma_start3A_54 = arith.constant 0 : i32
    %dma_start3A_55 = tpu.memref_slice %arg6[%dma_start3A_54] : memref<999424xf32, #tpu.memory_space<hbm>> -> memref<999424xf32, #tpu.memory_space<hbm>>
    tpu.enqueue_indirect_dma source(%dma_start3A_55 : memref<999424xf32, #tpu.memory_space<hbm>>) target(%dma_start3A_51 : memref<128xf32, #tpu.memory_space<vmem>>) offsets(%dma_start3A_53 : memref<128xi32, #tpu.memory_space<vmem>>) semaphore(%arg20 : memref<!tpu.dma_semaphore, #tpu.memory_space<semaphore_mem>>)
    "tpu.region"() ({
      %run_scoped3A = tpu.sem_alloc : memref<!tpu.dma_semaphore, #tpu.memory_space<semaphore_mem>>
      %dma_start3A_110 = tpu.memref_slice %arg4[%mul3A_2] : memref<16384xf32, #tpu.memory_space<hbm>> -> memref<512xf32, #tpu.memory_space<hbm>>
      %dma_start3A_111 = tpu.memref_slice %arg4[%mul3A_2] : memref<16384xf32, #tpu.memory_space<hbm>> -> memref<512xf32, #tpu.memory_space<hbm>>
      tpu.enqueue_dma source(%dma_start3A_111 : memref<512xf32, #tpu.memory_space<hbm>>) target(%arg18 : memref<512xf32, #tpu.memory_space<vmem>>) target_semaphore(%run_scoped3A : memref<!tpu.dma_semaphore, #tpu.memory_space<semaphore_mem>>)
      %dma_wait3A_112 = tpu.memref_slice %arg4[%mul3A_2] : memref<16384xf32, #tpu.memory_space<hbm>> -> memref<512xf32, #tpu.memory_space<hbm>>
      %dma_wait3A_113 = tpu.memref_slice %arg4[%mul3A_2] : memref<16384xf32, #tpu.memory_space<hbm>> -> memref<512xf32, #tpu.memory_space<hbm>>
      tpu.wait_dma2 semaphore(%run_scoped3A : memref<!tpu.dma_semaphore, #tpu.memory_space<semaphore_mem>>) src(%dma_wait3A_113 : memref<512xf32, #tpu.memory_space<hbm>>) dst(%arg18 : memref<512xf32, #tpu.memory_space<vmem>>)
      tpu.yield
    }) : () -> ()
    "tpu.region"() ({
      %run_scoped3A = tpu.sem_alloc : memref<!tpu.dma_semaphore, #tpu.memory_space<semaphore_mem>>
      tpu.enqueue_dma source(%arg7 : memref<576xf32, #tpu.memory_space<hbm>>) target(%arg16 : memref<576xf32, #tpu.memory_space<vmem>>) target_semaphore(%run_scoped3A : memref<!tpu.dma_semaphore, #tpu.memory_space<semaphore_mem>>)
      tpu.wait_dma2 semaphore(%run_scoped3A : memref<!tpu.dma_semaphore, #tpu.memory_space<semaphore_mem>>) src(%arg7 : memref<576xf32, #tpu.memory_space<hbm>>) dst(%arg16 : memref<576xf32, #tpu.memory_space<vmem>>)
      tpu.yield
    }) : () -> ()
    "tpu.region"() ({
      %run_scoped3A = tpu.sem_alloc : memref<!tpu.dma_semaphore, #tpu.memory_space<semaphore_mem>>
      tpu.enqueue_dma source(%arg8 : memref<576xf32, #tpu.memory_space<hbm>>) target(%arg17 : memref<576xf32, #tpu.memory_space<vmem>>) target_semaphore(%run_scoped3A : memref<!tpu.dma_semaphore, #tpu.memory_space<semaphore_mem>>)
      tpu.wait_dma2 semaphore(%run_scoped3A : memref<!tpu.dma_semaphore, #tpu.memory_space<semaphore_mem>>) src(%arg8 : memref<576xf32, #tpu.memory_space<hbm>>) dst(%arg17 : memref<576xf32, #tpu.memory_space<vmem>>)
      tpu.yield
    }) : () -> ()
    %dma_wait3A = arith.constant 0 : i32
    %dma_wait3A_56 = tpu.memref_slice %arg14[%dma_wait3A] : memref<512xf32, #tpu.memory_space<vmem>> -> memref<128xf32, #tpu.memory_space<vmem>>
    %dma_wait3A_57 = arith.constant 0 : i32
    %dma_wait3A_58 = tpu.memref_slice %arg12[%dma_wait3A_57] : memref<512xi32, #tpu.memory_space<vmem>> -> memref<128xi32, #tpu.memory_space<vmem>>
    %dma_wait3A_59 = arith.constant 0 : i32
    %dma_wait3A_60 = tpu.memref_slice %arg5[%dma_wait3A_59] : memref<999424xf32, #tpu.memory_space<hbm>> -> memref<999424xf32, #tpu.memory_space<hbm>>
    tpu.wait_indirect_dma semaphore(%arg20 : memref<!tpu.dma_semaphore, #tpu.memory_space<semaphore_mem>>) src(%dma_wait3A_60 : memref<999424xf32, #tpu.memory_space<hbm>>) dst(%dma_wait3A_56 : memref<128xf32, #tpu.memory_space<vmem>>)
    %dma_wait3A_61 = arith.constant 0 : i32
    %dma_wait3A_62 = tpu.memref_slice %arg15[%dma_wait3A_61] : memref<512xf32, #tpu.memory_space<vmem>> -> memref<128xf32, #tpu.memory_space<vmem>>
    %dma_wait3A_63 = arith.constant 0 : i32
    %dma_wait3A_64 = tpu.memref_slice %arg13[%dma_wait3A_63] : memref<512xi32, #tpu.memory_space<vmem>> -> memref<128xi32, #tpu.memory_space<vmem>>
    %dma_wait3A_65 = arith.constant 0 : i32
    %dma_wait3A_66 = tpu.memref_slice %arg6[%dma_wait3A_65] : memref<999424xf32, #tpu.memory_space<hbm>> -> memref<999424xf32, #tpu.memory_space<hbm>>
    tpu.wait_indirect_dma semaphore(%arg20 : memref<!tpu.dma_semaphore, #tpu.memory_space<semaphore_mem>>) src(%dma_wait3A_66 : memref<999424xf32, #tpu.memory_space<hbm>>) dst(%dma_wait3A_62 : memref<128xf32, #tpu.memory_space<vmem>>)
    %dma_wait3A_67 = arith.constant 128 : i32
    %dma_wait3A_68 = tpu.memref_slice %arg14[%dma_wait3A_67] : memref<512xf32, #tpu.memory_space<vmem>> -> memref<128xf32, #tpu.memory_space<vmem>>
    %dma_wait3A_69 = arith.constant 128 : i32
    %dma_wait3A_70 = tpu.memref_slice %arg12[%dma_wait3A_69] : memref<512xi32, #tpu.memory_space<vmem>> -> memref<128xi32, #tpu.memory_space<vmem>>
    %dma_wait3A_71 = arith.constant 0 : i32
    %dma_wait3A_72 = tpu.memref_slice %arg5[%dma_wait3A_71] : memref<999424xf32, #tpu.memory_space<hbm>> -> memref<999424xf32, #tpu.memory_space<hbm>>
    tpu.wait_indirect_dma semaphore(%arg20 : memref<!tpu.dma_semaphore, #tpu.memory_space<semaphore_mem>>) src(%dma_wait3A_72 : memref<999424xf32, #tpu.memory_space<hbm>>) dst(%dma_wait3A_68 : memref<128xf32, #tpu.memory_space<vmem>>)
    %dma_wait3A_73 = arith.constant 128 : i32
    %dma_wait3A_74 = tpu.memref_slice %arg15[%dma_wait3A_73] : memref<512xf32, #tpu.memory_space<vmem>> -> memref<128xf32, #tpu.memory_space<vmem>>
    %dma_wait3A_75 = arith.constant 128 : i32
    %dma_wait3A_76 = tpu.memref_slice %arg13[%dma_wait3A_75] : memref<512xi32, #tpu.memory_space<vmem>> -> memref<128xi32, #tpu.memory_space<vmem>>
    %dma_wait3A_77 = arith.constant 0 : i32
    %dma_wait3A_78 = tpu.memref_slice %arg6[%dma_wait3A_77] : memref<999424xf32, #tpu.memory_space<hbm>> -> memref<999424xf32, #tpu.memory_space<hbm>>
    tpu.wait_indirect_dma semaphore(%arg20 : memref<!tpu.dma_semaphore, #tpu.memory_space<semaphore_mem>>) src(%dma_wait3A_78 : memref<999424xf32, #tpu.memory_space<hbm>>) dst(%dma_wait3A_74 : memref<128xf32, #tpu.memory_space<vmem>>)
    %dma_wait3A_79 = arith.constant 256 : i32
    %dma_wait3A_80 = tpu.memref_slice %arg14[%dma_wait3A_79] : memref<512xf32, #tpu.memory_space<vmem>> -> memref<128xf32, #tpu.memory_space<vmem>>
    %dma_wait3A_81 = arith.constant 256 : i32
    %dma_wait3A_82 = tpu.memref_slice %arg12[%dma_wait3A_81] : memref<512xi32, #tpu.memory_space<vmem>> -> memref<128xi32, #tpu.memory_space<vmem>>
    %dma_wait3A_83 = arith.constant 0 : i32
    %dma_wait3A_84 = tpu.memref_slice %arg5[%dma_wait3A_83] : memref<999424xf32, #tpu.memory_space<hbm>> -> memref<999424xf32, #tpu.memory_space<hbm>>
    tpu.wait_indirect_dma semaphore(%arg20 : memref<!tpu.dma_semaphore, #tpu.memory_space<semaphore_mem>>) src(%dma_wait3A_84 : memref<999424xf32, #tpu.memory_space<hbm>>) dst(%dma_wait3A_80 : memref<128xf32, #tpu.memory_space<vmem>>)
    %dma_wait3A_85 = arith.constant 256 : i32
    %dma_wait3A_86 = tpu.memref_slice %arg15[%dma_wait3A_85] : memref<512xf32, #tpu.memory_space<vmem>> -> memref<128xf32, #tpu.memory_space<vmem>>
    %dma_wait3A_87 = arith.constant 256 : i32
    %dma_wait3A_88 = tpu.memref_slice %arg13[%dma_wait3A_87] : memref<512xi32, #tpu.memory_space<vmem>> -> memref<128xi32, #tpu.memory_space<vmem>>
    %dma_wait3A_89 = arith.constant 0 : i32
    %dma_wait3A_90 = tpu.memref_slice %arg6[%dma_wait3A_89] : memref<999424xf32, #tpu.memory_space<hbm>> -> memref<999424xf32, #tpu.memory_space<hbm>>
    tpu.wait_indirect_dma semaphore(%arg20 : memref<!tpu.dma_semaphore, #tpu.memory_space<semaphore_mem>>) src(%dma_wait3A_90 : memref<999424xf32, #tpu.memory_space<hbm>>) dst(%dma_wait3A_86 : memref<128xf32, #tpu.memory_space<vmem>>)
    %dma_wait3A_91 = arith.constant 384 : i32
    %dma_wait3A_92 = tpu.memref_slice %arg14[%dma_wait3A_91] : memref<512xf32, #tpu.memory_space<vmem>> -> memref<128xf32, #tpu.memory_space<vmem>>
    %dma_wait3A_93 = arith.constant 384 : i32
    %dma_wait3A_94 = tpu.memref_slice %arg12[%dma_wait3A_93] : memref<512xi32, #tpu.memory_space<vmem>> -> memref<128xi32, #tpu.memory_space<vmem>>
    %dma_wait3A_95 = arith.constant 0 : i32
    %dma_wait3A_96 = tpu.memref_slice %arg5[%dma_wait3A_95] : memref<999424xf32, #tpu.memory_space<hbm>> -> memref<999424xf32, #tpu.memory_space<hbm>>
    tpu.wait_indirect_dma semaphore(%arg20 : memref<!tpu.dma_semaphore, #tpu.memory_space<semaphore_mem>>) src(%dma_wait3A_96 : memref<999424xf32, #tpu.memory_space<hbm>>) dst(%dma_wait3A_92 : memref<128xf32, #tpu.memory_space<vmem>>)
    %dma_wait3A_97 = arith.constant 384 : i32
    %dma_wait3A_98 = tpu.memref_slice %arg15[%dma_wait3A_97] : memref<512xf32, #tpu.memory_space<vmem>> -> memref<128xf32, #tpu.memory_space<vmem>>
    %dma_wait3A_99 = arith.constant 384 : i32
    %dma_wait3A_100 = tpu.memref_slice %arg13[%dma_wait3A_99] : memref<512xi32, #tpu.memory_space<vmem>> -> memref<128xi32, #tpu.memory_space<vmem>>
    %dma_wait3A_101 = arith.constant 0 : i32
    %dma_wait3A_102 = tpu.memref_slice %arg6[%dma_wait3A_101] : memref<999424xf32, #tpu.memory_space<hbm>> -> memref<999424xf32, #tpu.memory_space<hbm>>
    tpu.wait_indirect_dma semaphore(%arg20 : memref<!tpu.dma_semaphore, #tpu.memory_space<semaphore_mem>>) src(%dma_wait3A_102 : memref<999424xf32, #tpu.memory_space<hbm>>) dst(%dma_wait3A_98 : memref<128xf32, #tpu.memory_space<vmem>>)
    %scan3A_103 = arith.constant 0 : i32
    %scan3A_104 = arith.constant 0 : i32
    %scan3A_105 = arith.constant 32 : i32
    %scan3A_106 = arith.addi %scan3A_104, %scan3A_105 : i32
    %scan3A_107 = arith.constant 1 : i32
    %scan3A_108 = scf.for %scan3A_110 = %scan3A_104 to %scan3A_106 step %scan3A_107 iter_args(%scan3A_111 = %scan3A_103) -> (i32)  : i32 {
      %mul3A_112 = arith.constant 16 : i32
      %mul3A_113 = arith.muli %scan3A_110, %mul3A_112 : i32
      %get3A = arith.index_cast %mul3A_113 : i32 to index
      %get3A_114 = tpu.vector_load %arg10[%get3A] {strides = array<i32>} : memref<512xi32, #tpu.memory_space<vmem>>, vector<16xi32>,
      %get3A_115 = arith.index_cast %mul3A_113 : i32 to index
      %get3A_116 = tpu.vector_load %arg11[%get3A_115] {strides = array<i32>} : memref<512xi32, #tpu.memory_space<vmem>>, vector<16xi32>,
      %get3A_117 = arith.index_cast %mul3A_113 : i32 to index
      %get3A_118 = tpu.vector_load %arg14[%get3A_117] {strides = array<i32>} : memref<512xf32, #tpu.memory_space<vmem>>, vector<16xf32>,
      %get3A_119 = arith.index_cast %mul3A_113 : i32 to index
      %get3A_120 = tpu.vector_load %arg15[%get3A_119] {strides = array<i32>} : memref<512xf32, #tpu.memory_space<vmem>>, vector<16xf32>,
      %sub3A = arith.constant 999424 : i32
      %sub3A_121 = vector.broadcast %sub3A : i32 to vector<16xi32>
      %sub3A_122 = arith.subi %get3A_114, %sub3A_121 : vector<16xi32>
      %min3A = arith.constant 575 : i32
      %min3A_123 = vector.broadcast %min3A : i32 to vector<16xi32>
      %min3A_124 = arith.minsi %sub3A_122, %min3A_123 : vector<16xi32>
      %max3A = arith.constant 0 : i32
      %max3A_125 = vector.broadcast %max3A : i32 to vector<16xi32>
      %max3A_126 = arith.maxsi %min3A_124, %max3A_125 : vector<16xi32>
      %gather3A = tpu.vector_load_idx %arg16[%max3A_126] : memref<576xf32, #tpu.memory_space<vmem>>[vector<16xi32>], vector<16xf32>,
      %sub3A_127 = arith.constant 999424 : i32
      %sub3A_128 = vector.broadcast %sub3A_127 : i32 to vector<16xi32>
      %sub3A_129 = arith.subi %get3A_116, %sub3A_128 : vector<16xi32>
      %min3A_130 = arith.constant 575 : i32
      %min3A_131 = vector.broadcast %min3A_130 : i32 to vector<16xi32>
      %min3A_132 = arith.minsi %sub3A_129, %min3A_131 : vector<16xi32>
      %max3A_133 = arith.constant 0 : i32
      %max3A_134 = vector.broadcast %max3A_133 : i32 to vector<16xi32>
      %max3A_135 = arith.maxsi %min3A_132, %max3A_134 : vector<16xi32>
      %gather3A_136 = tpu.vector_load_idx %arg17[%max3A_135] : memref<576xf32, #tpu.memory_space<vmem>>[vector<16xi32>], vector<16xf32>,
      %ge3A = arith.constant 999424 : i32
      %ge3A_137 = vector.broadcast %ge3A : i32 to vector<16xi32>
      %ge3A_138 = arith.cmpi sge, %get3A_114, %ge3A_137 : vector<16xi32>
      %select_n3A = arith.select %ge3A_138, %gather3A, %get3A_118 : vector<16xi1>, vector<16xf32>
      %ge3A_139 = arith.constant 999424 : i32
      %ge3A_140 = vector.broadcast %ge3A_139 : i32 to vector<16xi32>
      %ge3A_141 = arith.cmpi sge, %get3A_116, %ge3A_140 : vector<16xi32>
      %select_n3A_142 = arith.select %ge3A_141, %gather3A_136, %get3A_120 : vector<16xi1>, vector<16xf32>
      %get3A_143 = arith.index_cast %mul3A_113 : i32 to index
      %get3A_144 = tpu.vector_load %arg18[%get3A_143] {strides = array<i32>} : memref<512xf32, #tpu.memory_space<vmem>>, vector<16xf32>,
      %add3A_145 = arith.addf %get3A_144, %select_n3A : vector<16xf32>
      %add3A_146 = arith.addf %add3A_145, %select_n3A_142 : vector<16xf32>
      %swap3A = arith.index_cast %mul3A_113 : i32 to index
      %swap3A_147 = tpu.vector_load %arg19[%swap3A] {strides = array<i32>} : memref<512xf32, #tpu.memory_space<vmem>>, vector<16xf32>,
      tpu.vector_store %arg19[%swap3A], %add3A_146 {strides = array<i32>} : memref<512xf32, #tpu.memory_space<vmem>>, vector<16xf32>,
      %scan3A_148 = arith.constant 0 : i32
      scf.yield %scan3A_148 : i32
    }
    %scan3A_109 = arith.constant 32 : i32
    "tpu.region"() ({
      %run_scoped3A = tpu.sem_alloc : memref<!tpu.dma_semaphore, #tpu.memory_space<semaphore_mem>>
      %dma_start3A_110 = tpu.memref_slice %arg9[%mul3A_2] : memref<16384xf32, #tpu.memory_space<hbm>> -> memref<512xf32, #tpu.memory_space<hbm>>
      %dma_start3A_111 = tpu.memref_slice %arg9[%mul3A_2] : memref<16384xf32, #tpu.memory_space<hbm>> -> memref<512xf32, #tpu.memory_space<hbm>>
      tpu.enqueue_dma source(%arg19 : memref<512xf32, #tpu.memory_space<vmem>>) target(%dma_start3A_111 : memref<512xf32, #tpu.memory_space<hbm>>) target_semaphore(%run_scoped3A : memref<!tpu.dma_semaphore, #tpu.memory_space<semaphore_mem>>)
      %dma_wait3A_112 = tpu.memref_slice %arg9[%mul3A_2] : memref<16384xf32, #tpu.memory_space<hbm>> -> memref<512xf32, #tpu.memory_space<hbm>>
      %dma_wait3A_113 = tpu.memref_slice %arg9[%mul3A_2] : memref<16384xf32, #tpu.memory_space<hbm>> -> memref<512xf32, #tpu.memory_space<hbm>>
      tpu.wait_dma2 semaphore(%run_scoped3A : memref<!tpu.dma_semaphore, #tpu.memory_space<semaphore_mem>>) src(%arg19 : memref<512xf32, #tpu.memory_space<vmem>>) dst(%dma_wait3A_113 : memref<512xf32, #tpu.memory_space<hbm>>)
      tpu.yield
    }) : () -> ()
    return
  }
}

#map = affine_map<(d0, d1) -> (0)>
#map1 = affine_map<(d0, d1) -> (0, 0)>
module attributes {stable_mosaic.version = 14 : i64} {
  func.func @_dots_body(%arg0: i32, %arg1: i32, %arg2: memref<16384xi32, #tpu.memory_space<hbm>>, %arg3: memref<16384xi32, #tpu.memory_space<hbm>>, %arg4: memref<1000000x128xf32, #tpu.memory_space<hbm>>, %arg5: memref<1000000x128xf32, #tpu.memory_space<hbm>>, %arg6: memref<16384xf32, #tpu.memory_space<hbm>>, %arg7: memref<512xi32, #tpu.memory_space<vmem>>, %arg8: memref<512xi32, #tpu.memory_space<vmem>>, %arg9: memref<64x128xf32, #tpu.memory_space<vmem>>, %arg10: memref<64x128xf32, #tpu.memory_space<vmem>>, %arg11: memref<64x128xf32, #tpu.memory_space<vmem>>, %arg12: memref<64x128xf32, #tpu.memory_space<vmem>>, %arg13: memref<64x128xf32, #tpu.memory_space<vmem>>, %arg14: memref<64x128xf32, #tpu.memory_space<vmem>>, %arg15: memref<64x128xf32, #tpu.memory_space<vmem>>, %arg16: memref<64x128xf32, #tpu.memory_space<vmem>>, %arg17: memref<64x16xf32, #tpu.memory_space<vmem>>, %arg18: memref<512xf32, #tpu.memory_space<vmem>>, %arg19: memref<!tpu.dma_semaphore, #tpu.memory_space<semaphore_mem>>, %arg20: memref<!tpu.dma_semaphore, #tpu.memory_space<semaphore_mem>>, %arg21: memref<!tpu.dma_semaphore, #tpu.memory_space<semaphore_mem>>, %arg22: memref<!tpu.dma_semaphore, #tpu.memory_space<semaphore_mem>>) attributes {dimension_semantics = [#tpu.dimension_semantics<core_parallel>, #tpu.dimension_semantics<subcore_parallel>], iteration_bounds = array<i64: 2, 16>, scalar_prefetch = 0 : i64, scratch_operands = 16 : i64, tpu.core_type = #tpu.core_type<sc_vector_subcore>, window_params = [{transform_indices = #map}, {transform_indices = #map}, {transform_indices = #map1}, {transform_indices = #map1}, {transform_indices = #map}]} {
    %mul3A = arith.constant 2 : i32
    %mul3A_0 = arith.muli %arg1, %mul3A : i32
    %add3A = arith.addi %mul3A_0, %arg0 : i32
    %mul3A_1 = arith.constant 512 : i32
    %mul3A_2 = arith.muli %add3A, %mul3A_1 : i32
    "tpu.region"() ({
      %run_scoped3A = tpu.sem_alloc : memref<!tpu.dma_semaphore, #tpu.memory_space<semaphore_mem>>
      %dma_start3A_239 = tpu.memref_slice %arg2[%mul3A_2] : memref<16384xi32, #tpu.memory_space<hbm>> -> memref<512xi32, #tpu.memory_space<hbm>>
      %dma_start3A_240 = tpu.memref_slice %arg2[%mul3A_2] : memref<16384xi32, #tpu.memory_space<hbm>> -> memref<512xi32, #tpu.memory_space<hbm>>
      tpu.enqueue_dma source(%dma_start3A_240 : memref<512xi32, #tpu.memory_space<hbm>>) target(%arg7 : memref<512xi32, #tpu.memory_space<vmem>>) target_semaphore(%run_scoped3A : memref<!tpu.dma_semaphore, #tpu.memory_space<semaphore_mem>>)
      %dma_wait3A_241 = tpu.memref_slice %arg2[%mul3A_2] : memref<16384xi32, #tpu.memory_space<hbm>> -> memref<512xi32, #tpu.memory_space<hbm>>
      %dma_wait3A_242 = tpu.memref_slice %arg2[%mul3A_2] : memref<16384xi32, #tpu.memory_space<hbm>> -> memref<512xi32, #tpu.memory_space<hbm>>
      tpu.wait_dma2 semaphore(%run_scoped3A : memref<!tpu.dma_semaphore, #tpu.memory_space<semaphore_mem>>) src(%dma_wait3A_242 : memref<512xi32, #tpu.memory_space<hbm>>) dst(%arg7 : memref<512xi32, #tpu.memory_space<vmem>>)
      tpu.yield
    }) : () -> ()
    "tpu.region"() ({
      %run_scoped3A = tpu.sem_alloc : memref<!tpu.dma_semaphore, #tpu.memory_space<semaphore_mem>>
      %dma_start3A_239 = tpu.memref_slice %arg3[%mul3A_2] : memref<16384xi32, #tpu.memory_space<hbm>> -> memref<512xi32, #tpu.memory_space<hbm>>
      %dma_start3A_240 = tpu.memref_slice %arg3[%mul3A_2] : memref<16384xi32, #tpu.memory_space<hbm>> -> memref<512xi32, #tpu.memory_space<hbm>>
      tpu.enqueue_dma source(%dma_start3A_240 : memref<512xi32, #tpu.memory_space<hbm>>) target(%arg8 : memref<512xi32, #tpu.memory_space<vmem>>) target_semaphore(%run_scoped3A : memref<!tpu.dma_semaphore, #tpu.memory_space<semaphore_mem>>)
      %dma_wait3A_241 = tpu.memref_slice %arg3[%mul3A_2] : memref<16384xi32, #tpu.memory_space<hbm>> -> memref<512xi32, #tpu.memory_space<hbm>>
      %dma_wait3A_242 = tpu.memref_slice %arg3[%mul3A_2] : memref<16384xi32, #tpu.memory_space<hbm>> -> memref<512xi32, #tpu.memory_space<hbm>>
      tpu.wait_dma2 semaphore(%run_scoped3A : memref<!tpu.dma_semaphore, #tpu.memory_space<semaphore_mem>>) src(%dma_wait3A_242 : memref<512xi32, #tpu.memory_space<hbm>>) dst(%arg8 : memref<512xi32, #tpu.memory_space<vmem>>)
      tpu.yield
    }) : () -> ()
    %iota3A = tpu.iota {dimensions = array<i32: 0>} : vector<16xi32>
    %dma_start3A = arith.constant 0 : i32
    %dma_start3A_3 = tpu.memref_slice %arg7[%dma_start3A] : memref<512xi32, #tpu.memory_space<vmem>> -> memref<64xi32, #tpu.memory_space<vmem>>
    %dma_start3A_4 = arith.constant 0 : i32
    %dma_start3A_5 = arith.constant 0 : i32
    %dma_start3A_6 = tpu.memref_slice %arg4[%dma_start3A_4, %dma_start3A_5] : memref<1000000x128xf32, #tpu.memory_space<hbm>> -> memref<1000000x128xf32, #tpu.memory_space<hbm>>
    tpu.enqueue_indirect_dma source(%dma_start3A_6 : memref<1000000x128xf32, #tpu.memory_space<hbm>>) target(%arg9 : memref<64x128xf32, #tpu.memory_space<vmem>>) offsets(%dma_start3A_3 : memref<64xi32, #tpu.memory_space<vmem>>) semaphore(%arg19 : memref<!tpu.dma_semaphore, #tpu.memory_space<semaphore_mem>>)
    %dma_start3A_7 = arith.constant 0 : i32
    %dma_start3A_8 = tpu.memref_slice %arg8[%dma_start3A_7] : memref<512xi32, #tpu.memory_space<vmem>> -> memref<64xi32, #tpu.memory_space<vmem>>
    %dma_start3A_9 = arith.constant 0 : i32
    %dma_start3A_10 = arith.constant 0 : i32
    %dma_start3A_11 = tpu.memref_slice %arg5[%dma_start3A_9, %dma_start3A_10] : memref<1000000x128xf32, #tpu.memory_space<hbm>> -> memref<1000000x128xf32, #tpu.memory_space<hbm>>
    tpu.enqueue_indirect_dma source(%dma_start3A_11 : memref<1000000x128xf32, #tpu.memory_space<hbm>>) target(%arg10 : memref<64x128xf32, #tpu.memory_space<vmem>>) offsets(%dma_start3A_8 : memref<64xi32, #tpu.memory_space<vmem>>) semaphore(%arg19 : memref<!tpu.dma_semaphore, #tpu.memory_space<semaphore_mem>>)
    %dma_start3A_12 = arith.constant 64 : i32
    %dma_start3A_13 = tpu.memref_slice %arg7[%dma_start3A_12] : memref<512xi32, #tpu.memory_space<vmem>> -> memref<64xi32, #tpu.memory_space<vmem>>
    %dma_start3A_14 = arith.constant 0 : i32
    %dma_start3A_15 = arith.constant 0 : i32
    %dma_start3A_16 = tpu.memref_slice %arg4[%dma_start3A_14, %dma_start3A_15] : memref<1000000x128xf32, #tpu.memory_space<hbm>> -> memref<1000000x128xf32, #tpu.memory_space<hbm>>
    tpu.enqueue_indirect_dma source(%dma_start3A_16 : memref<1000000x128xf32, #tpu.memory_space<hbm>>) target(%arg11 : memref<64x128xf32, #tpu.memory_space<vmem>>) offsets(%dma_start3A_13 : memref<64xi32, #tpu.memory_space<vmem>>) semaphore(%arg20 : memref<!tpu.dma_semaphore, #tpu.memory_space<semaphore_mem>>)
    %dma_start3A_17 = arith.constant 64 : i32
    %dma_start3A_18 = tpu.memref_slice %arg8[%dma_start3A_17] : memref<512xi32, #tpu.memory_space<vmem>> -> memref<64xi32, #tpu.memory_space<vmem>>
    %dma_start3A_19 = arith.constant 0 : i32
    %dma_start3A_20 = arith.constant 0 : i32
    %dma_start3A_21 = tpu.memref_slice %arg5[%dma_start3A_19, %dma_start3A_20] : memref<1000000x128xf32, #tpu.memory_space<hbm>> -> memref<1000000x128xf32, #tpu.memory_space<hbm>>
    tpu.enqueue_indirect_dma source(%dma_start3A_21 : memref<1000000x128xf32, #tpu.memory_space<hbm>>) target(%arg12 : memref<64x128xf32, #tpu.memory_space<vmem>>) offsets(%dma_start3A_18 : memref<64xi32, #tpu.memory_space<vmem>>) semaphore(%arg20 : memref<!tpu.dma_semaphore, #tpu.memory_space<semaphore_mem>>)
    %dma_start3A_22 = arith.constant 128 : i32
    %dma_start3A_23 = tpu.memref_slice %arg7[%dma_start3A_22] : memref<512xi32, #tpu.memory_space<vmem>> -> memref<64xi32, #tpu.memory_space<vmem>>
    %dma_start3A_24 = arith.constant 0 : i32
    %dma_start3A_25 = arith.constant 0 : i32
    %dma_start3A_26 = tpu.memref_slice %arg4[%dma_start3A_24, %dma_start3A_25] : memref<1000000x128xf32, #tpu.memory_space<hbm>> -> memref<1000000x128xf32, #tpu.memory_space<hbm>>
    tpu.enqueue_indirect_dma source(%dma_start3A_26 : memref<1000000x128xf32, #tpu.memory_space<hbm>>) target(%arg13 : memref<64x128xf32, #tpu.memory_space<vmem>>) offsets(%dma_start3A_23 : memref<64xi32, #tpu.memory_space<vmem>>) semaphore(%arg21 : memref<!tpu.dma_semaphore, #tpu.memory_space<semaphore_mem>>)
    %dma_start3A_27 = arith.constant 128 : i32
    %dma_start3A_28 = tpu.memref_slice %arg8[%dma_start3A_27] : memref<512xi32, #tpu.memory_space<vmem>> -> memref<64xi32, #tpu.memory_space<vmem>>
    %dma_start3A_29 = arith.constant 0 : i32
    %dma_start3A_30 = arith.constant 0 : i32
    %dma_start3A_31 = tpu.memref_slice %arg5[%dma_start3A_29, %dma_start3A_30] : memref<1000000x128xf32, #tpu.memory_space<hbm>> -> memref<1000000x128xf32, #tpu.memory_space<hbm>>
    tpu.enqueue_indirect_dma source(%dma_start3A_31 : memref<1000000x128xf32, #tpu.memory_space<hbm>>) target(%arg14 : memref<64x128xf32, #tpu.memory_space<vmem>>) offsets(%dma_start3A_28 : memref<64xi32, #tpu.memory_space<vmem>>) semaphore(%arg21 : memref<!tpu.dma_semaphore, #tpu.memory_space<semaphore_mem>>)
    %dma_start3A_32 = arith.constant 192 : i32
    %dma_start3A_33 = tpu.memref_slice %arg7[%dma_start3A_32] : memref<512xi32, #tpu.memory_space<vmem>> -> memref<64xi32, #tpu.memory_space<vmem>>
    %dma_start3A_34 = arith.constant 0 : i32
    %dma_start3A_35 = arith.constant 0 : i32
    %dma_start3A_36 = tpu.memref_slice %arg4[%dma_start3A_34, %dma_start3A_35] : memref<1000000x128xf32, #tpu.memory_space<hbm>> -> memref<1000000x128xf32, #tpu.memory_space<hbm>>
    tpu.enqueue_indirect_dma source(%dma_start3A_36 : memref<1000000x128xf32, #tpu.memory_space<hbm>>) target(%arg15 : memref<64x128xf32, #tpu.memory_space<vmem>>) offsets(%dma_start3A_33 : memref<64xi32, #tpu.memory_space<vmem>>) semaphore(%arg22 : memref<!tpu.dma_semaphore, #tpu.memory_space<semaphore_mem>>)
    %dma_start3A_37 = arith.constant 192 : i32
    %dma_start3A_38 = tpu.memref_slice %arg8[%dma_start3A_37] : memref<512xi32, #tpu.memory_space<vmem>> -> memref<64xi32, #tpu.memory_space<vmem>>
    %dma_start3A_39 = arith.constant 0 : i32
    %dma_start3A_40 = arith.constant 0 : i32
    %dma_start3A_41 = tpu.memref_slice %arg5[%dma_start3A_39, %dma_start3A_40] : memref<1000000x128xf32, #tpu.memory_space<hbm>> -> memref<1000000x128xf32, #tpu.memory_space<hbm>>
    tpu.enqueue_indirect_dma source(%dma_start3A_41 : memref<1000000x128xf32, #tpu.memory_space<hbm>>) target(%arg16 : memref<64x128xf32, #tpu.memory_space<vmem>>) offsets(%dma_start3A_38 : memref<64xi32, #tpu.memory_space<vmem>>) semaphore(%arg22 : memref<!tpu.dma_semaphore, #tpu.memory_space<semaphore_mem>>)
    %dma_wait3A = arith.constant 0 : i32
    %dma_wait3A_42 = tpu.memref_slice %arg7[%dma_wait3A] : memref<512xi32, #tpu.memory_space<vmem>> -> memref<64xi32, #tpu.memory_space<vmem>>
    %dma_wait3A_43 = arith.constant 0 : i32
    %dma_wait3A_44 = arith.constant 0 : i32
    %dma_wait3A_45 = tpu.memref_slice %arg4[%dma_wait3A_43, %dma_wait3A_44] : memref<1000000x128xf32, #tpu.memory_space<hbm>> -> memref<1000000x128xf32, #tpu.memory_space<hbm>>
    tpu.wait_indirect_dma semaphore(%arg19 : memref<!tpu.dma_semaphore, #tpu.memory_space<semaphore_mem>>) src(%dma_wait3A_45 : memref<1000000x128xf32, #tpu.memory_space<hbm>>) dst(%arg9 : memref<64x128xf32, #tpu.memory_space<vmem>>)
    %dma_wait3A_46 = arith.constant 0 : i32
    %dma_wait3A_47 = tpu.memref_slice %arg8[%dma_wait3A_46] : memref<512xi32, #tpu.memory_space<vmem>> -> memref<64xi32, #tpu.memory_space<vmem>>
    %dma_wait3A_48 = arith.constant 0 : i32
    %dma_wait3A_49 = arith.constant 0 : i32
    %dma_wait3A_50 = tpu.memref_slice %arg5[%dma_wait3A_48, %dma_wait3A_49] : memref<1000000x128xf32, #tpu.memory_space<hbm>> -> memref<1000000x128xf32, #tpu.memory_space<hbm>>
    tpu.wait_indirect_dma semaphore(%arg19 : memref<!tpu.dma_semaphore, #tpu.memory_space<semaphore_mem>>) src(%dma_wait3A_50 : memref<1000000x128xf32, #tpu.memory_space<hbm>>) dst(%arg10 : memref<64x128xf32, #tpu.memory_space<vmem>>)
    %parallel_loop3A = arith.constant 0 : i32
    %parallel_loop3A_51 = arith.constant 64 : i32
    %parallel_loop3A_52 = arith.constant 1 : i32
    scf.for %parallel_loop3A_239 = %parallel_loop3A to %parallel_loop3A_51 step %parallel_loop3A_52  : i32 {
      %parallel_loop3A_240 = arith.index_cast %parallel_loop3A_239 : i32 to index
      %parallel_loop3A_241 = arith.constant 0 : index
      %parallel_loop3A_242 = tpu.vector_load %arg9[%parallel_loop3A_240, %parallel_loop3A_241] {strides = array<i32>} : memref<64x128xf32, #tpu.memory_space<vmem>>, vector<16xf32>,
      %parallel_loop3A_243 = arith.index_cast %parallel_loop3A_239 : i32 to index
      %parallel_loop3A_244 = arith.constant 0 : index
      %parallel_loop3A_245 = tpu.vector_load %arg10[%parallel_loop3A_243, %parallel_loop3A_244] {strides = array<i32>} : memref<64x128xf32, #tpu.memory_space<vmem>>, vector<16xf32>,
      %parallel_loop3A_246 = arith.mulf %parallel_loop3A_242, %parallel_loop3A_245 : vector<16xf32>
      %parallel_loop3A_247 = arith.index_cast %parallel_loop3A_239 : i32 to index
      %parallel_loop3A_248 = arith.constant 16 : index
      %parallel_loop3A_249 = tpu.vector_load %arg9[%parallel_loop3A_247, %parallel_loop3A_248] {strides = array<i32>} : memref<64x128xf32, #tpu.memory_space<vmem>>, vector<16xf32>,
      %parallel_loop3A_250 = arith.index_cast %parallel_loop3A_239 : i32 to index
      %parallel_loop3A_251 = arith.constant 16 : index
      %parallel_loop3A_252 = tpu.vector_load %arg10[%parallel_loop3A_250, %parallel_loop3A_251] {strides = array<i32>} : memref<64x128xf32, #tpu.memory_space<vmem>>, vector<16xf32>,
      %parallel_loop3A_253 = arith.mulf %parallel_loop3A_249, %parallel_loop3A_252 : vector<16xf32>
      %parallel_loop3A_254 = arith.index_cast %parallel_loop3A_239 : i32 to index
      %parallel_loop3A_255 = arith.constant 32 : index
      %parallel_loop3A_256 = tpu.vector_load %arg9[%parallel_loop3A_254, %parallel_loop3A_255] {strides = array<i32>} : memref<64x128xf32, #tpu.memory_space<vmem>>, vector<16xf32>,
      %parallel_loop3A_257 = arith.index_cast %parallel_loop3A_239 : i32 to index
      %parallel_loop3A_258 = arith.constant 32 : index
      %parallel_loop3A_259 = tpu.vector_load %arg10[%parallel_loop3A_257, %parallel_loop3A_258] {strides = array<i32>} : memref<64x128xf32, #tpu.memory_space<vmem>>, vector<16xf32>,
      %parallel_loop3A_260 = arith.mulf %parallel_loop3A_256, %parallel_loop3A_259 : vector<16xf32>
      %parallel_loop3A_261 = arith.index_cast %parallel_loop3A_239 : i32 to index
      %parallel_loop3A_262 = arith.constant 48 : index
      %parallel_loop3A_263 = tpu.vector_load %arg9[%parallel_loop3A_261, %parallel_loop3A_262] {strides = array<i32>} : memref<64x128xf32, #tpu.memory_space<vmem>>, vector<16xf32>,
      %parallel_loop3A_264 = arith.index_cast %parallel_loop3A_239 : i32 to index
      %parallel_loop3A_265 = arith.constant 48 : index
      %parallel_loop3A_266 = tpu.vector_load %arg10[%parallel_loop3A_264, %parallel_loop3A_265] {strides = array<i32>} : memref<64x128xf32, #tpu.memory_space<vmem>>, vector<16xf32>,
      %parallel_loop3A_267 = arith.mulf %parallel_loop3A_263, %parallel_loop3A_266 : vector<16xf32>
      %parallel_loop3A_268 = arith.index_cast %parallel_loop3A_239 : i32 to index
      %parallel_loop3A_269 = arith.constant 64 : index
      %parallel_loop3A_270 = tpu.vector_load %arg9[%parallel_loop3A_268, %parallel_loop3A_269] {strides = array<i32>} : memref<64x128xf32, #tpu.memory_space<vmem>>, vector<16xf32>,
      %parallel_loop3A_271 = arith.index_cast %parallel_loop3A_239 : i32 to index
      %parallel_loop3A_272 = arith.constant 64 : index
      %parallel_loop3A_273 = tpu.vector_load %arg10[%parallel_loop3A_271, %parallel_loop3A_272] {strides = array<i32>} : memref<64x128xf32, #tpu.memory_space<vmem>>, vector<16xf32>,
      %parallel_loop3A_274 = arith.mulf %parallel_loop3A_270, %parallel_loop3A_273 : vector<16xf32>
      %parallel_loop3A_275 = arith.index_cast %parallel_loop3A_239 : i32 to index
      %parallel_loop3A_276 = arith.constant 80 : index
      %parallel_loop3A_277 = tpu.vector_load %arg9[%parallel_loop3A_275, %parallel_loop3A_276] {strides = array<i32>} : memref<64x128xf32, #tpu.memory_space<vmem>>, vector<16xf32>,
      %parallel_loop3A_278 = arith.index_cast %parallel_loop3A_239 : i32 to index
      %parallel_loop3A_279 = arith.constant 80 : index
      %parallel_loop3A_280 = tpu.vector_load %arg10[%parallel_loop3A_278, %parallel_loop3A_279] {strides = array<i32>} : memref<64x128xf32, #tpu.memory_space<vmem>>, vector<16xf32>,
      %parallel_loop3A_281 = arith.mulf %parallel_loop3A_277, %parallel_loop3A_280 : vector<16xf32>
      %parallel_loop3A_282 = arith.index_cast %parallel_loop3A_239 : i32 to index
      %parallel_loop3A_283 = arith.constant 96 : index
      %parallel_loop3A_284 = tpu.vector_load %arg9[%parallel_loop3A_282, %parallel_loop3A_283] {strides = array<i32>} : memref<64x128xf32, #tpu.memory_space<vmem>>, vector<16xf32>,
      %parallel_loop3A_285 = arith.index_cast %parallel_loop3A_239 : i32 to index
      %parallel_loop3A_286 = arith.constant 96 : index
      %parallel_loop3A_287 = tpu.vector_load %arg10[%parallel_loop3A_285, %parallel_loop3A_286] {strides = array<i32>} : memref<64x128xf32, #tpu.memory_space<vmem>>, vector<16xf32>,
      %parallel_loop3A_288 = arith.mulf %parallel_loop3A_284, %parallel_loop3A_287 : vector<16xf32>
      %parallel_loop3A_289 = arith.index_cast %parallel_loop3A_239 : i32 to index
      %parallel_loop3A_290 = arith.constant 112 : index
      %parallel_loop3A_291 = tpu.vector_load %arg9[%parallel_loop3A_289, %parallel_loop3A_290] {strides = array<i32>} : memref<64x128xf32, #tpu.memory_space<vmem>>, vector<16xf32>,
      %parallel_loop3A_292 = arith.index_cast %parallel_loop3A_239 : i32 to index
      %parallel_loop3A_293 = arith.constant 112 : index
      %parallel_loop3A_294 = tpu.vector_load %arg10[%parallel_loop3A_292, %parallel_loop3A_293] {strides = array<i32>} : memref<64x128xf32, #tpu.memory_space<vmem>>, vector<16xf32>,
      %parallel_loop3A_295 = arith.mulf %parallel_loop3A_291, %parallel_loop3A_294 : vector<16xf32>
      %parallel_loop3A_296 = arith.addf %parallel_loop3A_246, %parallel_loop3A_253 : vector<16xf32>
      %parallel_loop3A_297 = arith.addf %parallel_loop3A_260, %parallel_loop3A_267 : vector<16xf32>
      %parallel_loop3A_298 = arith.addf %parallel_loop3A_296, %parallel_loop3A_297 : vector<16xf32>
      %parallel_loop3A_299 = arith.addf %parallel_loop3A_274, %parallel_loop3A_281 : vector<16xf32>
      %parallel_loop3A_300 = arith.addf %parallel_loop3A_288, %parallel_loop3A_295 : vector<16xf32>
      %parallel_loop3A_301 = arith.addf %parallel_loop3A_299, %parallel_loop3A_300 : vector<16xf32>
      %parallel_loop3A_302 = arith.addf %parallel_loop3A_298, %parallel_loop3A_301 : vector<16xf32>
      %parallel_loop3A_303 = arith.constant 8 : i32
      %parallel_loop3A_304 = vector.broadcast %parallel_loop3A_303 : i32 to vector<16xi32>
      %parallel_loop3A_305 = arith.xori %iota3A, %parallel_loop3A_304 : vector<16xi32>
      %parallel_loop3A_306 = vector.shape_cast %parallel_loop3A_305 : vector<16xi32> to vector<16x1xi32>
      %parallel_loop3A_307 = vector.shape_cast %parallel_loop3A_306 : vector<16x1xi32> to vector<16xi32>
      %parallel_loop3A_308 = tpu.dynamic_gather %parallel_loop3A_302[%parallel_loop3A_307] in [0] : vector<16xf32>, vector<16xi32> -> vector<16xf32>
      %parallel_loop3A_309 = arith.addf %parallel_loop3A_302, %parallel_loop3A_308 : vector<16xf32>
      %parallel_loop3A_310 = arith.constant 4 : i32
      %parallel_loop3A_311 = vector.broadcast %parallel_loop3A_310 : i32 to vector<16xi32>
      %parallel_loop3A_312 = arith.xori %iota3A, %parallel_loop3A_311 : vector<16xi32>
      %parallel_loop3A_313 = vector.shape_cast %parallel_loop3A_312 : vector<16xi32> to vector<16x1xi32>
      %parallel_loop3A_314 = vector.shape_cast %parallel_loop3A_313 : vector<16x1xi32> to vector<16xi32>
      %parallel_loop3A_315 = tpu.dynamic_gather %parallel_loop3A_309[%parallel_loop3A_314] in [0] : vector<16xf32>, vector<16xi32> -> vector<16xf32>
      %parallel_loop3A_316 = arith.addf %parallel_loop3A_309, %parallel_loop3A_315 : vector<16xf32>
      %parallel_loop3A_317 = arith.constant 2 : i32
      %parallel_loop3A_318 = vector.broadcast %parallel_loop3A_317 : i32 to vector<16xi32>
      %parallel_loop3A_319 = arith.xori %iota3A, %parallel_loop3A_318 : vector<16xi32>
      %parallel_loop3A_320 = vector.shape_cast %parallel_loop3A_319 : vector<16xi32> to vector<16x1xi32>
      %parallel_loop3A_321 = vector.shape_cast %parallel_loop3A_320 : vector<16x1xi32> to vector<16xi32>
      %parallel_loop3A_322 = tpu.dynamic_gather %parallel_loop3A_316[%parallel_loop3A_321] in [0] : vector<16xf32>, vector<16xi32> -> vector<16xf32>
      %parallel_loop3A_323 = arith.addf %parallel_loop3A_316, %parallel_loop3A_322 : vector<16xf32>
      %parallel_loop3A_324 = arith.constant 1 : i32
      %parallel_loop3A_325 = vector.broadcast %parallel_loop3A_324 : i32 to vector<16xi32>
      %parallel_loop3A_326 = arith.xori %iota3A, %parallel_loop3A_325 : vector<16xi32>
      %parallel_loop3A_327 = vector.shape_cast %parallel_loop3A_326 : vector<16xi32> to vector<16x1xi32>
      %parallel_loop3A_328 = vector.shape_cast %parallel_loop3A_327 : vector<16x1xi32> to vector<16xi32>
      %parallel_loop3A_329 = tpu.dynamic_gather %parallel_loop3A_323[%parallel_loop3A_328] in [0] : vector<16xf32>, vector<16xi32> -> vector<16xf32>
      %parallel_loop3A_330 = arith.addf %parallel_loop3A_323, %parallel_loop3A_329 : vector<16xf32>
      %parallel_loop3A_331 = arith.index_cast %parallel_loop3A_239 : i32 to index
      %parallel_loop3A_332 = arith.constant 0 : index
      %parallel_loop3A_333 = tpu.vector_load %arg17[%parallel_loop3A_331, %parallel_loop3A_332] {strides = array<i32>} : memref<64x16xf32, #tpu.memory_space<vmem>>, vector<16xf32>,
      tpu.vector_store %arg17[%parallel_loop3A_331, %parallel_loop3A_332], %parallel_loop3A_330 {strides = array<i32>} : memref<64x16xf32, #tpu.memory_space<vmem>>, vector<16xf32>,
    } {sc.loop_unroll_factor = 4 : i64, sc.parallel_access}
    %scan3A = arith.constant 0 : i32
    %scan3A_53 = arith.constant 0 : i32
    %scan3A_54 = arith.constant 4 : i32
    %scan3A_55 = arith.addi %scan3A_53, %scan3A_54 : i32
    %scan3A_56 = arith.constant 1 : i32
    %scan3A_57 = scf.for %scan3A_239 = %scan3A_53 to %scan3A_55 step %scan3A_56 iter_args(%scan3A_240 = %scan3A) -> (i32)  : i32 {
      %mul3A_241 = arith.constant 16 : i32
      %mul3A_242 = arith.muli %scan3A_239, %mul3A_241 : i32
      %add3A_243 = arith.constant 0 : i32
      %add3A_244 = arith.addi %add3A_243, %mul3A_242 : i32
      %mul3A_245 = arith.constant 16 : i32
      %mul3A_246 = arith.muli %scan3A_239, %mul3A_245 : i32
      %add3A_247 = vector.broadcast %mul3A_246 : i32 to vector<16xi32>
      %add3A_248 = arith.addi %add3A_247, %iota3A : vector<16xi32>
      %gather3A = tpu.vector_load_idx %arg17[%add3A_248, %iota3A] : memref<64x16xf32, #tpu.memory_space<vmem>>[vector<16xi32>, vector<16xi32>], vector<16xf32>,
      %swap3A = arith.index_cast %add3A_244 : i32 to index
      %swap3A_249 = tpu.vector_load %arg18[%swap3A] {strides = array<i32>} : memref<512xf32, #tpu.memory_space<vmem>>, vector<16xf32>,
      tpu.vector_store %arg18[%swap3A], %gather3A {strides = array<i32>} : memref<512xf32, #tpu.memory_space<vmem>>, vector<16xf32>,
      %scan3A_250 = arith.constant 0 : i32
      scf.yield %scan3A_250 : i32
    }
    %scan3A_58 = arith.constant 4 : i32
    %dma_start3A_59 = arith.constant 256 : i32
    %dma_start3A_60 = tpu.memref_slice %arg7[%dma_start3A_59] : memref<512xi32, #tpu.memory_space<vmem>> -> memref<64xi32, #tpu.memory_space<vmem>>
    %dma_start3A_61 = arith.constant 0 : i32
    %dma_start3A_62 = arith.constant 0 : i32
    %dma_start3A_63 = tpu.memref_slice %arg4[%dma_start3A_61, %dma_start3A_62] : memref<1000000x128xf32, #tpu.memory_space<hbm>> -> memref<1000000x128xf32, #tpu.memory_space<hbm>>
    tpu.enqueue_indirect_dma source(%dma_start3A_63 : memref<1000000x128xf32, #tpu.memory_space<hbm>>) target(%arg9 : memref<64x128xf32, #tpu.memory_space<vmem>>) offsets(%dma_start3A_60 : memref<64xi32, #tpu.memory_space<vmem>>) semaphore(%arg19 : memref<!tpu.dma_semaphore, #tpu.memory_space<semaphore_mem>>)
    %dma_start3A_64 = arith.constant 256 : i32
    %dma_start3A_65 = tpu.memref_slice %arg8[%dma_start3A_64] : memref<512xi32, #tpu.memory_space<vmem>> -> memref<64xi32, #tpu.memory_space<vmem>>
    %dma_start3A_66 = arith.constant 0 : i32
    %dma_start3A_67 = arith.constant 0 : i32
    %dma_start3A_68 = tpu.memref_slice %arg5[%dma_start3A_66, %dma_start3A_67] : memref<1000000x128xf32, #tpu.memory_space<hbm>> -> memref<1000000x128xf32, #tpu.memory_space<hbm>>
    tpu.enqueue_indirect_dma source(%dma_start3A_68 : memref<1000000x128xf32, #tpu.memory_space<hbm>>) target(%arg10 : memref<64x128xf32, #tpu.memory_space<vmem>>) offsets(%dma_start3A_65 : memref<64xi32, #tpu.memory_space<vmem>>) semaphore(%arg19 : memref<!tpu.dma_semaphore, #tpu.memory_space<semaphore_mem>>)
    %dma_wait3A_69 = arith.constant 64 : i32
    %dma_wait3A_70 = tpu.memref_slice %arg7[%dma_wait3A_69] : memref<512xi32, #tpu.memory_space<vmem>> -> memref<64xi32, #tpu.memory_space<vmem>>
    %dma_wait3A_71 = arith.constant 0 : i32
    %dma_wait3A_72 = arith.constant 0 : i32
    %dma_wait3A_73 = tpu.memref_slice %arg4[%dma_wait3A_71, %dma_wait3A_72] : memref<1000000x128xf32, #tpu.memory_space<hbm>> -> memref<1000000x128xf32, #tpu.memory_space<hbm>>
    tpu.wait_indirect_dma semaphore(%arg20 : memref<!tpu.dma_semaphore, #tpu.memory_space<semaphore_mem>>) src(%dma_wait3A_73 : memref<1000000x128xf32, #tpu.memory_space<hbm>>) dst(%arg11 : memref<64x128xf32, #tpu.memory_space<vmem>>)
    %dma_wait3A_74 = arith.constant 64 : i32
    %dma_wait3A_75 = tpu.memref_slice %arg8[%dma_wait3A_74] : memref<512xi32, #tpu.memory_space<vmem>> -> memref<64xi32, #tpu.memory_space<vmem>>
    %dma_wait3A_76 = arith.constant 0 : i32
    %dma_wait3A_77 = arith.constant 0 : i32
    %dma_wait3A_78 = tpu.memref_slice %arg5[%dma_wait3A_76, %dma_wait3A_77] : memref<1000000x128xf32, #tpu.memory_space<hbm>> -> memref<1000000x128xf32, #tpu.memory_space<hbm>>
    tpu.wait_indirect_dma semaphore(%arg20 : memref<!tpu.dma_semaphore, #tpu.memory_space<semaphore_mem>>) src(%dma_wait3A_78 : memref<1000000x128xf32, #tpu.memory_space<hbm>>) dst(%arg12 : memref<64x128xf32, #tpu.memory_space<vmem>>)
    %parallel_loop3A_79 = arith.constant 0 : i32
    %parallel_loop3A_80 = arith.constant 64 : i32
    %parallel_loop3A_81 = arith.constant 1 : i32
    scf.for %parallel_loop3A_239 = %parallel_loop3A_79 to %parallel_loop3A_80 step %parallel_loop3A_81  : i32 {
      %parallel_loop3A_240 = arith.index_cast %parallel_loop3A_239 : i32 to index
      %parallel_loop3A_241 = arith.constant 0 : index
      %parallel_loop3A_242 = tpu.vector_load %arg11[%parallel_loop3A_240, %parallel_loop3A_241] {strides = array<i32>} : memref<64x128xf32, #tpu.memory_space<vmem>>, vector<16xf32>,
      %parallel_loop3A_243 = arith.index_cast %parallel_loop3A_239 : i32 to index
      %parallel_loop3A_244 = arith.constant 0 : index
      %parallel_loop3A_245 = tpu.vector_load %arg12[%parallel_loop3A_243, %parallel_loop3A_244] {strides = array<i32>} : memref<64x128xf32, #tpu.memory_space<vmem>>, vector<16xf32>,
      %parallel_loop3A_246 = arith.mulf %parallel_loop3A_242, %parallel_loop3A_245 : vector<16xf32>
      %parallel_loop3A_247 = arith.index_cast %parallel_loop3A_239 : i32 to index
      %parallel_loop3A_248 = arith.constant 16 : index
      %parallel_loop3A_249 = tpu.vector_load %arg11[%parallel_loop3A_247, %parallel_loop3A_248] {strides = array<i32>} : memref<64x128xf32, #tpu.memory_space<vmem>>, vector<16xf32>,
      %parallel_loop3A_250 = arith.index_cast %parallel_loop3A_239 : i32 to index
      %parallel_loop3A_251 = arith.constant 16 : index
      %parallel_loop3A_252 = tpu.vector_load %arg12[%parallel_loop3A_250, %parallel_loop3A_251] {strides = array<i32>} : memref<64x128xf32, #tpu.memory_space<vmem>>, vector<16xf32>,
      %parallel_loop3A_253 = arith.mulf %parallel_loop3A_249, %parallel_loop3A_252 : vector<16xf32>
      %parallel_loop3A_254 = arith.index_cast %parallel_loop3A_239 : i32 to index
      %parallel_loop3A_255 = arith.constant 32 : index
      %parallel_loop3A_256 = tpu.vector_load %arg11[%parallel_loop3A_254, %parallel_loop3A_255] {strides = array<i32>} : memref<64x128xf32, #tpu.memory_space<vmem>>, vector<16xf32>,
      %parallel_loop3A_257 = arith.index_cast %parallel_loop3A_239 : i32 to index
      %parallel_loop3A_258 = arith.constant 32 : index
      %parallel_loop3A_259 = tpu.vector_load %arg12[%parallel_loop3A_257, %parallel_loop3A_258] {strides = array<i32>} : memref<64x128xf32, #tpu.memory_space<vmem>>, vector<16xf32>,
      %parallel_loop3A_260 = arith.mulf %parallel_loop3A_256, %parallel_loop3A_259 : vector<16xf32>
      %parallel_loop3A_261 = arith.index_cast %parallel_loop3A_239 : i32 to index
      %parallel_loop3A_262 = arith.constant 48 : index
      %parallel_loop3A_263 = tpu.vector_load %arg11[%parallel_loop3A_261, %parallel_loop3A_262] {strides = array<i32>} : memref<64x128xf32, #tpu.memory_space<vmem>>, vector<16xf32>,
      %parallel_loop3A_264 = arith.index_cast %parallel_loop3A_239 : i32 to index
      %parallel_loop3A_265 = arith.constant 48 : index
      %parallel_loop3A_266 = tpu.vector_load %arg12[%parallel_loop3A_264, %parallel_loop3A_265] {strides = array<i32>} : memref<64x128xf32, #tpu.memory_space<vmem>>, vector<16xf32>,
      %parallel_loop3A_267 = arith.mulf %parallel_loop3A_263, %parallel_loop3A_266 : vector<16xf32>
      %parallel_loop3A_268 = arith.index_cast %parallel_loop3A_239 : i32 to index
      %parallel_loop3A_269 = arith.constant 64 : index
      %parallel_loop3A_270 = tpu.vector_load %arg11[%parallel_loop3A_268, %parallel_loop3A_269] {strides = array<i32>} : memref<64x128xf32, #tpu.memory_space<vmem>>, vector<16xf32>,
      %parallel_loop3A_271 = arith.index_cast %parallel_loop3A_239 : i32 to index
      %parallel_loop3A_272 = arith.constant 64 : index
      %parallel_loop3A_273 = tpu.vector_load %arg12[%parallel_loop3A_271, %parallel_loop3A_272] {strides = array<i32>} : memref<64x128xf32, #tpu.memory_space<vmem>>, vector<16xf32>,
      %parallel_loop3A_274 = arith.mulf %parallel_loop3A_270, %parallel_loop3A_273 : vector<16xf32>
      %parallel_loop3A_275 = arith.index_cast %parallel_loop3A_239 : i32 to index
      %parallel_loop3A_276 = arith.constant 80 : index
      %parallel_loop3A_277 = tpu.vector_load %arg11[%parallel_loop3A_275, %parallel_loop3A_276] {strides = array<i32>} : memref<64x128xf32, #tpu.memory_space<vmem>>, vector<16xf32>,
      %parallel_loop3A_278 = arith.index_cast %parallel_loop3A_239 : i32 to index
      %parallel_loop3A_279 = arith.constant 80 : index
      %parallel_loop3A_280 = tpu.vector_load %arg12[%parallel_loop3A_278, %parallel_loop3A_279] {strides = array<i32>} : memref<64x128xf32, #tpu.memory_space<vmem>>, vector<16xf32>,
      %parallel_loop3A_281 = arith.mulf %parallel_loop3A_277, %parallel_loop3A_280 : vector<16xf32>
      %parallel_loop3A_282 = arith.index_cast %parallel_loop3A_239 : i32 to index
      %parallel_loop3A_283 = arith.constant 96 : index
      %parallel_loop3A_284 = tpu.vector_load %arg11[%parallel_loop3A_282, %parallel_loop3A_283] {strides = array<i32>} : memref<64x128xf32, #tpu.memory_space<vmem>>, vector<16xf32>,
      %parallel_loop3A_285 = arith.index_cast %parallel_loop3A_239 : i32 to index
      %parallel_loop3A_286 = arith.constant 96 : index
      %parallel_loop3A_287 = tpu.vector_load %arg12[%parallel_loop3A_285, %parallel_loop3A_286] {strides = array<i32>} : memref<64x128xf32, #tpu.memory_space<vmem>>, vector<16xf32>,
      %parallel_loop3A_288 = arith.mulf %parallel_loop3A_284, %parallel_loop3A_287 : vector<16xf32>
      %parallel_loop3A_289 = arith.index_cast %parallel_loop3A_239 : i32 to index
      %parallel_loop3A_290 = arith.constant 112 : index
      %parallel_loop3A_291 = tpu.vector_load %arg11[%parallel_loop3A_289, %parallel_loop3A_290] {strides = array<i32>} : memref<64x128xf32, #tpu.memory_space<vmem>>, vector<16xf32>,
      %parallel_loop3A_292 = arith.index_cast %parallel_loop3A_239 : i32 to index
      %parallel_loop3A_293 = arith.constant 112 : index
      %parallel_loop3A_294 = tpu.vector_load %arg12[%parallel_loop3A_292, %parallel_loop3A_293] {strides = array<i32>} : memref<64x128xf32, #tpu.memory_space<vmem>>, vector<16xf32>,
      %parallel_loop3A_295 = arith.mulf %parallel_loop3A_291, %parallel_loop3A_294 : vector<16xf32>
      %parallel_loop3A_296 = arith.addf %parallel_loop3A_246, %parallel_loop3A_253 : vector<16xf32>
      %parallel_loop3A_297 = arith.addf %parallel_loop3A_260, %parallel_loop3A_267 : vector<16xf32>
      %parallel_loop3A_298 = arith.addf %parallel_loop3A_296, %parallel_loop3A_297 : vector<16xf32>
      %parallel_loop3A_299 = arith.addf %parallel_loop3A_274, %parallel_loop3A_281 : vector<16xf32>
      %parallel_loop3A_300 = arith.addf %parallel_loop3A_288, %parallel_loop3A_295 : vector<16xf32>
      %parallel_loop3A_301 = arith.addf %parallel_loop3A_299, %parallel_loop3A_300 : vector<16xf32>
      %parallel_loop3A_302 = arith.addf %parallel_loop3A_298, %parallel_loop3A_301 : vector<16xf32>
      %parallel_loop3A_303 = arith.constant 8 : i32
      %parallel_loop3A_304 = vector.broadcast %parallel_loop3A_303 : i32 to vector<16xi32>
      %parallel_loop3A_305 = arith.xori %iota3A, %parallel_loop3A_304 : vector<16xi32>
      %parallel_loop3A_306 = vector.shape_cast %parallel_loop3A_305 : vector<16xi32> to vector<16x1xi32>
      %parallel_loop3A_307 = vector.shape_cast %parallel_loop3A_306 : vector<16x1xi32> to vector<16xi32>
      %parallel_loop3A_308 = tpu.dynamic_gather %parallel_loop3A_302[%parallel_loop3A_307] in [0] : vector<16xf32>, vector<16xi32> -> vector<16xf32>
      %parallel_loop3A_309 = arith.addf %parallel_loop3A_302, %parallel_loop3A_308 : vector<16xf32>
      %parallel_loop3A_310 = arith.constant 4 : i32
      %parallel_loop3A_311 = vector.broadcast %parallel_loop3A_310 : i32 to vector<16xi32>
      %parallel_loop3A_312 = arith.xori %iota3A, %parallel_loop3A_311 : vector<16xi32>
      %parallel_loop3A_313 = vector.shape_cast %parallel_loop3A_312 : vector<16xi32> to vector<16x1xi32>
      %parallel_loop3A_314 = vector.shape_cast %parallel_loop3A_313 : vector<16x1xi32> to vector<16xi32>
      %parallel_loop3A_315 = tpu.dynamic_gather %parallel_loop3A_309[%parallel_loop3A_314] in [0] : vector<16xf32>, vector<16xi32> -> vector<16xf32>
      %parallel_loop3A_316 = arith.addf %parallel_loop3A_309, %parallel_loop3A_315 : vector<16xf32>
      %parallel_loop3A_317 = arith.constant 2 : i32
      %parallel_loop3A_318 = vector.broadcast %parallel_loop3A_317 : i32 to vector<16xi32>
      %parallel_loop3A_319 = arith.xori %iota3A, %parallel_loop3A_318 : vector<16xi32>
      %parallel_loop3A_320 = vector.shape_cast %parallel_loop3A_319 : vector<16xi32> to vector<16x1xi32>
      %parallel_loop3A_321 = vector.shape_cast %parallel_loop3A_320 : vector<16x1xi32> to vector<16xi32>
      %parallel_loop3A_322 = tpu.dynamic_gather %parallel_loop3A_316[%parallel_loop3A_321] in [0] : vector<16xf32>, vector<16xi32> -> vector<16xf32>
      %parallel_loop3A_323 = arith.addf %parallel_loop3A_316, %parallel_loop3A_322 : vector<16xf32>
      %parallel_loop3A_324 = arith.constant 1 : i32
      %parallel_loop3A_325 = vector.broadcast %parallel_loop3A_324 : i32 to vector<16xi32>
      %parallel_loop3A_326 = arith.xori %iota3A, %parallel_loop3A_325 : vector<16xi32>
      %parallel_loop3A_327 = vector.shape_cast %parallel_loop3A_326 : vector<16xi32> to vector<16x1xi32>
      %parallel_loop3A_328 = vector.shape_cast %parallel_loop3A_327 : vector<16x1xi32> to vector<16xi32>
      %parallel_loop3A_329 = tpu.dynamic_gather %parallel_loop3A_323[%parallel_loop3A_328] in [0] : vector<16xf32>, vector<16xi32> -> vector<16xf32>
      %parallel_loop3A_330 = arith.addf %parallel_loop3A_323, %parallel_loop3A_329 : vector<16xf32>
      %parallel_loop3A_331 = arith.index_cast %parallel_loop3A_239 : i32 to index
      %parallel_loop3A_332 = arith.constant 0 : index
      %parallel_loop3A_333 = tpu.vector_load %arg17[%parallel_loop3A_331, %parallel_loop3A_332] {strides = array<i32>} : memref<64x16xf32, #tpu.memory_space<vmem>>, vector<16xf32>,
      tpu.vector_store %arg17[%parallel_loop3A_331, %parallel_loop3A_332], %parallel_loop3A_330 {strides = array<i32>} : memref<64x16xf32, #tpu.memory_space<vmem>>, vector<16xf32>,
    } {sc.loop_unroll_factor = 4 : i64, sc.parallel_access}
    %scan3A_82 = arith.constant 0 : i32
    %scan3A_83 = arith.constant 0 : i32
    %scan3A_84 = arith.constant 4 : i32
    %scan3A_85 = arith.addi %scan3A_83, %scan3A_84 : i32
    %scan3A_86 = arith.constant 1 : i32
    %scan3A_87 = scf.for %scan3A_239 = %scan3A_83 to %scan3A_85 step %scan3A_86 iter_args(%scan3A_240 = %scan3A_82) -> (i32)  : i32 {
      %mul3A_241 = arith.constant 16 : i32
      %mul3A_242 = arith.muli %scan3A_239, %mul3A_241 : i32
      %add3A_243 = arith.constant 64 : i32
      %add3A_244 = arith.addi %add3A_243, %mul3A_242 : i32
      %mul3A_245 = arith.constant 16 : i32
      %mul3A_246 = arith.muli %scan3A_239, %mul3A_245 : i32
      %add3A_247 = vector.broadcast %mul3A_246 : i32 to vector<16xi32>
      %add3A_248 = arith.addi %add3A_247, %iota3A : vector<16xi32>
      %gather3A = tpu.vector_load_idx %arg17[%add3A_248, %iota3A] : memref<64x16xf32, #tpu.memory_space<vmem>>[vector<16xi32>, vector<16xi32>], vector<16xf32>,
      %swap3A = arith.index_cast %add3A_244 : i32 to index
      %swap3A_249 = tpu.vector_load %arg18[%swap3A] {strides = array<i32>} : memref<512xf32, #tpu.memory_space<vmem>>, vector<16xf32>,
      tpu.vector_store %arg18[%swap3A], %gather3A {strides = array<i32>} : memref<512xf32, #tpu.memory_space<vmem>>, vector<16xf32>,
      %scan3A_250 = arith.constant 0 : i32
      scf.yield %scan3A_250 : i32
    }
    %scan3A_88 = arith.constant 4 : i32
    %dma_start3A_89 = arith.constant 320 : i32
    %dma_start3A_90 = tpu.memref_slice %arg7[%dma_start3A_89] : memref<512xi32, #tpu.memory_space<vmem>> -> memref<64xi32, #tpu.memory_space<vmem>>
    %dma_start3A_91 = arith.constant 0 : i32
    %dma_start3A_92 = arith.constant 0 : i32
    %dma_start3A_93 = tpu.memref_slice %arg4[%dma_start3A_91, %dma_start3A_92] : memref<1000000x128xf32, #tpu.memory_space<hbm>> -> memref<1000000x128xf32, #tpu.memory_space<hbm>>
    tpu.enqueue_indirect_dma source(%dma_start3A_93 : memref<1000000x128xf32, #tpu.memory_space<hbm>>) target(%arg11 : memref<64x128xf32, #tpu.memory_space<vmem>>) offsets(%dma_start3A_90 : memref<64xi32, #tpu.memory_space<vmem>>) semaphore(%arg20 : memref<!tpu.dma_semaphore, #tpu.memory_space<semaphore_mem>>)
    %dma_start3A_94 = arith.constant 320 : i32
    %dma_start3A_95 = tpu.memref_slice %arg8[%dma_start3A_94] : memref<512xi32, #tpu.memory_space<vmem>> -> memref<64xi32, #tpu.memory_space<vmem>>
    %dma_start3A_96 = arith.constant 0 : i32
    %dma_start3A_97 = arith.constant 0 : i32
    %dma_start3A_98 = tpu.memref_slice %arg5[%dma_start3A_96, %dma_start3A_97] : memref<1000000x128xf32, #tpu.memory_space<hbm>> -> memref<1000000x128xf32, #tpu.memory_space<hbm>>
    tpu.enqueue_indirect_dma source(%dma_start3A_98 : memref<1000000x128xf32, #tpu.memory_space<hbm>>) target(%arg12 : memref<64x128xf32, #tpu.memory_space<vmem>>) offsets(%dma_start3A_95 : memref<64xi32, #tpu.memory_space<vmem>>) semaphore(%arg20 : memref<!tpu.dma_semaphore, #tpu.memory_space<semaphore_mem>>)
    %dma_wait3A_99 = arith.constant 128 : i32
    %dma_wait3A_100 = tpu.memref_slice %arg7[%dma_wait3A_99] : memref<512xi32, #tpu.memory_space<vmem>> -> memref<64xi32, #tpu.memory_space<vmem>>
    %dma_wait3A_101 = arith.constant 0 : i32
    %dma_wait3A_102 = arith.constant 0 : i32
    %dma_wait3A_103 = tpu.memref_slice %arg4[%dma_wait3A_101, %dma_wait3A_102] : memref<1000000x128xf32, #tpu.memory_space<hbm>> -> memref<1000000x128xf32, #tpu.memory_space<hbm>>
    tpu.wait_indirect_dma semaphore(%arg21 : memref<!tpu.dma_semaphore, #tpu.memory_space<semaphore_mem>>) src(%dma_wait3A_103 : memref<1000000x128xf32, #tpu.memory_space<hbm>>) dst(%arg13 : memref<64x128xf32, #tpu.memory_space<vmem>>)
    %dma_wait3A_104 = arith.constant 128 : i32
    %dma_wait3A_105 = tpu.memref_slice %arg8[%dma_wait3A_104] : memref<512xi32, #tpu.memory_space<vmem>> -> memref<64xi32, #tpu.memory_space<vmem>>
    %dma_wait3A_106 = arith.constant 0 : i32
    %dma_wait3A_107 = arith.constant 0 : i32
    %dma_wait3A_108 = tpu.memref_slice %arg5[%dma_wait3A_106, %dma_wait3A_107] : memref<1000000x128xf32, #tpu.memory_space<hbm>> -> memref<1000000x128xf32, #tpu.memory_space<hbm>>
    tpu.wait_indirect_dma semaphore(%arg21 : memref<!tpu.dma_semaphore, #tpu.memory_space<semaphore_mem>>) src(%dma_wait3A_108 : memref<1000000x128xf32, #tpu.memory_space<hbm>>) dst(%arg14 : memref<64x128xf32, #tpu.memory_space<vmem>>)
    %parallel_loop3A_109 = arith.constant 0 : i32
    %parallel_loop3A_110 = arith.constant 64 : i32
    %parallel_loop3A_111 = arith.constant 1 : i32
    scf.for %parallel_loop3A_239 = %parallel_loop3A_109 to %parallel_loop3A_110 step %parallel_loop3A_111  : i32 {
      %parallel_loop3A_240 = arith.index_cast %parallel_loop3A_239 : i32 to index
      %parallel_loop3A_241 = arith.constant 0 : index
      %parallel_loop3A_242 = tpu.vector_load %arg13[%parallel_loop3A_240, %parallel_loop3A_241] {strides = array<i32>} : memref<64x128xf32, #tpu.memory_space<vmem>>, vector<16xf32>,
      %parallel_loop3A_243 = arith.index_cast %parallel_loop3A_239 : i32 to index
      %parallel_loop3A_244 = arith.constant 0 : index
      %parallel_loop3A_245 = tpu.vector_load %arg14[%parallel_loop3A_243, %parallel_loop3A_244] {strides = array<i32>} : memref<64x128xf32, #tpu.memory_space<vmem>>, vector<16xf32>,
      %parallel_loop3A_246 = arith.mulf %parallel_loop3A_242, %parallel_loop3A_245 : vector<16xf32>
      %parallel_loop3A_247 = arith.index_cast %parallel_loop3A_239 : i32 to index
      %parallel_loop3A_248 = arith.constant 16 : index
      %parallel_loop3A_249 = tpu.vector_load %arg13[%parallel_loop3A_247, %parallel_loop3A_248] {strides = array<i32>} : memref<64x128xf32, #tpu.memory_space<vmem>>, vector<16xf32>,
      %parallel_loop3A_250 = arith.index_cast %parallel_loop3A_239 : i32 to index
      %parallel_loop3A_251 = arith.constant 16 : index
      %parallel_loop3A_252 = tpu.vector_load %arg14[%parallel_loop3A_250, %parallel_loop3A_251] {strides = array<i32>} : memref<64x128xf32, #tpu.memory_space<vmem>>, vector<16xf32>,
      %parallel_loop3A_253 = arith.mulf %parallel_loop3A_249, %parallel_loop3A_252 : vector<16xf32>
      %parallel_loop3A_254 = arith.index_cast %parallel_loop3A_239 : i32 to index
      %parallel_loop3A_255 = arith.constant 32 : index
      %parallel_loop3A_256 = tpu.vector_load %arg13[%parallel_loop3A_254, %parallel_loop3A_255] {strides = array<i32>} : memref<64x128xf32, #tpu.memory_space<vmem>>, vector<16xf32>,
      %parallel_loop3A_257 = arith.index_cast %parallel_loop3A_239 : i32 to index
      %parallel_loop3A_258 = arith.constant 32 : index
      %parallel_loop3A_259 = tpu.vector_load %arg14[%parallel_loop3A_257, %parallel_loop3A_258] {strides = array<i32>} : memref<64x128xf32, #tpu.memory_space<vmem>>, vector<16xf32>,
      %parallel_loop3A_260 = arith.mulf %parallel_loop3A_256, %parallel_loop3A_259 : vector<16xf32>
      %parallel_loop3A_261 = arith.index_cast %parallel_loop3A_239 : i32 to index
      %parallel_loop3A_262 = arith.constant 48 : index
      %parallel_loop3A_263 = tpu.vector_load %arg13[%parallel_loop3A_261, %parallel_loop3A_262] {strides = array<i32>} : memref<64x128xf32, #tpu.memory_space<vmem>>, vector<16xf32>,
      %parallel_loop3A_264 = arith.index_cast %parallel_loop3A_239 : i32 to index
      %parallel_loop3A_265 = arith.constant 48 : index
      %parallel_loop3A_266 = tpu.vector_load %arg14[%parallel_loop3A_264, %parallel_loop3A_265] {strides = array<i32>} : memref<64x128xf32, #tpu.memory_space<vmem>>, vector<16xf32>,
      %parallel_loop3A_267 = arith.mulf %parallel_loop3A_263, %parallel_loop3A_266 : vector<16xf32>
      %parallel_loop3A_268 = arith.index_cast %parallel_loop3A_239 : i32 to index
      %parallel_loop3A_269 = arith.constant 64 : index
      %parallel_loop3A_270 = tpu.vector_load %arg13[%parallel_loop3A_268, %parallel_loop3A_269] {strides = array<i32>} : memref<64x128xf32, #tpu.memory_space<vmem>>, vector<16xf32>,
      %parallel_loop3A_271 = arith.index_cast %parallel_loop3A_239 : i32 to index
      %parallel_loop3A_272 = arith.constant 64 : index
      %parallel_loop3A_273 = tpu.vector_load %arg14[%parallel_loop3A_271, %parallel_loop3A_272] {strides = array<i32>} : memref<64x128xf32, #tpu.memory_space<vmem>>, vector<16xf32>,
      %parallel_loop3A_274 = arith.mulf %parallel_loop3A_270, %parallel_loop3A_273 : vector<16xf32>
      %parallel_loop3A_275 = arith.index_cast %parallel_loop3A_239 : i32 to index
      %parallel_loop3A_276 = arith.constant 80 : index
      %parallel_loop3A_277 = tpu.vector_load %arg13[%parallel_loop3A_275, %parallel_loop3A_276] {strides = array<i32>} : memref<64x128xf32, #tpu.memory_space<vmem>>, vector<16xf32>,
      %parallel_loop3A_278 = arith.index_cast %parallel_loop3A_239 : i32 to index
      %parallel_loop3A_279 = arith.constant 80 : index
      %parallel_loop3A_280 = tpu.vector_load %arg14[%parallel_loop3A_278, %parallel_loop3A_279] {strides = array<i32>} : memref<64x128xf32, #tpu.memory_space<vmem>>, vector<16xf32>,
      %parallel_loop3A_281 = arith.mulf %parallel_loop3A_277, %parallel_loop3A_280 : vector<16xf32>
      %parallel_loop3A_282 = arith.index_cast %parallel_loop3A_239 : i32 to index
      %parallel_loop3A_283 = arith.constant 96 : index
      %parallel_loop3A_284 = tpu.vector_load %arg13[%parallel_loop3A_282, %parallel_loop3A_283] {strides = array<i32>} : memref<64x128xf32, #tpu.memory_space<vmem>>, vector<16xf32>,
      %parallel_loop3A_285 = arith.index_cast %parallel_loop3A_239 : i32 to index
      %parallel_loop3A_286 = arith.constant 96 : index
      %parallel_loop3A_287 = tpu.vector_load %arg14[%parallel_loop3A_285, %parallel_loop3A_286] {strides = array<i32>} : memref<64x128xf32, #tpu.memory_space<vmem>>, vector<16xf32>,
      %parallel_loop3A_288 = arith.mulf %parallel_loop3A_284, %parallel_loop3A_287 : vector<16xf32>
      %parallel_loop3A_289 = arith.index_cast %parallel_loop3A_239 : i32 to index
      %parallel_loop3A_290 = arith.constant 112 : index
      %parallel_loop3A_291 = tpu.vector_load %arg13[%parallel_loop3A_289, %parallel_loop3A_290] {strides = array<i32>} : memref<64x128xf32, #tpu.memory_space<vmem>>, vector<16xf32>,
      %parallel_loop3A_292 = arith.index_cast %parallel_loop3A_239 : i32 to index
      %parallel_loop3A_293 = arith.constant 112 : index
      %parallel_loop3A_294 = tpu.vector_load %arg14[%parallel_loop3A_292, %parallel_loop3A_293] {strides = array<i32>} : memref<64x128xf32, #tpu.memory_space<vmem>>, vector<16xf32>,
      %parallel_loop3A_295 = arith.mulf %parallel_loop3A_291, %parallel_loop3A_294 : vector<16xf32>
      %parallel_loop3A_296 = arith.addf %parallel_loop3A_246, %parallel_loop3A_253 : vector<16xf32>
      %parallel_loop3A_297 = arith.addf %parallel_loop3A_260, %parallel_loop3A_267 : vector<16xf32>
      %parallel_loop3A_298 = arith.addf %parallel_loop3A_296, %parallel_loop3A_297 : vector<16xf32>
      %parallel_loop3A_299 = arith.addf %parallel_loop3A_274, %parallel_loop3A_281 : vector<16xf32>
      %parallel_loop3A_300 = arith.addf %parallel_loop3A_288, %parallel_loop3A_295 : vector<16xf32>
      %parallel_loop3A_301 = arith.addf %parallel_loop3A_299, %parallel_loop3A_300 : vector<16xf32>
      %parallel_loop3A_302 = arith.addf %parallel_loop3A_298, %parallel_loop3A_301 : vector<16xf32>
      %parallel_loop3A_303 = arith.constant 8 : i32
      %parallel_loop3A_304 = vector.broadcast %parallel_loop3A_303 : i32 to vector<16xi32>
      %parallel_loop3A_305 = arith.xori %iota3A, %parallel_loop3A_304 : vector<16xi32>
      %parallel_loop3A_306 = vector.shape_cast %parallel_loop3A_305 : vector<16xi32> to vector<16x1xi32>
      %parallel_loop3A_307 = vector.shape_cast %parallel_loop3A_306 : vector<16x1xi32> to vector<16xi32>
      %parallel_loop3A_308 = tpu.dynamic_gather %parallel_loop3A_302[%parallel_loop3A_307] in [0] : vector<16xf32>, vector<16xi32> -> vector<16xf32>
      %parallel_loop3A_309 = arith.addf %parallel_loop3A_302, %parallel_loop3A_308 : vector<16xf32>
      %parallel_loop3A_310 = arith.constant 4 : i32
      %parallel_loop3A_311 = vector.broadcast %parallel_loop3A_310 : i32 to vector<16xi32>
      %parallel_loop3A_312 = arith.xori %iota3A, %parallel_loop3A_311 : vector<16xi32>
      %parallel_loop3A_313 = vector.shape_cast %parallel_loop3A_312 : vector<16xi32> to vector<16x1xi32>
      %parallel_loop3A_314 = vector.shape_cast %parallel_loop3A_313 : vector<16x1xi32> to vector<16xi32>
      %parallel_loop3A_315 = tpu.dynamic_gather %parallel_loop3A_309[%parallel_loop3A_314] in [0] : vector<16xf32>, vector<16xi32> -> vector<16xf32>
      %parallel_loop3A_316 = arith.addf %parallel_loop3A_309, %parallel_loop3A_315 : vector<16xf32>
      %parallel_loop3A_317 = arith.constant 2 : i32
      %parallel_loop3A_318 = vector.broadcast %parallel_loop3A_317 : i32 to vector<16xi32>
      %parallel_loop3A_319 = arith.xori %iota3A, %parallel_loop3A_318 : vector<16xi32>
      %parallel_loop3A_320 = vector.shape_cast %parallel_loop3A_319 : vector<16xi32> to vector<16x1xi32>
      %parallel_loop3A_321 = vector.shape_cast %parallel_loop3A_320 : vector<16x1xi32> to vector<16xi32>
      %parallel_loop3A_322 = tpu.dynamic_gather %parallel_loop3A_316[%parallel_loop3A_321] in [0] : vector<16xf32>, vector<16xi32> -> vector<16xf32>
      %parallel_loop3A_323 = arith.addf %parallel_loop3A_316, %parallel_loop3A_322 : vector<16xf32>
      %parallel_loop3A_324 = arith.constant 1 : i32
      %parallel_loop3A_325 = vector.broadcast %parallel_loop3A_324 : i32 to vector<16xi32>
      %parallel_loop3A_326 = arith.xori %iota3A, %parallel_loop3A_325 : vector<16xi32>
      %parallel_loop3A_327 = vector.shape_cast %parallel_loop3A_326 : vector<16xi32> to vector<16x1xi32>
      %parallel_loop3A_328 = vector.shape_cast %parallel_loop3A_327 : vector<16x1xi32> to vector<16xi32>
      %parallel_loop3A_329 = tpu.dynamic_gather %parallel_loop3A_323[%parallel_loop3A_328] in [0] : vector<16xf32>, vector<16xi32> -> vector<16xf32>
      %parallel_loop3A_330 = arith.addf %parallel_loop3A_323, %parallel_loop3A_329 : vector<16xf32>
      %parallel_loop3A_331 = arith.index_cast %parallel_loop3A_239 : i32 to index
      %parallel_loop3A_332 = arith.constant 0 : index
      %parallel_loop3A_333 = tpu.vector_load %arg17[%parallel_loop3A_331, %parallel_loop3A_332] {strides = array<i32>} : memref<64x16xf32, #tpu.memory_space<vmem>>, vector<16xf32>,
      tpu.vector_store %arg17[%parallel_loop3A_331, %parallel_loop3A_332], %parallel_loop3A_330 {strides = array<i32>} : memref<64x16xf32, #tpu.memory_space<vmem>>, vector<16xf32>,
    } {sc.loop_unroll_factor = 4 : i64, sc.parallel_access}
    %scan3A_112 = arith.constant 0 : i32
    %scan3A_113 = arith.constant 0 : i32
    %scan3A_114 = arith.constant 4 : i32
    %scan3A_115 = arith.addi %scan3A_113, %scan3A_114 : i32
    %scan3A_116 = arith.constant 1 : i32
    %scan3A_117 = scf.for %scan3A_239 = %scan3A_113 to %scan3A_115 step %scan3A_116 iter_args(%scan3A_240 = %scan3A_112) -> (i32)  : i32 {
      %mul3A_241 = arith.constant 16 : i32
      %mul3A_242 = arith.muli %scan3A_239, %mul3A_241 : i32
      %add3A_243 = arith.constant 128 : i32
      %add3A_244 = arith.addi %add3A_243, %mul3A_242 : i32
      %mul3A_245 = arith.constant 16 : i32
      %mul3A_246 = arith.muli %scan3A_239, %mul3A_245 : i32
      %add3A_247 = vector.broadcast %mul3A_246 : i32 to vector<16xi32>
      %add3A_248 = arith.addi %add3A_247, %iota3A : vector<16xi32>
      %gather3A = tpu.vector_load_idx %arg17[%add3A_248, %iota3A] : memref<64x16xf32, #tpu.memory_space<vmem>>[vector<16xi32>, vector<16xi32>], vector<16xf32>,
      %swap3A = arith.index_cast %add3A_244 : i32 to index
      %swap3A_249 = tpu.vector_load %arg18[%swap3A] {strides = array<i32>} : memref<512xf32, #tpu.memory_space<vmem>>, vector<16xf32>,
      tpu.vector_store %arg18[%swap3A], %gather3A {strides = array<i32>} : memref<512xf32, #tpu.memory_space<vmem>>, vector<16xf32>,
      %scan3A_250 = arith.constant 0 : i32
      scf.yield %scan3A_250 : i32
    }
    %scan3A_118 = arith.constant 4 : i32
    %dma_start3A_119 = arith.constant 384 : i32
    %dma_start3A_120 = tpu.memref_slice %arg7[%dma_start3A_119] : memref<512xi32, #tpu.memory_space<vmem>> -> memref<64xi32, #tpu.memory_space<vmem>>
    %dma_start3A_121 = arith.constant 0 : i32
    %dma_start3A_122 = arith.constant 0 : i32
    %dma_start3A_123 = tpu.memref_slice %arg4[%dma_start3A_121, %dma_start3A_122] : memref<1000000x128xf32, #tpu.memory_space<hbm>> -> memref<1000000x128xf32, #tpu.memory_space<hbm>>
    tpu.enqueue_indirect_dma source(%dma_start3A_123 : memref<1000000x128xf32, #tpu.memory_space<hbm>>) target(%arg13 : memref<64x128xf32, #tpu.memory_space<vmem>>) offsets(%dma_start3A_120 : memref<64xi32, #tpu.memory_space<vmem>>) semaphore(%arg21 : memref<!tpu.dma_semaphore, #tpu.memory_space<semaphore_mem>>)
    %dma_start3A_124 = arith.constant 384 : i32
    %dma_start3A_125 = tpu.memref_slice %arg8[%dma_start3A_124] : memref<512xi32, #tpu.memory_space<vmem>> -> memref<64xi32, #tpu.memory_space<vmem>>
    %dma_start3A_126 = arith.constant 0 : i32
    %dma_start3A_127 = arith.constant 0 : i32
    %dma_start3A_128 = tpu.memref_slice %arg5[%dma_start3A_126, %dma_start3A_127] : memref<1000000x128xf32, #tpu.memory_space<hbm>> -> memref<1000000x128xf32, #tpu.memory_space<hbm>>
    tpu.enqueue_indirect_dma source(%dma_start3A_128 : memref<1000000x128xf32, #tpu.memory_space<hbm>>) target(%arg14 : memref<64x128xf32, #tpu.memory_space<vmem>>) offsets(%dma_start3A_125 : memref<64xi32, #tpu.memory_space<vmem>>) semaphore(%arg21 : memref<!tpu.dma_semaphore, #tpu.memory_space<semaphore_mem>>)
    %dma_wait3A_129 = arith.constant 192 : i32
    %dma_wait3A_130 = tpu.memref_slice %arg7[%dma_wait3A_129] : memref<512xi32, #tpu.memory_space<vmem>> -> memref<64xi32, #tpu.memory_space<vmem>>
    %dma_wait3A_131 = arith.constant 0 : i32
    %dma_wait3A_132 = arith.constant 0 : i32
    %dma_wait3A_133 = tpu.memref_slice %arg4[%dma_wait3A_131, %dma_wait3A_132] : memref<1000000x128xf32, #tpu.memory_space<hbm>> -> memref<1000000x128xf32, #tpu.memory_space<hbm>>
    tpu.wait_indirect_dma semaphore(%arg22 : memref<!tpu.dma_semaphore, #tpu.memory_space<semaphore_mem>>) src(%dma_wait3A_133 : memref<1000000x128xf32, #tpu.memory_space<hbm>>) dst(%arg15 : memref<64x128xf32, #tpu.memory_space<vmem>>)
    %dma_wait3A_134 = arith.constant 192 : i32
    %dma_wait3A_135 = tpu.memref_slice %arg8[%dma_wait3A_134] : memref<512xi32, #tpu.memory_space<vmem>> -> memref<64xi32, #tpu.memory_space<vmem>>
    %dma_wait3A_136 = arith.constant 0 : i32
    %dma_wait3A_137 = arith.constant 0 : i32
    %dma_wait3A_138 = tpu.memref_slice %arg5[%dma_wait3A_136, %dma_wait3A_137] : memref<1000000x128xf32, #tpu.memory_space<hbm>> -> memref<1000000x128xf32, #tpu.memory_space<hbm>>
    tpu.wait_indirect_dma semaphore(%arg22 : memref<!tpu.dma_semaphore, #tpu.memory_space<semaphore_mem>>) src(%dma_wait3A_138 : memref<1000000x128xf32, #tpu.memory_space<hbm>>) dst(%arg16 : memref<64x128xf32, #tpu.memory_space<vmem>>)
    %parallel_loop3A_139 = arith.constant 0 : i32
    %parallel_loop3A_140 = arith.constant 64 : i32
    %parallel_loop3A_141 = arith.constant 1 : i32
    scf.for %parallel_loop3A_239 = %parallel_loop3A_139 to %parallel_loop3A_140 step %parallel_loop3A_141  : i32 {
      %parallel_loop3A_240 = arith.index_cast %parallel_loop3A_239 : i32 to index
      %parallel_loop3A_241 = arith.constant 0 : index
      %parallel_loop3A_242 = tpu.vector_load %arg15[%parallel_loop3A_240, %parallel_loop3A_241] {strides = array<i32>} : memref<64x128xf32, #tpu.memory_space<vmem>>, vector<16xf32>,
      %parallel_loop3A_243 = arith.index_cast %parallel_loop3A_239 : i32 to index
      %parallel_loop3A_244 = arith.constant 0 : index
      %parallel_loop3A_245 = tpu.vector_load %arg16[%parallel_loop3A_243, %parallel_loop3A_244] {strides = array<i32>} : memref<64x128xf32, #tpu.memory_space<vmem>>, vector<16xf32>,
      %parallel_loop3A_246 = arith.mulf %parallel_loop3A_242, %parallel_loop3A_245 : vector<16xf32>
      %parallel_loop3A_247 = arith.index_cast %parallel_loop3A_239 : i32 to index
      %parallel_loop3A_248 = arith.constant 16 : index
      %parallel_loop3A_249 = tpu.vector_load %arg15[%parallel_loop3A_247, %parallel_loop3A_248] {strides = array<i32>} : memref<64x128xf32, #tpu.memory_space<vmem>>, vector<16xf32>,
      %parallel_loop3A_250 = arith.index_cast %parallel_loop3A_239 : i32 to index
      %parallel_loop3A_251 = arith.constant 16 : index
      %parallel_loop3A_252 = tpu.vector_load %arg16[%parallel_loop3A_250, %parallel_loop3A_251] {strides = array<i32>} : memref<64x128xf32, #tpu.memory_space<vmem>>, vector<16xf32>,
      %parallel_loop3A_253 = arith.mulf %parallel_loop3A_249, %parallel_loop3A_252 : vector<16xf32>
      %parallel_loop3A_254 = arith.index_cast %parallel_loop3A_239 : i32 to index
      %parallel_loop3A_255 = arith.constant 32 : index
      %parallel_loop3A_256 = tpu.vector_load %arg15[%parallel_loop3A_254, %parallel_loop3A_255] {strides = array<i32>} : memref<64x128xf32, #tpu.memory_space<vmem>>, vector<16xf32>,
      %parallel_loop3A_257 = arith.index_cast %parallel_loop3A_239 : i32 to index
      %parallel_loop3A_258 = arith.constant 32 : index
      %parallel_loop3A_259 = tpu.vector_load %arg16[%parallel_loop3A_257, %parallel_loop3A_258] {strides = array<i32>} : memref<64x128xf32, #tpu.memory_space<vmem>>, vector<16xf32>,
      %parallel_loop3A_260 = arith.mulf %parallel_loop3A_256, %parallel_loop3A_259 : vector<16xf32>
      %parallel_loop3A_261 = arith.index_cast %parallel_loop3A_239 : i32 to index
      %parallel_loop3A_262 = arith.constant 48 : index
      %parallel_loop3A_263 = tpu.vector_load %arg15[%parallel_loop3A_261, %parallel_loop3A_262] {strides = array<i32>} : memref<64x128xf32, #tpu.memory_space<vmem>>, vector<16xf32>,
      %parallel_loop3A_264 = arith.index_cast %parallel_loop3A_239 : i32 to index
      %parallel_loop3A_265 = arith.constant 48 : index
      %parallel_loop3A_266 = tpu.vector_load %arg16[%parallel_loop3A_264, %parallel_loop3A_265] {strides = array<i32>} : memref<64x128xf32, #tpu.memory_space<vmem>>, vector<16xf32>,
      %parallel_loop3A_267 = arith.mulf %parallel_loop3A_263, %parallel_loop3A_266 : vector<16xf32>
      %parallel_loop3A_268 = arith.index_cast %parallel_loop3A_239 : i32 to index
      %parallel_loop3A_269 = arith.constant 64 : index
      %parallel_loop3A_270 = tpu.vector_load %arg15[%parallel_loop3A_268, %parallel_loop3A_269] {strides = array<i32>} : memref<64x128xf32, #tpu.memory_space<vmem>>, vector<16xf32>,
      %parallel_loop3A_271 = arith.index_cast %parallel_loop3A_239 : i32 to index
      %parallel_loop3A_272 = arith.constant 64 : index
      %parallel_loop3A_273 = tpu.vector_load %arg16[%parallel_loop3A_271, %parallel_loop3A_272] {strides = array<i32>} : memref<64x128xf32, #tpu.memory_space<vmem>>, vector<16xf32>,
      %parallel_loop3A_274 = arith.mulf %parallel_loop3A_270, %parallel_loop3A_273 : vector<16xf32>
      %parallel_loop3A_275 = arith.index_cast %parallel_loop3A_239 : i32 to index
      %parallel_loop3A_276 = arith.constant 80 : index
      %parallel_loop3A_277 = tpu.vector_load %arg15[%parallel_loop3A_275, %parallel_loop3A_276] {strides = array<i32>} : memref<64x128xf32, #tpu.memory_space<vmem>>, vector<16xf32>,
      %parallel_loop3A_278 = arith.index_cast %parallel_loop3A_239 : i32 to index
      %parallel_loop3A_279 = arith.constant 80 : index
      %parallel_loop3A_280 = tpu.vector_load %arg16[%parallel_loop3A_278, %parallel_loop3A_279] {strides = array<i32>} : memref<64x128xf32, #tpu.memory_space<vmem>>, vector<16xf32>,
      %parallel_loop3A_281 = arith.mulf %parallel_loop3A_277, %parallel_loop3A_280 : vector<16xf32>
      %parallel_loop3A_282 = arith.index_cast %parallel_loop3A_239 : i32 to index
      %parallel_loop3A_283 = arith.constant 96 : index
      %parallel_loop3A_284 = tpu.vector_load %arg15[%parallel_loop3A_282, %parallel_loop3A_283] {strides = array<i32>} : memref<64x128xf32, #tpu.memory_space<vmem>>, vector<16xf32>,
      %parallel_loop3A_285 = arith.index_cast %parallel_loop3A_239 : i32 to index
      %parallel_loop3A_286 = arith.constant 96 : index
      %parallel_loop3A_287 = tpu.vector_load %arg16[%parallel_loop3A_285, %parallel_loop3A_286] {strides = array<i32>} : memref<64x128xf32, #tpu.memory_space<vmem>>, vector<16xf32>,
      %parallel_loop3A_288 = arith.mulf %parallel_loop3A_284, %parallel_loop3A_287 : vector<16xf32>
      %parallel_loop3A_289 = arith.index_cast %parallel_loop3A_239 : i32 to index
      %parallel_loop3A_290 = arith.constant 112 : index
      %parallel_loop3A_291 = tpu.vector_load %arg15[%parallel_loop3A_289, %parallel_loop3A_290] {strides = array<i32>} : memref<64x128xf32, #tpu.memory_space<vmem>>, vector<16xf32>,
      %parallel_loop3A_292 = arith.index_cast %parallel_loop3A_239 : i32 to index
      %parallel_loop3A_293 = arith.constant 112 : index
      %parallel_loop3A_294 = tpu.vector_load %arg16[%parallel_loop3A_292, %parallel_loop3A_293] {strides = array<i32>} : memref<64x128xf32, #tpu.memory_space<vmem>>, vector<16xf32>,
      %parallel_loop3A_295 = arith.mulf %parallel_loop3A_291, %parallel_loop3A_294 : vector<16xf32>
      %parallel_loop3A_296 = arith.addf %parallel_loop3A_246, %parallel_loop3A_253 : vector<16xf32>
      %parallel_loop3A_297 = arith.addf %parallel_loop3A_260, %parallel_loop3A_267 : vector<16xf32>
      %parallel_loop3A_298 = arith.addf %parallel_loop3A_296, %parallel_loop3A_297 : vector<16xf32>
      %parallel_loop3A_299 = arith.addf %parallel_loop3A_274, %parallel_loop3A_281 : vector<16xf32>
      %parallel_loop3A_300 = arith.addf %parallel_loop3A_288, %parallel_loop3A_295 : vector<16xf32>
      %parallel_loop3A_301 = arith.addf %parallel_loop3A_299, %parallel_loop3A_300 : vector<16xf32>
      %parallel_loop3A_302 = arith.addf %parallel_loop3A_298, %parallel_loop3A_301 : vector<16xf32>
      %parallel_loop3A_303 = arith.constant 8 : i32
      %parallel_loop3A_304 = vector.broadcast %parallel_loop3A_303 : i32 to vector<16xi32>
      %parallel_loop3A_305 = arith.xori %iota3A, %parallel_loop3A_304 : vector<16xi32>
      %parallel_loop3A_306 = vector.shape_cast %parallel_loop3A_305 : vector<16xi32> to vector<16x1xi32>
      %parallel_loop3A_307 = vector.shape_cast %parallel_loop3A_306 : vector<16x1xi32> to vector<16xi32>
      %parallel_loop3A_308 = tpu.dynamic_gather %parallel_loop3A_302[%parallel_loop3A_307] in [0] : vector<16xf32>, vector<16xi32> -> vector<16xf32>
      %parallel_loop3A_309 = arith.addf %parallel_loop3A_302, %parallel_loop3A_308 : vector<16xf32>
      %parallel_loop3A_310 = arith.constant 4 : i32
      %parallel_loop3A_311 = vector.broadcast %parallel_loop3A_310 : i32 to vector<16xi32>
      %parallel_loop3A_312 = arith.xori %iota3A, %parallel_loop3A_311 : vector<16xi32>
      %parallel_loop3A_313 = vector.shape_cast %parallel_loop3A_312 : vector<16xi32> to vector<16x1xi32>
      %parallel_loop3A_314 = vector.shape_cast %parallel_loop3A_313 : vector<16x1xi32> to vector<16xi32>
      %parallel_loop3A_315 = tpu.dynamic_gather %parallel_loop3A_309[%parallel_loop3A_314] in [0] : vector<16xf32>, vector<16xi32> -> vector<16xf32>
      %parallel_loop3A_316 = arith.addf %parallel_loop3A_309, %parallel_loop3A_315 : vector<16xf32>
      %parallel_loop3A_317 = arith.constant 2 : i32
      %parallel_loop3A_318 = vector.broadcast %parallel_loop3A_317 : i32 to vector<16xi32>
      %parallel_loop3A_319 = arith.xori %iota3A, %parallel_loop3A_318 : vector<16xi32>
      %parallel_loop3A_320 = vector.shape_cast %parallel_loop3A_319 : vector<16xi32> to vector<16x1xi32>
      %parallel_loop3A_321 = vector.shape_cast %parallel_loop3A_320 : vector<16x1xi32> to vector<16xi32>
      %parallel_loop3A_322 = tpu.dynamic_gather %parallel_loop3A_316[%parallel_loop3A_321] in [0] : vector<16xf32>, vector<16xi32> -> vector<16xf32>
      %parallel_loop3A_323 = arith.addf %parallel_loop3A_316, %parallel_loop3A_322 : vector<16xf32>
      %parallel_loop3A_324 = arith.constant 1 : i32
      %parallel_loop3A_325 = vector.broadcast %parallel_loop3A_324 : i32 to vector<16xi32>
      %parallel_loop3A_326 = arith.xori %iota3A, %parallel_loop3A_325 : vector<16xi32>
      %parallel_loop3A_327 = vector.shape_cast %parallel_loop3A_326 : vector<16xi32> to vector<16x1xi32>
      %parallel_loop3A_328 = vector.shape_cast %parallel_loop3A_327 : vector<16x1xi32> to vector<16xi32>
      %parallel_loop3A_329 = tpu.dynamic_gather %parallel_loop3A_323[%parallel_loop3A_328] in [0] : vector<16xf32>, vector<16xi32> -> vector<16xf32>
      %parallel_loop3A_330 = arith.addf %parallel_loop3A_323, %parallel_loop3A_329 : vector<16xf32>
      %parallel_loop3A_331 = arith.index_cast %parallel_loop3A_239 : i32 to index
      %parallel_loop3A_332 = arith.constant 0 : index
      %parallel_loop3A_333 = tpu.vector_load %arg17[%parallel_loop3A_331, %parallel_loop3A_332] {strides = array<i32>} : memref<64x16xf32, #tpu.memory_space<vmem>>, vector<16xf32>,
      tpu.vector_store %arg17[%parallel_loop3A_331, %parallel_loop3A_332], %parallel_loop3A_330 {strides = array<i32>} : memref<64x16xf32, #tpu.memory_space<vmem>>, vector<16xf32>,
    } {sc.loop_unroll_factor = 4 : i64, sc.parallel_access}
    %scan3A_142 = arith.constant 0 : i32
    %scan3A_143 = arith.constant 0 : i32
    %scan3A_144 = arith.constant 4 : i32
    %scan3A_145 = arith.addi %scan3A_143, %scan3A_144 : i32
    %scan3A_146 = arith.constant 1 : i32
    %scan3A_147 = scf.for %scan3A_239 = %scan3A_143 to %scan3A_145 step %scan3A_146 iter_args(%scan3A_240 = %scan3A_142) -> (i32)  : i32 {
      %mul3A_241 = arith.constant 16 : i32
      %mul3A_242 = arith.muli %scan3A_239, %mul3A_241 : i32
      %add3A_243 = arith.constant 192 : i32
      %add3A_244 = arith.addi %add3A_243, %mul3A_242 : i32
      %mul3A_245 = arith.constant 16 : i32
      %mul3A_246 = arith.muli %scan3A_239, %mul3A_245 : i32
      %add3A_247 = vector.broadcast %mul3A_246 : i32 to vector<16xi32>
      %add3A_248 = arith.addi %add3A_247, %iota3A : vector<16xi32>
      %gather3A = tpu.vector_load_idx %arg17[%add3A_248, %iota3A] : memref<64x16xf32, #tpu.memory_space<vmem>>[vector<16xi32>, vector<16xi32>], vector<16xf32>,
      %swap3A = arith.index_cast %add3A_244 : i32 to index
      %swap3A_249 = tpu.vector_load %arg18[%swap3A] {strides = array<i32>} : memref<512xf32, #tpu.memory_space<vmem>>, vector<16xf32>,
      tpu.vector_store %arg18[%swap3A], %gather3A {strides = array<i32>} : memref<512xf32, #tpu.memory_space<vmem>>, vector<16xf32>,
      %scan3A_250 = arith.constant 0 : i32
      scf.yield %scan3A_250 : i32
    }
    %scan3A_148 = arith.constant 4 : i32
    %dma_start3A_149 = arith.constant 448 : i32
    %dma_start3A_150 = tpu.memref_slice %arg7[%dma_start3A_149] : memref<512xi32, #tpu.memory_space<vmem>> -> memref<64xi32, #tpu.memory_space<vmem>>
    %dma_start3A_151 = arith.constant 0 : i32
    %dma_start3A_152 = arith.constant 0 : i32
    %dma_start3A_153 = tpu.memref_slice %arg4[%dma_start3A_151, %dma_start3A_152] : memref<1000000x128xf32, #tpu.memory_space<hbm>> -> memref<1000000x128xf32, #tpu.memory_space<hbm>>
    tpu.enqueue_indirect_dma source(%dma_start3A_153 : memref<1000000x128xf32, #tpu.memory_space<hbm>>) target(%arg15 : memref<64x128xf32, #tpu.memory_space<vmem>>) offsets(%dma_start3A_150 : memref<64xi32, #tpu.memory_space<vmem>>) semaphore(%arg22 : memref<!tpu.dma_semaphore, #tpu.memory_space<semaphore_mem>>)
    %dma_start3A_154 = arith.constant 448 : i32
    %dma_start3A_155 = tpu.memref_slice %arg8[%dma_start3A_154] : memref<512xi32, #tpu.memory_space<vmem>> -> memref<64xi32, #tpu.memory_space<vmem>>
    %dma_start3A_156 = arith.constant 0 : i32
    %dma_start3A_157 = arith.constant 0 : i32
    %dma_start3A_158 = tpu.memref_slice %arg5[%dma_start3A_156, %dma_start3A_157] : memref<1000000x128xf32, #tpu.memory_space<hbm>> -> memref<1000000x128xf32, #tpu.memory_space<hbm>>
    tpu.enqueue_indirect_dma source(%dma_start3A_158 : memref<1000000x128xf32, #tpu.memory_space<hbm>>) target(%arg16 : memref<64x128xf32, #tpu.memory_space<vmem>>) offsets(%dma_start3A_155 : memref<64xi32, #tpu.memory_space<vmem>>) semaphore(%arg22 : memref<!tpu.dma_semaphore, #tpu.memory_space<semaphore_mem>>)
    %dma_wait3A_159 = arith.constant 256 : i32
    %dma_wait3A_160 = tpu.memref_slice %arg7[%dma_wait3A_159] : memref<512xi32, #tpu.memory_space<vmem>> -> memref<64xi32, #tpu.memory_space<vmem>>
    %dma_wait3A_161 = arith.constant 0 : i32
    %dma_wait3A_162 = arith.constant 0 : i32
    %dma_wait3A_163 = tpu.memref_slice %arg4[%dma_wait3A_161, %dma_wait3A_162] : memref<1000000x128xf32, #tpu.memory_space<hbm>> -> memref<1000000x128xf32, #tpu.memory_space<hbm>>
    tpu.wait_indirect_dma semaphore(%arg19 : memref<!tpu.dma_semaphore, #tpu.memory_space<semaphore_mem>>) src(%dma_wait3A_163 : memref<1000000x128xf32, #tpu.memory_space<hbm>>) dst(%arg9 : memref<64x128xf32, #tpu.memory_space<vmem>>)
    %dma_wait3A_164 = arith.constant 256 : i32
    %dma_wait3A_165 = tpu.memref_slice %arg8[%dma_wait3A_164] : memref<512xi32, #tpu.memory_space<vmem>> -> memref<64xi32, #tpu.memory_space<vmem>>
    %dma_wait3A_166 = arith.constant 0 : i32
    %dma_wait3A_167 = arith.constant 0 : i32
    %dma_wait3A_168 = tpu.memref_slice %arg5[%dma_wait3A_166, %dma_wait3A_167] : memref<1000000x128xf32, #tpu.memory_space<hbm>> -> memref<1000000x128xf32, #tpu.memory_space<hbm>>
    tpu.wait_indirect_dma semaphore(%arg19 : memref<!tpu.dma_semaphore, #tpu.memory_space<semaphore_mem>>) src(%dma_wait3A_168 : memref<1000000x128xf32, #tpu.memory_space<hbm>>) dst(%arg10 : memref<64x128xf32, #tpu.memory_space<vmem>>)
    %parallel_loop3A_169 = arith.constant 0 : i32
    %parallel_loop3A_170 = arith.constant 64 : i32
    %parallel_loop3A_171 = arith.constant 1 : i32
    scf.for %parallel_loop3A_239 = %parallel_loop3A_169 to %parallel_loop3A_170 step %parallel_loop3A_171  : i32 {
      %parallel_loop3A_240 = arith.index_cast %parallel_loop3A_239 : i32 to index
      %parallel_loop3A_241 = arith.constant 0 : index
      %parallel_loop3A_242 = tpu.vector_load %arg9[%parallel_loop3A_240, %parallel_loop3A_241] {strides = array<i32>} : memref<64x128xf32, #tpu.memory_space<vmem>>, vector<16xf32>,
      %parallel_loop3A_243 = arith.index_cast %parallel_loop3A_239 : i32 to index
      %parallel_loop3A_244 = arith.constant 0 : index
      %parallel_loop3A_245 = tpu.vector_load %arg10[%parallel_loop3A_243, %parallel_loop3A_244] {strides = array<i32>} : memref<64x128xf32, #tpu.memory_space<vmem>>, vector<16xf32>,
      %parallel_loop3A_246 = arith.mulf %parallel_loop3A_242, %parallel_loop3A_245 : vector<16xf32>
      %parallel_loop3A_247 = arith.index_cast %parallel_loop3A_239 : i32 to index
      %parallel_loop3A_248 = arith.constant 16 : index
      %parallel_loop3A_249 = tpu.vector_load %arg9[%parallel_loop3A_247, %parallel_loop3A_248] {strides = array<i32>} : memref<64x128xf32, #tpu.memory_space<vmem>>, vector<16xf32>,
      %parallel_loop3A_250 = arith.index_cast %parallel_loop3A_239 : i32 to index
      %parallel_loop3A_251 = arith.constant 16 : index
      %parallel_loop3A_252 = tpu.vector_load %arg10[%parallel_loop3A_250, %parallel_loop3A_251] {strides = array<i32>} : memref<64x128xf32, #tpu.memory_space<vmem>>, vector<16xf32>,
      %parallel_loop3A_253 = arith.mulf %parallel_loop3A_249, %parallel_loop3A_252 : vector<16xf32>
      %parallel_loop3A_254 = arith.index_cast %parallel_loop3A_239 : i32 to index
      %parallel_loop3A_255 = arith.constant 32 : index
      %parallel_loop3A_256 = tpu.vector_load %arg9[%parallel_loop3A_254, %parallel_loop3A_255] {strides = array<i32>} : memref<64x128xf32, #tpu.memory_space<vmem>>, vector<16xf32>,
      %parallel_loop3A_257 = arith.index_cast %parallel_loop3A_239 : i32 to index
      %parallel_loop3A_258 = arith.constant 32 : index
      %parallel_loop3A_259 = tpu.vector_load %arg10[%parallel_loop3A_257, %parallel_loop3A_258] {strides = array<i32>} : memref<64x128xf32, #tpu.memory_space<vmem>>, vector<16xf32>,
      %parallel_loop3A_260 = arith.mulf %parallel_loop3A_256, %parallel_loop3A_259 : vector<16xf32>
      %parallel_loop3A_261 = arith.index_cast %parallel_loop3A_239 : i32 to index
      %parallel_loop3A_262 = arith.constant 48 : index
      %parallel_loop3A_263 = tpu.vector_load %arg9[%parallel_loop3A_261, %parallel_loop3A_262] {strides = array<i32>} : memref<64x128xf32, #tpu.memory_space<vmem>>, vector<16xf32>,
      %parallel_loop3A_264 = arith.index_cast %parallel_loop3A_239 : i32 to index
      %parallel_loop3A_265 = arith.constant 48 : index
      %parallel_loop3A_266 = tpu.vector_load %arg10[%parallel_loop3A_264, %parallel_loop3A_265] {strides = array<i32>} : memref<64x128xf32, #tpu.memory_space<vmem>>, vector<16xf32>,
      %parallel_loop3A_267 = arith.mulf %parallel_loop3A_263, %parallel_loop3A_266 : vector<16xf32>
      %parallel_loop3A_268 = arith.index_cast %parallel_loop3A_239 : i32 to index
      %parallel_loop3A_269 = arith.constant 64 : index
      %parallel_loop3A_270 = tpu.vector_load %arg9[%parallel_loop3A_268, %parallel_loop3A_269] {strides = array<i32>} : memref<64x128xf32, #tpu.memory_space<vmem>>, vector<16xf32>,
      %parallel_loop3A_271 = arith.index_cast %parallel_loop3A_239 : i32 to index
      %parallel_loop3A_272 = arith.constant 64 : index
      %parallel_loop3A_273 = tpu.vector_load %arg10[%parallel_loop3A_271, %parallel_loop3A_272] {strides = array<i32>} : memref<64x128xf32, #tpu.memory_space<vmem>>, vector<16xf32>,
      %parallel_loop3A_274 = arith.mulf %parallel_loop3A_270, %parallel_loop3A_273 : vector<16xf32>
      %parallel_loop3A_275 = arith.index_cast %parallel_loop3A_239 : i32 to index
      %parallel_loop3A_276 = arith.constant 80 : index
      %parallel_loop3A_277 = tpu.vector_load %arg9[%parallel_loop3A_275, %parallel_loop3A_276] {strides = array<i32>} : memref<64x128xf32, #tpu.memory_space<vmem>>, vector<16xf32>,
      %parallel_loop3A_278 = arith.index_cast %parallel_loop3A_239 : i32 to index
      %parallel_loop3A_279 = arith.constant 80 : index
      %parallel_loop3A_280 = tpu.vector_load %arg10[%parallel_loop3A_278, %parallel_loop3A_279] {strides = array<i32>} : memref<64x128xf32, #tpu.memory_space<vmem>>, vector<16xf32>,
      %parallel_loop3A_281 = arith.mulf %parallel_loop3A_277, %parallel_loop3A_280 : vector<16xf32>
      %parallel_loop3A_282 = arith.index_cast %parallel_loop3A_239 : i32 to index
      %parallel_loop3A_283 = arith.constant 96 : index
      %parallel_loop3A_284 = tpu.vector_load %arg9[%parallel_loop3A_282, %parallel_loop3A_283] {strides = array<i32>} : memref<64x128xf32, #tpu.memory_space<vmem>>, vector<16xf32>,
      %parallel_loop3A_285 = arith.index_cast %parallel_loop3A_239 : i32 to index
      %parallel_loop3A_286 = arith.constant 96 : index
      %parallel_loop3A_287 = tpu.vector_load %arg10[%parallel_loop3A_285, %parallel_loop3A_286] {strides = array<i32>} : memref<64x128xf32, #tpu.memory_space<vmem>>, vector<16xf32>,
      %parallel_loop3A_288 = arith.mulf %parallel_loop3A_284, %parallel_loop3A_287 : vector<16xf32>
      %parallel_loop3A_289 = arith.index_cast %parallel_loop3A_239 : i32 to index
      %parallel_loop3A_290 = arith.constant 112 : index
      %parallel_loop3A_291 = tpu.vector_load %arg9[%parallel_loop3A_289, %parallel_loop3A_290] {strides = array<i32>} : memref<64x128xf32, #tpu.memory_space<vmem>>, vector<16xf32>,
      %parallel_loop3A_292 = arith.index_cast %parallel_loop3A_239 : i32 to index
      %parallel_loop3A_293 = arith.constant 112 : index
      %parallel_loop3A_294 = tpu.vector_load %arg10[%parallel_loop3A_292, %parallel_loop3A_293] {strides = array<i32>} : memref<64x128xf32, #tpu.memory_space<vmem>>, vector<16xf32>,
      %parallel_loop3A_295 = arith.mulf %parallel_loop3A_291, %parallel_loop3A_294 : vector<16xf32>
      %parallel_loop3A_296 = arith.addf %parallel_loop3A_246, %parallel_loop3A_253 : vector<16xf32>
      %parallel_loop3A_297 = arith.addf %parallel_loop3A_260, %parallel_loop3A_267 : vector<16xf32>
      %parallel_loop3A_298 = arith.addf %parallel_loop3A_296, %parallel_loop3A_297 : vector<16xf32>
      %parallel_loop3A_299 = arith.addf %parallel_loop3A_274, %parallel_loop3A_281 : vector<16xf32>
      %parallel_loop3A_300 = arith.addf %parallel_loop3A_288, %parallel_loop3A_295 : vector<16xf32>
      %parallel_loop3A_301 = arith.addf %parallel_loop3A_299, %parallel_loop3A_300 : vector<16xf32>
      %parallel_loop3A_302 = arith.addf %parallel_loop3A_298, %parallel_loop3A_301 : vector<16xf32>
      %parallel_loop3A_303 = arith.constant 8 : i32
      %parallel_loop3A_304 = vector.broadcast %parallel_loop3A_303 : i32 to vector<16xi32>
      %parallel_loop3A_305 = arith.xori %iota3A, %parallel_loop3A_304 : vector<16xi32>
      %parallel_loop3A_306 = vector.shape_cast %parallel_loop3A_305 : vector<16xi32> to vector<16x1xi32>
      %parallel_loop3A_307 = vector.shape_cast %parallel_loop3A_306 : vector<16x1xi32> to vector<16xi32>
      %parallel_loop3A_308 = tpu.dynamic_gather %parallel_loop3A_302[%parallel_loop3A_307] in [0] : vector<16xf32>, vector<16xi32> -> vector<16xf32>
      %parallel_loop3A_309 = arith.addf %parallel_loop3A_302, %parallel_loop3A_308 : vector<16xf32>
      %parallel_loop3A_310 = arith.constant 4 : i32
      %parallel_loop3A_311 = vector.broadcast %parallel_loop3A_310 : i32 to vector<16xi32>
      %parallel_loop3A_312 = arith.xori %iota3A, %parallel_loop3A_311 : vector<16xi32>
      %parallel_loop3A_313 = vector.shape_cast %parallel_loop3A_312 : vector<16xi32> to vector<16x1xi32>
      %parallel_loop3A_314 = vector.shape_cast %parallel_loop3A_313 : vector<16x1xi32> to vector<16xi32>
      %parallel_loop3A_315 = tpu.dynamic_gather %parallel_loop3A_309[%parallel_loop3A_314] in [0] : vector<16xf32>, vector<16xi32> -> vector<16xf32>
      %parallel_loop3A_316 = arith.addf %parallel_loop3A_309, %parallel_loop3A_315 : vector<16xf32>
      %parallel_loop3A_317 = arith.constant 2 : i32
      %parallel_loop3A_318 = vector.broadcast %parallel_loop3A_317 : i32 to vector<16xi32>
      %parallel_loop3A_319 = arith.xori %iota3A, %parallel_loop3A_318 : vector<16xi32>
      %parallel_loop3A_320 = vector.shape_cast %parallel_loop3A_319 : vector<16xi32> to vector<16x1xi32>
      %parallel_loop3A_321 = vector.shape_cast %parallel_loop3A_320 : vector<16x1xi32> to vector<16xi32>
      %parallel_loop3A_322 = tpu.dynamic_gather %parallel_loop3A_316[%parallel_loop3A_321] in [0] : vector<16xf32>, vector<16xi32> -> vector<16xf32>
      %parallel_loop3A_323 = arith.addf %parallel_loop3A_316, %parallel_loop3A_322 : vector<16xf32>
      %parallel_loop3A_324 = arith.constant 1 : i32
      %parallel_loop3A_325 = vector.broadcast %parallel_loop3A_324 : i32 to vector<16xi32>
      %parallel_loop3A_326 = arith.xori %iota3A, %parallel_loop3A_325 : vector<16xi32>
      %parallel_loop3A_327 = vector.shape_cast %parallel_loop3A_326 : vector<16xi32> to vector<16x1xi32>
      %parallel_loop3A_328 = vector.shape_cast %parallel_loop3A_327 : vector<16x1xi32> to vector<16xi32>
      %parallel_loop3A_329 = tpu.dynamic_gather %parallel_loop3A_323[%parallel_loop3A_328] in [0] : vector<16xf32>, vector<16xi32> -> vector<16xf32>
      %parallel_loop3A_330 = arith.addf %parallel_loop3A_323, %parallel_loop3A_329 : vector<16xf32>
      %parallel_loop3A_331 = arith.index_cast %parallel_loop3A_239 : i32 to index
      %parallel_loop3A_332 = arith.constant 0 : index
      %parallel_loop3A_333 = tpu.vector_load %arg17[%parallel_loop3A_331, %parallel_loop3A_332] {strides = array<i32>} : memref<64x16xf32, #tpu.memory_space<vmem>>, vector<16xf32>,
      tpu.vector_store %arg17[%parallel_loop3A_331, %parallel_loop3A_332], %parallel_loop3A_330 {strides = array<i32>} : memref<64x16xf32, #tpu.memory_space<vmem>>, vector<16xf32>,
    } {sc.loop_unroll_factor = 4 : i64, sc.parallel_access}
    %scan3A_172 = arith.constant 0 : i32
    %scan3A_173 = arith.constant 0 : i32
    %scan3A_174 = arith.constant 4 : i32
    %scan3A_175 = arith.addi %scan3A_173, %scan3A_174 : i32
    %scan3A_176 = arith.constant 1 : i32
    %scan3A_177 = scf.for %scan3A_239 = %scan3A_173 to %scan3A_175 step %scan3A_176 iter_args(%scan3A_240 = %scan3A_172) -> (i32)  : i32 {
      %mul3A_241 = arith.constant 16 : i32
      %mul3A_242 = arith.muli %scan3A_239, %mul3A_241 : i32
      %add3A_243 = arith.constant 256 : i32
      %add3A_244 = arith.addi %add3A_243, %mul3A_242 : i32
      %mul3A_245 = arith.constant 16 : i32
      %mul3A_246 = arith.muli %scan3A_239, %mul3A_245 : i32
      %add3A_247 = vector.broadcast %mul3A_246 : i32 to vector<16xi32>
      %add3A_248 = arith.addi %add3A_247, %iota3A : vector<16xi32>
      %gather3A = tpu.vector_load_idx %arg17[%add3A_248, %iota3A] : memref<64x16xf32, #tpu.memory_space<vmem>>[vector<16xi32>, vector<16xi32>], vector<16xf32>,
      %swap3A = arith.index_cast %add3A_244 : i32 to index
      %swap3A_249 = tpu.vector_load %arg18[%swap3A] {strides = array<i32>} : memref<512xf32, #tpu.memory_space<vmem>>, vector<16xf32>,
      tpu.vector_store %arg18[%swap3A], %gather3A {strides = array<i32>} : memref<512xf32, #tpu.memory_space<vmem>>, vector<16xf32>,
      %scan3A_250 = arith.constant 0 : i32
      scf.yield %scan3A_250 : i32
    }
    %scan3A_178 = arith.constant 4 : i32
    %dma_wait3A_179 = arith.constant 320 : i32
    %dma_wait3A_180 = tpu.memref_slice %arg7[%dma_wait3A_179] : memref<512xi32, #tpu.memory_space<vmem>> -> memref<64xi32, #tpu.memory_space<vmem>>
    %dma_wait3A_181 = arith.constant 0 : i32
    %dma_wait3A_182 = arith.constant 0 : i32
    %dma_wait3A_183 = tpu.memref_slice %arg4[%dma_wait3A_181, %dma_wait3A_182] : memref<1000000x128xf32, #tpu.memory_space<hbm>> -> memref<1000000x128xf32, #tpu.memory_space<hbm>>
    tpu.wait_indirect_dma semaphore(%arg20 : memref<!tpu.dma_semaphore, #tpu.memory_space<semaphore_mem>>) src(%dma_wait3A_183 : memref<1000000x128xf32, #tpu.memory_space<hbm>>) dst(%arg11 : memref<64x128xf32, #tpu.memory_space<vmem>>)
    %dma_wait3A_184 = arith.constant 320 : i32
    %dma_wait3A_185 = tpu.memref_slice %arg8[%dma_wait3A_184] : memref<512xi32, #tpu.memory_space<vmem>> -> memref<64xi32, #tpu.memory_space<vmem>>
    %dma_wait3A_186 = arith.constant 0 : i32
    %dma_wait3A_187 = arith.constant 0 : i32
    %dma_wait3A_188 = tpu.memref_slice %arg5[%dma_wait3A_186, %dma_wait3A_187] : memref<1000000x128xf32, #tpu.memory_space<hbm>> -> memref<1000000x128xf32, #tpu.memory_space<hbm>>
    tpu.wait_indirect_dma semaphore(%arg20 : memref<!tpu.dma_semaphore, #tpu.memory_space<semaphore_mem>>) src(%dma_wait3A_188 : memref<1000000x128xf32, #tpu.memory_space<hbm>>) dst(%arg12 : memref<64x128xf32, #tpu.memory_space<vmem>>)
    %parallel_loop3A_189 = arith.constant 0 : i32
    %parallel_loop3A_190 = arith.constant 64 : i32
    %parallel_loop3A_191 = arith.constant 1 : i32
    scf.for %parallel_loop3A_239 = %parallel_loop3A_189 to %parallel_loop3A_190 step %parallel_loop3A_191  : i32 {
      %parallel_loop3A_240 = arith.index_cast %parallel_loop3A_239 : i32 to index
      %parallel_loop3A_241 = arith.constant 0 : index
      %parallel_loop3A_242 = tpu.vector_load %arg11[%parallel_loop3A_240, %parallel_loop3A_241] {strides = array<i32>} : memref<64x128xf32, #tpu.memory_space<vmem>>, vector<16xf32>,
      %parallel_loop3A_243 = arith.index_cast %parallel_loop3A_239 : i32 to index
      %parallel_loop3A_244 = arith.constant 0 : index
      %parallel_loop3A_245 = tpu.vector_load %arg12[%parallel_loop3A_243, %parallel_loop3A_244] {strides = array<i32>} : memref<64x128xf32, #tpu.memory_space<vmem>>, vector<16xf32>,
      %parallel_loop3A_246 = arith.mulf %parallel_loop3A_242, %parallel_loop3A_245 : vector<16xf32>
      %parallel_loop3A_247 = arith.index_cast %parallel_loop3A_239 : i32 to index
      %parallel_loop3A_248 = arith.constant 16 : index
      %parallel_loop3A_249 = tpu.vector_load %arg11[%parallel_loop3A_247, %parallel_loop3A_248] {strides = array<i32>} : memref<64x128xf32, #tpu.memory_space<vmem>>, vector<16xf32>,
      %parallel_loop3A_250 = arith.index_cast %parallel_loop3A_239 : i32 to index
      %parallel_loop3A_251 = arith.constant 16 : index
      %parallel_loop3A_252 = tpu.vector_load %arg12[%parallel_loop3A_250, %parallel_loop3A_251] {strides = array<i32>} : memref<64x128xf32, #tpu.memory_space<vmem>>, vector<16xf32>,
      %parallel_loop3A_253 = arith.mulf %parallel_loop3A_249, %parallel_loop3A_252 : vector<16xf32>
      %parallel_loop3A_254 = arith.index_cast %parallel_loop3A_239 : i32 to index
      %parallel_loop3A_255 = arith.constant 32 : index
      %parallel_loop3A_256 = tpu.vector_load %arg11[%parallel_loop3A_254, %parallel_loop3A_255] {strides = array<i32>} : memref<64x128xf32, #tpu.memory_space<vmem>>, vector<16xf32>,
      %parallel_loop3A_257 = arith.index_cast %parallel_loop3A_239 : i32 to index
      %parallel_loop3A_258 = arith.constant 32 : index
      %parallel_loop3A_259 = tpu.vector_load %arg12[%parallel_loop3A_257, %parallel_loop3A_258] {strides = array<i32>} : memref<64x128xf32, #tpu.memory_space<vmem>>, vector<16xf32>,
      %parallel_loop3A_260 = arith.mulf %parallel_loop3A_256, %parallel_loop3A_259 : vector<16xf32>
      %parallel_loop3A_261 = arith.index_cast %parallel_loop3A_239 : i32 to index
      %parallel_loop3A_262 = arith.constant 48 : index
      %parallel_loop3A_263 = tpu.vector_load %arg11[%parallel_loop3A_261, %parallel_loop3A_262] {strides = array<i32>} : memref<64x128xf32, #tpu.memory_space<vmem>>, vector<16xf32>,
      %parallel_loop3A_264 = arith.index_cast %parallel_loop3A_239 : i32 to index
      %parallel_loop3A_265 = arith.constant 48 : index
      %parallel_loop3A_266 = tpu.vector_load %arg12[%parallel_loop3A_264, %parallel_loop3A_265] {strides = array<i32>} : memref<64x128xf32, #tpu.memory_space<vmem>>, vector<16xf32>,
      %parallel_loop3A_267 = arith.mulf %parallel_loop3A_263, %parallel_loop3A_266 : vector<16xf32>
      %parallel_loop3A_268 = arith.index_cast %parallel_loop3A_239 : i32 to index
      %parallel_loop3A_269 = arith.constant 64 : index
      %parallel_loop3A_270 = tpu.vector_load %arg11[%parallel_loop3A_268, %parallel_loop3A_269] {strides = array<i32>} : memref<64x128xf32, #tpu.memory_space<vmem>>, vector<16xf32>,
      %parallel_loop3A_271 = arith.index_cast %parallel_loop3A_239 : i32 to index
      %parallel_loop3A_272 = arith.constant 64 : index
      %parallel_loop3A_273 = tpu.vector_load %arg12[%parallel_loop3A_271, %parallel_loop3A_272] {strides = array<i32>} : memref<64x128xf32, #tpu.memory_space<vmem>>, vector<16xf32>,
      %parallel_loop3A_274 = arith.mulf %parallel_loop3A_270, %parallel_loop3A_273 : vector<16xf32>
      %parallel_loop3A_275 = arith.index_cast %parallel_loop3A_239 : i32 to index
      %parallel_loop3A_276 = arith.constant 80 : index
      %parallel_loop3A_277 = tpu.vector_load %arg11[%parallel_loop3A_275, %parallel_loop3A_276] {strides = array<i32>} : memref<64x128xf32, #tpu.memory_space<vmem>>, vector<16xf32>,
      %parallel_loop3A_278 = arith.index_cast %parallel_loop3A_239 : i32 to index
      %parallel_loop3A_279 = arith.constant 80 : index
      %parallel_loop3A_280 = tpu.vector_load %arg12[%parallel_loop3A_278, %parallel_loop3A_279] {strides = array<i32>} : memref<64x128xf32, #tpu.memory_space<vmem>>, vector<16xf32>,
      %parallel_loop3A_281 = arith.mulf %parallel_loop3A_277, %parallel_loop3A_280 : vector<16xf32>
      %parallel_loop3A_282 = arith.index_cast %parallel_loop3A_239 : i32 to index
      %parallel_loop3A_283 = arith.constant 96 : index
      %parallel_loop3A_284 = tpu.vector_load %arg11[%parallel_loop3A_282, %parallel_loop3A_283] {strides = array<i32>} : memref<64x128xf32, #tpu.memory_space<vmem>>, vector<16xf32>,
      %parallel_loop3A_285 = arith.index_cast %parallel_loop3A_239 : i32 to index
      %parallel_loop3A_286 = arith.constant 96 : index
      %parallel_loop3A_287 = tpu.vector_load %arg12[%parallel_loop3A_285, %parallel_loop3A_286] {strides = array<i32>} : memref<64x128xf32, #tpu.memory_space<vmem>>, vector<16xf32>,
      %parallel_loop3A_288 = arith.mulf %parallel_loop3A_284, %parallel_loop3A_287 : vector<16xf32>
      %parallel_loop3A_289 = arith.index_cast %parallel_loop3A_239 : i32 to index
      %parallel_loop3A_290 = arith.constant 112 : index
      %parallel_loop3A_291 = tpu.vector_load %arg11[%parallel_loop3A_289, %parallel_loop3A_290] {strides = array<i32>} : memref<64x128xf32, #tpu.memory_space<vmem>>, vector<16xf32>,
      %parallel_loop3A_292 = arith.index_cast %parallel_loop3A_239 : i32 to index
      %parallel_loop3A_293 = arith.constant 112 : index
      %parallel_loop3A_294 = tpu.vector_load %arg12[%parallel_loop3A_292, %parallel_loop3A_293] {strides = array<i32>} : memref<64x128xf32, #tpu.memory_space<vmem>>, vector<16xf32>,
      %parallel_loop3A_295 = arith.mulf %parallel_loop3A_291, %parallel_loop3A_294 : vector<16xf32>
      %parallel_loop3A_296 = arith.addf %parallel_loop3A_246, %parallel_loop3A_253 : vector<16xf32>
      %parallel_loop3A_297 = arith.addf %parallel_loop3A_260, %parallel_loop3A_267 : vector<16xf32>
      %parallel_loop3A_298 = arith.addf %parallel_loop3A_296, %parallel_loop3A_297 : vector<16xf32>
      %parallel_loop3A_299 = arith.addf %parallel_loop3A_274, %parallel_loop3A_281 : vector<16xf32>
      %parallel_loop3A_300 = arith.addf %parallel_loop3A_288, %parallel_loop3A_295 : vector<16xf32>
      %parallel_loop3A_301 = arith.addf %parallel_loop3A_299, %parallel_loop3A_300 : vector<16xf32>
      %parallel_loop3A_302 = arith.addf %parallel_loop3A_298, %parallel_loop3A_301 : vector<16xf32>
      %parallel_loop3A_303 = arith.constant 8 : i32
      %parallel_loop3A_304 = vector.broadcast %parallel_loop3A_303 : i32 to vector<16xi32>
      %parallel_loop3A_305 = arith.xori %iota3A, %parallel_loop3A_304 : vector<16xi32>
      %parallel_loop3A_306 = vector.shape_cast %parallel_loop3A_305 : vector<16xi32> to vector<16x1xi32>
      %parallel_loop3A_307 = vector.shape_cast %parallel_loop3A_306 : vector<16x1xi32> to vector<16xi32>
      %parallel_loop3A_308 = tpu.dynamic_gather %parallel_loop3A_302[%parallel_loop3A_307] in [0] : vector<16xf32>, vector<16xi32> -> vector<16xf32>
      %parallel_loop3A_309 = arith.addf %parallel_loop3A_302, %parallel_loop3A_308 : vector<16xf32>
      %parallel_loop3A_310 = arith.constant 4 : i32
      %parallel_loop3A_311 = vector.broadcast %parallel_loop3A_310 : i32 to vector<16xi32>
      %parallel_loop3A_312 = arith.xori %iota3A, %parallel_loop3A_311 : vector<16xi32>
      %parallel_loop3A_313 = vector.shape_cast %parallel_loop3A_312 : vector<16xi32> to vector<16x1xi32>
      %parallel_loop3A_314 = vector.shape_cast %parallel_loop3A_313 : vector<16x1xi32> to vector<16xi32>
      %parallel_loop3A_315 = tpu.dynamic_gather %parallel_loop3A_309[%parallel_loop3A_314] in [0] : vector<16xf32>, vector<16xi32> -> vector<16xf32>
      %parallel_loop3A_316 = arith.addf %parallel_loop3A_309, %parallel_loop3A_315 : vector<16xf32>
      %parallel_loop3A_317 = arith.constant 2 : i32
      %parallel_loop3A_318 = vector.broadcast %parallel_loop3A_317 : i32 to vector<16xi32>
      %parallel_loop3A_319 = arith.xori %iota3A, %parallel_loop3A_318 : vector<16xi32>
      %parallel_loop3A_320 = vector.shape_cast %parallel_loop3A_319 : vector<16xi32> to vector<16x1xi32>
      %parallel_loop3A_321 = vector.shape_cast %parallel_loop3A_320 : vector<16x1xi32> to vector<16xi32>
      %parallel_loop3A_322 = tpu.dynamic_gather %parallel_loop3A_316[%parallel_loop3A_321] in [0] : vector<16xf32>, vector<16xi32> -> vector<16xf32>
      %parallel_loop3A_323 = arith.addf %parallel_loop3A_316, %parallel_loop3A_322 : vector<16xf32>
      %parallel_loop3A_324 = arith.constant 1 : i32
      %parallel_loop3A_325 = vector.broadcast %parallel_loop3A_324 : i32 to vector<16xi32>
      %parallel_loop3A_326 = arith.xori %iota3A, %parallel_loop3A_325 : vector<16xi32>
      %parallel_loop3A_327 = vector.shape_cast %parallel_loop3A_326 : vector<16xi32> to vector<16x1xi32>
      %parallel_loop3A_328 = vector.shape_cast %parallel_loop3A_327 : vector<16x1xi32> to vector<16xi32>
      %parallel_loop3A_329 = tpu.dynamic_gather %parallel_loop3A_323[%parallel_loop3A_328] in [0] : vector<16xf32>, vector<16xi32> -> vector<16xf32>
      %parallel_loop3A_330 = arith.addf %parallel_loop3A_323, %parallel_loop3A_329 : vector<16xf32>
      %parallel_loop3A_331 = arith.index_cast %parallel_loop3A_239 : i32 to index
      %parallel_loop3A_332 = arith.constant 0 : index
      %parallel_loop3A_333 = tpu.vector_load %arg17[%parallel_loop3A_331, %parallel_loop3A_332] {strides = array<i32>} : memref<64x16xf32, #tpu.memory_space<vmem>>, vector<16xf32>,
      tpu.vector_store %arg17[%parallel_loop3A_331, %parallel_loop3A_332], %parallel_loop3A_330 {strides = array<i32>} : memref<64x16xf32, #tpu.memory_space<vmem>>, vector<16xf32>,
    } {sc.loop_unroll_factor = 4 : i64, sc.parallel_access}
    %scan3A_192 = arith.constant 0 : i32
    %scan3A_193 = arith.constant 0 : i32
    %scan3A_194 = arith.constant 4 : i32
    %scan3A_195 = arith.addi %scan3A_193, %scan3A_194 : i32
    %scan3A_196 = arith.constant 1 : i32
    %scan3A_197 = scf.for %scan3A_239 = %scan3A_193 to %scan3A_195 step %scan3A_196 iter_args(%scan3A_240 = %scan3A_192) -> (i32)  : i32 {
      %mul3A_241 = arith.constant 16 : i32
      %mul3A_242 = arith.muli %scan3A_239, %mul3A_241 : i32
      %add3A_243 = arith.constant 320 : i32
      %add3A_244 = arith.addi %add3A_243, %mul3A_242 : i32
      %mul3A_245 = arith.constant 16 : i32
      %mul3A_246 = arith.muli %scan3A_239, %mul3A_245 : i32
      %add3A_247 = vector.broadcast %mul3A_246 : i32 to vector<16xi32>
      %add3A_248 = arith.addi %add3A_247, %iota3A : vector<16xi32>
      %gather3A = tpu.vector_load_idx %arg17[%add3A_248, %iota3A] : memref<64x16xf32, #tpu.memory_space<vmem>>[vector<16xi32>, vector<16xi32>], vector<16xf32>,
      %swap3A = arith.index_cast %add3A_244 : i32 to index
      %swap3A_249 = tpu.vector_load %arg18[%swap3A] {strides = array<i32>} : memref<512xf32, #tpu.memory_space<vmem>>, vector<16xf32>,
      tpu.vector_store %arg18[%swap3A], %gather3A {strides = array<i32>} : memref<512xf32, #tpu.memory_space<vmem>>, vector<16xf32>,
      %scan3A_250 = arith.constant 0 : i32
      scf.yield %scan3A_250 : i32
    }
    %scan3A_198 = arith.constant 4 : i32
    %dma_wait3A_199 = arith.constant 384 : i32
    %dma_wait3A_200 = tpu.memref_slice %arg7[%dma_wait3A_199] : memref<512xi32, #tpu.memory_space<vmem>> -> memref<64xi32, #tpu.memory_space<vmem>>
    %dma_wait3A_201 = arith.constant 0 : i32
    %dma_wait3A_202 = arith.constant 0 : i32
    %dma_wait3A_203 = tpu.memref_slice %arg4[%dma_wait3A_201, %dma_wait3A_202] : memref<1000000x128xf32, #tpu.memory_space<hbm>> -> memref<1000000x128xf32, #tpu.memory_space<hbm>>
    tpu.wait_indirect_dma semaphore(%arg21 : memref<!tpu.dma_semaphore, #tpu.memory_space<semaphore_mem>>) src(%dma_wait3A_203 : memref<1000000x128xf32, #tpu.memory_space<hbm>>) dst(%arg13 : memref<64x128xf32, #tpu.memory_space<vmem>>)
    %dma_wait3A_204 = arith.constant 384 : i32
    %dma_wait3A_205 = tpu.memref_slice %arg8[%dma_wait3A_204] : memref<512xi32, #tpu.memory_space<vmem>> -> memref<64xi32, #tpu.memory_space<vmem>>
    %dma_wait3A_206 = arith.constant 0 : i32
    %dma_wait3A_207 = arith.constant 0 : i32
    %dma_wait3A_208 = tpu.memref_slice %arg5[%dma_wait3A_206, %dma_wait3A_207] : memref<1000000x128xf32, #tpu.memory_space<hbm>> -> memref<1000000x128xf32, #tpu.memory_space<hbm>>
    tpu.wait_indirect_dma semaphore(%arg21 : memref<!tpu.dma_semaphore, #tpu.memory_space<semaphore_mem>>) src(%dma_wait3A_208 : memref<1000000x128xf32, #tpu.memory_space<hbm>>) dst(%arg14 : memref<64x128xf32, #tpu.memory_space<vmem>>)
    %parallel_loop3A_209 = arith.constant 0 : i32
    %parallel_loop3A_210 = arith.constant 64 : i32
    %parallel_loop3A_211 = arith.constant 1 : i32
    scf.for %parallel_loop3A_239 = %parallel_loop3A_209 to %parallel_loop3A_210 step %parallel_loop3A_211  : i32 {
      %parallel_loop3A_240 = arith.index_cast %parallel_loop3A_239 : i32 to index
      %parallel_loop3A_241 = arith.constant 0 : index
      %parallel_loop3A_242 = tpu.vector_load %arg13[%parallel_loop3A_240, %parallel_loop3A_241] {strides = array<i32>} : memref<64x128xf32, #tpu.memory_space<vmem>>, vector<16xf32>,
      %parallel_loop3A_243 = arith.index_cast %parallel_loop3A_239 : i32 to index
      %parallel_loop3A_244 = arith.constant 0 : index
      %parallel_loop3A_245 = tpu.vector_load %arg14[%parallel_loop3A_243, %parallel_loop3A_244] {strides = array<i32>} : memref<64x128xf32, #tpu.memory_space<vmem>>, vector<16xf32>,
      %parallel_loop3A_246 = arith.mulf %parallel_loop3A_242, %parallel_loop3A_245 : vector<16xf32>
      %parallel_loop3A_247 = arith.index_cast %parallel_loop3A_239 : i32 to index
      %parallel_loop3A_248 = arith.constant 16 : index
      %parallel_loop3A_249 = tpu.vector_load %arg13[%parallel_loop3A_247, %parallel_loop3A_248] {strides = array<i32>} : memref<64x128xf32, #tpu.memory_space<vmem>>, vector<16xf32>,
      %parallel_loop3A_250 = arith.index_cast %parallel_loop3A_239 : i32 to index
      %parallel_loop3A_251 = arith.constant 16 : index
      %parallel_loop3A_252 = tpu.vector_load %arg14[%parallel_loop3A_250, %parallel_loop3A_251] {strides = array<i32>} : memref<64x128xf32, #tpu.memory_space<vmem>>, vector<16xf32>,
      %parallel_loop3A_253 = arith.mulf %parallel_loop3A_249, %parallel_loop3A_252 : vector<16xf32>
      %parallel_loop3A_254 = arith.index_cast %parallel_loop3A_239 : i32 to index
      %parallel_loop3A_255 = arith.constant 32 : index
      %parallel_loop3A_256 = tpu.vector_load %arg13[%parallel_loop3A_254, %parallel_loop3A_255] {strides = array<i32>} : memref<64x128xf32, #tpu.memory_space<vmem>>, vector<16xf32>,
      %parallel_loop3A_257 = arith.index_cast %parallel_loop3A_239 : i32 to index
      %parallel_loop3A_258 = arith.constant 32 : index
      %parallel_loop3A_259 = tpu.vector_load %arg14[%parallel_loop3A_257, %parallel_loop3A_258] {strides = array<i32>} : memref<64x128xf32, #tpu.memory_space<vmem>>, vector<16xf32>,
      %parallel_loop3A_260 = arith.mulf %parallel_loop3A_256, %parallel_loop3A_259 : vector<16xf32>
      %parallel_loop3A_261 = arith.index_cast %parallel_loop3A_239 : i32 to index
      %parallel_loop3A_262 = arith.constant 48 : index
      %parallel_loop3A_263 = tpu.vector_load %arg13[%parallel_loop3A_261, %parallel_loop3A_262] {strides = array<i32>} : memref<64x128xf32, #tpu.memory_space<vmem>>, vector<16xf32>,
      %parallel_loop3A_264 = arith.index_cast %parallel_loop3A_239 : i32 to index
      %parallel_loop3A_265 = arith.constant 48 : index
      %parallel_loop3A_266 = tpu.vector_load %arg14[%parallel_loop3A_264, %parallel_loop3A_265] {strides = array<i32>} : memref<64x128xf32, #tpu.memory_space<vmem>>, vector<16xf32>,
      %parallel_loop3A_267 = arith.mulf %parallel_loop3A_263, %parallel_loop3A_266 : vector<16xf32>
      %parallel_loop3A_268 = arith.index_cast %parallel_loop3A_239 : i32 to index
      %parallel_loop3A_269 = arith.constant 64 : index
      %parallel_loop3A_270 = tpu.vector_load %arg13[%parallel_loop3A_268, %parallel_loop3A_269] {strides = array<i32>} : memref<64x128xf32, #tpu.memory_space<vmem>>, vector<16xf32>,
      %parallel_loop3A_271 = arith.index_cast %parallel_loop3A_239 : i32 to index
      %parallel_loop3A_272 = arith.constant 64 : index
      %parallel_loop3A_273 = tpu.vector_load %arg14[%parallel_loop3A_271, %parallel_loop3A_272] {strides = array<i32>} : memref<64x128xf32, #tpu.memory_space<vmem>>, vector<16xf32>,
      %parallel_loop3A_274 = arith.mulf %parallel_loop3A_270, %parallel_loop3A_273 : vector<16xf32>
      %parallel_loop3A_275 = arith.index_cast %parallel_loop3A_239 : i32 to index
      %parallel_loop3A_276 = arith.constant 80 : index
      %parallel_loop3A_277 = tpu.vector_load %arg13[%parallel_loop3A_275, %parallel_loop3A_276] {strides = array<i32>} : memref<64x128xf32, #tpu.memory_space<vmem>>, vector<16xf32>,
      %parallel_loop3A_278 = arith.index_cast %parallel_loop3A_239 : i32 to index
      %parallel_loop3A_279 = arith.constant 80 : index
      %parallel_loop3A_280 = tpu.vector_load %arg14[%parallel_loop3A_278, %parallel_loop3A_279] {strides = array<i32>} : memref<64x128xf32, #tpu.memory_space<vmem>>, vector<16xf32>,
      %parallel_loop3A_281 = arith.mulf %parallel_loop3A_277, %parallel_loop3A_280 : vector<16xf32>
      %parallel_loop3A_282 = arith.index_cast %parallel_loop3A_239 : i32 to index
      %parallel_loop3A_283 = arith.constant 96 : index
      %parallel_loop3A_284 = tpu.vector_load %arg13[%parallel_loop3A_282, %parallel_loop3A_283] {strides = array<i32>} : memref<64x128xf32, #tpu.memory_space<vmem>>, vector<16xf32>,
      %parallel_loop3A_285 = arith.index_cast %parallel_loop3A_239 : i32 to index
      %parallel_loop3A_286 = arith.constant 96 : index
      %parallel_loop3A_287 = tpu.vector_load %arg14[%parallel_loop3A_285, %parallel_loop3A_286] {strides = array<i32>} : memref<64x128xf32, #tpu.memory_space<vmem>>, vector<16xf32>,
      %parallel_loop3A_288 = arith.mulf %parallel_loop3A_284, %parallel_loop3A_287 : vector<16xf32>
      %parallel_loop3A_289 = arith.index_cast %parallel_loop3A_239 : i32 to index
      %parallel_loop3A_290 = arith.constant 112 : index
      %parallel_loop3A_291 = tpu.vector_load %arg13[%parallel_loop3A_289, %parallel_loop3A_290] {strides = array<i32>} : memref<64x128xf32, #tpu.memory_space<vmem>>, vector<16xf32>,
      %parallel_loop3A_292 = arith.index_cast %parallel_loop3A_239 : i32 to index
      %parallel_loop3A_293 = arith.constant 112 : index
      %parallel_loop3A_294 = tpu.vector_load %arg14[%parallel_loop3A_292, %parallel_loop3A_293] {strides = array<i32>} : memref<64x128xf32, #tpu.memory_space<vmem>>, vector<16xf32>,
      %parallel_loop3A_295 = arith.mulf %parallel_loop3A_291, %parallel_loop3A_294 : vector<16xf32>
      %parallel_loop3A_296 = arith.addf %parallel_loop3A_246, %parallel_loop3A_253 : vector<16xf32>
      %parallel_loop3A_297 = arith.addf %parallel_loop3A_260, %parallel_loop3A_267 : vector<16xf32>
      %parallel_loop3A_298 = arith.addf %parallel_loop3A_296, %parallel_loop3A_297 : vector<16xf32>
      %parallel_loop3A_299 = arith.addf %parallel_loop3A_274, %parallel_loop3A_281 : vector<16xf32>
      %parallel_loop3A_300 = arith.addf %parallel_loop3A_288, %parallel_loop3A_295 : vector<16xf32>
      %parallel_loop3A_301 = arith.addf %parallel_loop3A_299, %parallel_loop3A_300 : vector<16xf32>
      %parallel_loop3A_302 = arith.addf %parallel_loop3A_298, %parallel_loop3A_301 : vector<16xf32>
      %parallel_loop3A_303 = arith.constant 8 : i32
      %parallel_loop3A_304 = vector.broadcast %parallel_loop3A_303 : i32 to vector<16xi32>
      %parallel_loop3A_305 = arith.xori %iota3A, %parallel_loop3A_304 : vector<16xi32>
      %parallel_loop3A_306 = vector.shape_cast %parallel_loop3A_305 : vector<16xi32> to vector<16x1xi32>
      %parallel_loop3A_307 = vector.shape_cast %parallel_loop3A_306 : vector<16x1xi32> to vector<16xi32>
      %parallel_loop3A_308 = tpu.dynamic_gather %parallel_loop3A_302[%parallel_loop3A_307] in [0] : vector<16xf32>, vector<16xi32> -> vector<16xf32>
      %parallel_loop3A_309 = arith.addf %parallel_loop3A_302, %parallel_loop3A_308 : vector<16xf32>
      %parallel_loop3A_310 = arith.constant 4 : i32
      %parallel_loop3A_311 = vector.broadcast %parallel_loop3A_310 : i32 to vector<16xi32>
      %parallel_loop3A_312 = arith.xori %iota3A, %parallel_loop3A_311 : vector<16xi32>
      %parallel_loop3A_313 = vector.shape_cast %parallel_loop3A_312 : vector<16xi32> to vector<16x1xi32>
      %parallel_loop3A_314 = vector.shape_cast %parallel_loop3A_313 : vector<16x1xi32> to vector<16xi32>
      %parallel_loop3A_315 = tpu.dynamic_gather %parallel_loop3A_309[%parallel_loop3A_314] in [0] : vector<16xf32>, vector<16xi32> -> vector<16xf32>
      %parallel_loop3A_316 = arith.addf %parallel_loop3A_309, %parallel_loop3A_315 : vector<16xf32>
      %parallel_loop3A_317 = arith.constant 2 : i32
      %parallel_loop3A_318 = vector.broadcast %parallel_loop3A_317 : i32 to vector<16xi32>
      %parallel_loop3A_319 = arith.xori %iota3A, %parallel_loop3A_318 : vector<16xi32>
      %parallel_loop3A_320 = vector.shape_cast %parallel_loop3A_319 : vector<16xi32> to vector<16x1xi32>
      %parallel_loop3A_321 = vector.shape_cast %parallel_loop3A_320 : vector<16x1xi32> to vector<16xi32>
      %parallel_loop3A_322 = tpu.dynamic_gather %parallel_loop3A_316[%parallel_loop3A_321] in [0] : vector<16xf32>, vector<16xi32> -> vector<16xf32>
      %parallel_loop3A_323 = arith.addf %parallel_loop3A_316, %parallel_loop3A_322 : vector<16xf32>
      %parallel_loop3A_324 = arith.constant 1 : i32
      %parallel_loop3A_325 = vector.broadcast %parallel_loop3A_324 : i32 to vector<16xi32>
      %parallel_loop3A_326 = arith.xori %iota3A, %parallel_loop3A_325 : vector<16xi32>
      %parallel_loop3A_327 = vector.shape_cast %parallel_loop3A_326 : vector<16xi32> to vector<16x1xi32>
      %parallel_loop3A_328 = vector.shape_cast %parallel_loop3A_327 : vector<16x1xi32> to vector<16xi32>
      %parallel_loop3A_329 = tpu.dynamic_gather %parallel_loop3A_323[%parallel_loop3A_328] in [0] : vector<16xf32>, vector<16xi32> -> vector<16xf32>
      %parallel_loop3A_330 = arith.addf %parallel_loop3A_323, %parallel_loop3A_329 : vector<16xf32>
      %parallel_loop3A_331 = arith.index_cast %parallel_loop3A_239 : i32 to index
      %parallel_loop3A_332 = arith.constant 0 : index
      %parallel_loop3A_333 = tpu.vector_load %arg17[%parallel_loop3A_331, %parallel_loop3A_332] {strides = array<i32>} : memref<64x16xf32, #tpu.memory_space<vmem>>, vector<16xf32>,
      tpu.vector_store %arg17[%parallel_loop3A_331, %parallel_loop3A_332], %parallel_loop3A_330 {strides = array<i32>} : memref<64x16xf32, #tpu.memory_space<vmem>>, vector<16xf32>,
    } {sc.loop_unroll_factor = 4 : i64, sc.parallel_access}
    %scan3A_212 = arith.constant 0 : i32
    %scan3A_213 = arith.constant 0 : i32
    %scan3A_214 = arith.constant 4 : i32
    %scan3A_215 = arith.addi %scan3A_213, %scan3A_214 : i32
    %scan3A_216 = arith.constant 1 : i32
    %scan3A_217 = scf.for %scan3A_239 = %scan3A_213 to %scan3A_215 step %scan3A_216 iter_args(%scan3A_240 = %scan3A_212) -> (i32)  : i32 {
      %mul3A_241 = arith.constant 16 : i32
      %mul3A_242 = arith.muli %scan3A_239, %mul3A_241 : i32
      %add3A_243 = arith.constant 384 : i32
      %add3A_244 = arith.addi %add3A_243, %mul3A_242 : i32
      %mul3A_245 = arith.constant 16 : i32
      %mul3A_246 = arith.muli %scan3A_239, %mul3A_245 : i32
      %add3A_247 = vector.broadcast %mul3A_246 : i32 to vector<16xi32>
      %add3A_248 = arith.addi %add3A_247, %iota3A : vector<16xi32>
      %gather3A = tpu.vector_load_idx %arg17[%add3A_248, %iota3A] : memref<64x16xf32, #tpu.memory_space<vmem>>[vector<16xi32>, vector<16xi32>], vector<16xf32>,
      %swap3A = arith.index_cast %add3A_244 : i32 to index
      %swap3A_249 = tpu.vector_load %arg18[%swap3A] {strides = array<i32>} : memref<512xf32, #tpu.memory_space<vmem>>, vector<16xf32>,
      tpu.vector_store %arg18[%swap3A], %gather3A {strides = array<i32>} : memref<512xf32, #tpu.memory_space<vmem>>, vector<16xf32>,
      %scan3A_250 = arith.constant 0 : i32
      scf.yield %scan3A_250 : i32
    }
    %scan3A_218 = arith.constant 4 : i32
    %dma_wait3A_219 = arith.constant 448 : i32
    %dma_wait3A_220 = tpu.memref_slice %arg7[%dma_wait3A_219] : memref<512xi32, #tpu.memory_space<vmem>> -> memref<64xi32, #tpu.memory_space<vmem>>
    %dma_wait3A_221 = arith.constant 0 : i32
    %dma_wait3A_222 = arith.constant 0 : i32
    %dma_wait3A_223 = tpu.memref_slice %arg4[%dma_wait3A_221, %dma_wait3A_222] : memref<1000000x128xf32, #tpu.memory_space<hbm>> -> memref<1000000x128xf32, #tpu.memory_space<hbm>>
    tpu.wait_indirect_dma semaphore(%arg22 : memref<!tpu.dma_semaphore, #tpu.memory_space<semaphore_mem>>) src(%dma_wait3A_223 : memref<1000000x128xf32, #tpu.memory_space<hbm>>) dst(%arg15 : memref<64x128xf32, #tpu.memory_space<vmem>>)
    %dma_wait3A_224 = arith.constant 448 : i32
    %dma_wait3A_225 = tpu.memref_slice %arg8[%dma_wait3A_224] : memref<512xi32, #tpu.memory_space<vmem>> -> memref<64xi32, #tpu.memory_space<vmem>>
    %dma_wait3A_226 = arith.constant 0 : i32
    %dma_wait3A_227 = arith.constant 0 : i32
    %dma_wait3A_228 = tpu.memref_slice %arg5[%dma_wait3A_226, %dma_wait3A_227] : memref<1000000x128xf32, #tpu.memory_space<hbm>> -> memref<1000000x128xf32, #tpu.memory_space<hbm>>
    tpu.wait_indirect_dma semaphore(%arg22 : memref<!tpu.dma_semaphore, #tpu.memory_space<semaphore_mem>>) src(%dma_wait3A_228 : memref<1000000x128xf32, #tpu.memory_space<hbm>>) dst(%arg16 : memref<64x128xf32, #tpu.memory_space<vmem>>)
    %parallel_loop3A_229 = arith.constant 0 : i32
    %parallel_loop3A_230 = arith.constant 64 : i32
    %parallel_loop3A_231 = arith.constant 1 : i32
    scf.for %parallel_loop3A_239 = %parallel_loop3A_229 to %parallel_loop3A_230 step %parallel_loop3A_231  : i32 {
      %parallel_loop3A_240 = arith.index_cast %parallel_loop3A_239 : i32 to index
      %parallel_loop3A_241 = arith.constant 0 : index
      %parallel_loop3A_242 = tpu.vector_load %arg15[%parallel_loop3A_240, %parallel_loop3A_241] {strides = array<i32>} : memref<64x128xf32, #tpu.memory_space<vmem>>, vector<16xf32>,
      %parallel_loop3A_243 = arith.index_cast %parallel_loop3A_239 : i32 to index
      %parallel_loop3A_244 = arith.constant 0 : index
      %parallel_loop3A_245 = tpu.vector_load %arg16[%parallel_loop3A_243, %parallel_loop3A_244] {strides = array<i32>} : memref<64x128xf32, #tpu.memory_space<vmem>>, vector<16xf32>,
      %parallel_loop3A_246 = arith.mulf %parallel_loop3A_242, %parallel_loop3A_245 : vector<16xf32>
      %parallel_loop3A_247 = arith.index_cast %parallel_loop3A_239 : i32 to index
      %parallel_loop3A_248 = arith.constant 16 : index
      %parallel_loop3A_249 = tpu.vector_load %arg15[%parallel_loop3A_247, %parallel_loop3A_248] {strides = array<i32>} : memref<64x128xf32, #tpu.memory_space<vmem>>, vector<16xf32>,
      %parallel_loop3A_250 = arith.index_cast %parallel_loop3A_239 : i32 to index
      %parallel_loop3A_251 = arith.constant 16 : index
      %parallel_loop3A_252 = tpu.vector_load %arg16[%parallel_loop3A_250, %parallel_loop3A_251] {strides = array<i32>} : memref<64x128xf32, #tpu.memory_space<vmem>>, vector<16xf32>,
      %parallel_loop3A_253 = arith.mulf %parallel_loop3A_249, %parallel_loop3A_252 : vector<16xf32>
      %parallel_loop3A_254 = arith.index_cast %parallel_loop3A_239 : i32 to index
      %parallel_loop3A_255 = arith.constant 32 : index
      %parallel_loop3A_256 = tpu.vector_load %arg15[%parallel_loop3A_254, %parallel_loop3A_255] {strides = array<i32>} : memref<64x128xf32, #tpu.memory_space<vmem>>, vector<16xf32>,
      %parallel_loop3A_257 = arith.index_cast %parallel_loop3A_239 : i32 to index
      %parallel_loop3A_258 = arith.constant 32 : index
      %parallel_loop3A_259 = tpu.vector_load %arg16[%parallel_loop3A_257, %parallel_loop3A_258] {strides = array<i32>} : memref<64x128xf32, #tpu.memory_space<vmem>>, vector<16xf32>,
      %parallel_loop3A_260 = arith.mulf %parallel_loop3A_256, %parallel_loop3A_259 : vector<16xf32>
      %parallel_loop3A_261 = arith.index_cast %parallel_loop3A_239 : i32 to index
      %parallel_loop3A_262 = arith.constant 48 : index
      %parallel_loop3A_263 = tpu.vector_load %arg15[%parallel_loop3A_261, %parallel_loop3A_262] {strides = array<i32>} : memref<64x128xf32, #tpu.memory_space<vmem>>, vector<16xf32>,
      %parallel_loop3A_264 = arith.index_cast %parallel_loop3A_239 : i32 to index
      %parallel_loop3A_265 = arith.constant 48 : index
      %parallel_loop3A_266 = tpu.vector_load %arg16[%parallel_loop3A_264, %parallel_loop3A_265] {strides = array<i32>} : memref<64x128xf32, #tpu.memory_space<vmem>>, vector<16xf32>,
      %parallel_loop3A_267 = arith.mulf %parallel_loop3A_263, %parallel_loop3A_266 : vector<16xf32>
      %parallel_loop3A_268 = arith.index_cast %parallel_loop3A_239 : i32 to index
      %parallel_loop3A_269 = arith.constant 64 : index
      %parallel_loop3A_270 = tpu.vector_load %arg15[%parallel_loop3A_268, %parallel_loop3A_269] {strides = array<i32>} : memref<64x128xf32, #tpu.memory_space<vmem>>, vector<16xf32>,
      %parallel_loop3A_271 = arith.index_cast %parallel_loop3A_239 : i32 to index
      %parallel_loop3A_272 = arith.constant 64 : index
      %parallel_loop3A_273 = tpu.vector_load %arg16[%parallel_loop3A_271, %parallel_loop3A_272] {strides = array<i32>} : memref<64x128xf32, #tpu.memory_space<vmem>>, vector<16xf32>,
      %parallel_loop3A_274 = arith.mulf %parallel_loop3A_270, %parallel_loop3A_273 : vector<16xf32>
      %parallel_loop3A_275 = arith.index_cast %parallel_loop3A_239 : i32 to index
      %parallel_loop3A_276 = arith.constant 80 : index
      %parallel_loop3A_277 = tpu.vector_load %arg15[%parallel_loop3A_275, %parallel_loop3A_276] {strides = array<i32>} : memref<64x128xf32, #tpu.memory_space<vmem>>, vector<16xf32>,
      %parallel_loop3A_278 = arith.index_cast %parallel_loop3A_239 : i32 to index
      %parallel_loop3A_279 = arith.constant 80 : index
      %parallel_loop3A_280 = tpu.vector_load %arg16[%parallel_loop3A_278, %parallel_loop3A_279] {strides = array<i32>} : memref<64x128xf32, #tpu.memory_space<vmem>>, vector<16xf32>,
      %parallel_loop3A_281 = arith.mulf %parallel_loop3A_277, %parallel_loop3A_280 : vector<16xf32>
      %parallel_loop3A_282 = arith.index_cast %parallel_loop3A_239 : i32 to index
      %parallel_loop3A_283 = arith.constant 96 : index
      %parallel_loop3A_284 = tpu.vector_load %arg15[%parallel_loop3A_282, %parallel_loop3A_283] {strides = array<i32>} : memref<64x128xf32, #tpu.memory_space<vmem>>, vector<16xf32>,
      %parallel_loop3A_285 = arith.index_cast %parallel_loop3A_239 : i32 to index
      %parallel_loop3A_286 = arith.constant 96 : index
      %parallel_loop3A_287 = tpu.vector_load %arg16[%parallel_loop3A_285, %parallel_loop3A_286] {strides = array<i32>} : memref<64x128xf32, #tpu.memory_space<vmem>>, vector<16xf32>,
      %parallel_loop3A_288 = arith.mulf %parallel_loop3A_284, %parallel_loop3A_287 : vector<16xf32>
      %parallel_loop3A_289 = arith.index_cast %parallel_loop3A_239 : i32 to index
      %parallel_loop3A_290 = arith.constant 112 : index
      %parallel_loop3A_291 = tpu.vector_load %arg15[%parallel_loop3A_289, %parallel_loop3A_290] {strides = array<i32>} : memref<64x128xf32, #tpu.memory_space<vmem>>, vector<16xf32>,
      %parallel_loop3A_292 = arith.index_cast %parallel_loop3A_239 : i32 to index
      %parallel_loop3A_293 = arith.constant 112 : index
      %parallel_loop3A_294 = tpu.vector_load %arg16[%parallel_loop3A_292, %parallel_loop3A_293] {strides = array<i32>} : memref<64x128xf32, #tpu.memory_space<vmem>>, vector<16xf32>,
      %parallel_loop3A_295 = arith.mulf %parallel_loop3A_291, %parallel_loop3A_294 : vector<16xf32>
      %parallel_loop3A_296 = arith.addf %parallel_loop3A_246, %parallel_loop3A_253 : vector<16xf32>
      %parallel_loop3A_297 = arith.addf %parallel_loop3A_260, %parallel_loop3A_267 : vector<16xf32>
      %parallel_loop3A_298 = arith.addf %parallel_loop3A_296, %parallel_loop3A_297 : vector<16xf32>
      %parallel_loop3A_299 = arith.addf %parallel_loop3A_274, %parallel_loop3A_281 : vector<16xf32>
      %parallel_loop3A_300 = arith.addf %parallel_loop3A_288, %parallel_loop3A_295 : vector<16xf32>
      %parallel_loop3A_301 = arith.addf %parallel_loop3A_299, %parallel_loop3A_300 : vector<16xf32>
      %parallel_loop3A_302 = arith.addf %parallel_loop3A_298, %parallel_loop3A_301 : vector<16xf32>
      %parallel_loop3A_303 = arith.constant 8 : i32
      %parallel_loop3A_304 = vector.broadcast %parallel_loop3A_303 : i32 to vector<16xi32>
      %parallel_loop3A_305 = arith.xori %iota3A, %parallel_loop3A_304 : vector<16xi32>
      %parallel_loop3A_306 = vector.shape_cast %parallel_loop3A_305 : vector<16xi32> to vector<16x1xi32>
      %parallel_loop3A_307 = vector.shape_cast %parallel_loop3A_306 : vector<16x1xi32> to vector<16xi32>
      %parallel_loop3A_308 = tpu.dynamic_gather %parallel_loop3A_302[%parallel_loop3A_307] in [0] : vector<16xf32>, vector<16xi32> -> vector<16xf32>
      %parallel_loop3A_309 = arith.addf %parallel_loop3A_302, %parallel_loop3A_308 : vector<16xf32>
      %parallel_loop3A_310 = arith.constant 4 : i32
      %parallel_loop3A_311 = vector.broadcast %parallel_loop3A_310 : i32 to vector<16xi32>
      %parallel_loop3A_312 = arith.xori %iota3A, %parallel_loop3A_311 : vector<16xi32>
      %parallel_loop3A_313 = vector.shape_cast %parallel_loop3A_312 : vector<16xi32> to vector<16x1xi32>
      %parallel_loop3A_314 = vector.shape_cast %parallel_loop3A_313 : vector<16x1xi32> to vector<16xi32>
      %parallel_loop3A_315 = tpu.dynamic_gather %parallel_loop3A_309[%parallel_loop3A_314] in [0] : vector<16xf32>, vector<16xi32> -> vector<16xf32>
      %parallel_loop3A_316 = arith.addf %parallel_loop3A_309, %parallel_loop3A_315 : vector<16xf32>
      %parallel_loop3A_317 = arith.constant 2 : i32
      %parallel_loop3A_318 = vector.broadcast %parallel_loop3A_317 : i32 to vector<16xi32>
      %parallel_loop3A_319 = arith.xori %iota3A, %parallel_loop3A_318 : vector<16xi32>
      %parallel_loop3A_320 = vector.shape_cast %parallel_loop3A_319 : vector<16xi32> to vector<16x1xi32>
      %parallel_loop3A_321 = vector.shape_cast %parallel_loop3A_320 : vector<16x1xi32> to vector<16xi32>
      %parallel_loop3A_322 = tpu.dynamic_gather %parallel_loop3A_316[%parallel_loop3A_321] in [0] : vector<16xf32>, vector<16xi32> -> vector<16xf32>
      %parallel_loop3A_323 = arith.addf %parallel_loop3A_316, %parallel_loop3A_322 : vector<16xf32>
      %parallel_loop3A_324 = arith.constant 1 : i32
      %parallel_loop3A_325 = vector.broadcast %parallel_loop3A_324 : i32 to vector<16xi32>
      %parallel_loop3A_326 = arith.xori %iota3A, %parallel_loop3A_325 : vector<16xi32>
      %parallel_loop3A_327 = vector.shape_cast %parallel_loop3A_326 : vector<16xi32> to vector<16x1xi32>
      %parallel_loop3A_328 = vector.shape_cast %parallel_loop3A_327 : vector<16x1xi32> to vector<16xi32>
      %parallel_loop3A_329 = tpu.dynamic_gather %parallel_loop3A_323[%parallel_loop3A_328] in [0] : vector<16xf32>, vector<16xi32> -> vector<16xf32>
      %parallel_loop3A_330 = arith.addf %parallel_loop3A_323, %parallel_loop3A_329 : vector<16xf32>
      %parallel_loop3A_331 = arith.index_cast %parallel_loop3A_239 : i32 to index
      %parallel_loop3A_332 = arith.constant 0 : index
      %parallel_loop3A_333 = tpu.vector_load %arg17[%parallel_loop3A_331, %parallel_loop3A_332] {strides = array<i32>} : memref<64x16xf32, #tpu.memory_space<vmem>>, vector<16xf32>,
      tpu.vector_store %arg17[%parallel_loop3A_331, %parallel_loop3A_332], %parallel_loop3A_330 {strides = array<i32>} : memref<64x16xf32, #tpu.memory_space<vmem>>, vector<16xf32>,
    } {sc.loop_unroll_factor = 4 : i64, sc.parallel_access}
    %scan3A_232 = arith.constant 0 : i32
    %scan3A_233 = arith.constant 0 : i32
    %scan3A_234 = arith.constant 4 : i32
    %scan3A_235 = arith.addi %scan3A_233, %scan3A_234 : i32
    %scan3A_236 = arith.constant 1 : i32
    %scan3A_237 = scf.for %scan3A_239 = %scan3A_233 to %scan3A_235 step %scan3A_236 iter_args(%scan3A_240 = %scan3A_232) -> (i32)  : i32 {
      %mul3A_241 = arith.constant 16 : i32
      %mul3A_242 = arith.muli %scan3A_239, %mul3A_241 : i32
      %add3A_243 = arith.constant 448 : i32
      %add3A_244 = arith.addi %add3A_243, %mul3A_242 : i32
      %mul3A_245 = arith.constant 16 : i32
      %mul3A_246 = arith.muli %scan3A_239, %mul3A_245 : i32
      %add3A_247 = vector.broadcast %mul3A_246 : i32 to vector<16xi32>
      %add3A_248 = arith.addi %add3A_247, %iota3A : vector<16xi32>
      %gather3A = tpu.vector_load_idx %arg17[%add3A_248, %iota3A] : memref<64x16xf32, #tpu.memory_space<vmem>>[vector<16xi32>, vector<16xi32>], vector<16xf32>,
      %swap3A = arith.index_cast %add3A_244 : i32 to index
      %swap3A_249 = tpu.vector_load %arg18[%swap3A] {strides = array<i32>} : memref<512xf32, #tpu.memory_space<vmem>>, vector<16xf32>,
      tpu.vector_store %arg18[%swap3A], %gather3A {strides = array<i32>} : memref<512xf32, #tpu.memory_space<vmem>>, vector<16xf32>,
      %scan3A_250 = arith.constant 0 : i32
      scf.yield %scan3A_250 : i32
    }
    %scan3A_238 = arith.constant 4 : i32
    "tpu.region"() ({
      %run_scoped3A = tpu.sem_alloc : memref<!tpu.dma_semaphore, #tpu.memory_space<semaphore_mem>>
      %dma_start3A_239 = tpu.memref_slice %arg6[%mul3A_2] : memref<16384xf32, #tpu.memory_space<hbm>> -> memref<512xf32, #tpu.memory_space<hbm>>
      %dma_start3A_240 = tpu.memref_slice %arg6[%mul3A_2] : memref<16384xf32, #tpu.memory_space<hbm>> -> memref<512xf32, #tpu.memory_space<hbm>>
      tpu.enqueue_dma source(%arg18 : memref<512xf32, #tpu.memory_space<vmem>>) target(%dma_start3A_240 : memref<512xf32, #tpu.memory_space<hbm>>) target_semaphore(%run_scoped3A : memref<!tpu.dma_semaphore, #tpu.memory_space<semaphore_mem>>)
      %dma_wait3A_241 = tpu.memref_slice %arg6[%mul3A_2] : memref<16384xf32, #tpu.memory_space<hbm>> -> memref<512xf32, #tpu.memory_space<hbm>>
      %dma_wait3A_242 = tpu.memref_slice %arg6[%mul3A_2] : memref<16384xf32, #tpu.memory_space<hbm>> -> memref<512xf32, #tpu.memory_space<hbm>>
      tpu.wait_dma2 semaphore(%run_scoped3A : memref<!tpu.dma_semaphore, #tpu.memory_space<semaphore_mem>>) src(%arg18 : memref<512xf32, #tpu.memory_space<vmem>>) dst(%dma_wait3A_242 : memref<512xf32, #tpu.memory_space<hbm>>)
      tpu.yield
    }) : () -> ()
    return
  }
}

</mosaic_0001>

<sc_bundles>
// kernel: kernel.4.cloned.1.call-start
scs
__scs_entry_jumppad:
0x0: {  	(pc) =	sbr.rel $0x88, $3  }
0x1: {  	(tag) =	ssettag $0x0;
	lr =	simm.s32 $0x1  }
0x2: {  	[smem:$0x3F9B] =	sst lr;
	_ =	strace $0xD0000000  }
0x3: {  	_ = 	snop  }
0x4: {  	_ = 	snop  }
0x5: {  	_ = 	snop  }
0x6: {  	_ = 	snop  }
0x7: {  	_ = 	snop  }
__scs_overlays_trampoline_lowered:
0x8: {  	[smem:$0x3FAA] =	sst s0  }
0x9: {  	[smem:$0x3FAB] =	sst s1  }
0xa: {  	[smem:$0x3FAC] =	sst s2  }
0xb: {  	[smem:$0x3FAD] =	sst s3  }
0xc: {  	[smem:$0x3FAE] =	sst s4  }
0xd: {  	[smem:$0x3FAF] =	sst s5  }
0xe: {  	[smem:$0x3FB0] =	sst s6  }
0xf: {  	[smem:$0x3FB1] =	sst s7  }
0x10: {  	[smem:$0x3FB2] =	sst s8  }
0x11: {  	[smem:$0x3FB3] =	sst s9;
	s0 =	simm.s32 @!p0 $0x0  }
0x12: {  	s1 =	sld [smem:$0x3F99];
	s0 =	simm.s32 @p0 $0x1  }
0x13: {  	[smem:$0x3FB4] =	sst s0;
	s0 =	simm.s32 @!p1 $0x0  }
0x14: {  	s2 =	sld [smem:$0x3F98];
	s0 =	simm.s32 @p1 $0x1  }
0x15: {  	[smem:$0x3FB5] =	sst s0;
	s0 =	simm.s32 @!p2 $0x0  }
0x16: {  	s3 =	sld [smem:$0x3FDB];
	s0 =	simm.s32 @p2 $0x1  }
0x17: {  	s4 =	simm.s32 $0x1BF5;
	[smem:$0x3FB7] =	sst s0  }
0x18: {  	s0 =	sld [smem:$0x3F9A];
	_ =	swait.ge [sflag:s4], $0x0  }
0x19: {  	s7 =	sld [smem:$0x3F9B]  }
0x1a: {  	s8 =	sadd.s32 $0xFFFFE003, lr  }
0x1b: {  	s9 =	sadd.s32 $0xFFFFFEF7, lr;
	s5 =	simm.s32 $0xFFFFFFFF;
	p2 =	slt.u32 s8, $0xFFFFF086  }
0x1c: {  	p1 =	slt.u32 s9, $0xF7A;
	s5 =	simm.s32 @!p2 $0x0  }
0x1d: {  	s5 =	simm.s32 @p1 $0x1;
	p0 =	seq.s32 s7, s2  }
0x1e: {  	s7 =	smul.u32 @!p0 $0xF7A, s2;
	p2 =	seq.s32 @!p0 s5, $0x0  }
0x1f: {  	s9 =	smul.u32 $0xF7A, s1;
	s8 =	simm.s32 @!p0 $0x1BF5;
	p2 =	por !p2, p0  }
0x20: {  	[sflag:s8] =	ssyncset.s32 @!p0 $0xFFFFF086;
	s6 =	sadd.s32 @!p0 s3, s7;
	s7 =	simm.s32 @!p0 $0x108  }
0x21: {  	s3 =	sadd.s32 s3, s9;
	s6 =	sadd.s32 @!p0 $0x88, s6;
	s7 =	simm.s32 @p2 $0x1082  }
0x22: {  	[simem:s7], [sflag:s8] =	dma.local @!p0 [hbm:s6], $0xF7A  }
0x23: {  	s9 =	sor.u32 $0xD0000000, s2;
	s6 =	simm.s32 $0x108;
	_ =	swait.ge @!p0 [sflag:s8], $0x0  }
0x24: {  	s3 =	sadd.s32 $0x88, s3;
	s6 =	simm.s32 @!p1 $0x1082;
	[sflag:s4] =	ssyncset.s32 $0xFFFFF086  }
0x25: {  	[simem:s6], [sflag:s4] =	dma.local [hbm:s3], $0xF7A  }
0x26: {  	[smem:$0x3F9B] =	sst s1;
	(tag) =	ssettag s2;
	_ =	strace s9  }
0x27: {  	s1 =	sld [smem:$0x3FAB]  }
0x28: {  	s2 =	sld [smem:$0x3FAC]  }
0x29: {  	s4 =	sld [smem:$0x3FAE]  }
0x2a: {  	p0 =	seq.s32 s5, $0x0;
	s5 =	sld [smem:$0x3FAF]  }
0x2b: {  	s6 =	sld [smem:$0x3FB0]  }
0x2c: {  	s7 =	sld [smem:$0x3FB1]  }
0x2d: {  	s3 =	simm.s32 $0x108;
	s8 =	sld [smem:$0x3FB2]  }
0x2e: {  	s3 =	simm.s32 @!p0 $0x1082;
	s9 =	sld [smem:$0x3FB3]  }
0x2f: {  	lr =	sadd.s32 s0, s3;
	s0 =	sld [smem:$0x3FAA]  }
0x30: {  	s3 =	sld [smem:$0x3FAD]  }
0x31: {  	[smem:$0x3FB6] =	sst s10  }
0x32: {  	s10 =	sld [smem:$0x3FB4];
	_ =	sdelay $0x3  }
0x33: {  	p0 =	seq.s32 s10, $0x1;
	s10 =	sld [smem:$0x3FB6];
	_ =	sdelay $0x3  }
0x34: {  	[smem:$0x3FB6] =	sst s10  }
0x35: {  	s10 =	sld [smem:$0x3FB5];
	_ =	sdelay $0x3  }
0x36: {  	p1 =	seq.s32 s10, $0x1;
	s10 =	sld [smem:$0x3FB6];
	_ =	sdelay $0x3  }
0x37: {  	[smem:$0x3FB6] =	sst s10  }
0x38: {  	s10 =	sld [smem:$0x3FB7]  }
0x39: {  	_ = 	snop;
	(pc) =	sbr.ind lr, $3  }
0x3a: {  	_ = 	snop  }
0x3b: {  	_ = 	snop  }
0x3c: {  	p2 =	seq.s32 s10, $0x1;
	s10 =	sld [smem:$0x3FB6]  }
0x3d: {  	_ =	shalt  }
0x3e: {  	_ =	shalt  }
0x3f: {  	_ =	shalt  }
0x40: {  	_ =	shalt  }
0x41: {  	_ =	shalt  }
0x42: {  	_ =	shalt  }
0x43: {  	_ =	shalt  }
0x44: {  	_ =	shalt  }
0x45: {  	_ =	shalt  }
0x46: {  	_ =	shalt  }
0x47: {  	_ =	shalt  }
0x48: {  	_ =	shalt  }
0x49: {  	_ =	shalt  }
0x4a: {  	_ =	shalt  }
0x4b: {  	_ =	shalt  }
0x4c: {  	_ =	shalt  }
0x4d: {  	_ =	shalt  }
0x4e: {  	_ =	shalt  }
0x4f: {  	_ =	shalt  }
0x50: {  	_ =	shalt  }
0x51: {  	_ =	shalt  }
0x52: {  	_ =	shalt  }
0x53: {  	_ =	shalt  }
0x54: {  	_ =	shalt  }
0x55: {  	_ =	shalt  }
0x56: {  	_ =	shalt  }
0x57: {  	_ =	shalt  }
0x58: {  	_ =	shalt  }
0x59: {  	_ =	shalt  }
0x5a: {  	_ =	shalt  }
0x5b: {  	_ =	shalt  }
0x5c: {  	_ =	shalt  }
0x5d: {  	_ =	shalt  }
0x5e: {  	_ =	shalt  }
0x5f: {  	_ =	shalt  }
0x60: {  	_ =	shalt  }
0x61: {  	_ =	shalt  }
0x62: {  	_ =	shalt  }
0x63: {  	_ =	shalt  }
0x64: {  	_ =	shalt  }
0x65: {  	_ =	shalt  }
0x66: {  	_ =	shalt  }
0x67: {  	_ =	shalt  }
0x68: {  	_ =	shalt  }
0x69: {  	_ =	shalt  }
0x6a: {  	_ =	shalt  }
0x6b: {  	_ =	shalt  }
0x6c: {  	_ =	shalt  }
0x6d: {  	_ =	shalt  }
0x6e: {  	_ =	shalt  }
0x6f: {  	_ =	shalt  }
0x70: {  	_ =	shalt  }
0x71: {  	_ =	shalt  }
0x72: {  	_ =	shalt  }
0x73: {  	_ =	shalt  }
0x74: {  	_ =	shalt  }
0x75: {  	_ =	shalt  }
0x76: {  	_ =	shalt  }
0x77: {  	_ =	shalt  }
0x78: {  	_ =	shalt  }
0x79: {  	_ =	shalt  }
0x7a: {  	_ =	shalt  }
0x7b: {  	_ =	shalt  }
0x7c: {  	_ =	shalt  }
0x7d: {  	_ =	shalt  }
0x7e: {  	_ =	shalt  }
0x7f: {  	_ =	shalt  }
0x80: {  	_ =	shalt  }
0x81: {  	_ =	shalt  }
0x82: {  	_ =	shalt  }
0x83: {  	_ =	shalt  }
0x84: {  	_ =	shalt  }
0x85: {  	_ =	shalt  }
0x86: {  	_ =	shalt  }
0x87: {  	_ =	shalt  }
.Lfunc_end0:
.L_simem_size_0:
called_computation_lowered:
.L_overlay_start_0:
0x88: {  	s2 =	sld [smem:$0x3FD9]  }
0x89: {  	s3 =	sld [smem:$0x3FFE];
	_ =	sdelay $0x1  }
0x8a: {  	s1 =	srdreg.scid  }
0x8b: {  	s0 =	sand.u32 $0x1, s1  }
0x8c: {  	s17 =	sshll.u32 s0, $0xA;
	s2 =	sadd.s32 s3, s2  }
0x8d: {  	s2 =	sadd.s32 s2, s17  }
0x8e: {  	[smem:$0x3FC2] =	sst s2  }
0x8f: {  	_ = 	snop  }
0x90: {  	s2 =	sld [smem:$0x3FC9]  }
0x91: {  	s18 =	sld [smem:$0x3FC8]  }
0x92: {  	s4 =	sld [smem:$0x3FC7]  }
0x93: {  	s5 =	sld [smem:$0x3FC6];
	(tm) =	ssettm $0x1  }
0x94: {  	s6 =	sld [smem:$0x3FFB];
	_ =	sdelay $0x3  }
0x95: {  	_ =	strace s6  }
0x96: {  	s6 =	sld [smem:$0x3FFC];
	_ =	sdelay $0x3  }
0x97: {  	_ =	strace s6  }
0x98: {  	s6 =	sld [smem:$0x3FFD];
	_ =	sdelay $0x3  }
0x99: {  	_ =	strace s6  }
0x9a: {  	_ =	strace $0x8FFFFFFF  }
0x9b: {  	s19 =	sld [smem:$0x3FDB];
	_ =	sdelay $0x1  }
0x9c: {  	s7 =	simm.s32 $_scs_section_size  }
0x9d: {  	s8 =	simm.s32 $_size__tile_overlayer_lowered;
	s9 =	simm.s32 $_tile_overlayer_lowered  }
0x9e: {  	s22 =	simm.s32 $0x1BFF;
	s21 =	sshll.u32 s9, $0x1;
	s6 =	sadd.s32 s7, s19  }
0x9f: {  	s10 =	simm.s32 $0x0;
	s20 =	sshll.u32 s8, $0x1;
	s8 =	sadd.s32 s21, s6  }
0xa0: {  	[timem:s10], [sflag:s22] =	dma.local [hbm:s8], s20  }
0xa1: {  	_ =	swait.ge [sflag:s22], s20  }
0xa2: {  	s7 =	ssub.s32 $0x0, s20;
	[sflag:s22] =	ssyncset.done $0x0  }
0xa3: {  	[sflag:s22] =	ssyncadd.s32 s7;
	_ =	sdelay $0x1  }
0xa4: {  	s23 =	simm.s32 $0x1B8B  }
0xa5: {  	_ =	swait.ge [sflag:s23], $0x1  }
0xa6: {  	[sflag:s23] =	ssyncset.done $0x0  }
0xa7: {  	s25 =	simm.s32 $0x1B8E;
	s24 =	sld [smem:$0x3FFE];
	[sflag:s23] =	ssyncadd.s32 $0xFFFFFFFF  }
0xa8: {  	s26 =	simm.s32 $execute0_lowered;
	[smem:$0x3FD2] =	sst s25  }
0xa9: {  	s8 =	sshll.u32 s26, $0x1;
	_ =	strace $0x80000046;
	[dreg:$0x1] =	wrdreg $0xFFFFFFFF  }
0xaa: {  	s28 =	simm.s32 $_size_execute0_lowered;
	s6 =	sadd.s32 s6, s8;
	[dreg:$0x0] =	wrdreg $0x0  }
0xab: {  	s8 =	sshll.u32 s28, $0x1;
	[dreg:$0x2] =	wrdreg s6  }
0xac: {  	[dreg:$0x3] =	wrdreg s8  }
0xad: {  	[dreg:$0x4] =	wrdreg $0xC0  }
0xae: {  	_ =	task [dreg:s10], $0x5FFFF  }
0xaf: {  	[dreg:$0x1] =	wrdreg $0xFFFFFFFF  }
0xb0: {  	[dreg:$0x0] =	wrdreg $0x60  }
0xb1: {  	[dreg:$0x2] =	wrdreg s2  }
0xb2: {  	[dreg:$0x3] =	wrdreg s18  }
0xb3: {  	[dreg:$0x4] =	wrdreg s4  }
0xb4: {  	[dreg:$0x5] =	wrdreg s5  }
0xb5: {  	[dreg:$0x6] =	wrdreg s24  }
0xb6: {  	[dreg:$0x7] =	wrdreg $0x9  }
0xb7: {  	_ =	task.clear_ibuf [dreg:s10], $0x8FFFF;
	_ =	strace $0x90000046  }
0xb8: {  	s29 =	simm.s32 $0x9;
	_ =	strace $0x80000048  }
0xb9: {  	_ =	swait.ge [sflag:s29], $0x1  }
0xba: {  	[sflag:s29] =	ssyncadd.s32 $0xFFFFFFFF  }
0xbb: {  	_ =	strace $0x90000048  }
0xbc: {  	_ =	sfence  }
0xbd: {  	s30 =	sld [smem:$0x0];
	_ =	sdelay $0x2  }
0xbe: {  	s31 =	sshll.u32 s1, $0xD;
	s1 =	sshrl.u32 s1, $0x2  }
0xbf: {  	s3 =	sand.u32 $0x4000, s31;
	s1 =	sadd.s32 s1, s30  }
0xc0: {  	s0 =	sor.u32 s3, s0;
	s1 =	sshll.u32 s1, $0x11  }
0xc1: {  	s0 =	sor.u32 s1, s0  }
0xc2: {  	s0 =	sadd.s32 $0x8F2B, s0  }
0xc3: {  	[sflag:s0] =	ssyncadd.remote.s32 $0x1  }
0xc4: {  	_ =	sfence.sel $0xFFFF  }
0xc5: {  	[dreg:$0x0] =	wrdreg $0xFFFFFFFF;
	(pc) =	sbr.abs _section_cstart, $3  }
0xc6: {  	[dreg:$0x1] =	wrdreg $0xFFFFFFFF  }
0xc7: {  	_ =	task.clear_ibuf [dreg:s10], $0x2FFFF;
	_ =	strace $0x9FFFFFFF  }
0xc8: {  	(tm) =	ssettm $0x7FFFFFFF  }
0xc9: {  	_ =	shalt  }
tec
execute0_lowered:
.L_overlay_start_1:
0x0: {  	(tag) =	ssettag $0x1  }
0x1: {  	s0 =	rddreg [dreg:$0x0]  }
0x2: {  	s2 =	rddreg [dreg:$0x1]  }
0x3: {  	s1 =	rddreg [dreg:$0x2]  }
0x4: {  	s3 =	rddreg [dreg:$0x3];
	v0 =	vimm.s32 $0xFEDCBA98  }
0x5: {  	s5 =	rddreg [dreg:$0x4];
	s4 =	srdreg.scid;
	v1 =	vimm.s32 $0x76543210;
	v2 =	vimm.s32 $0xBA98FEDC;
	v3 =	vimm.s32 $0x32107654  }
0x6: {  	s7 =	stileid.u32;
	v4 =	vimm.s32 $0xDCFE98BA;
	s11 =	simm.s32 $0x4400;
	s14 =	simm.s32 $0x5;
	v5 =	vimm.s32 $0x54761032  }
0x7: {  	s15 =	simm.s32 $0x40;
	v6 =	vimm.s32 $0xEFCDAB89;
	v7 =	vimm.s32 $0x67452301;
	s16 =	simm.s32 $0x6400;
	s18 =	simm.s32 $0x8400  }
0x8: {  	s20 =	simm.s32 $0xA400;
	s22 =	simm.s32 $0xC400;
	s24 =	simm.s32 $0xE400;
	v0 =	vunpack.c.l.s4.s8 v0;
	v1 =	vunpack.c.l.s4.s8 v1;
	v2 =	vunpack.c.l.s4.s8 v2  }
0x9: {  	s25 =	simm.s32 $0x1;
	s26 =	simm.s32 $0x10400;
	s30 =	simm.s32 $0x2;
	v3 =	vunpack.c.l.s4.s8 v3;
	v4 =	vunpack.c.l.s4.s8 v4;
	v5 =	vunpack.c.l.s4.s8 v5  }
0xa: {  	s19 =	simm.s32 $0x4;
	s21 =	simm.s32 $0x1C0;
	s23 =	simm.s32 $0x3C0;
	v6 =	vunpack.c.l.s4.s8 v6;
	v7 =	vunpack.c.l.s4.s8 v7;
	v0 =	vunpack.c.0.s8.s32 v0  }
0xb: {  	s28 =	simm.s32 $0x12400;
	s29 =	simm.s32 $0x0;
	s6 =	sand.u32 $0x1, s4;
	v2 =	vunpack.c.0.s8.s32 v2;
	v3 =	vunpack.c.0.s8.s32 v3;
	v4 =	vunpack.c.0.s8.s32 v4  }
0xc: {  	s4 =	simm.s32 $0x0;
	s7 =	sshll.u32 s7, $0x7;
	s8 =	sshll.u32 s6, $0x6;
	v5 =	vunpack.c.0.s8.s32 v5;
	v6 =	vunpack.c.0.s8.s32 v6;
	v7 =	vunpack.c.0.s8.s32 v7  }
0xd: {  	[smem:$0x7FF] =	sst s4;
	s31 =	ssub.s32 $0x2, s6;
	s6 =	simm.s32 $0x200;
	v1 =	vunpack.c.0.s8.s32 v1;
	v0 =	vand.u32 $0xF, v0;
	v2 =	vcombine.low v3, v2  }
0xe: {  	s9 =	sor.u32 s8, s7;
	_ =	strace $0x80000047;
	s10 =	sshrl.u32 s31, $0x1;
	v3 =	vcombine.low v5, v4;
	v4 =	vcombine.low v7, v6;
	v5 =	vlaneseq.u32  }
0xf: {  	s7 =	simm.s32 $0x400;
	s5 =	sadd.s32 s9, s5;
	s12 =	ssub.s32 s31, s10;
	v0 =	vcombine.low v0, v1;
	v1 =	vmul.u32 $0x81, v5  }
0x10: {  	s8 =	sadd.s32 s0, s9;
	s9 =	sadd.s32 s2, s9;
	s10 =	simm.s32 $0x2400;
	v2 =	vand.u32 $0xF, v2;
	v3 =	vand.u32 $0xF, v3;
	v4 =	vand.u32 $0xF, v4  }
0x11: {  	s2 =	simm.s32 $0x3;
	s5 =	sadd.s32 $0x400, s5;
	s13 =	smax.u32 s12, $0x1;
	v5 =	vor.u32 $0x800, v1;
	v6 =	vor.u32 $0x1000, v1;
	v7 =	vor.u32 $0x1800, v1  }
.LBB2_1:
0x12: {  	[tilespmem:s4], [sflag:$0x5] =	stream.linear.gather [hbm4b:s8+s4], $0x200, $0x38;
	[tilespmem:$0x12600] =	vst v63  }
0x13: {  	_ =	swait.ge [sflag:s14], $0x200  }
0x14: {  	[sflag:s14] =	ssyncset.done $0x0  }
0x15: {  	[sflag:s14] =	ssyncadd.s32 $0xFFFFFE00  }
0x16: {  	[tilespmem:s6], [sflag:$0x5] =	stream.linear.gather [hbm4b:s9+s4], $0x200, $0x38;
	[tilespmem:$0x12600] =	vst v63  }
0x17: {  	_ =	swait.ge [sflag:s14], $0x200  }
0x18: {  	[sflag:s14] =	ssyncset.done $0x0  }
0x19: {  	[sflag:s14] =	ssyncadd.s32 $0xFFFFFE00  }
0x1a: {  	[tilespmem:s7], [sflag:$0x1] =	stream.indirect.gather [hbm4b:s1+s15], $0x80, s4, s15, $0xb8;
	[tilespmem:$0x12600] =	vst v63  }
0x1b: {  	_ = 	snop  }
0x1c: {  	[tilespmem:s10], [sflag:$0x1] =	stream.indirect.gather [hbm4b:s3+s15], $0x80, s6, s15, $0xb8;
	[tilespmem:$0x12600] =	vst v63  }
0x1d: {  	_ = 	snop  }
0x1e: {  	[tilespmem:s11], [sflag:$0x2] =	stream.indirect.gather [hbm4b:s1+s15], $0x80, s15, s15, $0xb8;
	[tilespmem:$0x12600] =	vst v63  }
0x1f: {  	s0 =	simm.s32 $0x240  }
0x20: {  	[tilespmem:s16], [sflag:$0x2] =	stream.indirect.gather [hbm4b:s3+s15], $0x80, s0, s15, $0xb8;
	[tilespmem:$0x12600] =	vst v63  }
0x21: {  	s12 =	simm.s32 $0x80  }
0x22: {  	[tilespmem:s18], [sflag:$0x3] =	stream.indirect.gather [hbm4b:s1+s15], $0x80, s12, s15, $0xb8;
	[tilespmem:$0x12600] =	vst v63  }
0x23: {  	s17 =	simm.s32 $0x280  }
0x24: {  	[tilespmem:s20], [sflag:$0x3] =	stream.indirect.gather [hbm4b:s3+s15], $0x80, s17, s15, $0xb8;
	[tilespmem:$0x12600] =	vst v63  }
0x25: {  	s12 =	simm.s32 $0xC0  }
0x26: {  	[tilespmem:s22], [sflag:$0x4] =	stream.indirect.gather [hbm4b:s1+s15], $0x80, s12, s15, $0xb8;
	[tilespmem:$0x12600] =	vst v63  }
0x27: {  	s17 =	simm.s32 $0x2C0  }
0x28: {  	[tilespmem:s24], [sflag:$0x4] =	stream.indirect.gather [hbm4b:s3+s15], $0x80, s17, s15, $0xb8;
	[tilespmem:$0x12600] =	vst v63  }
0x29: {  	_ =	swait.ge [sflag:s25], $0x2000  }
0x2a: {  	[sflag:s25] =	ssyncset.done $0x0  }
0x2b: {  	[sflag:s25] =	ssyncadd.s32 $0xFFFFE000  }
0x2c: {  	_ =	swait.ge [sflag:s25], $0x2000  }
0x2d: {  	[sflag:s25] =	ssyncset.done $0x0  }
0x2e: {  	s17 =	simm.s32 $0x500;
	[sflag:s25] =	ssyncadd.s32 $0xFFFFE000  }
0x2f: {  	s31 =	simm.s32 $0x2500;
	v9 =	vld [tilespmem:s17+$0x80]  }
0x30: {  	v10 =	vld [tilespmem:s31+$0x80]  }
0x31: {  	v11 =	vld [tilespmem:s17+$0x90]  }
0x32: {  	v12 =	vld [tilespmem:s31+$0x90]  }
0x33: {  	v13 =	vld [tilespmem:s17+$0xA0]  }
0x34: {  	v14 =	vld [tilespmem:s31+$0xA0]  }
0x35: {  	v15 =	vld [tilespmem:s17+$0xB0]  }
0x36: {  	v16 =	vld [tilespmem:s31+$0xB0]  }
0x37: {  	v17 =	vld [tilespmem:s17+$0xC0]  }
0x38: {  	v18 =	vld [tilespmem:s31+$0xC0]  }
0x39: {  	v19 =	vld [tilespmem:s17+$0xD0]  }
0x3a: {  	v20 =	vld [tilespmem:s31+$0xD0]  }
0x3b: {  	v21 =	vld [tilespmem:s17+$0xE0]  }
0x3c: {  	v22 =	vld [tilespmem:s31+$0xE0]  }
0x3d: {  	v23 =	vld [tilespmem:s17+$0xF0]  }
0x3e: {  	v24 =	vld [tilespmem:s31+$0xF0]  }
0x3f: {  	v8 =	vld [tilespmem:s31+$0xFFFFFF00]  }
0x40: {  	v25 =	vld [tilespmem:s17+$0xFFFFFF10]  }
0x41: {  	v26 =	vld [tilespmem:s31+$0xFFFFFF10]  }
0x42: {  	v27 =	vld [tilespmem:s17+$0xFFFFFF20]  }
0x43: {  	v29 =	vld [tilespmem:s17+$0xFFFFFF30]  }
0x44: {  	v30 =	vld [tilespmem:s31+$0xFFFFFF30]  }
0x45: {  	v31 =	vld [tilespmem:s17+$0xFFFFFF40]  }
0x46: {  	v32 =	vld [tilespmem:s31+$0xFFFFFF40]  }
0x47: {  	v33 =	vld [tilespmem:s17+$0xFFFFFF50]  }
0x48: {  	v34 =	vld [tilespmem:s31+$0xFFFFFF50]  }
0x49: {  	v35 =	vld [tilespmem:s17+$0xFFFFFF60]  }
0x4a: {  	v36 =	vld [tilespmem:s31+$0xFFFFFF60]  }
0x4b: {  	v37 =	vld [tilespmem:s17+$0xFFFFFF70]  }
0x4c: {  	v38 =	vld [tilespmem:s31+$0xFFFFFF70]  }
0x4d: {  	v39 =	vld [tilespmem:s17+$0xFFFFFF80]  }
0x4e: {  	v40 =	vld [tilespmem:s31+$0xFFFFFF80]  }
0x4f: {  	v41 =	vld [tilespmem:s17+$0xFFFFFF90]  }
0x50: {  	v55 =	vld [tilespmem:s17+$0x0]  }
0x51: {  	v9 =	vmul.f32 v10, v9;
	v10 =	vmul.f32 v12, v11;
	v11 =	vld [tilespmem:s31+$0xFFFFFF90]  }
0x52: {  	v12 =	vmul.f32 v14, v13;
	v14 =	vld [tilespmem:s17+$0xFFFFFFA0]  }
0x53: {  	v13 =	vmul.f32 v16, v15;
	v15 =	vmul.f32 v18, v17;
	v17 =	vld [tilespmem:s31+$0xFFFFFFA0]  }
0x54: {  	v16 =	vmul.f32 v20, v19;
	v20 =	vld [tilespmem:s17+$0xFFFFFFB0]  }
0x55: {  	v18 =	vmul.f32 v22, v21;
	v22 =	vld [tilespmem:s17+$0xFFFFFFF0]  }
0x56: {  	v19 =	vmul.f32 v24, v23;
	v23 =	vld [tilespmem:s31+$0xFFFFFFF0]  }
0x57: {  	v9 =	vadd.f32 v10, v9;
	v10 =	vadd.f32 v13, v12;
	v12 =	vld [tilespmem:s31+$0xFFFFFFB0]  }
0x58: {  	v13 =	vadd.f32 v16, v15;
	v15 =	vadd.f32 v19, v18;
	v16 =	vld [tilespmem:s17+$0xFFFFFFC0]  }
0x59: {  	v18 =	vld [tilespmem:s31+$0xFFFFFFC0]  }
0x5a: {  	v19 =	vld [tilespmem:s31+$0xFFFFFFE0];
	v9 =	vadd.f32 v10, v9;
	v10 =	vadd.f32 v15, v13  }
0x5b: {  	v13 =	vld [tilespmem:s17+$0xFFFFFFD0]  }
0x5c: {  	v15 =	vld [tilespmem:s31+$0xFFFFFFD0];
	v9 =	vadd.f32 v10, v9  }
0x5d: {  	v57 =	vmul.f32 v34, v33;
	v10 =	vld [tilespmem:s17+$0xFFFFFFE0]  }
0x5e: {  	v14 =	vmul.f32 v17, v14;
	v17 =	vld [tilespmem:s31+$0x0];
	v21 =	vperm.xlane v9, v0  }
0x5f: {  	v11 =	vmul.f32 v11, v41;
	v12 =	vmul.f32 v12, v20;
	v20 =	vld [tilespmem:s17+$0x10]  }
0x60: {  	v16 =	vmul.f32 v18, v16;
	v18 =	vmul.f32 v23, v22;
	v23 =	vld [tilespmem:s31+$0x30];
	v9 =	vadd.f32 v9, v21  }
0x61: {  	v13 =	vmul.f32 v15, v13;
	v15 =	vld [tilespmem:s31+$0x10];
	v21 =	vmul.f32 v40, v39  }
0x62: {  	v12 =	vadd.f32 v12, v14;
	v14 =	vld [tilespmem:s31+$0x20];
	v10 =	vmul.f32 v19, v10;
	v56 =	vperm.xlane v9, v2  }
0x63: {  	v58 =	vmul.f32 v38, v37;
	v19 =	vld [tilespmem:s17+$0x20];
	v13 =	vadd.f32 v13, v16;
	v11 =	vadd.f32 v11, v21  }
0x64: {  	v61 =	vmul.f32 v30, v29;
	v16 =	vld [tilespmem:s17+$0x30];
	v10 =	vadd.f32 v18, v10;
	v9 =	vadd.f32 v9, v56  }
0x65: {  	v28 =	vld [tilespmem:s31+$0xFFFFFF20];
	v17 =	vmul.f32 v17, v55;
	v18 =	vmul.f32 v32, v31  }
0x66: {  	v59 =	vld [tilespmem:s17+$0x50];
	v11 =	vadd.f32 v12, v11;
	v10 =	vadd.f32 v10, v13;
	v22 =	vperm.xlane v9, v3  }
0x67: {  	v60 =	vld [tilespmem:s31+$0x50];
	v12 =	vmul.f32 v36, v35;
	v15 =	vmul.f32 v15, v20  }
0x68: {  	v13 =	vld [tilespmem:s17+$0x40];
	v19 =	vmul.f32 v14, v19;
	v10 =	vadd.f32 v10, v11;
	v9 =	vadd.f32 v9, v22  }
0x69: {  	v20 =	vadd.f32 v58, v12;
	v23 =	vmul.f32 v23, v16;
	v11 =	vadd.f32 v57, v18;
	v22 =	vld [tilespmem:s31+$0x40]  }
0x6a: {  	v14 =	vld [tilespmem:s17+$0x60];
	v63 =	vadd.f32 v15, v17;
	v12 =	vperm.xlane v10, v0;
	v18 =	vperm.xlane v9, v4  }
0x6b: {  	v21 =	vmul.f32 v28, v27;
	v16 =	vld [tilespmem:s31+$0x60];
	v23 =	vadd.f32 v23, v19;
	v11 =	vadd.f32 v20, v11  }
0x6c: {  	v15 =	vld [tilespmem:s17+$0x70];
	v12 =	vadd.f32 v10, v12;
	v62 =	vadd.f32 v9, v18  }
0x6d: {  	s0 =	simm.s32 $0x10500;
	v10 =	vadd.f32 v61, v21;
	v21 =	vmul.f32 v60, v59;
	v9 =	vmul.f32 v26, v25;
	v18 =	vld [tilespmem:s31+$0x70]  }
0x6e: {  	s12 =	simm.s32 $0x0;
	v20 =	vld [tilespmem:s17+$0xFFFFFF00];
	s17 =	simm.s32 $0x700;
	v17 =	vmul.f32 v22, v13;
	v19 =	vperm.xlane v12, v2;
	v13 =	vadd.f32 v23, v63;
	[tilespmem:s0+$0x80] =	vst v62  }
.LBB2_2:
0x6f: {  	v22 =	vld [tilespmem:s17+$0x80];
	s31 =	sadd.s32 $0x200, s31  }
0x70: {  	v23 =	vld [tilespmem:s31+$0x80];
	v12 =	vadd.f32 v12, v19;
	v14 =	vmul.f32 v16, v14;
	v16 =	vadd.f32 v21, v17  }
0x71: {  	v17 =	vld [tilespmem:s17+$0x90]  }
0x72: {  	v19 =	vld [tilespmem:s31+$0x90];
	v21 =	vperm.xlane v12, v3;
	v15 =	vmul.f32 v18, v15  }
0x73: {  	v18 =	vld [tilespmem:s17+$0xA0];
	v8 =	vmul.f32 v8, v20  }
0x74: {  	v20 =	vld [tilespmem:s31+$0xA0];
	v12 =	vadd.f32 v12, v21;
	v14 =	vadd.f32 v15, v14  }
0x75: {  	v15 =	vld [tilespmem:s17+$0xB0];
	v8 =	vadd.f32 v9, v8  }
0x76: {  	v9 =	vld [tilespmem:s31+$0xB0];
	v21 =	vperm.xlane v12, v4;
	v14 =	vadd.f32 v14, v16  }
0x77: {  	v16 =	vld [tilespmem:s17+$0xC0];
	v8 =	vadd.f32 v10, v8  }
0x78: {  	v10 =	vld [tilespmem:s31+$0xC0];
	v12 =	vadd.f32 v12, v21;
	v13 =	vadd.f32 v14, v13  }
0x79: {  	v14 =	vld [tilespmem:s17+$0xD0];
	v8 =	vadd.f32 v11, v8  }
0x7a: {  	v11 =	vld [tilespmem:s31+$0xD0];
	[tilespmem:s0+$0xFFFFFF80] =	vst v12;
	v12 =	vperm.xlane v13, v0  }
0x7b: {  	v21 =	vld [tilespmem:s17+$0xE0];
	v24 =	vperm.xlane v8, v0  }
0x7c: {  	v25 =	vld [tilespmem:s31+$0xE0];
	v12 =	vadd.f32 v13, v12  }
0x7d: {  	v13 =	vld [tilespmem:s17+$0xF0];
	v24 =	vadd.f32 v8, v24  }
0x7e: {  	s12 =	sadd.s32 $0x4, s12;
	v26 =	vld [tilespmem:s31+$0xF0];
	v27 =	vperm.xlane v12, v2  }
0x7f: {  	p0 =	slt.u32 s12, $0x3C;
	v8 =	vld [tilespmem:s31+$0xFFFFFF00];
	v28 =	vperm.xlane v24, v2  }
0x80: {  	v22 =	vmul.f32 v23, v22;
	v17 =	vmul.f32 v19, v17;
	v29 =	vld [tilespmem:s17+$0xFFFFFF10];
	v12 =	vadd.f32 v12, v27  }
0x81: {  	v18 =	vmul.f32 v20, v18;
	v9 =	vmul.f32 v9, v15;
	v19 =	vld [tilespmem:s31+$0xFFFFFF10];
	v15 =	vadd.f32 v24, v28  }
0x82: {  	v10 =	vmul.f32 v10, v16;
	v11 =	vmul.f32 v11, v14;
	v20 =	vld [tilespmem:s17+$0xFFFFFF20]  }
0x83: {  	v16 =	vmul.f32 v25, v21;
	v14 =	vld [tilespmem:s31+$0xFFFFFF20];
	v13 =	vmul.f32 v26, v13  }
0x84: {  	v17 =	vadd.f32 v17, v22;
	v18 =	vadd.f32 v9, v18;
	v22 =	vperm.xlane v15, v3;
	v21 =	vld [tilespmem:s17+$0xFFFFFF30]  }
0x85: {  	v10 =	vadd.f32 v11, v10;
	v23 =	vld [tilespmem:s31+$0xFFFFFF30];
	v11 =	vadd.f32 v13, v16;
	v13 =	vperm.xlane v12, v3  }
0x86: {  	v15 =	vadd.f32 v15, v22;
	v9 =	vmul.f32 v19, v29;
	v16 =	vld [tilespmem:s17+$0xFFFFFF40]  }
0x87: {  	v17 =	vadd.f32 v18, v17;
	v19 =	vld [tilespmem:s31+$0xFFFFFF40];
	v10 =	vadd.f32 v11, v10  }
0x88: {  	v18 =	vperm.xlane v15, v4;
	v12 =	vadd.f32 v12, v13;
	v11 =	vmul.f32 v14, v20;
	v14 =	vld [tilespmem:s17+$0xFFFFFF50]  }
0x89: {  	v13 =	vld [tilespmem:s31+$0xFFFFFF50];
	v17 =	vadd.f32 v10, v17  }
0x8a: {  	v15 =	vadd.f32 v15, v18;
	v18 =	vperm.xlane v12, v4;
	v10 =	vmul.f32 v23, v21;
	v20 =	vld [tilespmem:s17+$0xFFFFFF60]  }
0x8b: {  	v21 =	vld [tilespmem:s31+$0xFFFFFF60];
	v22 =	vperm.xlane v17, v0  }
0x8c: {  	v16 =	vmul.f32 v19, v16;
	v19 =	vld [tilespmem:s17+$0xFFFFFF70];
	v10 =	vadd.f32 v10, v11;
	[tilespmem:s0+$0xFFFFFF00] =	vst v15;
	v11 =	vadd.f32 v12, v18  }
0x8d: {  	v12 =	vld [tilespmem:s31+$0xFFFFFF70];
	v15 =	vadd.f32 v17, v22  }
0x8e: {  	v13 =	vmul.f32 v13, v14;
	v14 =	vld [tilespmem:s17+$0xFFFFFF80];
	[tilespmem:s0+$0x0] =	vst v11  }
0x8f: {  	v11 =	vld [tilespmem:s31+$0xFFFFFF80];
	v17 =	vperm.xlane v15, v2  }
0x90: {  	v18 =	vmul.f32 v21, v20;
	v13 =	vadd.f32 v13, v16;
	v16 =	vld [tilespmem:s17+$0xFFFFFF90]  }
0x91: {  	v20 =	vld [tilespmem:s31+$0xFFFFFF90];
	v15 =	vadd.f32 v15, v17  }
0x92: {  	v12 =	vmul.f32 v12, v19;
	v17 =	vld [tilespmem:s17+$0xFFFFFFA0]  }
0x93: {  	v19 =	vld [tilespmem:s31+$0xFFFFFFA0];
	v21 =	vperm.xlane v15, v3  }
0x94: {  	v12 =	vadd.f32 v12, v18;
	v14 =	vmul.f32 v11, v14;
	v18 =	vld [tilespmem:s17+$0xFFFFFFB0]  }
0x95: {  	v22 =	vld [tilespmem:s31+$0xFFFFFFB0];
	v15 =	vadd.f32 v15, v21  }
0x96: {  	v11 =	vadd.f32 v12, v13;
	v12 =	vmul.f32 v20, v16;
	v13 =	vld [tilespmem:s17+$0xFFFFFFC0]  }
0x97: {  	v16 =	vld [tilespmem:s31+$0xFFFFFFC0];
	v20 =	vperm.xlane v15, v4  }
0x98: {  	v17 =	vmul.f32 v19, v17;
	v19 =	vld [tilespmem:s17+$0xFFFFFFD0];
	v12 =	vadd.f32 v12, v14  }
0x99: {  	v14 =	vld [tilespmem:s31+$0xFFFFFFD0];
	v15 =	vadd.f32 v15, v20  }
0x9a: {  	s0 =	sadd.s32 $0x200, s0;
	v18 =	vmul.f32 v22, v18;
	v20 =	vld [tilespmem:s17+$0xFFFFFFE0]  }
0x9b: {  	v21 =	vld [tilespmem:s31+$0xFFFFFFE0];
	[tilespmem:s0+$0x80] =	vst v15  }
0x9c: {  	v13 =	vmul.f32 v16, v13;
	v15 =	vld [tilespmem:s17+$0xFFFFFFF0];
	v16 =	vadd.f32 v18, v17  }
0x9d: {  	v17 =	vld [tilespmem:s31+$0xFFFFFFF0]  }
0x9e: {  	v14 =	vmul.f32 v14, v19;
	v12 =	vadd.f32 v16, v12;
	v16 =	vld [tilespmem:s17+$0x0]  }
0x9f: {  	v18 =	vld [tilespmem:s31+$0x0]  }
0xa0: {  	v19 =	vmul.f32 v21, v20;
	v13 =	vadd.f32 v14, v13;
	v14 =	vld [tilespmem:s17+$0x10]  }
0xa1: {  	v20 =	vld [tilespmem:s31+$0x10]  }
0xa2: {  	v15 =	vmul.f32 v17, v15;
	v17 =	vld [tilespmem:s17+$0x20]  }
0xa3: {  	v21 =	vld [tilespmem:s31+$0x20]  }
0xa4: {  	v15 =	vadd.f32 v15, v19;
	v16 =	vmul.f32 v18, v16;
	v18 =	vld [tilespmem:s17+$0x30]  }
0xa5: {  	v19 =	vld [tilespmem:s31+$0x30]  }
0xa6: {  	v13 =	vadd.f32 v15, v13;
	v14 =	vmul.f32 v20, v14;
	v15 =	vld [tilespmem:s17+$0x40]  }
0xa7: {  	v20 =	vld [tilespmem:s31+$0x40]  }
0xa8: {  	v12 =	vadd.f32 v13, v12;
	v13 =	vmul.f32 v21, v17;
	v21 =	vld [tilespmem:s17+$0x50];
	v22 =	vadd.f32 v14, v16  }
0xa9: {  	v23 =	vld [tilespmem:s31+$0x50]  }
.Ltmp0:
0xaa: {  	v17 =	vperm.xlane v12, v0;
	v18 =	vmul.f32 v19, v18;
	v14 =	vld [tilespmem:s17+$0x60];
	(pc) =	sbr.rel @p0 .LBB2_2-.Ltmp0, $4  }
0xab: {  	v16 =	vld [tilespmem:s31+$0x60]  }
0xac: {  	v12 =	vadd.f32 v12, v17;
	v17 =	vmul.f32 v20, v15;
	v15 =	vld [tilespmem:s17+$0x70];
	v13 =	vadd.f32 v18, v13  }
0xad: {  	v18 =	vld [tilespmem:s31+$0x70]  }
0xae: {  	v20 =	vld [tilespmem:s17+$0xFFFFFF00];
	v19 =	vperm.xlane v12, v2;
	v21 =	vmul.f32 v23, v21;
	v13 =	vadd.f32 v13, v22;
	s17 =	sadd.s32 $0x200, s17  }
0xaf: {  	_ =	sdelay $0x3  }
0xb0: {  	v8 =	vmul.f32 v8, v20  }
0xb1: {  	v14 =	vmul.f32 v16, v14;
	v15 =	vmul.f32 v18, v15  }
0xb2: {  	v8 =	vadd.f32 v9, v8  }
0xb3: {  	v14 =	vadd.f32 v15, v14;
	v9 =	vadd.f32 v21, v17  }
0xb4: {  	v8 =	vadd.f32 v10, v8  }
0xb5: {  	v9 =	vadd.f32 v14, v9  }
0xb6: {  	v8 =	vadd.f32 v11, v8  }
0xb7: {  	v9 =	vadd.f32 v9, v13  }
0xb8: {  	v10 =	vperm.xlane v8, v0  }
0xb9: {  	v11 =	vperm.xlane v9, v0  }
0xba: {  	v8 =	vadd.f32 v8, v10  }
0xbb: {  	v9 =	vadd.f32 v9, v11  }
0xbc: {  	v10 =	vperm.xlane v8, v2  }
0xbd: {  	v11 =	vadd.f32 v12, v19;
	v12 =	vperm.xlane v9, v2  }
0xbe: {  	v8 =	vadd.f32 v8, v10  }
0xbf: {  	v10 =	vperm.xlane v11, v3;
	v9 =	vadd.f32 v9, v12  }
0xc0: {  	v12 =	vperm.xlane v8, v3  }
0xc1: {  	v10 =	vadd.f32 v11, v10;
	v11 =	vperm.xlane v9, v3  }
0xc2: {  	v8 =	vadd.f32 v8, v12  }
0xc3: {  	v12 =	vperm.xlane v10, v4;
	v9 =	vadd.f32 v9, v11  }
0xc4: {  	v11 =	vperm.xlane v8, v4  }
0xc5: {  	v10 =	vadd.f32 v10, v12;
	v12 =	vperm.xlane v9, v4  }
0xc6: {  	v8 =	vadd.f32 v8, v11  }
0xc7: {  	[tilespmem:s0+$0xFFFFFF80] =	vst v10;
	v9 =	vadd.f32 v9, v12  }
0xc8: {  	[tilespmem:s0+$0xFFFFFF00] =	vst v8  }
0xc9: {  	[tilespmem:s0+$0x0] =	vst v9  }
0xca: {  	v8 =	vld.idx.msk [tilespmem:v1+s26+$0x0], $0xffff;
	_ =	sdelay $0x4  }
0xcb: {  	[tilespmem:$0x12400] =	vst v8  }
0xcc: {  	v8 =	vld.idx.msk [tilespmem:v5+s26+$0x0], $0xffff;
	_ =	sdelay $0x4  }
0xcd: {  	[tilespmem:$0x12410] =	vst v8  }
0xce: {  	v8 =	vld.idx.msk [tilespmem:v6+s26+$0x0], $0xffff;
	_ =	sdelay $0x4  }
0xcf: {  	[tilespmem:$0x12420] =	vst v8  }
0xd0: {  	v8 =	vld.idx.msk [tilespmem:v7+s26+$0x0], $0xffff;
	_ =	sdelay $0x4  }
0xd1: {  	s12 =	simm.s32 $0x100;
	[tilespmem:$0x12430] =	vst v8  }
0xd2: {  	[tilespmem:s7], [sflag:$0x1] =	stream.indirect.gather [hbm4b:s1+s15], $0x80, s12, s15, $0xb8;
	[tilespmem:$0x12600] =	vst v63  }
0xd3: {  	s17 =	simm.s32 $0x300  }
0xd4: {  	[tilespmem:s10], [sflag:$0x1] =	stream.indirect.gather [hbm4b:s3+s15], $0x80, s17, s15, $0xb8;
	[tilespmem:$0x12600] =	vst v63  }
0xd5: {  	_ =	swait.ge [sflag:s30], $0x2000  }
0xd6: {  	[sflag:s30] =	ssyncset.done $0x0  }
0xd7: {  	[sflag:s30] =	ssyncadd.s32 $0xFFFFE000  }
0xd8: {  	_ =	swait.ge [sflag:s30], $0x2000  }
0xd9: {  	[sflag:s30] =	ssyncset.done $0x0  }
0xda: {  	s17 =	simm.s32 $0x4500;
	[sflag:s30] =	ssyncadd.s32 $0xFFFFE000  }
0xdb: {  	s31 =	simm.s32 $0x6500;
	v9 =	vld [tilespmem:s17+$0x80]  }
0xdc: {  	v10 =	vld [tilespmem:s31+$0x80]  }
0xdd: {  	v11 =	vld [tilespmem:s17+$0x90]  }
0xde: {  	v12 =	vld [tilespmem:s31+$0x90]  }
0xdf: {  	v13 =	vld [tilespmem:s17+$0xA0]  }
0xe0: {  	v14 =	vld [tilespmem:s31+$0xA0]  }
0xe1: {  	v15 =	vld [tilespmem:s17+$0xB0]  }
0xe2: {  	v16 =	vld [tilespmem:s31+$0xB0]  }
0xe3: {  	v17 =	vld [tilespmem:s17+$0xC0]  }
0xe4: {  	v18 =	vld [tilespmem:s31+$0xC0]  }
0xe5: {  	v19 =	vld [tilespmem:s17+$0xD0]  }
0xe6: {  	v20 =	vld [tilespmem:s31+$0xD0]  }
0xe7: {  	v21 =	vld [tilespmem:s17+$0xE0]  }
0xe8: {  	v22 =	vld [tilespmem:s31+$0xE0]  }
0xe9: {  	v23 =	vld [tilespmem:s17+$0xF0]  }
0xea: {  	v24 =	vld [tilespmem:s31+$0xF0]  }
0xeb: {  	v8 =	vld [tilespmem:s31+$0xFFFFFF00]  }
0xec: {  	v25 =	vld [tilespmem:s17+$0xFFFFFF10]  }
0xed: {  	v26 =	vld [tilespmem:s31+$0xFFFFFF10]  }
0xee: {  	v27 =	vld [tilespmem:s17+$0xFFFFFF20]  }
0xef: {  	v29 =	vld [tilespmem:s17+$0xFFFFFF30]  }
0xf0: {  	v30 =	vld [tilespmem:s31+$0xFFFFFF30]  }
0xf1: {  	v31 =	vld [tilespmem:s17+$0xFFFFFF40]  }
0xf2: {  	v32 =	vld [tilespmem:s31+$0xFFFFFF40]  }
0xf3: {  	v33 =	vld [tilespmem:s17+$0xFFFFFF50]  }
0xf4: {  	v34 =	vld [tilespmem:s31+$0xFFFFFF50]  }
0xf5: {  	v35 =	vld [tilespmem:s17+$0xFFFFFF60]  }
0xf6: {  	v36 =	vld [tilespmem:s31+$0xFFFFFF60]  }
0xf7: {  	v37 =	vld [tilespmem:s17+$0xFFFFFF70]  }
0xf8: {  	v38 =	vld [tilespmem:s31+$0xFFFFFF70]  }
0xf9: {  	v39 =	vld [tilespmem:s17+$0xFFFFFF80]  }
0xfa: {  	v40 =	vld [tilespmem:s31+$0xFFFFFF80]  }
0xfb: {  	v41 =	vld [tilespmem:s17+$0xFFFFFF90]  }
0xfc: {  	v55 =	vld [tilespmem:s17+$0x0]  }
0xfd: {  	v9 =	vmul.f32 v10, v9;
	v10 =	vmul.f32 v12, v11;
	v11 =	vld [tilespmem:s31+$0xFFFFFF90]  }
0xfe: {  	v12 =	vmul.f32 v14, v13;
	v14 =	vld [tilespmem:s17+$0xFFFFFFA0]  }
0xff: {  	v13 =	vmul.f32 v16, v15;
	v15 =	vmul.f32 v18, v17;
	v17 =	vld [tilespmem:s31+$0xFFFFFFA0]  }
0x100: {  	v16 =	vmul.f32 v20, v19;
	v20 =	vld [tilespmem:s17+$0xFFFFFFB0]  }
0x101: {  	v18 =	vmul.f32 v22, v21;
	v22 =	vld [tilespmem:s17+$0xFFFFFFF0]  }
0x102: {  	v19 =	vmul.f32 v24, v23;
	v23 =	vld [tilespmem:s31+$0xFFFFFFF0]  }
0x103: {  	v9 =	vadd.f32 v10, v9;
	v10 =	vadd.f32 v13, v12;
	v12 =	vld [tilespmem:s31+$0xFFFFFFB0]  }
0x104: {  	v13 =	vadd.f32 v16, v15;
	v15 =	vadd.f32 v19, v18;
	v16 =	vld [tilespmem:s17+$0xFFFFFFC0]  }
0x105: {  	v18 =	vld [tilespmem:s31+$0xFFFFFFC0]  }
0x106: {  	v19 =	vld [tilespmem:s31+$0xFFFFFFE0];
	v9 =	vadd.f32 v10, v9;
	v10 =	vadd.f32 v15, v13  }
0x107: {  	v13 =	vld [tilespmem:s17+$0xFFFFFFD0]  }
0x108: {  	v15 =	vld [tilespmem:s31+$0xFFFFFFD0];
	v9 =	vadd.f32 v10, v9  }
0x109: {  	v57 =	vmul.f32 v34, v33;
	v10 =	vld [tilespmem:s17+$0xFFFFFFE0]  }
0x10a: {  	v14 =	vmul.f32 v17, v14;
	v17 =	vld [tilespmem:s31+$0x0];
	v21 =	vperm.xlane v9, v0  }
0x10b: {  	v11 =	vmul.f32 v11, v41;
	v12 =	vmul.f32 v12, v20;
	v20 =	vld [tilespmem:s17+$0x10]  }
0x10c: {  	v16 =	vmul.f32 v18, v16;
	v18 =	vmul.f32 v23, v22;
	v23 =	vld [tilespmem:s31+$0x30];
	v9 =	vadd.f32 v9, v21  }
0x10d: {  	v13 =	vmul.f32 v15, v13;
	v15 =	vld [tilespmem:s31+$0x10];
	v21 =	vmul.f32 v40, v39  }
0x10e: {  	v12 =	vadd.f32 v12, v14;
	v14 =	vld [tilespmem:s31+$0x20];
	v10 =	vmul.f32 v19, v10;
	v56 =	vperm.xlane v9, v2  }
0x10f: {  	v58 =	vmul.f32 v38, v37;
	v19 =	vld [tilespmem:s17+$0x20];
	v13 =	vadd.f32 v13, v16;
	v11 =	vadd.f32 v11, v21  }
0x110: {  	v61 =	vmul.f32 v30, v29;
	v16 =	vld [tilespmem:s17+$0x30];
	v10 =	vadd.f32 v18, v10;
	v9 =	vadd.f32 v9, v56  }
0x111: {  	v28 =	vld [tilespmem:s31+$0xFFFFFF20];
	v17 =	vmul.f32 v17, v55;
	v18 =	vmul.f32 v32, v31  }
0x112: {  	v59 =	vld [tilespmem:s17+$0x50];
	v11 =	vadd.f32 v12, v11;
	v10 =	vadd.f32 v10, v13;
	v22 =	vperm.xlane v9, v3  }
0x113: {  	v60 =	vld [tilespmem:s31+$0x50];
	v12 =	vmul.f32 v36, v35;
	v15 =	vmul.f32 v15, v20  }
0x114: {  	v13 =	vld [tilespmem:s17+$0x40];
	v19 =	vmul.f32 v14, v19;
	v10 =	vadd.f32 v10, v11;
	v9 =	vadd.f32 v9, v22  }
0x115: {  	v20 =	vadd.f32 v58, v12;
	v23 =	vmul.f32 v23, v16;
	v11 =	vadd.f32 v57, v18;
	v22 =	vld [tilespmem:s31+$0x40]  }
0x116: {  	v14 =	vld [tilespmem:s17+$0x60];
	v63 =	vadd.f32 v15, v17;
	v12 =	vperm.xlane v10, v0;
	v18 =	vperm.xlane v9, v4  }
0x117: {  	v21 =	vmul.f32 v28, v27;
	v16 =	vld [tilespmem:s31+$0x60];
	v23 =	vadd.f32 v23, v19;
	v11 =	vadd.f32 v20, v11  }
0x118: {  	v15 =	vld [tilespmem:s17+$0x70];
	v12 =	vadd.f32 v10, v12;
	v62 =	vadd.f32 v9, v18  }
0x119: {  	s0 =	simm.s32 $0x10500;
	v10 =	vadd.f32 v61, v21;
	v21 =	vmul.f32 v60, v59;
	v9 =	vmul.f32 v26, v25;
	v18 =	vld [tilespmem:s31+$0x70]  }
0x11a: {  	s12 =	simm.s32 $0x0;
	v20 =	vld [tilespmem:s17+$0xFFFFFF00];
	s17 =	simm.s32 $0x4700;
	v17 =	vmul.f32 v22, v13;
	v19 =	vperm.xlane v12, v2;
	v13 =	vadd.f32 v23, v63;
	[tilespmem:s0+$0x80] =	vst v62  }
.LBB2_4:
0x11b: {  	v22 =	vld [tilespmem:s17+$0x80];
	s31 =	sadd.s32 $0x200, s31  }
0x11c: {  	v23 =	vld [tilespmem:s31+$0x80];
	v12 =	vadd.f32 v12, v19;
	v14 =	vmul.f32 v16, v14;
	v16 =	vadd.f32 v21, v17  }
0x11d: {  	v17 =	vld [tilespmem:s17+$0x90]  }
0x11e: {  	v19 =	vld [tilespmem:s31+$0x90];
	v21 =	vperm.xlane v12, v3;
	v15 =	vmul.f32 v18, v15  }
0x11f: {  	v18 =	vld [tilespmem:s17+$0xA0];
	v8 =	vmul.f32 v8, v20  }
0x120: {  	v20 =	vld [tilespmem:s31+$0xA0];
	v12 =	vadd.f32 v12, v21;
	v14 =	vadd.f32 v15, v14  }
0x121: {  	v15 =	vld [tilespmem:s17+$0xB0];
	v8 =	vadd.f32 v9, v8  }
0x122: {  	v9 =	vld [tilespmem:s31+$0xB0];
	v21 =	vperm.xlane v12, v4;
	v14 =	vadd.f32 v14, v16  }
0x123: {  	v16 =	vld [tilespmem:s17+$0xC0];
	v8 =	vadd.f32 v10, v8  }
0x124: {  	v10 =	vld [tilespmem:s31+$0xC0];
	v12 =	vadd.f32 v12, v21;
	v13 =	vadd.f32 v14, v13  }
0x125: {  	v14 =	vld [tilespmem:s17+$0xD0];
	v8 =	vadd.f32 v11, v8  }
0x126: {  	v11 =	vld [tilespmem:s31+$0xD0];
	[tilespmem:s0+$0xFFFFFF80] =	vst v12;
	v12 =	vperm.xlane v13, v0  }
0x127: {  	v21 =	vld [tilespmem:s17+$0xE0];
	v24 =	vperm.xlane v8, v0  }
0x128: {  	v25 =	vld [tilespmem:s31+$0xE0];
	v12 =	vadd.f32 v13, v12  }
0x129: {  	v13 =	vld [tilespmem:s17+$0xF0];
	v24 =	vadd.f32 v8, v24  }
0x12a: {  	s12 =	sadd.s32 $0x4, s12;
	v26 =	vld [tilespmem:s31+$0xF0];
	v27 =	vperm.xlane v12, v2  }
0x12b: {  	p0 =	slt.u32 s12, $0x3C;
	v8 =	vld [tilespmem:s31+$0xFFFFFF00];
	v28 =	vperm.xlane v24, v2  }
0x12c: {  	v22 =	vmul.f32 v23, v22;
	v17 =	vmul.f32 v19, v17;
	v29 =	vld [tilespmem:s17+$0xFFFFFF10];
	v12 =	vadd.f32 v12, v27  }
0x12d: {  	v18 =	vmul.f32 v20, v18;
	v9 =	vmul.f32 v9, v15;
	v19 =	vld [tilespmem:s31+$0xFFFFFF10];
	v15 =	vadd.f32 v24, v28  }
0x12e: {  	v10 =	vmul.f32 v10, v16;
	v11 =	vmul.f32 v11, v14;
	v20 =	vld [tilespmem:s17+$0xFFFFFF20]  }
0x12f: {  	v16 =	vmul.f32 v25, v21;
	v14 =	vld [tilespmem:s31+$0xFFFFFF20];
	v13 =	vmul.f32 v26, v13  }
0x130: {  	v17 =	vadd.f32 v17, v22;
	v18 =	vadd.f32 v9, v18;
	v22 =	vperm.xlane v15, v3;
	v21 =	vld [tilespmem:s17+$0xFFFFFF30]  }
0x131: {  	v10 =	vadd.f32 v11, v10;
	v23 =	vld [tilespmem:s31+$0xFFFFFF30];
	v11 =	vadd.f32 v13, v16;
	v13 =	vperm.xlane v12, v3  }
0x132: {  	v15 =	vadd.f32 v15, v22;
	v9 =	vmul.f32 v19, v29;
	v16 =	vld [tilespmem:s17+$0xFFFFFF40]  }
0x133: {  	v17 =	vadd.f32 v18, v17;
	v19 =	vld [tilespmem:s31+$0xFFFFFF40];
	v10 =	vadd.f32 v11, v10  }
0x134: {  	v18 =	vperm.xlane v15, v4;
	v12 =	vadd.f32 v12, v13;
	v11 =	vmul.f32 v14, v20;
	v14 =	vld [tilespmem:s17+$0xFFFFFF50]  }
0x135: {  	v13 =	vld [tilespmem:s31+$0xFFFFFF50];
	v17 =	vadd.f32 v10, v17  }
0x136: {  	v15 =	vadd.f32 v15, v18;
	v18 =	vperm.xlane v12, v4;
	v10 =	vmul.f32 v23, v21;
	v20 =	vld [tilespmem:s17+$0xFFFFFF60]  }
0x137: {  	v21 =	vld [tilespmem:s31+$0xFFFFFF60];
	v22 =	vperm.xlane v17, v0  }
0x138: {  	v16 =	vmul.f32 v19, v16;
	v19 =	vld [tilespmem:s17+$0xFFFFFF70];
	v10 =	vadd.f32 v10, v11;
	[tilespmem:s0+$0xFFFFFF00] =	vst v15;
	v11 =	vadd.f32 v12, v18  }
0x139: {  	v12 =	vld [tilespmem:s31+$0xFFFFFF70];
	v15 =	vadd.f32 v17, v22  }
0x13a: {  	v13 =	vmul.f32 v13, v14;
	v14 =	vld [tilespmem:s17+$0xFFFFFF80];
	[tilespmem:s0+$0x0] =	vst v11  }
0x13b: {  	v11 =	vld [tilespmem:s31+$0xFFFFFF80];
	v17 =	vperm.xlane v15, v2  }
0x13c: {  	v18 =	vmul.f32 v21, v20;
	v13 =	vadd.f32 v13, v16;
	v16 =	vld [tilespmem:s17+$0xFFFFFF90]  }
0x13d: {  	v20 =	vld [tilespmem:s31+$0xFFFFFF90];
	v15 =	vadd.f32 v15, v17  }
0x13e: {  	v12 =	vmul.f32 v12, v19;
	v17 =	vld [tilespmem:s17+$0xFFFFFFA0]  }
0x13f: {  	v19 =	vld [tilespmem:s31+$0xFFFFFFA0];
	v21 =	vperm.xlane v15, v3  }
0x140: {  	v12 =	vadd.f32 v12, v18;
	v14 =	vmul.f32 v11, v14;
	v18 =	vld [tilespmem:s17+$0xFFFFFFB0]  }
0x141: {  	v22 =	vld [tilespmem:s31+$0xFFFFFFB0];
	v15 =	vadd.f32 v15, v21  }
0x142: {  	v11 =	vadd.f32 v12, v13;
	v12 =	vmul.f32 v20, v16;
	v13 =	vld [tilespmem:s17+$0xFFFFFFC0]  }
0x143: {  	v16 =	vld [tilespmem:s31+$0xFFFFFFC0];
	v20 =	vperm.xlane v15, v4  }
0x144: {  	v17 =	vmul.f32 v19, v17;
	v19 =	vld [tilespmem:s17+$0xFFFFFFD0];
	v12 =	vadd.f32 v12, v14  }
0x145: {  	v14 =	vld [tilespmem:s31+$0xFFFFFFD0];
	v15 =	vadd.f32 v15, v20  }
0x146: {  	s0 =	sadd.s32 $0x200, s0;
	v18 =	vmul.f32 v22, v18;
	v20 =	vld [tilespmem:s17+$0xFFFFFFE0]  }
0x147: {  	v21 =	vld [tilespmem:s31+$0xFFFFFFE0];
	[tilespmem:s0+$0x80] =	vst v15  }
0x148: {  	v13 =	vmul.f32 v16, v13;
	v15 =	vld [tilespmem:s17+$0xFFFFFFF0];
	v16 =	vadd.f32 v18, v17  }
0x149: {  	v17 =	vld [tilespmem:s31+$0xFFFFFFF0]  }
0x14a: {  	v14 =	vmul.f32 v14, v19;
	v12 =	vadd.f32 v16, v12;
	v16 =	vld [tilespmem:s17+$0x0]  }
0x14b: {  	v18 =	vld [tilespmem:s31+$0x0]  }
0x14c: {  	v19 =	vmul.f32 v21, v20;
	v13 =	vadd.f32 v14, v13;
	v14 =	vld [tilespmem:s17+$0x10]  }
0x14d: {  	v20 =	vld [tilespmem:s31+$0x10]  }
0x14e: {  	v15 =	vmul.f32 v17, v15;
	v17 =	vld [tilespmem:s17+$0x20]  }
0x14f: {  	v21 =	vld [tilespmem:s31+$0x20]  }
0x150: {  	v15 =	vadd.f32 v15, v19;
	v16 =	vmul.f32 v18, v16;
	v18 =	vld [tilespmem:s17+$0x30]  }
0x151: {  	v19 =	vld [tilespmem:s31+$0x30]  }
0x152: {  	v13 =	vadd.f32 v15, v13;
	v14 =	vmul.f32 v20, v14;
	v15 =	vld [tilespmem:s17+$0x40]  }
0x153: {  	v20 =	vld [tilespmem:s31+$0x40]  }
0x154: {  	v12 =	vadd.f32 v13, v12;
	v13 =	vmul.f32 v21, v17;
	v21 =	vld [tilespmem:s17+$0x50];
	v22 =	vadd.f32 v14, v16  }
0x155: {  	v23 =	vld [tilespmem:s31+$0x50]  }
.Ltmp1:
0x156: {  	v17 =	vperm.xlane v12, v0;
	v18 =	vmul.f32 v19, v18;
	v14 =	vld [tilespmem:s17+$0x60];
	(pc) =	sbr.rel @p0 .LBB2_4-.Ltmp1, $4  }
0x157: {  	v16 =	vld [tilespmem:s31+$0x60]  }
0x158: {  	v12 =	vadd.f32 v12, v17;
	v17 =	vmul.f32 v20, v15;
	v15 =	vld [tilespmem:s17+$0x70];
	v13 =	vadd.f32 v18, v13  }
0x159: {  	v18 =	vld [tilespmem:s31+$0x70]  }
0x15a: {  	v20 =	vld [tilespmem:s17+$0xFFFFFF00];
	v19 =	vperm.xlane v12, v2;
	v21 =	vmul.f32 v23, v21;
	v13 =	vadd.f32 v13, v22;
	s17 =	sadd.s32 $0x200, s17  }
0x15b: {  	_ =	sdelay $0x3  }
0x15c: {  	v8 =	vmul.f32 v8, v20  }
0x15d: {  	v14 =	vmul.f32 v16, v14;
	v15 =	vmul.f32 v18, v15  }
0x15e: {  	v8 =	vadd.f32 v9, v8  }
0x15f: {  	v14 =	vadd.f32 v15, v14;
	v9 =	vadd.f32 v21, v17  }
0x160: {  	v8 =	vadd.f32 v10, v8  }
0x161: {  	v9 =	vadd.f32 v14, v9  }
0x162: {  	v8 =	vadd.f32 v11, v8  }
0x163: {  	v9 =	vadd.f32 v9, v13  }
0x164: {  	v10 =	vperm.xlane v8, v0  }
0x165: {  	v11 =	vperm.xlane v9, v0  }
0x166: {  	v8 =	vadd.f32 v8, v10  }
0x167: {  	v9 =	vadd.f32 v9, v11  }
0x168: {  	v10 =	vperm.xlane v8, v2  }
0x169: {  	v11 =	vadd.f32 v12, v19;
	v12 =	vperm.xlane v9, v2  }
0x16a: {  	v8 =	vadd.f32 v8, v10  }
0x16b: {  	v10 =	vperm.xlane v11, v3;
	v9 =	vadd.f32 v9, v12  }
0x16c: {  	v12 =	vperm.xlane v8, v3  }
0x16d: {  	v10 =	vadd.f32 v11, v10;
	v11 =	vperm.xlane v9, v3  }
0x16e: {  	v8 =	vadd.f32 v8, v12  }
0x16f: {  	v12 =	vperm.xlane v10, v4;
	v9 =	vadd.f32 v9, v11  }
0x170: {  	v11 =	vperm.xlane v8, v4  }
0x171: {  	v10 =	vadd.f32 v10, v12;
	v12 =	vperm.xlane v9, v4  }
0x172: {  	v8 =	vadd.f32 v8, v11  }
0x173: {  	[tilespmem:s0+$0xFFFFFF80] =	vst v10;
	v9 =	vadd.f32 v9, v12  }
0x174: {  	[tilespmem:s0+$0xFFFFFF00] =	vst v8  }
0x175: {  	[tilespmem:s0+$0x0] =	vst v9  }
0x176: {  	v8 =	vld.idx.msk [tilespmem:v1+s26+$0x0], $0xffff;
	_ =	sdelay $0x4  }
0x177: {  	[tilespmem:$0x12440] =	vst v8  }
0x178: {  	v8 =	vld.idx.msk [tilespmem:v5+s26+$0x0], $0xffff;
	_ =	sdelay $0x4  }
0x179: {  	[tilespmem:$0x12450] =	vst v8  }
0x17a: {  	v8 =	vld.idx.msk [tilespmem:v6+s26+$0x0], $0xffff;
	_ =	sdelay $0x4  }
0x17b: {  	[tilespmem:$0x12460] =	vst v8  }
0x17c: {  	v8 =	vld.idx.msk [tilespmem:v7+s26+$0x0], $0xffff;
	_ =	sdelay $0x4  }
0x17d: {  	s12 =	simm.s32 $0x140;
	[tilespmem:$0x12470] =	vst v8  }
0x17e: {  	[tilespmem:s11], [sflag:$0x2] =	stream.indirect.gather [hbm4b:s1+s15], $0x80, s12, s15, $0xb8;
	[tilespmem:$0x12600] =	vst v63  }
0x17f: {  	s17 =	simm.s32 $0x340  }
0x180: {  	[tilespmem:s16], [sflag:$0x2] =	stream.indirect.gather [hbm4b:s3+s15], $0x80, s17, s15, $0xb8;
	[tilespmem:$0x12600] =	vst v63  }
0x181: {  	_ =	swait.ge [sflag:s2], $0x2000  }
0x182: {  	[sflag:s2] =	ssyncset.done $0x0  }
0x183: {  	[sflag:s2] =	ssyncadd.s32 $0xFFFFE000  }
0x184: {  	_ =	swait.ge [sflag:s2], $0x2000  }
0x185: {  	[sflag:s2] =	ssyncset.done $0x0  }
0x186: {  	s17 =	simm.s32 $0x8500;
	[sflag:s2] =	ssyncadd.s32 $0xFFFFE000  }
0x187: {  	s31 =	simm.s32 $0xA500;
	v9 =	vld [tilespmem:s17+$0x80]  }
0x188: {  	v10 =	vld [tilespmem:s31+$0x80]  }
0x189: {  	v11 =	vld [tilespmem:s17+$0x90]  }
0x18a: {  	v12 =	vld [tilespmem:s31+$0x90]  }
0x18b: {  	v13 =	vld [tilespmem:s17+$0xA0]  }
0x18c: {  	v14 =	vld [tilespmem:s31+$0xA0]  }
0x18d: {  	v15 =	vld [tilespmem:s17+$0xB0]  }
0x18e: {  	v16 =	vld [tilespmem:s31+$0xB0]  }
0x18f: {  	v17 =	vld [tilespmem:s17+$0xC0]  }
0x190: {  	v18 =	vld [tilespmem:s31+$0xC0]  }
0x191: {  	v19 =	vld [tilespmem:s17+$0xD0]  }
0x192: {  	v20 =	vld [tilespmem:s31+$0xD0]  }
0x193: {  	v21 =	vld [tilespmem:s17+$0xE0]  }
0x194: {  	v22 =	vld [tilespmem:s31+$0xE0]  }
0x195: {  	v23 =	vld [tilespmem:s17+$0xF0]  }
0x196: {  	v24 =	vld [tilespmem:s31+$0xF0]  }
0x197: {  	v8 =	vld [tilespmem:s31+$0xFFFFFF00]  }
0x198: {  	v25 =	vld [tilespmem:s17+$0xFFFFFF10]  }
0x199: {  	v26 =	vld [tilespmem:s31+$0xFFFFFF10]  }
0x19a: {  	v27 =	vld [tilespmem:s17+$0xFFFFFF20]  }
0x19b: {  	v29 =	vld [tilespmem:s17+$0xFFFFFF30]  }
0x19c: {  	v30 =	vld [tilespmem:s31+$0xFFFFFF30]  }
0x19d: {  	v31 =	vld [tilespmem:s17+$0xFFFFFF40]  }
0x19e: {  	v32 =	vld [tilespmem:s31+$0xFFFFFF40]  }
0x19f: {  	v33 =	vld [tilespmem:s17+$0xFFFFFF50]  }
0x1a0: {  	v34 =	vld [tilespmem:s31+$0xFFFFFF50]  }
0x1a1: {  	v35 =	vld [tilespmem:s17+$0xFFFFFF60]  }
0x1a2: {  	v36 =	vld [tilespmem:s31+$0xFFFFFF60]  }
0x1a3: {  	v37 =	vld [tilespmem:s17+$0xFFFFFF70]  }
0x1a4: {  	v38 =	vld [tilespmem:s31+$0xFFFFFF70]  }
0x1a5: {  	v39 =	vld [tilespmem:s17+$0xFFFFFF80]  }
0x1a6: {  	v40 =	vld [tilespmem:s31+$0xFFFFFF80]  }
0x1a7: {  	v41 =	vld [tilespmem:s17+$0xFFFFFF90]  }
0x1a8: {  	v55 =	vld [tilespmem:s17+$0x0]  }
0x1a9: {  	v9 =	vmul.f32 v10, v9;
	v10 =	vmul.f32 v12, v11;
	v11 =	vld [tilespmem:s31+$0xFFFFFF90]  }
0x1aa: {  	v12 =	vmul.f32 v14, v13;
	v14 =	vld [tilespmem:s17+$0xFFFFFFA0]  }
0x1ab: {  	v13 =	vmul.f32 v16, v15;
	v15 =	vmul.f32 v18, v17;
	v17 =	vld [tilespmem:s31+$0xFFFFFFA0]  }
0x1ac: {  	v16 =	vmul.f32 v20, v19;
	v20 =	vld [tilespmem:s17+$0xFFFFFFB0]  }
0x1ad: {  	v18 =	vmul.f32 v22, v21;
	v22 =	vld [tilespmem:s17+$0xFFFFFFF0]  }
0x1ae: {  	v19 =	vmul.f32 v24, v23;
	v23 =	vld [tilespmem:s31+$0xFFFFFFF0]  }
0x1af: {  	v9 =	vadd.f32 v10, v9;
	v10 =	vadd.f32 v13, v12;
	v12 =	vld [tilespmem:s31+$0xFFFFFFB0]  }
0x1b0: {  	v13 =	vadd.f32 v16, v15;
	v15 =	vadd.f32 v19, v18;
	v16 =	vld [tilespmem:s17+$0xFFFFFFC0]  }
0x1b1: {  	v18 =	vld [tilespmem:s31+$0xFFFFFFC0]  }
0x1b2: {  	v19 =	vld [tilespmem:s31+$0xFFFFFFE0];
	v9 =	vadd.f32 v10, v9;
	v10 =	vadd.f32 v15, v13  }
0x1b3: {  	v13 =	vld [tilespmem:s17+$0xFFFFFFD0]  }
0x1b4: {  	v15 =	vld [tilespmem:s31+$0xFFFFFFD0];
	v9 =	vadd.f32 v10, v9  }
0x1b5: {  	v57 =	vmul.f32 v34, v33;
	v10 =	vld [tilespmem:s17+$0xFFFFFFE0]  }
0x1b6: {  	v14 =	vmul.f32 v17, v14;
	v17 =	vld [tilespmem:s31+$0x0];
	v21 =	vperm.xlane v9, v0  }
0x1b7: {  	v11 =	vmul.f32 v11, v41;
	v12 =	vmul.f32 v12, v20;
	v20 =	vld [tilespmem:s17+$0x10]  }
0x1b8: {  	v16 =	vmul.f32 v18, v16;
	v18 =	vmul.f32 v23, v22;
	v23 =	vld [tilespmem:s31+$0x30];
	v9 =	vadd.f32 v9, v21  }
0x1b9: {  	v13 =	vmul.f32 v15, v13;
	v15 =	vld [tilespmem:s31+$0x10];
	v21 =	vmul.f32 v40, v39  }
0x1ba: {  	v12 =	vadd.f32 v12, v14;
	v14 =	vld [tilespmem:s31+$0x20];
	v10 =	vmul.f32 v19, v10;
	v56 =	vperm.xlane v9, v2  }
0x1bb: {  	v58 =	vmul.f32 v38, v37;
	v19 =	vld [tilespmem:s17+$0x20];
	v13 =	vadd.f32 v13, v16;
	v11 =	vadd.f32 v11, v21  }
0x1bc: {  	v61 =	vmul.f32 v30, v29;
	v16 =	vld [tilespmem:s17+$0x30];
	v10 =	vadd.f32 v18, v10;
	v9 =	vadd.f32 v9, v56  }
0x1bd: {  	v28 =	vld [tilespmem:s31+$0xFFFFFF20];
	v17 =	vmul.f32 v17, v55;
	v18 =	vmul.f32 v32, v31  }
0x1be: {  	v59 =	vld [tilespmem:s17+$0x50];
	v11 =	vadd.f32 v12, v11;
	v10 =	vadd.f32 v10, v13;
	v22 =	vperm.xlane v9, v3  }
0x1bf: {  	v60 =	vld [tilespmem:s31+$0x50];
	v12 =	vmul.f32 v36, v35;
	v15 =	vmul.f32 v15, v20  }
0x1c0: {  	v13 =	vld [tilespmem:s17+$0x40];
	v19 =	vmul.f32 v14, v19;
	v10 =	vadd.f32 v10, v11;
	v9 =	vadd.f32 v9, v22  }
0x1c1: {  	v20 =	vadd.f32 v58, v12;
	v23 =	vmul.f32 v23, v16;
	v11 =	vadd.f32 v57, v18;
	v22 =	vld [tilespmem:s31+$0x40]  }
0x1c2: {  	v14 =	vld [tilespmem:s17+$0x60];
	v63 =	vadd.f32 v15, v17;
	v12 =	vperm.xlane v10, v0;
	v18 =	vperm.xlane v9, v4  }
0x1c3: {  	v21 =	vmul.f32 v28, v27;
	v16 =	vld [tilespmem:s31+$0x60];
	v23 =	vadd.f32 v23, v19;
	v11 =	vadd.f32 v20, v11  }
0x1c4: {  	v15 =	vld [tilespmem:s17+$0x70];
	v12 =	vadd.f32 v10, v12;
	v62 =	vadd.f32 v9, v18  }
0x1c5: {  	s0 =	simm.s32 $0x10500;
	v10 =	vadd.f32 v61, v21;
	v21 =	vmul.f32 v60, v59;
	v9 =	vmul.f32 v26, v25;
	v18 =	vld [tilespmem:s31+$0x70]  }
0x1c6: {  	s12 =	simm.s32 $0x0;
	v20 =	vld [tilespmem:s17+$0xFFFFFF00];
	s17 =	simm.s32 $0x8700;
	v17 =	vmul.f32 v22, v13;
	v19 =	vperm.xlane v12, v2;
	v13 =	vadd.f32 v23, v63;
	[tilespmem:s0+$0x80] =	vst v62  }
.LBB2_6:
0x1c7: {  	v22 =	vld [tilespmem:s17+$0x80];
	s31 =	sadd.s32 $0x200, s31  }
0x1c8: {  	v23 =	vld [tilespmem:s31+$0x80];
	v12 =	vadd.f32 v12, v19;
	v14 =	vmul.f32 v16, v14;
	v16 =	vadd.f32 v21, v17  }
0x1c9: {  	v17 =	vld [tilespmem:s17+$0x90]  }
0x1ca: {  	v19 =	vld [tilespmem:s31+$0x90];
	v21 =	vperm.xlane v12, v3;
	v15 =	vmul.f32 v18, v15  }
0x1cb: {  	v18 =	vld [tilespmem:s17+$0xA0];
	v8 =	vmul.f32 v8, v20  }
0x1cc: {  	v20 =	vld [tilespmem:s31+$0xA0];
	v12 =	vadd.f32 v12, v21;
	v14 =	vadd.f32 v15, v14  }
0x1cd: {  	v15 =	vld [tilespmem:s17+$0xB0];
	v8 =	vadd.f32 v9, v8  }
0x1ce: {  	v9 =	vld [tilespmem:s31+$0xB0];
	v21 =	vperm.xlane v12, v4;
	v14 =	vadd.f32 v14, v16  }
0x1cf: {  	v16 =	vld [tilespmem:s17+$0xC0];
	v8 =	vadd.f32 v10, v8  }
0x1d0: {  	v10 =	vld [tilespmem:s31+$0xC0];
	v12 =	vadd.f32 v12, v21;
	v13 =	vadd.f32 v14, v13  }
0x1d1: {  	v14 =	vld [tilespmem:s17+$0xD0];
	v8 =	vadd.f32 v11, v8  }
0x1d2: {  	v11 =	vld [tilespmem:s31+$0xD0];
	[tilespmem:s0+$0xFFFFFF80] =	vst v12;
	v12 =	vperm.xlane v13, v0  }
0x1d3: {  	v21 =	vld [tilespmem:s17+$0xE0];
	v24 =	vperm.xlane v8, v0  }
0x1d4: {  	v25 =	vld [tilespmem:s31+$0xE0];
	v12 =	vadd.f32 v13, v12  }
0x1d5: {  	v13 =	vld [tilespmem:s17+$0xF0];
	v24 =	vadd.f32 v8, v24  }
0x1d6: {  	s12 =	sadd.s32 $0x4, s12;
	v26 =	vld [tilespmem:s31+$0xF0];
	v27 =	vperm.xlane v12, v2  }
0x1d7: {  	p0 =	slt.u32 s12, $0x3C;
	v8 =	vld [tilespmem:s31+$0xFFFFFF00];
	v28 =	vperm.xlane v24, v2  }
0x1d8: {  	v22 =	vmul.f32 v23, v22;
	v17 =	vmul.f32 v19, v17;
	v29 =	vld [tilespmem:s17+$0xFFFFFF10];
	v12 =	vadd.f32 v12, v27  }
0x1d9: {  	v18 =	vmul.f32 v20, v18;
	v9 =	vmul.f32 v9, v15;
	v19 =	vld [tilespmem:s31+$0xFFFFFF10];
	v15 =	vadd.f32 v24, v28  }
0x1da: {  	v10 =	vmul.f32 v10, v16;
	v11 =	vmul.f32 v11, v14;
	v20 =	vld [tilespmem:s17+$0xFFFFFF20]  }
0x1db: {  	v16 =	vmul.f32 v25, v21;
	v14 =	vld [tilespmem:s31+$0xFFFFFF20];
	v13 =	vmul.f32 v26, v13  }
0x1dc: {  	v17 =	vadd.f32 v17, v22;
	v18 =	vadd.f32 v9, v18;
	v22 =	vperm.xlane v15, v3;
	v21 =	vld [tilespmem:s17+$0xFFFFFF30]  }
0x1dd: {  	v10 =	vadd.f32 v11, v10;
	v23 =	vld [tilespmem:s31+$0xFFFFFF30];
	v11 =	vadd.f32 v13, v16;
	v13 =	vperm.xlane v12, v3  }
0x1de: {  	v15 =	vadd.f32 v15, v22;
	v9 =	vmul.f32 v19, v29;
	v16 =	vld [tilespmem:s17+$0xFFFFFF40]  }
0x1df: {  	v17 =	vadd.f32 v18, v17;
	v19 =	vld [tilespmem:s31+$0xFFFFFF40];
	v10 =	vadd.f32 v11, v10  }
0x1e0: {  	v18 =	vperm.xlane v15, v4;
	v12 =	vadd.f32 v12, v13;
	v11 =	vmul.f32 v14, v20;
	v14 =	vld [tilespmem:s17+$0xFFFFFF50]  }
0x1e1: {  	v13 =	vld [tilespmem:s31+$0xFFFFFF50];
	v17 =	vadd.f32 v10, v17  }
0x1e2: {  	v15 =	vadd.f32 v15, v18;
	v18 =	vperm.xlane v12, v4;
	v10 =	vmul.f32 v23, v21;
	v20 =	vld [tilespmem:s17+$0xFFFFFF60]  }
0x1e3: {  	v21 =	vld [tilespmem:s31+$0xFFFFFF60];
	v22 =	vperm.xlane v17, v0  }
0x1e4: {  	v16 =	vmul.f32 v19, v16;
	v19 =	vld [tilespmem:s17+$0xFFFFFF70];
	v10 =	vadd.f32 v10, v11;
	[tilespmem:s0+$0xFFFFFF00] =	vst v15;
	v11 =	vadd.f32 v12, v18  }
0x1e5: {  	v12 =	vld [tilespmem:s31+$0xFFFFFF70];
	v15 =	vadd.f32 v17, v22  }
0x1e6: {  	v13 =	vmul.f32 v13, v14;
	v14 =	vld [tilespmem:s17+$0xFFFFFF80];
	[tilespmem:s0+$0x0] =	vst v11  }
0x1e7: {  	v11 =	vld [tilespmem:s31+$0xFFFFFF80];
	v17 =	vperm.xlane v15, v2  }
0x1e8: {  	v18 =	vmul.f32 v21, v20;
	v13 =	vadd.f32 v13, v16;
	v16 =	vld [tilespmem:s17+$0xFFFFFF90]  }
0x1e9: {  	v20 =	vld [tilespmem:s31+$0xFFFFFF90];
	v15 =	vadd.f32 v15, v17  }
0x1ea: {  	v12 =	vmul.f32 v12, v19;
	v17 =	vld [tilespmem:s17+$0xFFFFFFA0]  }
0x1eb: {  	v19 =	vld [tilespmem:s31+$0xFFFFFFA0];
	v21 =	vperm.xlane v15, v3  }
0x1ec: {  	v12 =	vadd.f32 v12, v18;
	v14 =	vmul.f32 v11, v14;
	v18 =	vld [tilespmem:s17+$0xFFFFFFB0]  }
0x1ed: {  	v22 =	vld [tilespmem:s31+$0xFFFFFFB0];
	v15 =	vadd.f32 v15, v21  }
0x1ee: {  	v11 =	vadd.f32 v12, v13;
	v12 =	vmul.f32 v20, v16;
	v13 =	vld [tilespmem:s17+$0xFFFFFFC0]  }
0x1ef: {  	v16 =	vld [tilespmem:s31+$0xFFFFFFC0];
	v20 =	vperm.xlane v15, v4  }
0x1f0: {  	v17 =	vmul.f32 v19, v17;
	v19 =	vld [tilespmem:s17+$0xFFFFFFD0];
	v12 =	vadd.f32 v12, v14  }
0x1f1: {  	v14 =	vld [tilespmem:s31+$0xFFFFFFD0];
	v15 =	vadd.f32 v15, v20  }
0x1f2: {  	s0 =	sadd.s32 $0x200, s0;
	v18 =	vmul.f32 v22, v18;
	v20 =	vld [tilespmem:s17+$0xFFFFFFE0]  }
0x1f3: {  	v21 =	vld [tilespmem:s31+$0xFFFFFFE0];
	[tilespmem:s0+$0x80] =	vst v15  }
0x1f4: {  	v13 =	vmul.f32 v16, v13;
	v15 =	vld [tilespmem:s17+$0xFFFFFFF0];
	v16 =	vadd.f32 v18, v17  }
0x1f5: {  	v17 =	vld [tilespmem:s31+$0xFFFFFFF0]  }
0x1f6: {  	v14 =	vmul.f32 v14, v19;
	v12 =	vadd.f32 v16, v12;
	v16 =	vld [tilespmem:s17+$0x0]  }
0x1f7: {  	v18 =	vld [tilespmem:s31+$0x0]  }
0x1f8: {  	v19 =	vmul.f32 v21, v20;
	v13 =	vadd.f32 v14, v13;
	v14 =	vld [tilespmem:s17+$0x10]  }
0x1f9: {  	v20 =	vld [tilespmem:s31+$0x10]  }
0x1fa: {  	v15 =	vmul.f32 v17, v15;
	v17 =	vld [tilespmem:s17+$0x20]  }
0x1fb: {  	v21 =	vld [tilespmem:s31+$0x20]  }
0x1fc: {  	v15 =	vadd.f32 v15, v19;
	v16 =	vmul.f32 v18, v16;
	v18 =	vld [tilespmem:s17+$0x30]  }
0x1fd: {  	v19 =	vld [tilespmem:s31+$0x30]  }
0x1fe: {  	v13 =	vadd.f32 v15, v13;
	v14 =	vmul.f32 v20, v14;
	v15 =	vld [tilespmem:s17+$0x40]  }
0x1ff: {  	v20 =	vld [tilespmem:s31+$0x40]  }
0x200: {  	v12 =	vadd.f32 v13, v12;
	v13 =	vmul.f32 v21, v17;
	v21 =	vld [tilespmem:s17+$0x50];
	v22 =	vadd.f32 v14, v16  }
0x201: {  	v23 =	vld [tilespmem:s31+$0x50]  }
.Ltmp2:
0x202: {  	v17 =	vperm.xlane v12, v0;
	v18 =	vmul.f32 v19, v18;
	v14 =	vld [tilespmem:s17+$0x60];
	(pc) =	sbr.rel @p0 .LBB2_6-.Ltmp2, $4  }
0x203: {  	v16 =	vld [tilespmem:s31+$0x60]  }
0x204: {  	v12 =	vadd.f32 v12, v17;
	v17 =	vmul.f32 v20, v15;
	v15 =	vld [tilespmem:s17+$0x70];
	v13 =	vadd.f32 v18, v13  }
0x205: {  	v18 =	vld [tilespmem:s31+$0x70]  }
0x206: {  	v20 =	vld [tilespmem:s17+$0xFFFFFF00];
	v19 =	vperm.xlane v12, v2;
	v21 =	vmul.f32 v23, v21;
	v13 =	vadd.f32 v13, v22;
	s17 =	sadd.s32 $0x200, s17  }
0x207: {  	_ =	sdelay $0x3  }
0x208: {  	v8 =	vmul.f32 v8, v20  }
0x209: {  	v14 =	vmul.f32 v16, v14;
	v15 =	vmul.f32 v18, v15  }
0x20a: {  	v8 =	vadd.f32 v9, v8  }
0x20b: {  	v14 =	vadd.f32 v15, v14;
	v9 =	vadd.f32 v21, v17  }
0x20c: {  	v8 =	vadd.f32 v10, v8  }
0x20d: {  	v9 =	vadd.f32 v14, v9  }
0x20e: {  	v8 =	vadd.f32 v11, v8  }
0x20f: {  	v9 =	vadd.f32 v9, v13  }
0x210: {  	v10 =	vperm.xlane v8, v0  }
0x211: {  	v11 =	vperm.xlane v9, v0  }
0x212: {  	v8 =	vadd.f32 v8, v10  }
0x213: {  	v9 =	vadd.f32 v9, v11  }
0x214: {  	v10 =	vperm.xlane v8, v2  }
0x215: {  	v11 =	vadd.f32 v12, v19;
	v12 =	vperm.xlane v9, v2  }
0x216: {  	v8 =	vadd.f32 v8, v10  }
0x217: {  	v10 =	vperm.xlane v11, v3;
	v9 =	vadd.f32 v9, v12  }
0x218: {  	v12 =	vperm.xlane v8, v3  }
0x219: {  	v10 =	vadd.f32 v11, v10;
	v11 =	vperm.xlane v9, v3  }
0x21a: {  	v8 =	vadd.f32 v8, v12  }
0x21b: {  	v12 =	vperm.xlane v10, v4;
	v9 =	vadd.f32 v9, v11  }
0x21c: {  	v11 =	vperm.xlane v8, v4  }
0x21d: {  	v10 =	vadd.f32 v10, v12;
	v12 =	vperm.xlane v9, v4  }
0x21e: {  	v8 =	vadd.f32 v8, v11  }
0x21f: {  	[tilespmem:s0+$0xFFFFFF80] =	vst v10;
	v9 =	vadd.f32 v9, v12  }
0x220: {  	[tilespmem:s0+$0xFFFFFF00] =	vst v8  }
0x221: {  	[tilespmem:s0+$0x0] =	vst v9  }
0x222: {  	v8 =	vld.idx.msk [tilespmem:v1+s26+$0x0], $0xffff;
	_ =	sdelay $0x4  }
0x223: {  	[tilespmem:$0x12480] =	vst v8  }
0x224: {  	v8 =	vld.idx.msk [tilespmem:v5+s26+$0x0], $0xffff;
	_ =	sdelay $0x4  }
0x225: {  	[tilespmem:$0x12490] =	vst v8  }
0x226: {  	v8 =	vld.idx.msk [tilespmem:v6+s26+$0x0], $0xffff;
	_ =	sdelay $0x4  }
0x227: {  	[tilespmem:$0x124A0] =	vst v8  }
0x228: {  	v8 =	vld.idx.msk [tilespmem:v7+s26+$0x0], $0xffff;
	_ =	sdelay $0x4  }
0x229: {  	s12 =	simm.s32 $0x180;
	[tilespmem:$0x124B0] =	vst v8  }
0x22a: {  	[tilespmem:s18], [sflag:$0x3] =	stream.indirect.gather [hbm4b:s1+s15], $0x80, s12, s15, $0xb8;
	[tilespmem:$0x12600] =	vst v63  }
0x22b: {  	s17 =	simm.s32 $0x380  }
0x22c: {  	[tilespmem:s20], [sflag:$0x3] =	stream.indirect.gather [hbm4b:s3+s15], $0x80, s17, s15, $0xb8;
	[tilespmem:$0x12600] =	vst v63  }
0x22d: {  	_ =	swait.ge [sflag:s19], $0x2000  }
0x22e: {  	[sflag:s19] =	ssyncset.done $0x0  }
0x22f: {  	[sflag:s19] =	ssyncadd.s32 $0xFFFFE000  }
0x230: {  	_ =	swait.ge [sflag:s19], $0x2000  }
0x231: {  	[sflag:s19] =	ssyncset.done $0x0  }
0x232: {  	s17 =	simm.s32 $0xC500;
	[sflag:s19] =	ssyncadd.s32 $0xFFFFE000  }
0x233: {  	s31 =	simm.s32 $0xE500;
	v9 =	vld [tilespmem:s17+$0x80]  }
0x234: {  	v10 =	vld [tilespmem:s31+$0x80]  }
0x235: {  	v11 =	vld [tilespmem:s17+$0x90]  }
0x236: {  	v12 =	vld [tilespmem:s31+$0x90]  }
0x237: {  	v13 =	vld [tilespmem:s17+$0xA0]  }
0x238: {  	v14 =	vld [tilespmem:s31+$0xA0]  }
0x239: {  	v15 =	vld [tilespmem:s17+$0xB0]  }
0x23a: {  	v16 =	vld [tilespmem:s31+$0xB0]  }
0x23b: {  	v17 =	vld [tilespmem:s17+$0xC0]  }
0x23c: {  	v18 =	vld [tilespmem:s31+$0xC0]  }
0x23d: {  	v19 =	vld [tilespmem:s17+$0xD0]  }
0x23e: {  	v20 =	vld [tilespmem:s31+$0xD0]  }
0x23f: {  	v21 =	vld [tilespmem:s17+$0xE0]  }
0x240: {  	v22 =	vld [tilespmem:s31+$0xE0]  }
0x241: {  	v23 =	vld [tilespmem:s17+$0xF0]  }
0x242: {  	v24 =	vld [tilespmem:s31+$0xF0]  }
0x243: {  	v8 =	vld [tilespmem:s31+$0xFFFFFF00]  }
0x244: {  	v25 =	vld [tilespmem:s17+$0xFFFFFF10]  }
0x245: {  	v26 =	vld [tilespmem:s31+$0xFFFFFF10]  }
0x246: {  	v27 =	vld [tilespmem:s17+$0xFFFFFF20]  }
0x247: {  	v29 =	vld [tilespmem:s17+$0xFFFFFF30]  }
0x248: {  	v30 =	vld [tilespmem:s31+$0xFFFFFF30]  }
0x249: {  	v31 =	vld [tilespmem:s17+$0xFFFFFF40]  }
0x24a: {  	v32 =	vld [tilespmem:s31+$0xFFFFFF40]  }
0x24b: {  	v33 =	vld [tilespmem:s17+$0xFFFFFF50]  }
0x24c: {  	v34 =	vld [tilespmem:s31+$0xFFFFFF50]  }
0x24d: {  	v35 =	vld [tilespmem:s17+$0xFFFFFF60]  }
0x24e: {  	v36 =	vld [tilespmem:s31+$0xFFFFFF60]  }
0x24f: {  	v37 =	vld [tilespmem:s17+$0xFFFFFF70]  }
0x250: {  	v38 =	vld [tilespmem:s31+$0xFFFFFF70]  }
0x251: {  	v39 =	vld [tilespmem:s17+$0xFFFFFF80]  }
0x252: {  	v40 =	vld [tilespmem:s31+$0xFFFFFF80]  }
0x253: {  	v41 =	vld [tilespmem:s17+$0xFFFFFF90]  }
0x254: {  	v55 =	vld [tilespmem:s17+$0x0]  }
0x255: {  	v9 =	vmul.f32 v10, v9;
	v10 =	vmul.f32 v12, v11;
	v11 =	vld [tilespmem:s31+$0xFFFFFF90]  }
0x256: {  	v12 =	vmul.f32 v14, v13;
	v14 =	vld [tilespmem:s17+$0xFFFFFFA0]  }
0x257: {  	v13 =	vmul.f32 v16, v15;
	v15 =	vmul.f32 v18, v17;
	v17 =	vld [tilespmem:s31+$0xFFFFFFA0]  }
0x258: {  	v16 =	vmul.f32 v20, v19;
	v20 =	vld [tilespmem:s17+$0xFFFFFFB0]  }
0x259: {  	v18 =	vmul.f32 v22, v21;
	v22 =	vld [tilespmem:s17+$0xFFFFFFF0]  }
0x25a: {  	v19 =	vmul.f32 v24, v23;
	v23 =	vld [tilespmem:s31+$0xFFFFFFF0]  }
0x25b: {  	v9 =	vadd.f32 v10, v9;
	v10 =	vadd.f32 v13, v12;
	v12 =	vld [tilespmem:s31+$0xFFFFFFB0]  }
0x25c: {  	v13 =	vadd.f32 v16, v15;
	v15 =	vadd.f32 v19, v18;
	v16 =	vld [tilespmem:s17+$0xFFFFFFC0]  }
0x25d: {  	v18 =	vld [tilespmem:s31+$0xFFFFFFC0]  }
0x25e: {  	v19 =	vld [tilespmem:s31+$0xFFFFFFE0];
	v9 =	vadd.f32 v10, v9;
	v10 =	vadd.f32 v15, v13  }
0x25f: {  	v13 =	vld [tilespmem:s17+$0xFFFFFFD0]  }
0x260: {  	v15 =	vld [tilespmem:s31+$0xFFFFFFD0];
	v9 =	vadd.f32 v10, v9  }
0x261: {  	v57 =	vmul.f32 v34, v33;
	v10 =	vld [tilespmem:s17+$0xFFFFFFE0]  }
0x262: {  	v14 =	vmul.f32 v17, v14;
	v17 =	vld [tilespmem:s31+$0x0];
	v21 =	vperm.xlane v9, v0  }
0x263: {  	v11 =	vmul.f32 v11, v41;
	v12 =	vmul.f32 v12, v20;
	v20 =	vld [tilespmem:s17+$0x10]  }
0x264: {  	v16 =	vmul.f32 v18, v16;
	v18 =	vmul.f32 v23, v22;
	v23 =	vld [tilespmem:s31+$0x30];
	v9 =	vadd.f32 v9, v21  }
0x265: {  	v13 =	vmul.f32 v15, v13;
	v15 =	vld [tilespmem:s31+$0x10];
	v21 =	vmul.f32 v40, v39  }
0x266: {  	v12 =	vadd.f32 v12, v14;
	v14 =	vld [tilespmem:s31+$0x20];
	v10 =	vmul.f32 v19, v10;
	v56 =	vperm.xlane v9, v2  }
0x267: {  	v58 =	vmul.f32 v38, v37;
	v19 =	vld [tilespmem:s17+$0x20];
	v13 =	vadd.f32 v13, v16;
	v11 =	vadd.f32 v11, v21  }
0x268: {  	v61 =	vmul.f32 v30, v29;
	v16 =	vld [tilespmem:s17+$0x30];
	v10 =	vadd.f32 v18, v10;
	v9 =	vadd.f32 v9, v56  }
0x269: {  	v28 =	vld [tilespmem:s31+$0xFFFFFF20];
	v17 =	vmul.f32 v17, v55;
	v18 =	vmul.f32 v32, v31  }
0x26a: {  	v59 =	vld [tilespmem:s17+$0x50];
	v11 =	vadd.f32 v12, v11;
	v10 =	vadd.f32 v10, v13;
	v22 =	vperm.xlane v9, v3  }
0x26b: {  	v60 =	vld [tilespmem:s31+$0x50];
	v12 =	vmul.f32 v36, v35;
	v15 =	vmul.f32 v15, v20  }
0x26c: {  	v13 =	vld [tilespmem:s17+$0x40];
	v19 =	vmul.f32 v14, v19;
	v10 =	vadd.f32 v10, v11;
	v9 =	vadd.f32 v9, v22  }
0x26d: {  	v20 =	vadd.f32 v58, v12;
	v23 =	vmul.f32 v23, v16;
	v11 =	vadd.f32 v57, v18;
	v22 =	vld [tilespmem:s31+$0x40]  }
0x26e: {  	v14 =	vld [tilespmem:s17+$0x60];
	v63 =	vadd.f32 v15, v17;
	v12 =	vperm.xlane v10, v0;
	v18 =	vperm.xlane v9, v4  }
0x26f: {  	v21 =	vmul.f32 v28, v27;
	v16 =	vld [tilespmem:s31+$0x60];
	v23 =	vadd.f32 v23, v19;
	v11 =	vadd.f32 v20, v11  }
0x270: {  	v15 =	vld [tilespmem:s17+$0x70];
	v12 =	vadd.f32 v10, v12;
	v62 =	vadd.f32 v9, v18  }
0x271: {  	s0 =	simm.s32 $0x10500;
	v10 =	vadd.f32 v61, v21;
	v21 =	vmul.f32 v60, v59;
	v9 =	vmul.f32 v26, v25;
	v18 =	vld [tilespmem:s31+$0x70]  }
0x272: {  	s12 =	simm.s32 $0x0;
	v20 =	vld [tilespmem:s17+$0xFFFFFF00];
	s17 =	simm.s32 $0xC700;
	v17 =	vmul.f32 v22, v13;
	v19 =	vperm.xlane v12, v2;
	v13 =	vadd.f32 v23, v63;
	[tilespmem:s0+$0x80] =	vst v62  }
.LBB2_8:
0x273: {  	v22 =	vld [tilespmem:s17+$0x80];
	s31 =	sadd.s32 $0x200, s31  }
0x274: {  	v23 =	vld [tilespmem:s31+$0x80];
	v12 =	vadd.f32 v12, v19;
	v14 =	vmul.f32 v16, v14;
	v16 =	vadd.f32 v21, v17  }
0x275: {  	v17 =	vld [tilespmem:s17+$0x90]  }
0x276: {  	v19 =	vld [tilespmem:s31+$0x90];
	v21 =	vperm.xlane v12, v3;
	v15 =	vmul.f32 v18, v15  }
0x277: {  	v18 =	vld [tilespmem:s17+$0xA0];
	v8 =	vmul.f32 v8, v20  }
0x278: {  	v20 =	vld [tilespmem:s31+$0xA0];
	v12 =	vadd.f32 v12, v21;
	v14 =	vadd.f32 v15, v14  }
0x279: {  	v15 =	vld [tilespmem:s17+$0xB0];
	v8 =	vadd.f32 v9, v8  }
0x27a: {  	v9 =	vld [tilespmem:s31+$0xB0];
	v21 =	vperm.xlane v12, v4;
	v14 =	vadd.f32 v14, v16  }
0x27b: {  	v16 =	vld [tilespmem:s17+$0xC0];
	v8 =	vadd.f32 v10, v8  }
0x27c: {  	v10 =	vld [tilespmem:s31+$0xC0];
	v12 =	vadd.f32 v12, v21;
	v13 =	vadd.f32 v14, v13  }
0x27d: {  	v14 =	vld [tilespmem:s17+$0xD0];
	v8 =	vadd.f32 v11, v8  }
0x27e: {  	v11 =	vld [tilespmem:s31+$0xD0];
	[tilespmem:s0+$0xFFFFFF80] =	vst v12;
	v12 =	vperm.xlane v13, v0  }
0x27f: {  	v21 =	vld [tilespmem:s17+$0xE0];
	v24 =	vperm.xlane v8, v0  }
0x280: {  	v25 =	vld [tilespmem:s31+$0xE0];
	v12 =	vadd.f32 v13, v12  }
0x281: {  	v13 =	vld [tilespmem:s17+$0xF0];
	v24 =	vadd.f32 v8, v24  }
0x282: {  	s12 =	sadd.s32 $0x4, s12;
	v26 =	vld [tilespmem:s31+$0xF0];
	v27 =	vperm.xlane v12, v2  }
0x283: {  	p0 =	slt.u32 s12, $0x3C;
	v8 =	vld [tilespmem:s31+$0xFFFFFF00];
	v28 =	vperm.xlane v24, v2  }
0x284: {  	v22 =	vmul.f32 v23, v22;
	v17 =	vmul.f32 v19, v17;
	v29 =	vld [tilespmem:s17+$0xFFFFFF10];
	v12 =	vadd.f32 v12, v27  }
0x285: {  	v18 =	vmul.f32 v20, v18;
	v9 =	vmul.f32 v9, v15;
	v19 =	vld [tilespmem:s31+$0xFFFFFF10];
	v15 =	vadd.f32 v24, v28  }
0x286: {  	v10 =	vmul.f32 v10, v16;
	v11 =	vmul.f32 v11, v14;
	v20 =	vld [tilespmem:s17+$0xFFFFFF20]  }
0x287: {  	v16 =	vmul.f32 v25, v21;
	v14 =	vld [tilespmem:s31+$0xFFFFFF20];
	v13 =	vmul.f32 v26, v13  }
0x288: {  	v17 =	vadd.f32 v17, v22;
	v18 =	vadd.f32 v9, v18;
	v22 =	vperm.xlane v15, v3;
	v21 =	vld [tilespmem:s17+$0xFFFFFF30]  }
0x289: {  	v10 =	vadd.f32 v11, v10;
	v23 =	vld [tilespmem:s31+$0xFFFFFF30];
	v11 =	vadd.f32 v13, v16;
	v13 =	vperm.xlane v12, v3  }
0x28a: {  	v15 =	vadd.f32 v15, v22;
	v9 =	vmul.f32 v19, v29;
	v16 =	vld [tilespmem:s17+$0xFFFFFF40]  }
0x28b: {  	v17 =	vadd.f32 v18, v17;
	v19 =	vld [tilespmem:s31+$0xFFFFFF40];
	v10 =	vadd.f32 v11, v10  }
0x28c: {  	v18 =	vperm.xlane v15, v4;
	v12 =	vadd.f32 v12, v13;
	v11 =	vmul.f32 v14, v20;
	v14 =	vld [tilespmem:s17+$0xFFFFFF50]  }
0x28d: {  	v13 =	vld [tilespmem:s31+$0xFFFFFF50];
	v17 =	vadd.f32 v10, v17  }
0x28e: {  	v15 =	vadd.f32 v15, v18;
	v18 =	vperm.xlane v12, v4;
	v10 =	vmul.f32 v23, v21;
	v20 =	vld [tilespmem:s17+$0xFFFFFF60]  }
0x28f: {  	v21 =	vld [tilespmem:s31+$0xFFFFFF60];
	v22 =	vperm.xlane v17, v0  }
0x290: {  	v16 =	vmul.f32 v19, v16;
	v19 =	vld [tilespmem:s17+$0xFFFFFF70];
	v10 =	vadd.f32 v10, v11;
	[tilespmem:s0+$0xFFFFFF00] =	vst v15;
	v11 =	vadd.f32 v12, v18  }
0x291: {  	v12 =	vld [tilespmem:s31+$0xFFFFFF70];
	v15 =	vadd.f32 v17, v22  }
0x292: {  	v13 =	vmul.f32 v13, v14;
	v14 =	vld [tilespmem:s17+$0xFFFFFF80];
	[tilespmem:s0+$0x0] =	vst v11  }
0x293: {  	v11 =	vld [tilespmem:s31+$0xFFFFFF80];
	v17 =	vperm.xlane v15, v2  }
0x294: {  	v18 =	vmul.f32 v21, v20;
	v13 =	vadd.f32 v13, v16;
	v16 =	vld [tilespmem:s17+$0xFFFFFF90]  }
0x295: {  	v20 =	vld [tilespmem:s31+$0xFFFFFF90];
	v15 =	vadd.f32 v15, v17  }
0x296: {  	v12 =	vmul.f32 v12, v19;
	v17 =	vld [tilespmem:s17+$0xFFFFFFA0]  }
0x297: {  	v19 =	vld [tilespmem:s31+$0xFFFFFFA0];
	v21 =	vperm.xlane v15, v3  }
0x298: {  	v12 =	vadd.f32 v12, v18;
	v14 =	vmul.f32 v11, v14;
	v18 =	vld [tilespmem:s17+$0xFFFFFFB0]  }
0x299: {  	v22 =	vld [tilespmem:s31+$0xFFFFFFB0];
	v15 =	vadd.f32 v15, v21  }
0x29a: {  	v11 =	vadd.f32 v12, v13;
	v12 =	vmul.f32 v20, v16;
	v13 =	vld [tilespmem:s17+$0xFFFFFFC0]  }
0x29b: {  	v16 =	vld [tilespmem:s31+$0xFFFFFFC0];
	v20 =	vperm.xlane v15, v4  }
0x29c: {  	v17 =	vmul.f32 v19, v17;
	v19 =	vld [tilespmem:s17+$0xFFFFFFD0];
	v12 =	vadd.f32 v12, v14  }
0x29d: {  	v14 =	vld [tilespmem:s31+$0xFFFFFFD0];
	v15 =	vadd.f32 v15, v20  }
0x29e: {  	s0 =	sadd.s32 $0x200, s0;
	v18 =	vmul.f32 v22, v18;
	v20 =	vld [tilespmem:s17+$0xFFFFFFE0]  }
0x29f: {  	v21 =	vld [tilespmem:s31+$0xFFFFFFE0];
	[tilespmem:s0+$0x80] =	vst v15  }
0x2a0: {  	v13 =	vmul.f32 v16, v13;
	v15 =	vld [tilespmem:s17+$0xFFFFFFF0];
	v16 =	vadd.f32 v18, v17  }
0x2a1: {  	v17 =	vld [tilespmem:s31+$0xFFFFFFF0]  }
0x2a2: {  	v14 =	vmul.f32 v14, v19;
	v12 =	vadd.f32 v16, v12;
	v16 =	vld [tilespmem:s17+$0x0]  }
0x2a3: {  	v18 =	vld [tilespmem:s31+$0x0]  }
0x2a4: {  	v19 =	vmul.f32 v21, v20;
	v13 =	vadd.f32 v14, v13;
	v14 =	vld [tilespmem:s17+$0x10]  }
0x2a5: {  	v20 =	vld [tilespmem:s31+$0x10]  }
0x2a6: {  	v15 =	vmul.f32 v17, v15;
	v17 =	vld [tilespmem:s17+$0x20]  }
0x2a7: {  	v21 =	vld [tilespmem:s31+$0x20]  }
0x2a8: {  	v15 =	vadd.f32 v15, v19;
	v16 =	vmul.f32 v18, v16;
	v18 =	vld [tilespmem:s17+$0x30]  }
0x2a9: {  	v19 =	vld [tilespmem:s31+$0x30]  }
0x2aa: {  	v13 =	vadd.f32 v15, v13;
	v14 =	vmul.f32 v20, v14;
	v15 =	vld [tilespmem:s17+$0x40]  }
0x2ab: {  	v20 =	vld [tilespmem:s31+$0x40]  }
0x2ac: {  	v12 =	vadd.f32 v13, v12;
	v13 =	vmul.f32 v21, v17;
	v21 =	vld [tilespmem:s17+$0x50];
	v22 =	vadd.f32 v14, v16  }
0x2ad: {  	v23 =	vld [tilespmem:s31+$0x50]  }
.Ltmp3:
0x2ae: {  	v17 =	vperm.xlane v12, v0;
	v18 =	vmul.f32 v19, v18;
	v14 =	vld [tilespmem:s17+$0x60];
	(pc) =	sbr.rel @p0 .LBB2_8-.Ltmp3, $4  }
0x2af: {  	v16 =	vld [tilespmem:s31+$0x60]  }
0x2b0: {  	v12 =	vadd.f32 v12, v17;
	v17 =	vmul.f32 v20, v15;
	v15 =	vld [tilespmem:s17+$0x70];
	v13 =	vadd.f32 v18, v13  }
0x2b1: {  	v18 =	vld [tilespmem:s31+$0x70]  }
0x2b2: {  	v20 =	vld [tilespmem:s17+$0xFFFFFF00];
	v19 =	vperm.xlane v12, v2;
	v21 =	vmul.f32 v23, v21;
	v13 =	vadd.f32 v13, v22;
	s17 =	sadd.s32 $0x200, s17  }
0x2b3: {  	_ =	sdelay $0x3  }
0x2b4: {  	v8 =	vmul.f32 v8, v20  }
0x2b5: {  	v14 =	vmul.f32 v16, v14;
	v15 =	vmul.f32 v18, v15  }
0x2b6: {  	v8 =	vadd.f32 v9, v8  }
0x2b7: {  	v14 =	vadd.f32 v15, v14;
	v9 =	vadd.f32 v21, v17  }
0x2b8: {  	v8 =	vadd.f32 v10, v8  }
0x2b9: {  	v9 =	vadd.f32 v14, v9  }
0x2ba: {  	v8 =	vadd.f32 v11, v8  }
0x2bb: {  	v9 =	vadd.f32 v9, v13  }
0x2bc: {  	v10 =	vperm.xlane v8, v0  }
0x2bd: {  	v11 =	vperm.xlane v9, v0  }
0x2be: {  	v8 =	vadd.f32 v8, v10  }
0x2bf: {  	v9 =	vadd.f32 v9, v11  }
0x2c0: {  	v10 =	vperm.xlane v8, v2  }
0x2c1: {  	v11 =	vadd.f32 v12, v19;
	v12 =	vperm.xlane v9, v2  }
0x2c2: {  	v8 =	vadd.f32 v8, v10  }
0x2c3: {  	v10 =	vperm.xlane v11, v3;
	v9 =	vadd.f32 v9, v12  }
0x2c4: {  	v12 =	vperm.xlane v8, v3  }
0x2c5: {  	v10 =	vadd.f32 v11, v10;
	v11 =	vperm.xlane v9, v3  }
0x2c6: {  	v8 =	vadd.f32 v8, v12  }
0x2c7: {  	v12 =	vperm.xlane v10, v4;
	v9 =	vadd.f32 v9, v11  }
0x2c8: {  	v11 =	vperm.xlane v8, v4  }
0x2c9: {  	v10 =	vadd.f32 v10, v12;
	v12 =	vperm.xlane v9, v4  }
0x2ca: {  	v8 =	vadd.f32 v8, v11  }
0x2cb: {  	[tilespmem:s0+$0xFFFFFF80] =	vst v10;
	v9 =	vadd.f32 v9, v12  }
0x2cc: {  	[tilespmem:s0+$0xFFFFFF00] =	vst v8  }
0x2cd: {  	[tilespmem:s0+$0x0] =	vst v9  }
0x2ce: {  	v8 =	vld.idx.msk [tilespmem:v1+s26+$0x0], $0xffff;
	_ =	sdelay $0x4  }
0x2cf: {  	[tilespmem:$0x124C0] =	vst v8  }
0x2d0: {  	v8 =	vld.idx.msk [tilespmem:v5+s26+$0x0], $0xffff;
	_ =	sdelay $0x4  }
0x2d1: {  	[tilespmem:$0x124D0] =	vst v8  }
0x2d2: {  	v8 =	vld.idx.msk [tilespmem:v6+s26+$0x0], $0xffff;
	_ =	sdelay $0x4  }
0x2d3: {  	[tilespmem:$0x124E0] =	vst v8  }
0x2d4: {  	v8 =	vld.idx.msk [tilespmem:v7+s26+$0x0], $0xffff;
	_ =	sdelay $0x4  }
0x2d5: {  	[tilespmem:$0x124F0] =	vst v8  }
0x2d6: {  	[tilespmem:s22], [sflag:$0x4] =	stream.indirect.gather [hbm4b:s1+s15], $0x80, s21, s15, $0xb8;
	[tilespmem:$0x12600] =	vst v63  }
0x2d7: {  	_ = 	snop  }
0x2d8: {  	[tilespmem:s24], [sflag:$0x4] =	stream.indirect.gather [hbm4b:s3+s15], $0x80, s23, s15, $0xb8;
	[tilespmem:$0x12600] =	vst v63  }
0x2d9: {  	_ =	swait.ge [sflag:s25], $0x2000  }
0x2da: {  	[sflag:s25] =	ssyncset.done $0x0  }
0x2db: {  	[sflag:s25] =	ssyncadd.s32 $0xFFFFE000  }
0x2dc: {  	_ =	swait.ge [sflag:s25], $0x2000  }
0x2dd: {  	[sflag:s25] =	ssyncset.done $0x0  }
0x2de: {  	s17 =	simm.s32 $0x500;
	[sflag:s25] =	ssyncadd.s32 $0xFFFFE000  }
0x2df: {  	s31 =	simm.s32 $0x2500;
	v9 =	vld [tilespmem:s17+$0x80]  }
0x2e0: {  	v10 =	vld [tilespmem:s31+$0x80]  }
0x2e1: {  	v11 =	vld [tilespmem:s17+$0x90]  }
0x2e2: {  	v12 =	vld [tilespmem:s31+$0x90]  }
0x2e3: {  	v13 =	vld [tilespmem:s17+$0xA0]  }
0x2e4: {  	v14 =	vld [tilespmem:s31+$0xA0]  }
0x2e5: {  	v15 =	vld [tilespmem:s17+$0xB0]  }
0x2e6: {  	v16 =	vld [tilespmem:s31+$0xB0]  }
0x2e7: {  	v17 =	vld [tilespmem:s17+$0xC0]  }
0x2e8: {  	v18 =	vld [tilespmem:s31+$0xC0]  }
0x2e9: {  	v19 =	vld [tilespmem:s17+$0xD0]  }
0x2ea: {  	v20 =	vld [tilespmem:s31+$0xD0]  }
0x2eb: {  	v21 =	vld [tilespmem:s17+$0xE0]  }
0x2ec: {  	v22 =	vld [tilespmem:s31+$0xE0]  }
0x2ed: {  	v23 =	vld [tilespmem:s17+$0xF0]  }
0x2ee: {  	v24 =	vld [tilespmem:s31+$0xF0]  }
0x2ef: {  	v8 =	vld [tilespmem:s31+$0xFFFFFF00]  }
0x2f0: {  	v25 =	vld [tilespmem:s17+$0xFFFFFF10]  }
0x2f1: {  	v26 =	vld [tilespmem:s31+$0xFFFFFF10]  }
0x2f2: {  	v27 =	vld [tilespmem:s17+$0xFFFFFF20]  }
0x2f3: {  	v29 =	vld [tilespmem:s17+$0xFFFFFF30]  }
0x2f4: {  	v30 =	vld [tilespmem:s31+$0xFFFFFF30]  }
0x2f5: {  	v31 =	vld [tilespmem:s17+$0xFFFFFF40]  }
0x2f6: {  	v32 =	vld [tilespmem:s31+$0xFFFFFF40]  }
0x2f7: {  	v33 =	vld [tilespmem:s17+$0xFFFFFF50]  }
0x2f8: {  	v34 =	vld [tilespmem:s31+$0xFFFFFF50]  }
0x2f9: {  	v35 =	vld [tilespmem:s17+$0xFFFFFF60]  }
0x2fa: {  	v36 =	vld [tilespmem:s31+$0xFFFFFF60]  }
0x2fb: {  	v37 =	vld [tilespmem:s17+$0xFFFFFF70]  }
0x2fc: {  	v38 =	vld [tilespmem:s31+$0xFFFFFF70]  }
0x2fd: {  	v39 =	vld [tilespmem:s17+$0xFFFFFF80]  }
0x2fe: {  	v40 =	vld [tilespmem:s31+$0xFFFFFF80]  }
0x2ff: {  	v41 =	vld [tilespmem:s17+$0xFFFFFF90]  }
0x300: {  	v55 =	vld [tilespmem:s17+$0x0]  }
0x301: {  	v9 =	vmul.f32 v10, v9;
	v10 =	vmul.f32 v12, v11;
	v11 =	vld [tilespmem:s31+$0xFFFFFF90]  }
0x302: {  	v12 =	vmul.f32 v14, v13;
	v14 =	vld [tilespmem:s17+$0xFFFFFFA0]  }
0x303: {  	v13 =	vmul.f32 v16, v15;
	v15 =	vmul.f32 v18, v17;
	v17 =	vld [tilespmem:s31+$0xFFFFFFA0]  }
0x304: {  	v16 =	vmul.f32 v20, v19;
	v20 =	vld [tilespmem:s17+$0xFFFFFFB0]  }
0x305: {  	v18 =	vmul.f32 v22, v21;
	v22 =	vld [tilespmem:s17+$0xFFFFFFF0]  }
0x306: {  	v19 =	vmul.f32 v24, v23;
	v23 =	vld [tilespmem:s31+$0xFFFFFFF0]  }
0x307: {  	v9 =	vadd.f32 v10, v9;
	v10 =	vadd.f32 v13, v12;
	v12 =	vld [tilespmem:s31+$0xFFFFFFB0]  }
0x308: {  	v13 =	vadd.f32 v16, v15;
	v15 =	vadd.f32 v19, v18;
	v16 =	vld [tilespmem:s17+$0xFFFFFFC0]  }
0x309: {  	v18 =	vld [tilespmem:s31+$0xFFFFFFC0]  }
0x30a: {  	v19 =	vld [tilespmem:s31+$0xFFFFFFE0];
	v9 =	vadd.f32 v10, v9;
	v10 =	vadd.f32 v15, v13  }
0x30b: {  	v13 =	vld [tilespmem:s17+$0xFFFFFFD0]  }
0x30c: {  	v15 =	vld [tilespmem:s31+$0xFFFFFFD0];
	v9 =	vadd.f32 v10, v9  }
0x30d: {  	v57 =	vmul.f32 v34, v33;
	v10 =	vld [tilespmem:s17+$0xFFFFFFE0]  }
0x30e: {  	v14 =	vmul.f32 v17, v14;
	v17 =	vld [tilespmem:s31+$0x0];
	v21 =	vperm.xlane v9, v0  }
0x30f: {  	v11 =	vmul.f32 v11, v41;
	v12 =	vmul.f32 v12, v20;
	v20 =	vld [tilespmem:s17+$0x10]  }
0x310: {  	v16 =	vmul.f32 v18, v16;
	v18 =	vmul.f32 v23, v22;
	v23 =	vld [tilespmem:s31+$0x30];
	v9 =	vadd.f32 v9, v21  }
0x311: {  	v13 =	vmul.f32 v15, v13;
	v15 =	vld [tilespmem:s31+$0x10];
	v21 =	vmul.f32 v40, v39  }
0x312: {  	v12 =	vadd.f32 v12, v14;
	v14 =	vld [tilespmem:s31+$0x20];
	v10 =	vmul.f32 v19, v10;
	v56 =	vperm.xlane v9, v2  }
0x313: {  	v58 =	vmul.f32 v38, v37;
	v19 =	vld [tilespmem:s17+$0x20];
	v13 =	vadd.f32 v13, v16;
	v11 =	vadd.f32 v11, v21  }
0x314: {  	v61 =	vmul.f32 v30, v29;
	v16 =	vld [tilespmem:s17+$0x30];
	v10 =	vadd.f32 v18, v10;
	v9 =	vadd.f32 v9, v56  }
0x315: {  	v28 =	vld [tilespmem:s31+$0xFFFFFF20];
	v17 =	vmul.f32 v17, v55;
	v18 =	vmul.f32 v32, v31  }
0x316: {  	v59 =	vld [tilespmem:s17+$0x50];
	v11 =	vadd.f32 v12, v11;
	v10 =	vadd.f32 v10, v13;
	v22 =	vperm.xlane v9, v3  }
0x317: {  	v60 =	vld [tilespmem:s31+$0x50];
	v12 =	vmul.f32 v36, v35;
	v15 =	vmul.f32 v15, v20  }
0x318: {  	v13 =	vld [tilespmem:s17+$0x40];
	v19 =	vmul.f32 v14, v19;
	v10 =	vadd.f32 v10, v11;
	v9 =	vadd.f32 v9, v22  }
0x319: {  	v20 =	vadd.f32 v58, v12;
	v23 =	vmul.f32 v23, v16;
	v11 =	vadd.f32 v57, v18;
	v22 =	vld [tilespmem:s31+$0x40]  }
0x31a: {  	v14 =	vld [tilespmem:s17+$0x60];
	v63 =	vadd.f32 v15, v17;
	v12 =	vperm.xlane v10, v0;
	v18 =	vperm.xlane v9, v4  }
0x31b: {  	v21 =	vmul.f32 v28, v27;
	v16 =	vld [tilespmem:s31+$0x60];
	v23 =	vadd.f32 v23, v19;
	v11 =	vadd.f32 v20, v11  }
0x31c: {  	v15 =	vld [tilespmem:s17+$0x70];
	v12 =	vadd.f32 v10, v12;
	v62 =	vadd.f32 v9, v18  }
0x31d: {  	s0 =	simm.s32 $0x10500;
	v10 =	vadd.f32 v61, v21;
	v21 =	vmul.f32 v60, v59;
	v9 =	vmul.f32 v26, v25;
	v18 =	vld [tilespmem:s31+$0x70]  }
0x31e: {  	s12 =	simm.s32 $0x0;
	v20 =	vld [tilespmem:s17+$0xFFFFFF00];
	s17 =	simm.s32 $0x700;
	v17 =	vmul.f32 v22, v13;
	v19 =	vperm.xlane v12, v2;
	v13 =	vadd.f32 v23, v63;
	[tilespmem:s0+$0x80] =	vst v62  }
.LBB2_10:
0x31f: {  	v22 =	vld [tilespmem:s17+$0x80];
	s31 =	sadd.s32 $0x200, s31  }
0x320: {  	v23 =	vld [tilespmem:s31+$0x80];
	v12 =	vadd.f32 v12, v19;
	v14 =	vmul.f32 v16, v14;
	v16 =	vadd.f32 v21, v17  }
0x321: {  	v17 =	vld [tilespmem:s17+$0x90]  }
0x322: {  	v19 =	vld [tilespmem:s31+$0x90];
	v21 =	vperm.xlane v12, v3;
	v15 =	vmul.f32 v18, v15  }
0x323: {  	v18 =	vld [tilespmem:s17+$0xA0];
	v8 =	vmul.f32 v8, v20  }
0x324: {  	v20 =	vld [tilespmem:s31+$0xA0];
	v12 =	vadd.f32 v12, v21;
	v14 =	vadd.f32 v15, v14  }
0x325: {  	v15 =	vld [tilespmem:s17+$0xB0];
	v8 =	vadd.f32 v9, v8  }
0x326: {  	v9 =	vld [tilespmem:s31+$0xB0];
	v21 =	vperm.xlane v12, v4;
	v14 =	vadd.f32 v14, v16  }
0x327: {  	v16 =	vld [tilespmem:s17+$0xC0];
	v8 =	vadd.f32 v10, v8  }
0x328: {  	v10 =	vld [tilespmem:s31+$0xC0];
	v12 =	vadd.f32 v12, v21;
	v13 =	vadd.f32 v14, v13  }
0x329: {  	v14 =	vld [tilespmem:s17+$0xD0];
	v8 =	vadd.f32 v11, v8  }
0x32a: {  	v11 =	vld [tilespmem:s31+$0xD0];
	[tilespmem:s0+$0xFFFFFF80] =	vst v12;
	v12 =	vperm.xlane v13, v0  }
0x32b: {  	v21 =	vld [tilespmem:s17+$0xE0];
	v24 =	vperm.xlane v8, v0  }
0x32c: {  	v25 =	vld [tilespmem:s31+$0xE0];
	v12 =	vadd.f32 v13, v12  }
0x32d: {  	v13 =	vld [tilespmem:s17+$0xF0];
	v24 =	vadd.f32 v8, v24  }
0x32e: {  	s12 =	sadd.s32 $0x4, s12;
	v26 =	vld [tilespmem:s31+$0xF0];
	v27 =	vperm.xlane v12, v2  }
0x32f: {  	p0 =	slt.u32 s12, $0x3C;
	v8 =	vld [tilespmem:s31+$0xFFFFFF00];
	v28 =	vperm.xlane v24, v2  }
0x330: {  	v22 =	vmul.f32 v23, v22;
	v17 =	vmul.f32 v19, v17;
	v29 =	vld [tilespmem:s17+$0xFFFFFF10];
	v12 =	vadd.f32 v12, v27  }
0x331: {  	v18 =	vmul.f32 v20, v18;
	v9 =	vmul.f32 v9, v15;
	v19 =	vld [tilespmem:s31+$0xFFFFFF10];
	v15 =	vadd.f32 v24, v28  }
0x332: {  	v10 =	vmul.f32 v10, v16;
	v11 =	vmul.f32 v11, v14;
	v20 =	vld [tilespmem:s17+$0xFFFFFF20]  }
0x333: {  	v16 =	vmul.f32 v25, v21;
	v14 =	vld [tilespmem:s31+$0xFFFFFF20];
	v13 =	vmul.f32 v26, v13  }
0x334: {  	v17 =	vadd.f32 v17, v22;
	v18 =	vadd.f32 v9, v18;
	v22 =	vperm.xlane v15, v3;
	v21 =	vld [tilespmem:s17+$0xFFFFFF30]  }
0x335: {  	v10 =	vadd.f32 v11, v10;
	v23 =	vld [tilespmem:s31+$0xFFFFFF30];
	v11 =	vadd.f32 v13, v16;
	v13 =	vperm.xlane v12, v3  }
0x336: {  	v15 =	vadd.f32 v15, v22;
	v9 =	vmul.f32 v19, v29;
	v16 =	vld [tilespmem:s17+$0xFFFFFF40]  }
0x337: {  	v17 =	vadd.f32 v18, v17;
	v19 =	vld [tilespmem:s31+$0xFFFFFF40];
	v10 =	vadd.f32 v11, v10  }
0x338: {  	v18 =	vperm.xlane v15, v4;
	v12 =	vadd.f32 v12, v13;
	v11 =	vmul.f32 v14, v20;
	v14 =	vld [tilespmem:s17+$0xFFFFFF50]  }
0x339: {  	v13 =	vld [tilespmem:s31+$0xFFFFFF50];
	v17 =	vadd.f32 v10, v17  }
0x33a: {  	v15 =	vadd.f32 v15, v18;
	v18 =	vperm.xlane v12, v4;
	v10 =	vmul.f32 v23, v21;
	v20 =	vld [tilespmem:s17+$0xFFFFFF60]  }
0x33b: {  	v21 =	vld [tilespmem:s31+$0xFFFFFF60];
	v22 =	vperm.xlane v17, v0  }
0x33c: {  	v16 =	vmul.f32 v19, v16;
	v19 =	vld [tilespmem:s17+$0xFFFFFF70];
	v10 =	vadd.f32 v10, v11;
	[tilespmem:s0+$0xFFFFFF00] =	vst v15;
	v11 =	vadd.f32 v12, v18  }
0x33d: {  	v12 =	vld [tilespmem:s31+$0xFFFFFF70];
	v15 =	vadd.f32 v17, v22  }
0x33e: {  	v13 =	vmul.f32 v13, v14;
	v14 =	vld [tilespmem:s17+$0xFFFFFF80];
	[tilespmem:s0+$0x0] =	vst v11  }
0x33f: {  	v11 =	vld [tilespmem:s31+$0xFFFFFF80];
	v17 =	vperm.xlane v15, v2  }
0x340: {  	v18 =	vmul.f32 v21, v20;
	v13 =	vadd.f32 v13, v16;
	v16 =	vld [tilespmem:s17+$0xFFFFFF90]  }
0x341: {  	v20 =	vld [tilespmem:s31+$0xFFFFFF90];
	v15 =	vadd.f32 v15, v17  }
0x342: {  	v12 =	vmul.f32 v12, v19;
	v17 =	vld [tilespmem:s17+$0xFFFFFFA0]  }
0x343: {  	v19 =	vld [tilespmem:s31+$0xFFFFFFA0];
	v21 =	vperm.xlane v15, v3  }
0x344: {  	v12 =	vadd.f32 v12, v18;
	v14 =	vmul.f32 v11, v14;
	v18 =	vld [tilespmem:s17+$0xFFFFFFB0]  }
0x345: {  	v22 =	vld [tilespmem:s31+$0xFFFFFFB0];
	v15 =	vadd.f32 v15, v21  }
0x346: {  	v11 =	vadd.f32 v12, v13;
	v12 =	vmul.f32 v20, v16;
	v13 =	vld [tilespmem:s17+$0xFFFFFFC0]  }
0x347: {  	v16 =	vld [tilespmem:s31+$0xFFFFFFC0];
	v20 =	vperm.xlane v15, v4  }
0x348: {  	v17 =	vmul.f32 v19, v17;
	v19 =	vld [tilespmem:s17+$0xFFFFFFD0];
	v12 =	vadd.f32 v12, v14  }
0x349: {  	v14 =	vld [tilespmem:s31+$0xFFFFFFD0];
	v15 =	vadd.f32 v15, v20  }
0x34a: {  	s0 =	sadd.s32 $0x200, s0;
	v18 =	vmul.f32 v22, v18;
	v20 =	vld [tilespmem:s17+$0xFFFFFFE0]  }
0x34b: {  	v21 =	vld [tilespmem:s31+$0xFFFFFFE0];
	[tilespmem:s0+$0x80] =	vst v15  }
0x34c: {  	v13 =	vmul.f32 v16, v13;
	v15 =	vld [tilespmem:s17+$0xFFFFFFF0];
	v16 =	vadd.f32 v18, v17  }
0x34d: {  	v17 =	vld [tilespmem:s31+$0xFFFFFFF0]  }
0x34e: {  	v14 =	vmul.f32 v14, v19;
	v12 =	vadd.f32 v16, v12;
	v16 =	vld [tilespmem:s17+$0x0]  }
0x34f: {  	v18 =	vld [tilespmem:s31+$0x0]  }
0x350: {  	v19 =	vmul.f32 v21, v20;
	v13 =	vadd.f32 v14, v13;
	v14 =	vld [tilespmem:s17+$0x10]  }
0x351: {  	v20 =	vld [tilespmem:s31+$0x10]  }
0x352: {  	v15 =	vmul.f32 v17, v15;
	v17 =	vld [tilespmem:s17+$0x20]  }
0x353: {  	v21 =	vld [tilespmem:s31+$0x20]  }
0x354: {  	v15 =	vadd.f32 v15, v19;
	v16 =	vmul.f32 v18, v16;
	v18 =	vld [tilespmem:s17+$0x30]  }
0x355: {  	v19 =	vld [tilespmem:s31+$0x30]  }
0x356: {  	v13 =	vadd.f32 v15, v13;
	v14 =	vmul.f32 v20, v14;
	v15 =	vld [tilespmem:s17+$0x40]  }
0x357: {  	v20 =	vld [tilespmem:s31+$0x40]  }
0x358: {  	v12 =	vadd.f32 v13, v12;
	v13 =	vmul.f32 v21, v17;
	v21 =	vld [tilespmem:s17+$0x50];
	v22 =	vadd.f32 v14, v16  }
0x359: {  	v23 =	vld [tilespmem:s31+$0x50]  }
.Ltmp4:
0x35a: {  	v17 =	vperm.xlane v12, v0;
	v18 =	vmul.f32 v19, v18;
	v14 =	vld [tilespmem:s17+$0x60];
	(pc) =	sbr.rel @p0 .LBB2_10-.Ltmp4, $4  }
0x35b: {  	v16 =	vld [tilespmem:s31+$0x60]  }
0x35c: {  	v12 =	vadd.f32 v12, v17;
	v17 =	vmul.f32 v20, v15;
	v15 =	vld [tilespmem:s17+$0x70];
	v13 =	vadd.f32 v18, v13  }
0x35d: {  	v18 =	vld [tilespmem:s31+$0x70]  }
0x35e: {  	v20 =	vld [tilespmem:s17+$0xFFFFFF00];
	v19 =	vperm.xlane v12, v2;
	v21 =	vmul.f32 v23, v21;
	v13 =	vadd.f32 v13, v22;
	s17 =	sadd.s32 $0x200, s17  }
0x35f: {  	_ =	sdelay $0x3  }
0x360: {  	v8 =	vmul.f32 v8, v20  }
0x361: {  	v14 =	vmul.f32 v16, v14;
	v15 =	vmul.f32 v18, v15  }
0x362: {  	v8 =	vadd.f32 v9, v8  }
0x363: {  	v14 =	vadd.f32 v15, v14;
	v9 =	vadd.f32 v21, v17  }
0x364: {  	v8 =	vadd.f32 v10, v8  }
0x365: {  	v9 =	vadd.f32 v14, v9  }
0x366: {  	v8 =	vadd.f32 v11, v8  }
0x367: {  	v9 =	vadd.f32 v9, v13  }
0x368: {  	v10 =	vperm.xlane v8, v0  }
0x369: {  	v11 =	vperm.xlane v9, v0  }
0x36a: {  	v8 =	vadd.f32 v8, v10  }
0x36b: {  	v9 =	vadd.f32 v9, v11  }
0x36c: {  	v10 =	vperm.xlane v8, v2  }
0x36d: {  	v11 =	vadd.f32 v12, v19;
	v12 =	vperm.xlane v9, v2  }
0x36e: {  	v8 =	vadd.f32 v8, v10  }
0x36f: {  	v10 =	vperm.xlane v11, v3;
	v9 =	vadd.f32 v9, v12  }
0x370: {  	v12 =	vperm.xlane v8, v3  }
0x371: {  	v10 =	vadd.f32 v11, v10;
	v11 =	vperm.xlane v9, v3  }
0x372: {  	v8 =	vadd.f32 v8, v12  }
0x373: {  	v12 =	vperm.xlane v10, v4;
	v9 =	vadd.f32 v9, v11  }
0x374: {  	v11 =	vperm.xlane v8, v4  }
0x375: {  	v10 =	vadd.f32 v10, v12;
	v12 =	vperm.xlane v9, v4  }
0x376: {  	v8 =	vadd.f32 v8, v11  }
0x377: {  	[tilespmem:s0+$0xFFFFFF80] =	vst v10;
	v9 =	vadd.f32 v9, v12  }
0x378: {  	[tilespmem:s0+$0xFFFFFF00] =	vst v8  }
0x379: {  	[tilespmem:s0+$0x0] =	vst v9  }
0x37a: {  	v8 =	vld.idx.msk [tilespmem:v1+s26+$0x0], $0xffff;
	_ =	sdelay $0x4  }
0x37b: {  	[tilespmem:$0x12500] =	vst v8  }
0x37c: {  	v8 =	vld.idx.msk [tilespmem:v5+s26+$0x0], $0xffff;
	_ =	sdelay $0x4  }
0x37d: {  	[tilespmem:$0x12510] =	vst v8  }
0x37e: {  	v8 =	vld.idx.msk [tilespmem:v6+s26+$0x0], $0xffff;
	_ =	sdelay $0x4  }
0x37f: {  	[tilespmem:$0x12520] =	vst v8  }
0x380: {  	v8 =	vld.idx.msk [tilespmem:v7+s26+$0x0], $0xffff;
	_ =	sdelay $0x4  }
0x381: {  	[tilespmem:$0x12530] =	vst v8  }
0x382: {  	_ =	swait.ge [sflag:s30], $0x2000  }
0x383: {  	[sflag:s30] =	ssyncset.done $0x0  }
0x384: {  	[sflag:s30] =	ssyncadd.s32 $0xFFFFE000  }
0x385: {  	_ =	swait.ge [sflag:s30], $0x2000  }
0x386: {  	[sflag:s30] =	ssyncset.done $0x0  }
0x387: {  	s17 =	simm.s32 $0x4500;
	[sflag:s30] =	ssyncadd.s32 $0xFFFFE000  }
0x388: {  	s31 =	simm.s32 $0x6500;
	v9 =	vld [tilespmem:s17+$0x80]  }
0x389: {  	v10 =	vld [tilespmem:s31+$0x80]  }
0x38a: {  	v11 =	vld [tilespmem:s17+$0x90]  }
0x38b: {  	v12 =	vld [tilespmem:s31+$0x90]  }
0x38c: {  	v13 =	vld [tilespmem:s17+$0xA0]  }
0x38d: {  	v14 =	vld [tilespmem:s31+$0xA0]  }
0x38e: {  	v15 =	vld [tilespmem:s17+$0xB0]  }
0x38f: {  	v16 =	vld [tilespmem:s31+$0xB0]  }
0x390: {  	v17 =	vld [tilespmem:s17+$0xC0]  }
0x391: {  	v18 =	vld [tilespmem:s31+$0xC0]  }
0x392: {  	v19 =	vld [tilespmem:s17+$0xD0]  }
0x393: {  	v20 =	vld [tilespmem:s31+$0xD0]  }
0x394: {  	v21 =	vld [tilespmem:s17+$0xE0]  }
0x395: {  	v22 =	vld [tilespmem:s31+$0xE0]  }
0x396: {  	v23 =	vld [tilespmem:s17+$0xF0]  }
0x397: {  	v24 =	vld [tilespmem:s31+$0xF0]  }
0x398: {  	v8 =	vld [tilespmem:s31+$0xFFFFFF00]  }
0x399: {  	v25 =	vld [tilespmem:s17+$0xFFFFFF10]  }
0x39a: {  	v26 =	vld [tilespmem:s31+$0xFFFFFF10]  }
0x39b: {  	v27 =	vld [tilespmem:s17+$0xFFFFFF20]  }
0x39c: {  	v29 =	vld [tilespmem:s17+$0xFFFFFF30]  }
0x39d: {  	v30 =	vld [tilespmem:s31+$0xFFFFFF30]  }
0x39e: {  	v31 =	vld [tilespmem:s17+$0xFFFFFF40]  }
0x39f: {  	v32 =	vld [tilespmem:s31+$0xFFFFFF40]  }
0x3a0: {  	v33 =	vld [tilespmem:s17+$0xFFFFFF50]  }
0x3a1: {  	v34 =	vld [tilespmem:s31+$0xFFFFFF50]  }
0x3a2: {  	v35 =	vld [tilespmem:s17+$0xFFFFFF60]  }
0x3a3: {  	v36 =	vld [tilespmem:s31+$0xFFFFFF60]  }
0x3a4: {  	v37 =	vld [tilespmem:s17+$0xFFFFFF70]  }
0x3a5: {  	v38 =	vld [tilespmem:s31+$0xFFFFFF70]  }
0x3a6: {  	v39 =	vld [tilespmem:s17+$0xFFFFFF80]  }
0x3a7: {  	v40 =	vld [tilespmem:s31+$0xFFFFFF80]  }
0x3a8: {  	v41 =	vld [tilespmem:s17+$0xFFFFFF90]  }
0x3a9: {  	v55 =	vld [tilespmem:s17+$0x0]  }
0x3aa: {  	v9 =	vmul.f32 v10, v9;
	v10 =	vmul.f32 v12, v11;
	v11 =	vld [tilespmem:s31+$0xFFFFFF90]  }
0x3ab: {  	v12 =	vmul.f32 v14, v13;
	v14 =	vld [tilespmem:s17+$0xFFFFFFA0]  }
0x3ac: {  	v13 =	vmul.f32 v16, v15;
	v15 =	vmul.f32 v18, v17;
	v17 =	vld [tilespmem:s31+$0xFFFFFFA0]  }
0x3ad: {  	v16 =	vmul.f32 v20, v19;
	v20 =	vld [tilespmem:s17+$0xFFFFFFB0]  }
0x3ae: {  	v18 =	vmul.f32 v22, v21;
	v22 =	vld [tilespmem:s17+$0xFFFFFFF0]  }
0x3af: {  	v19 =	vmul.f32 v24, v23;
	v23 =	vld [tilespmem:s31+$0xFFFFFFF0]  }
0x3b0: {  	v9 =	vadd.f32 v10, v9;
	v10 =	vadd.f32 v13, v12;
	v12 =	vld [tilespmem:s31+$0xFFFFFFB0]  }
0x3b1: {  	v13 =	vadd.f32 v16, v15;
	v15 =	vadd.f32 v19, v18;
	v16 =	vld [tilespmem:s17+$0xFFFFFFC0]  }
0x3b2: {  	v18 =	vld [tilespmem:s31+$0xFFFFFFC0]  }
0x3b3: {  	v19 =	vld [tilespmem:s31+$0xFFFFFFE0];
	v9 =	vadd.f32 v10, v9;
	v10 =	vadd.f32 v15, v13  }
0x3b4: {  	v13 =	vld [tilespmem:s17+$0xFFFFFFD0]  }
0x3b5: {  	v15 =	vld [tilespmem:s31+$0xFFFFFFD0];
	v9 =	vadd.f32 v10, v9  }
0x3b6: {  	v57 =	vmul.f32 v34, v33;
	v10 =	vld [tilespmem:s17+$0xFFFFFFE0]  }
0x3b7: {  	v14 =	vmul.f32 v17, v14;
	v17 =	vld [tilespmem:s31+$0x0];
	v21 =	vperm.xlane v9, v0  }
0x3b8: {  	v11 =	vmul.f32 v11, v41;
	v12 =	vmul.f32 v12, v20;
	v20 =	vld [tilespmem:s17+$0x10]  }
0x3b9: {  	v16 =	vmul.f32 v18, v16;
	v18 =	vmul.f32 v23, v22;
	v23 =	vld [tilespmem:s31+$0x30];
	v9 =	vadd.f32 v9, v21  }
0x3ba: {  	v13 =	vmul.f32 v15, v13;
	v15 =	vld [tilespmem:s31+$0x10];
	v21 =	vmul.f32 v40, v39  }
0x3bb: {  	v12 =	vadd.f32 v12, v14;
	v14 =	vld [tilespmem:s31+$0x20];
	v10 =	vmul.f32 v19, v10;
	v56 =	vperm.xlane v9, v2  }
0x3bc: {  	v58 =	vmul.f32 v38, v37;
	v19 =	vld [tilespmem:s17+$0x20];
	v13 =	vadd.f32 v13, v16;
	v11 =	vadd.f32 v11, v21  }
0x3bd: {  	v61 =	vmul.f32 v30, v29;
	v16 =	vld [tilespmem:s17+$0x30];
	v10 =	vadd.f32 v18, v10;
	v9 =	vadd.f32 v9, v56  }
0x3be: {  	v28 =	vld [tilespmem:s31+$0xFFFFFF20];
	v17 =	vmul.f32 v17, v55;
	v18 =	vmul.f32 v32, v31  }
0x3bf: {  	v59 =	vld [tilespmem:s17+$0x50];
	v11 =	vadd.f32 v12, v11;
	v10 =	vadd.f32 v10, v13;
	v22 =	vperm.xlane v9, v3  }
0x3c0: {  	v60 =	vld [tilespmem:s31+$0x50];
	v12 =	vmul.f32 v36, v35;
	v15 =	vmul.f32 v15, v20  }
0x3c1: {  	v13 =	vld [tilespmem:s17+$0x40];
	v19 =	vmul.f32 v14, v19;
	v10 =	vadd.f32 v10, v11;
	v9 =	vadd.f32 v9, v22  }
0x3c2: {  	v20 =	vadd.f32 v58, v12;
	v23 =	vmul.f32 v23, v16;
	v11 =	vadd.f32 v57, v18;
	v22 =	vld [tilespmem:s31+$0x40]  }
0x3c3: {  	v14 =	vld [tilespmem:s17+$0x60];
	v63 =	vadd.f32 v15, v17;
	v12 =	vperm.xlane v10, v0;
	v18 =	vperm.xlane v9, v4  }
0x3c4: {  	v21 =	vmul.f32 v28, v27;
	v16 =	vld [tilespmem:s31+$0x60];
	v23 =	vadd.f32 v23, v19;
	v11 =	vadd.f32 v20, v11  }
0x3c5: {  	v15 =	vld [tilespmem:s17+$0x70];
	v12 =	vadd.f32 v10, v12;
	v62 =	vadd.f32 v9, v18  }
0x3c6: {  	s0 =	simm.s32 $0x10500;
	v10 =	vadd.f32 v61, v21;
	v21 =	vmul.f32 v60, v59;
	v9 =	vmul.f32 v26, v25;
	v18 =	vld [tilespmem:s31+$0x70]  }
0x3c7: {  	s12 =	simm.s32 $0x0;
	v20 =	vld [tilespmem:s17+$0xFFFFFF00];
	s17 =	simm.s32 $0x4700;
	v17 =	vmul.f32 v22, v13;
	v19 =	vperm.xlane v12, v2;
	v13 =	vadd.f32 v23, v63;
	[tilespmem:s0+$0x80] =	vst v62  }
.LBB2_12:
0x3c8: {  	v22 =	vld [tilespmem:s17+$0x80];
	s31 =	sadd.s32 $0x200, s31  }
0x3c9: {  	v23 =	vld [tilespmem:s31+$0x80];
	v12 =	vadd.f32 v12, v19;
	v14 =	vmul.f32 v16, v14;
	v16 =	vadd.f32 v21, v17  }
0x3ca: {  	v17 =	vld [tilespmem:s17+$0x90]  }
0x3cb: {  	v19 =	vld [tilespmem:s31+$0x90];
	v21 =	vperm.xlane v12, v3;
	v15 =	vmul.f32 v18, v15  }
0x3cc: {  	v18 =	vld [tilespmem:s17+$0xA0];
	v8 =	vmul.f32 v8, v20  }
0x3cd: {  	v20 =	vld [tilespmem:s31+$0xA0];
	v12 =	vadd.f32 v12, v21;
	v14 =	vadd.f32 v15, v14  }
0x3ce: {  	v15 =	vld [tilespmem:s17+$0xB0];
	v8 =	vadd.f32 v9, v8  }
0x3cf: {  	v9 =	vld [tilespmem:s31+$0xB0];
	v21 =	vperm.xlane v12, v4;
	v14 =	vadd.f32 v14, v16  }
0x3d0: {  	v16 =	vld [tilespmem:s17+$0xC0];
	v8 =	vadd.f32 v10, v8  }
0x3d1: {  	v10 =	vld [tilespmem:s31+$0xC0];
	v12 =	vadd.f32 v12, v21;
	v13 =	vadd.f32 v14, v13  }
0x3d2: {  	v14 =	vld [tilespmem:s17+$0xD0];
	v8 =	vadd.f32 v11, v8  }
0x3d3: {  	v11 =	vld [tilespmem:s31+$0xD0];
	[tilespmem:s0+$0xFFFFFF80] =	vst v12;
	v12 =	vperm.xlane v13, v0  }
0x3d4: {  	v21 =	vld [tilespmem:s17+$0xE0];
	v24 =	vperm.xlane v8, v0  }
0x3d5: {  	v25 =	vld [tilespmem:s31+$0xE0];
	v12 =	vadd.f32 v13, v12  }
0x3d6: {  	v13 =	vld [tilespmem:s17+$0xF0];
	v24 =	vadd.f32 v8, v24  }
0x3d7: {  	s12 =	sadd.s32 $0x4, s12;
	v26 =	vld [tilespmem:s31+$0xF0];
	v27 =	vperm.xlane v12, v2  }
0x3d8: {  	p0 =	slt.u32 s12, $0x3C;
	v8 =	vld [tilespmem:s31+$0xFFFFFF00];
	v28 =	vperm.xlane v24, v2  }
0x3d9: {  	v22 =	vmul.f32 v23, v22;
	v17 =	vmul.f32 v19, v17;
	v29 =	vld [tilespmem:s17+$0xFFFFFF10];
	v12 =	vadd.f32 v12, v27  }
0x3da: {  	v18 =	vmul.f32 v20, v18;
	v9 =	vmul.f32 v9, v15;
	v19 =	vld [tilespmem:s31+$0xFFFFFF10];
	v15 =	vadd.f32 v24, v28  }
0x3db: {  	v10 =	vmul.f32 v10, v16;
	v11 =	vmul.f32 v11, v14;
	v20 =	vld [tilespmem:s17+$0xFFFFFF20]  }
0x3dc: {  	v16 =	vmul.f32 v25, v21;
	v14 =	vld [tilespmem:s31+$0xFFFFFF20];
	v13 =	vmul.f32 v26, v13  }
0x3dd: {  	v17 =	vadd.f32 v17, v22;
	v18 =	vadd.f32 v9, v18;
	v22 =	vperm.xlane v15, v3;
	v21 =	vld [tilespmem:s17+$0xFFFFFF30]  }
0x3de: {  	v10 =	vadd.f32 v11, v10;
	v23 =	vld [tilespmem:s31+$0xFFFFFF30];
	v11 =	vadd.f32 v13, v16;
	v13 =	vperm.xlane v12, v3  }
0x3df: {  	v15 =	vadd.f32 v15, v22;
	v9 =	vmul.f32 v19, v29;
	v16 =	vld [tilespmem:s17+$0xFFFFFF40]  }
0x3e0: {  	v17 =	vadd.f32 v18, v17;
	v19 =	vld [tilespmem:s31+$0xFFFFFF40];
	v10 =	vadd.f32 v11, v10  }
0x3e1: {  	v18 =	vperm.xlane v15, v4;
	v12 =	vadd.f32 v12, v13;
	v11 =	vmul.f32 v14, v20;
	v14 =	vld [tilespmem:s17+$0xFFFFFF50]  }
0x3e2: {  	v13 =	vld [tilespmem:s31+$0xFFFFFF50];
	v17 =	vadd.f32 v10, v17  }
0x3e3: {  	v15 =	vadd.f32 v15, v18;
	v18 =	vperm.xlane v12, v4;
	v10 =	vmul.f32 v23, v21;
	v20 =	vld [tilespmem:s17+$0xFFFFFF60]  }
0x3e4: {  	v21 =	vld [tilespmem:s31+$0xFFFFFF60];
	v22 =	vperm.xlane v17, v0  }
0x3e5: {  	v16 =	vmul.f32 v19, v16;
	v19 =	vld [tilespmem:s17+$0xFFFFFF70];
	v10 =	vadd.f32 v10, v11;
	[tilespmem:s0+$0xFFFFFF00] =	vst v15;
	v11 =	vadd.f32 v12, v18  }
0x3e6: {  	v12 =	vld [tilespmem:s31+$0xFFFFFF70];
	v15 =	vadd.f32 v17, v22  }
0x3e7: {  	v13 =	vmul.f32 v13, v14;
	v14 =	vld [tilespmem:s17+$0xFFFFFF80];
	[tilespmem:s0+$0x0] =	vst v11  }
0x3e8: {  	v11 =	vld [tilespmem:s31+$0xFFFFFF80];
	v17 =	vperm.xlane v15, v2  }
0x3e9: {  	v18 =	vmul.f32 v21, v20;
	v13 =	vadd.f32 v13, v16;
	v16 =	vld [tilespmem:s17+$0xFFFFFF90]  }
0x3ea: {  	v20 =	vld [tilespmem:s31+$0xFFFFFF90];
	v15 =	vadd.f32 v15, v17  }
0x3eb: {  	v12 =	vmul.f32 v12, v19;
	v17 =	vld [tilespmem:s17+$0xFFFFFFA0]  }
0x3ec: {  	v19 =	vld [tilespmem:s31+$0xFFFFFFA0];
	v21 =	vperm.xlane v15, v3  }
0x3ed: {  	v12 =	vadd.f32 v12, v18;
	v14 =	vmul.f32 v11, v14;
	v18 =	vld [tilespmem:s17+$0xFFFFFFB0]  }
0x3ee: {  	v22 =	vld [tilespmem:s31+$0xFFFFFFB0];
	v15 =	vadd.f32 v15, v21  }
0x3ef: {  	v11 =	vadd.f32 v12, v13;
	v12 =	vmul.f32 v20, v16;
	v13 =	vld [tilespmem:s17+$0xFFFFFFC0]  }
0x3f0: {  	v16 =	vld [tilespmem:s31+$0xFFFFFFC0];
	v20 =	vperm.xlane v15, v4  }
0x3f1: {  	v17 =	vmul.f32 v19, v17;
	v19 =	vld [tilespmem:s17+$0xFFFFFFD0];
	v12 =	vadd.f32 v12, v14  }
0x3f2: {  	v14 =	vld [tilespmem:s31+$0xFFFFFFD0];
	v15 =	vadd.f32 v15, v20  }
0x3f3: {  	s0 =	sadd.s32 $0x200, s0;
	v18 =	vmul.f32 v22, v18;
	v20 =	vld [tilespmem:s17+$0xFFFFFFE0]  }
0x3f4: {  	v21 =	vld [tilespmem:s31+$0xFFFFFFE0];
	[tilespmem:s0+$0x80] =	vst v15  }
0x3f5: {  	v13 =	vmul.f32 v16, v13;
	v15 =	vld [tilespmem:s17+$0xFFFFFFF0];
	v16 =	vadd.f32 v18, v17  }
0x3f6: {  	v17 =	vld [tilespmem:s31+$0xFFFFFFF0]  }
0x3f7: {  	v14 =	vmul.f32 v14, v19;
	v12 =	vadd.f32 v16, v12;
	v16 =	vld [tilespmem:s17+$0x0]  }
0x3f8: {  	v18 =	vld [tilespmem:s31+$0x0]  }
0x3f9: {  	v19 =	vmul.f32 v21, v20;
	v13 =	vadd.f32 v14, v13;
	v14 =	vld [tilespmem:s17+$0x10]  }
0x3fa: {  	v20 =	vld [tilespmem:s31+$0x10]  }
0x3fb: {  	v15 =	vmul.f32 v17, v15;
	v17 =	vld [tilespmem:s17+$0x20]  }
0x3fc: {  	v21 =	vld [tilespmem:s31+$0x20]  }
0x3fd: {  	v15 =	vadd.f32 v15, v19;
	v16 =	vmul.f32 v18, v16;
	v18 =	vld [tilespmem:s17+$0x30]  }
0x3fe: {  	v19 =	vld [tilespmem:s31+$0x30]  }
0x3ff: {  	v13 =	vadd.f32 v15, v13;
	v14 =	vmul.f32 v20, v14;
	v15 =	vld [tilespmem:s17+$0x40]  }
0x400: {  	v20 =	vld [tilespmem:s31+$0x40]  }
0x401: {  	v12 =	vadd.f32 v13, v12;
	v13 =	vmul.f32 v21, v17;
	v21 =	vld [tilespmem:s17+$0x50];
	v22 =	vadd.f32 v14, v16  }
0x402: {  	v23 =	vld [tilespmem:s31+$0x50]  }
.Ltmp5:
0x403: {  	v17 =	vperm.xlane v12, v0;
	v18 =	vmul.f32 v19, v18;
	v14 =	vld [tilespmem:s17+$0x60];
	(pc) =	sbr.rel @p0 .LBB2_12-.Ltmp5, $4  }
0x404: {  	v16 =	vld [tilespmem:s31+$0x60]  }
0x405: {  	v12 =	vadd.f32 v12, v17;
	v17 =	vmul.f32 v20, v15;
	v15 =	vld [tilespmem:s17+$0x70];
	v13 =	vadd.f32 v18, v13  }
0x406: {  	v18 =	vld [tilespmem:s31+$0x70]  }
0x407: {  	v20 =	vld [tilespmem:s17+$0xFFFFFF00];
	v19 =	vperm.xlane v12, v2;
	v21 =	vmul.f32 v23, v21;
	v13 =	vadd.f32 v13, v22;
	s17 =	sadd.s32 $0x200, s17  }
0x408: {  	_ =	sdelay $0x3  }
0x409: {  	v8 =	vmul.f32 v8, v20  }
0x40a: {  	v14 =	vmul.f32 v16, v14;
	v15 =	vmul.f32 v18, v15  }
0x40b: {  	v8 =	vadd.f32 v9, v8  }
0x40c: {  	v14 =	vadd.f32 v15, v14;
	v9 =	vadd.f32 v21, v17  }
0x40d: {  	v8 =	vadd.f32 v10, v8  }
0x40e: {  	v9 =	vadd.f32 v14, v9  }
0x40f: {  	v8 =	vadd.f32 v11, v8  }
0x410: {  	v9 =	vadd.f32 v9, v13  }
0x411: {  	v10 =	vperm.xlane v8, v0  }
0x412: {  	v11 =	vperm.xlane v9, v0  }
0x413: {  	v8 =	vadd.f32 v8, v10  }
0x414: {  	v9 =	vadd.f32 v9, v11  }
0x415: {  	v10 =	vperm.xlane v8, v2  }
0x416: {  	v11 =	vadd.f32 v12, v19;
	v12 =	vperm.xlane v9, v2  }
0x417: {  	v8 =	vadd.f32 v8, v10  }
0x418: {  	v10 =	vperm.xlane v11, v3;
	v9 =	vadd.f32 v9, v12  }
0x419: {  	v12 =	vperm.xlane v8, v3  }
0x41a: {  	v10 =	vadd.f32 v11, v10;
	v11 =	vperm.xlane v9, v3  }
0x41b: {  	v8 =	vadd.f32 v8, v12  }
0x41c: {  	v12 =	vperm.xlane v10, v4;
	v9 =	vadd.f32 v9, v11  }
0x41d: {  	v11 =	vperm.xlane v8, v4  }
0x41e: {  	v10 =	vadd.f32 v10, v12;
	v12 =	vperm.xlane v9, v4  }
0x41f: {  	v8 =	vadd.f32 v8, v11  }
0x420: {  	[tilespmem:s0+$0xFFFFFF80] =	vst v10;
	v9 =	vadd.f32 v9, v12  }
0x421: {  	[tilespmem:s0+$0xFFFFFF00] =	vst v8  }
0x422: {  	[tilespmem:s0+$0x0] =	vst v9  }
0x423: {  	v8 =	vld.idx.msk [tilespmem:v1+s26+$0x0], $0xffff;
	_ =	sdelay $0x4  }
0x424: {  	[tilespmem:$0x12540] =	vst v8  }
0x425: {  	v8 =	vld.idx.msk [tilespmem:v5+s26+$0x0], $0xffff;
	_ =	sdelay $0x4  }
0x426: {  	[tilespmem:$0x12550] =	vst v8  }
0x427: {  	v8 =	vld.idx.msk [tilespmem:v6+s26+$0x0], $0xffff;
	_ =	sdelay $0x4  }
0x428: {  	[tilespmem:$0x12560] =	vst v8  }
0x429: {  	v8 =	vld.idx.msk [tilespmem:v7+s26+$0x0], $0xffff;
	_ =	sdelay $0x4  }
0x42a: {  	[tilespmem:$0x12570] =	vst v8  }
0x42b: {  	_ =	swait.ge [sflag:s2], $0x2000  }
0x42c: {  	[sflag:s2] =	ssyncset.done $0x0  }
0x42d: {  	[sflag:s2] =	ssyncadd.s32 $0xFFFFE000  }
0x42e: {  	_ =	swait.ge [sflag:s2], $0x2000  }
0x42f: {  	[sflag:s2] =	ssyncset.done $0x0  }
0x430: {  	s17 =	simm.s32 $0x8500;
	[sflag:s2] =	ssyncadd.s32 $0xFFFFE000  }
0x431: {  	s31 =	simm.s32 $0xA500;
	v9 =	vld [tilespmem:s17+$0x80]  }
0x432: {  	v10 =	vld [tilespmem:s31+$0x80]  }
0x433: {  	v11 =	vld [tilespmem:s17+$0x90]  }
0x434: {  	v12 =	vld [tilespmem:s31+$0x90]  }
0x435: {  	v13 =	vld [tilespmem:s17+$0xA0]  }
0x436: {  	v14 =	vld [tilespmem:s31+$0xA0]  }
0x437: {  	v15 =	vld [tilespmem:s17+$0xB0]  }
0x438: {  	v16 =	vld [tilespmem:s31+$0xB0]  }
0x439: {  	v17 =	vld [tilespmem:s17+$0xC0]  }
0x43a: {  	v18 =	vld [tilespmem:s31+$0xC0]  }
0x43b: {  	v19 =	vld [tilespmem:s17+$0xD0]  }
0x43c: {  	v20 =	vld [tilespmem:s31+$0xD0]  }
0x43d: {  	v21 =	vld [tilespmem:s17+$0xE0]  }
0x43e: {  	v22 =	vld [tilespmem:s31+$0xE0]  }
0x43f: {  	v23 =	vld [tilespmem:s17+$0xF0]  }
0x440: {  	v24 =	vld [tilespmem:s31+$0xF0]  }
0x441: {  	v8 =	vld [tilespmem:s31+$0xFFFFFF00]  }
0x442: {  	v25 =	vld [tilespmem:s17+$0xFFFFFF10]  }
0x443: {  	v26 =	vld [tilespmem:s31+$0xFFFFFF10]  }
0x444: {  	v27 =	vld [tilespmem:s17+$0xFFFFFF20]  }
0x445: {  	v29 =	vld [tilespmem:s17+$0xFFFFFF30]  }
0x446: {  	v30 =	vld [tilespmem:s31+$0xFFFFFF30]  }
0x447: {  	v31 =	vld [tilespmem:s17+$0xFFFFFF40]  }
0x448: {  	v32 =	vld [tilespmem:s31+$0xFFFFFF40]  }
0x449: {  	v33 =	vld [tilespmem:s17+$0xFFFFFF50]  }
0x44a: {  	v34 =	vld [tilespmem:s31+$0xFFFFFF50]  }
0x44b: {  	v35 =	vld [tilespmem:s17+$0xFFFFFF60]  }
0x44c: {  	v36 =	vld [tilespmem:s31+$0xFFFFFF60]  }
0x44d: {  	v37 =	vld [tilespmem:s17+$0xFFFFFF70]  }
0x44e: {  	v38 =	vld [tilespmem:s31+$0xFFFFFF70]  }
0x44f: {  	v39 =	vld [tilespmem:s17+$0xFFFFFF80]  }
0x450: {  	v40 =	vld [tilespmem:s31+$0xFFFFFF80]  }
0x451: {  	v41 =	vld [tilespmem:s17+$0xFFFFFF90]  }
0x452: {  	v55 =	vld [tilespmem:s17+$0x0]  }
0x453: {  	v9 =	vmul.f32 v10, v9;
	v10 =	vmul.f32 v12, v11;
	v11 =	vld [tilespmem:s31+$0xFFFFFF90]  }
0x454: {  	v12 =	vmul.f32 v14, v13;
	v14 =	vld [tilespmem:s17+$0xFFFFFFA0]  }
0x455: {  	v13 =	vmul.f32 v16, v15;
	v15 =	vmul.f32 v18, v17;
	v17 =	vld [tilespmem:s31+$0xFFFFFFA0]  }
0x456: {  	v16 =	vmul.f32 v20, v19;
	v20 =	vld [tilespmem:s17+$0xFFFFFFB0]  }
0x457: {  	v18 =	vmul.f32 v22, v21;
	v22 =	vld [tilespmem:s17+$0xFFFFFFF0]  }
0x458: {  	v19 =	vmul.f32 v24, v23;
	v23 =	vld [tilespmem:s31+$0xFFFFFFF0]  }
0x459: {  	v9 =	vadd.f32 v10, v9;
	v10 =	vadd.f32 v13, v12;
	v12 =	vld [tilespmem:s31+$0xFFFFFFB0]  }
0x45a: {  	v13 =	vadd.f32 v16, v15;
	v15 =	vadd.f32 v19, v18;
	v16 =	vld [tilespmem:s17+$0xFFFFFFC0]  }
0x45b: {  	v18 =	vld [tilespmem:s31+$0xFFFFFFC0]  }
0x45c: {  	v19 =	vld [tilespmem:s31+$0xFFFFFFE0];
	v9 =	vadd.f32 v10, v9;
	v10 =	vadd.f32 v15, v13  }
0x45d: {  	v13 =	vld [tilespmem:s17+$0xFFFFFFD0]  }
0x45e: {  	v15 =	vld [tilespmem:s31+$0xFFFFFFD0];
	v9 =	vadd.f32 v10, v9  }
0x45f: {  	v57 =	vmul.f32 v34, v33;
	v10 =	vld [tilespmem:s17+$0xFFFFFFE0]  }
0x460: {  	v14 =	vmul.f32 v17, v14;
	v17 =	vld [tilespmem:s31+$0x0];
	v21 =	vperm.xlane v9, v0  }
0x461: {  	v11 =	vmul.f32 v11, v41;
	v12 =	vmul.f32 v12, v20;
	v20 =	vld [tilespmem:s17+$0x10]  }
0x462: {  	v16 =	vmul.f32 v18, v16;
	v18 =	vmul.f32 v23, v22;
	v23 =	vld [tilespmem:s31+$0x30];
	v9 =	vadd.f32 v9, v21  }
0x463: {  	v13 =	vmul.f32 v15, v13;
	v15 =	vld [tilespmem:s31+$0x10];
	v21 =	vmul.f32 v40, v39  }
0x464: {  	v12 =	vadd.f32 v12, v14;
	v14 =	vld [tilespmem:s31+$0x20];
	v10 =	vmul.f32 v19, v10;
	v56 =	vperm.xlane v9, v2  }
0x465: {  	v58 =	vmul.f32 v38, v37;
	v19 =	vld [tilespmem:s17+$0x20];
	v13 =	vadd.f32 v13, v16;
	v11 =	vadd.f32 v11, v21  }
0x466: {  	v61 =	vmul.f32 v30, v29;
	v16 =	vld [tilespmem:s17+$0x30];
	v10 =	vadd.f32 v18, v10;
	v9 =	vadd.f32 v9, v56  }
0x467: {  	v28 =	vld [tilespmem:s31+$0xFFFFFF20];
	v17 =	vmul.f32 v17, v55;
	v18 =	vmul.f32 v32, v31  }
0x468: {  	v59 =	vld [tilespmem:s17+$0x50];
	v11 =	vadd.f32 v12, v11;
	v10 =	vadd.f32 v10, v13;
	v22 =	vperm.xlane v9, v3  }
0x469: {  	v60 =	vld [tilespmem:s31+$0x50];
	v12 =	vmul.f32 v36, v35;
	v15 =	vmul.f32 v15, v20  }
0x46a: {  	v13 =	vld [tilespmem:s17+$0x40];
	v19 =	vmul.f32 v14, v19;
	v10 =	vadd.f32 v10, v11;
	v9 =	vadd.f32 v9, v22  }
0x46b: {  	v20 =	vadd.f32 v58, v12;
	v23 =	vmul.f32 v23, v16;
	v11 =	vadd.f32 v57, v18;
	v22 =	vld [tilespmem:s31+$0x40]  }
0x46c: {  	v14 =	vld [tilespmem:s17+$0x60];
	v63 =	vadd.f32 v15, v17;
	v12 =	vperm.xlane v10, v0;
	v18 =	vperm.xlane v9, v4  }
0x46d: {  	v21 =	vmul.f32 v28, v27;
	v16 =	vld [tilespmem:s31+$0x60];
	v23 =	vadd.f32 v23, v19;
	v11 =	vadd.f32 v20, v11  }
0x46e: {  	v15 =	vld [tilespmem:s17+$0x70];
	v12 =	vadd.f32 v10, v12;
	v62 =	vadd.f32 v9, v18  }
0x46f: {  	s0 =	simm.s32 $0x10500;
	v10 =	vadd.f32 v61, v21;
	v21 =	vmul.f32 v60, v59;
	v9 =	vmul.f32 v26, v25;
	v18 =	vld [tilespmem:s31+$0x70]  }
0x470: {  	s12 =	simm.s32 $0x0;
	v20 =	vld [tilespmem:s17+$0xFFFFFF00];
	s17 =	simm.s32 $0x8700;
	v17 =	vmul.f32 v22, v13;
	v19 =	vperm.xlane v12, v2;
	v13 =	vadd.f32 v23, v63;
	[tilespmem:s0+$0x80] =	vst v62  }
.LBB2_14:
0x471: {  	v22 =	vld [tilespmem:s17+$0x80];
	s31 =	sadd.s32 $0x200, s31  }
0x472: {  	v23 =	vld [tilespmem:s31+$0x80];
	v12 =	vadd.f32 v12, v19;
	v14 =	vmul.f32 v16, v14;
	v16 =	vadd.f32 v21, v17  }
0x473: {  	v17 =	vld [tilespmem:s17+$0x90]  }
0x474: {  	v19 =	vld [tilespmem:s31+$0x90];
	v21 =	vperm.xlane v12, v3;
	v15 =	vmul.f32 v18, v15  }
0x475: {  	v18 =	vld [tilespmem:s17+$0xA0];
	v8 =	vmul.f32 v8, v20  }
0x476: {  	v20 =	vld [tilespmem:s31+$0xA0];
	v12 =	vadd.f32 v12, v21;
	v14 =	vadd.f32 v15, v14  }
0x477: {  	v15 =	vld [tilespmem:s17+$0xB0];
	v8 =	vadd.f32 v9, v8  }
0x478: {  	v9 =	vld [tilespmem:s31+$0xB0];
	v21 =	vperm.xlane v12, v4;
	v14 =	vadd.f32 v14, v16  }
0x479: {  	v16 =	vld [tilespmem:s17+$0xC0];
	v8 =	vadd.f32 v10, v8  }
0x47a: {  	v10 =	vld [tilespmem:s31+$0xC0];
	v12 =	vadd.f32 v12, v21;
	v13 =	vadd.f32 v14, v13  }
0x47b: {  	v14 =	vld [tilespmem:s17+$0xD0];
	v8 =	vadd.f32 v11, v8  }
0x47c: {  	v11 =	vld [tilespmem:s31+$0xD0];
	[tilespmem:s0+$0xFFFFFF80] =	vst v12;
	v12 =	vperm.xlane v13, v0  }
0x47d: {  	v21 =	vld [tilespmem:s17+$0xE0];
	v24 =	vperm.xlane v8, v0  }
0x47e: {  	v25 =	vld [tilespmem:s31+$0xE0];
	v12 =	vadd.f32 v13, v12  }
0x47f: {  	v13 =	vld [tilespmem:s17+$0xF0];
	v24 =	vadd.f32 v8, v24  }
0x480: {  	s12 =	sadd.s32 $0x4, s12;
	v26 =	vld [tilespmem:s31+$0xF0];
	v27 =	vperm.xlane v12, v2  }
0x481: {  	p0 =	slt.u32 s12, $0x3C;
	v8 =	vld [tilespmem:s31+$0xFFFFFF00];
	v28 =	vperm.xlane v24, v2  }
0x482: {  	v22 =	vmul.f32 v23, v22;
	v17 =	vmul.f32 v19, v17;
	v29 =	vld [tilespmem:s17+$0xFFFFFF10];
	v12 =	vadd.f32 v12, v27  }
0x483: {  	v18 =	vmul.f32 v20, v18;
	v9 =	vmul.f32 v9, v15;
	v19 =	vld [tilespmem:s31+$0xFFFFFF10];
	v15 =	vadd.f32 v24, v28  }
0x484: {  	v10 =	vmul.f32 v10, v16;
	v11 =	vmul.f32 v11, v14;
	v20 =	vld [tilespmem:s17+$0xFFFFFF20]  }
0x485: {  	v16 =	vmul.f32 v25, v21;
	v14 =	vld [tilespmem:s31+$0xFFFFFF20];
	v13 =	vmul.f32 v26, v13  }
0x486: {  	v17 =	vadd.f32 v17, v22;
	v18 =	vadd.f32 v9, v18;
	v22 =	vperm.xlane v15, v3;
	v21 =	vld [tilespmem:s17+$0xFFFFFF30]  }
0x487: {  	v10 =	vadd.f32 v11, v10;
	v23 =	vld [tilespmem:s31+$0xFFFFFF30];
	v11 =	vadd.f32 v13, v16;
	v13 =	vperm.xlane v12, v3  }
0x488: {  	v15 =	vadd.f32 v15, v22;
	v9 =	vmul.f32 v19, v29;
	v16 =	vld [tilespmem:s17+$0xFFFFFF40]  }
0x489: {  	v17 =	vadd.f32 v18, v17;
	v19 =	vld [tilespmem:s31+$0xFFFFFF40];
	v10 =	vadd.f32 v11, v10  }
0x48a: {  	v18 =	vperm.xlane v15, v4;
	v12 =	vadd.f32 v12, v13;
	v11 =	vmul.f32 v14, v20;
	v14 =	vld [tilespmem:s17+$0xFFFFFF50]  }
0x48b: {  	v13 =	vld [tilespmem:s31+$0xFFFFFF50];
	v17 =	vadd.f32 v10, v17  }
0x48c: {  	v15 =	vadd.f32 v15, v18;
	v18 =	vperm.xlane v12, v4;
	v10 =	vmul.f32 v23, v21;
	v20 =	vld [tilespmem:s17+$0xFFFFFF60]  }
0x48d: {  	v21 =	vld [tilespmem:s31+$0xFFFFFF60];
	v22 =	vperm.xlane v17, v0  }
0x48e: {  	v16 =	vmul.f32 v19, v16;
	v19 =	vld [tilespmem:s17+$0xFFFFFF70];
	v10 =	vadd.f32 v10, v11;
	[tilespmem:s0+$0xFFFFFF00] =	vst v15;
	v11 =	vadd.f32 v12, v18  }
0x48f: {  	v12 =	vld [tilespmem:s31+$0xFFFFFF70];
	v15 =	vadd.f32 v17, v22  }
0x490: {  	v13 =	vmul.f32 v13, v14;
	v14 =	vld [tilespmem:s17+$0xFFFFFF80];
	[tilespmem:s0+$0x0] =	vst v11  }
0x491: {  	v11 =	vld [tilespmem:s31+$0xFFFFFF80];
	v17 =	vperm.xlane v15, v2  }
0x492: {  	v18 =	vmul.f32 v21, v20;
	v13 =	vadd.f32 v13, v16;
	v16 =	vld [tilespmem:s17+$0xFFFFFF90]  }
0x493: {  	v20 =	vld [tilespmem:s31+$0xFFFFFF90];
	v15 =	vadd.f32 v15, v17  }
0x494: {  	v12 =	vmul.f32 v12, v19;
	v17 =	vld [tilespmem:s17+$0xFFFFFFA0]  }
0x495: {  	v19 =	vld [tilespmem:s31+$0xFFFFFFA0];
	v21 =	vperm.xlane v15, v3  }
0x496: {  	v12 =	vadd.f32 v12, v18;
	v14 =	vmul.f32 v11, v14;
	v18 =	vld [tilespmem:s17+$0xFFFFFFB0]  }
0x497: {  	v22 =	vld [tilespmem:s31+$0xFFFFFFB0];
	v15 =	vadd.f32 v15, v21  }
0x498: {  	v11 =	vadd.f32 v12, v13;
	v12 =	vmul.f32 v20, v16;
	v13 =	vld [tilespmem:s17+$0xFFFFFFC0]  }
0x499: {  	v16 =	vld [tilespmem:s31+$0xFFFFFFC0];
	v20 =	vperm.xlane v15, v4  }
0x49a: {  	v17 =	vmul.f32 v19, v17;
	v19 =	vld [tilespmem:s17+$0xFFFFFFD0];
	v12 =	vadd.f32 v12, v14  }
0x49b: {  	v14 =	vld [tilespmem:s31+$0xFFFFFFD0];
	v15 =	vadd.f32 v15, v20  }
0x49c: {  	s0 =	sadd.s32 $0x200, s0;
	v18 =	vmul.f32 v22, v18;
	v20 =	vld [tilespmem:s17+$0xFFFFFFE0]  }
0x49d: {  	v21 =	vld [tilespmem:s31+$0xFFFFFFE0];
	[tilespmem:s0+$0x80] =	vst v15  }
0x49e: {  	v13 =	vmul.f32 v16, v13;
	v15 =	vld [tilespmem:s17+$0xFFFFFFF0];
	v16 =	vadd.f32 v18, v17  }
0x49f: {  	v17 =	vld [tilespmem:s31+$0xFFFFFFF0]  }
0x4a0: {  	v14 =	vmul.f32 v14, v19;
	v12 =	vadd.f32 v16, v12;
	v16 =	vld [tilespmem:s17+$0x0]  }
0x4a1: {  	v18 =	vld [tilespmem:s31+$0x0]  }
0x4a2: {  	v19 =	vmul.f32 v21, v20;
	v13 =	vadd.f32 v14, v13;
	v14 =	vld [tilespmem:s17+$0x10]  }
0x4a3: {  	v20 =	vld [tilespmem:s31+$0x10]  }
0x4a4: {  	v15 =	vmul.f32 v17, v15;
	v17 =	vld [tilespmem:s17+$0x20]  }
0x4a5: {  	v21 =	vld [tilespmem:s31+$0x20]  }
0x4a6: {  	v15 =	vadd.f32 v15, v19;
	v16 =	vmul.f32 v18, v16;
	v18 =	vld [tilespmem:s17+$0x30]  }
0x4a7: {  	v19 =	vld [tilespmem:s31+$0x30]  }
0x4a8: {  	v13 =	vadd.f32 v15, v13;
	v14 =	vmul.f32 v20, v14;
	v15 =	vld [tilespmem:s17+$0x40]  }
0x4a9: {  	v20 =	vld [tilespmem:s31+$0x40]  }
0x4aa: {  	v12 =	vadd.f32 v13, v12;
	v13 =	vmul.f32 v21, v17;
	v21 =	vld [tilespmem:s17+$0x50];
	v22 =	vadd.f32 v14, v16  }
0x4ab: {  	v23 =	vld [tilespmem:s31+$0x50]  }
.Ltmp6:
0x4ac: {  	v17 =	vperm.xlane v12, v0;
	v18 =	vmul.f32 v19, v18;
	v14 =	vld [tilespmem:s17+$0x60];
	(pc) =	sbr.rel @p0 .LBB2_14-.Ltmp6, $4  }
0x4ad: {  	v16 =	vld [tilespmem:s31+$0x60]  }
0x4ae: {  	v12 =	vadd.f32 v12, v17;
	v17 =	vmul.f32 v20, v15;
	v15 =	vld [tilespmem:s17+$0x70];
	v13 =	vadd.f32 v18, v13  }
0x4af: {  	v18 =	vld [tilespmem:s31+$0x70]  }
0x4b0: {  	v20 =	vld [tilespmem:s17+$0xFFFFFF00];
	v19 =	vperm.xlane v12, v2;
	v21 =	vmul.f32 v23, v21;
	v13 =	vadd.f32 v13, v22;
	s17 =	sadd.s32 $0x200, s17  }
0x4b1: {  	_ =	sdelay $0x3  }
0x4b2: {  	v8 =	vmul.f32 v8, v20  }
0x4b3: {  	v14 =	vmul.f32 v16, v14;
	v15 =	vmul.f32 v18, v15  }
0x4b4: {  	v8 =	vadd.f32 v9, v8  }
0x4b5: {  	v14 =	vadd.f32 v15, v14;
	v9 =	vadd.f32 v21, v17  }
0x4b6: {  	v8 =	vadd.f32 v10, v8  }
0x4b7: {  	v9 =	vadd.f32 v14, v9  }
0x4b8: {  	v8 =	vadd.f32 v11, v8  }
0x4b9: {  	v9 =	vadd.f32 v9, v13  }
0x4ba: {  	v10 =	vperm.xlane v8, v0  }
0x4bb: {  	v11 =	vperm.xlane v9, v0  }
0x4bc: {  	v8 =	vadd.f32 v8, v10  }
0x4bd: {  	v9 =	vadd.f32 v9, v11  }
0x4be: {  	v10 =	vperm.xlane v8, v2  }
0x4bf: {  	v11 =	vadd.f32 v12, v19;
	v12 =	vperm.xlane v9, v2  }
0x4c0: {  	v8 =	vadd.f32 v8, v10  }
0x4c1: {  	v10 =	vperm.xlane v11, v3;
	v9 =	vadd.f32 v9, v12  }
0x4c2: {  	v12 =	vperm.xlane v8, v3  }
0x4c3: {  	v10 =	vadd.f32 v11, v10;
	v11 =	vperm.xlane v9, v3  }
0x4c4: {  	v8 =	vadd.f32 v8, v12  }
0x4c5: {  	v12 =	vperm.xlane v10, v4;
	v9 =	vadd.f32 v9, v11  }
0x4c6: {  	v11 =	vperm.xlane v8, v4  }
0x4c7: {  	v10 =	vadd.f32 v10, v12;
	v12 =	vperm.xlane v9, v4  }
0x4c8: {  	v8 =	vadd.f32 v8, v11  }
0x4c9: {  	[tilespmem:s0+$0xFFFFFF80] =	vst v10;
	v9 =	vadd.f32 v9, v12  }
0x4ca: {  	[tilespmem:s0+$0xFFFFFF00] =	vst v8  }
0x4cb: {  	[tilespmem:s0+$0x0] =	vst v9  }
0x4cc: {  	v8 =	vld.idx.msk [tilespmem:v1+s26+$0x0], $0xffff;
	_ =	sdelay $0x4  }
0x4cd: {  	[tilespmem:$0x12580] =	vst v8  }
0x4ce: {  	v8 =	vld.idx.msk [tilespmem:v5+s26+$0x0], $0xffff;
	_ =	sdelay $0x4  }
0x4cf: {  	[tilespmem:$0x12590] =	vst v8  }
0x4d0: {  	v8 =	vld.idx.msk [tilespmem:v6+s26+$0x0], $0xffff;
	_ =	sdelay $0x4  }
0x4d1: {  	[tilespmem:$0x125A0] =	vst v8  }
0x4d2: {  	v8 =	vld.idx.msk [tilespmem:v7+s26+$0x0], $0xffff;
	_ =	sdelay $0x4  }
0x4d3: {  	[tilespmem:$0x125B0] =	vst v8  }
0x4d4: {  	_ =	swait.ge [sflag:s19], $0x2000  }
0x4d5: {  	[sflag:s19] =	ssyncset.done $0x0  }
0x4d6: {  	[sflag:s19] =	ssyncadd.s32 $0xFFFFE000  }
0x4d7: {  	_ =	swait.ge [sflag:s19], $0x2000  }
0x4d8: {  	[sflag:s19] =	ssyncset.done $0x0  }
0x4d9: {  	s17 =	simm.s32 $0xC500;
	[sflag:s19] =	ssyncadd.s32 $0xFFFFE000  }
0x4da: {  	s31 =	simm.s32 $0xE500;
	v9 =	vld [tilespmem:s17+$0x80]  }
0x4db: {  	v10 =	vld [tilespmem:s31+$0x80]  }
0x4dc: {  	v11 =	vld [tilespmem:s17+$0x90]  }
0x4dd: {  	v12 =	vld [tilespmem:s31+$0x90]  }
0x4de: {  	v13 =	vld [tilespmem:s17+$0xA0]  }
0x4df: {  	v14 =	vld [tilespmem:s31+$0xA0]  }
0x4e0: {  	v15 =	vld [tilespmem:s17+$0xB0]  }
0x4e1: {  	v16 =	vld [tilespmem:s31+$0xB0]  }
0x4e2: {  	v17 =	vld [tilespmem:s17+$0xC0]  }
0x4e3: {  	v18 =	vld [tilespmem:s31+$0xC0]  }
0x4e4: {  	v19 =	vld [tilespmem:s17+$0xD0]  }
0x4e5: {  	v20 =	vld [tilespmem:s31+$0xD0]  }
0x4e6: {  	v21 =	vld [tilespmem:s17+$0xE0]  }
0x4e7: {  	v22 =	vld [tilespmem:s31+$0xE0]  }
0x4e8: {  	v23 =	vld [tilespmem:s17+$0xF0]  }
0x4e9: {  	v24 =	vld [tilespmem:s31+$0xF0]  }
0x4ea: {  	v8 =	vld [tilespmem:s31+$0xFFFFFF00]  }
0x4eb: {  	v25 =	vld [tilespmem:s17+$0xFFFFFF10]  }
0x4ec: {  	v26 =	vld [tilespmem:s31+$0xFFFFFF10]  }
0x4ed: {  	v27 =	vld [tilespmem:s17+$0xFFFFFF20]  }
0x4ee: {  	v29 =	vld [tilespmem:s17+$0xFFFFFF30]  }
0x4ef: {  	v30 =	vld [tilespmem:s31+$0xFFFFFF30]  }
0x4f0: {  	v31 =	vld [tilespmem:s17+$0xFFFFFF40]  }
0x4f1: {  	v32 =	vld [tilespmem:s31+$0xFFFFFF40]  }
0x4f2: {  	v33 =	vld [tilespmem:s17+$0xFFFFFF50]  }
0x4f3: {  	v34 =	vld [tilespmem:s31+$0xFFFFFF50]  }
0x4f4: {  	v35 =	vld [tilespmem:s17+$0xFFFFFF60]  }
0x4f5: {  	v36 =	vld [tilespmem:s31+$0xFFFFFF60]  }
0x4f6: {  	v37 =	vld [tilespmem:s17+$0xFFFFFF70]  }
0x4f7: {  	v38 =	vld [tilespmem:s31+$0xFFFFFF70]  }
0x4f8: {  	v39 =	vld [tilespmem:s17+$0xFFFFFF80]  }
0x4f9: {  	v40 =	vld [tilespmem:s31+$0xFFFFFF80]  }
0x4fa: {  	v41 =	vld [tilespmem:s17+$0xFFFFFF90]  }
0x4fb: {  	v55 =	vld [tilespmem:s17+$0x0]  }
0x4fc: {  	v9 =	vmul.f32 v10, v9;
	v10 =	vmul.f32 v12, v11;
	v11 =	vld [tilespmem:s31+$0xFFFFFF90]  }
0x4fd: {  	v12 =	vmul.f32 v14, v13;
	v14 =	vld [tilespmem:s17+$0xFFFFFFA0]  }
0x4fe: {  	v13 =	vmul.f32 v16, v15;
	v15 =	vmul.f32 v18, v17;
	v17 =	vld [tilespmem:s31+$0xFFFFFFA0]  }
0x4ff: {  	v16 =	vmul.f32 v20, v19;
	v20 =	vld [tilespmem:s17+$0xFFFFFFB0]  }
0x500: {  	v18 =	vmul.f32 v22, v21;
	v22 =	vld [tilespmem:s17+$0xFFFFFFF0]  }
0x501: {  	v19 =	vmul.f32 v24, v23;
	v23 =	vld [tilespmem:s31+$0xFFFFFFF0]  }
0x502: {  	v9 =	vadd.f32 v10, v9;
	v10 =	vadd.f32 v13, v12;
	v12 =	vld [tilespmem:s31+$0xFFFFFFB0]  }
0x503: {  	v13 =	vadd.f32 v16, v15;
	v15 =	vadd.f32 v19, v18;
	v16 =	vld [tilespmem:s17+$0xFFFFFFC0]  }
0x504: {  	v18 =	vld [tilespmem:s31+$0xFFFFFFC0]  }
0x505: {  	v19 =	vld [tilespmem:s31+$0xFFFFFFE0];
	v9 =	vadd.f32 v10, v9;
	v10 =	vadd.f32 v15, v13  }
0x506: {  	v13 =	vld [tilespmem:s17+$0xFFFFFFD0]  }
0x507: {  	v15 =	vld [tilespmem:s31+$0xFFFFFFD0];
	v9 =	vadd.f32 v10, v9  }
0x508: {  	v57 =	vmul.f32 v34, v33;
	v10 =	vld [tilespmem:s17+$0xFFFFFFE0]  }
0x509: {  	v14 =	vmul.f32 v17, v14;
	v17 =	vld [tilespmem:s31+$0x0];
	v21 =	vperm.xlane v9, v0  }
0x50a: {  	v11 =	vmul.f32 v11, v41;
	v12 =	vmul.f32 v12, v20;
	v20 =	vld [tilespmem:s17+$0x10]  }
0x50b: {  	v16 =	vmul.f32 v18, v16;
	v18 =	vmul.f32 v23, v22;
	v23 =	vld [tilespmem:s31+$0x30];
	v9 =	vadd.f32 v9, v21  }
0x50c: {  	v13 =	vmul.f32 v15, v13;
	v15 =	vld [tilespmem:s31+$0x10];
	v21 =	vmul.f32 v40, v39  }
0x50d: {  	v12 =	vadd.f32 v12, v14;
	v14 =	vld [tilespmem:s31+$0x20];
	v10 =	vmul.f32 v19, v10;
	v56 =	vperm.xlane v9, v2  }
0x50e: {  	v58 =	vmul.f32 v38, v37;
	v19 =	vld [tilespmem:s17+$0x20];
	v13 =	vadd.f32 v13, v16;
	v11 =	vadd.f32 v11, v21  }
0x50f: {  	v61 =	vmul.f32 v30, v29;
	v16 =	vld [tilespmem:s17+$0x30];
	v10 =	vadd.f32 v18, v10;
	v9 =	vadd.f32 v9, v56  }
0x510: {  	v28 =	vld [tilespmem:s31+$0xFFFFFF20];
	v17 =	vmul.f32 v17, v55;
	v18 =	vmul.f32 v32, v31  }
0x511: {  	v59 =	vld [tilespmem:s17+$0x50];
	v11 =	vadd.f32 v12, v11;
	v10 =	vadd.f32 v10, v13;
	v22 =	vperm.xlane v9, v3  }
0x512: {  	v60 =	vld [tilespmem:s31+$0x50];
	v12 =	vmul.f32 v36, v35;
	v15 =	vmul.f32 v15, v20  }
0x513: {  	v13 =	vld [tilespmem:s17+$0x40];
	v19 =	vmul.f32 v14, v19;
	v10 =	vadd.f32 v10, v11;
	v9 =	vadd.f32 v9, v22  }
0x514: {  	v20 =	vadd.f32 v58, v12;
	v23 =	vmul.f32 v23, v16;
	v11 =	vadd.f32 v57, v18;
	v22 =	vld [tilespmem:s31+$0x40]  }
0x515: {  	v14 =	vld [tilespmem:s17+$0x60];
	v63 =	vadd.f32 v15, v17;
	v12 =	vperm.xlane v10, v0;
	v18 =	vperm.xlane v9, v4  }
0x516: {  	v21 =	vmul.f32 v28, v27;
	v16 =	vld [tilespmem:s31+$0x60];
	v23 =	vadd.f32 v23, v19;
	v11 =	vadd.f32 v20, v11  }
0x517: {  	v15 =	vld [tilespmem:s17+$0x70];
	v12 =	vadd.f32 v10, v12;
	v62 =	vadd.f32 v9, v18  }
0x518: {  	s0 =	simm.s32 $0x10500;
	v10 =	vadd.f32 v61, v21;
	v21 =	vmul.f32 v60, v59;
	v9 =	vmul.f32 v26, v25;
	v18 =	vld [tilespmem:s31+$0x70]  }
0x519: {  	s12 =	simm.s32 $0x0;
	v20 =	vld [tilespmem:s17+$0xFFFFFF00];
	s17 =	simm.s32 $0xC700;
	v17 =	vmul.f32 v22, v13;
	v19 =	vperm.xlane v12, v2;
	v13 =	vadd.f32 v23, v63;
	[tilespmem:s0+$0x80] =	vst v62  }
.LBB2_16:
0x51a: {  	v22 =	vld [tilespmem:s17+$0x80];
	s31 =	sadd.s32 $0x200, s31  }
0x51b: {  	v23 =	vld [tilespmem:s31+$0x80];
	v12 =	vadd.f32 v12, v19;
	v14 =	vmul.f32 v16, v14;
	v16 =	vadd.f32 v21, v17  }
0x51c: {  	v17 =	vld [tilespmem:s17+$0x90]  }
0x51d: {  	v19 =	vld [tilespmem:s31+$0x90];
	v21 =	vperm.xlane v12, v3;
	v15 =	vmul.f32 v18, v15  }
0x51e: {  	v18 =	vld [tilespmem:s17+$0xA0];
	v8 =	vmul.f32 v8, v20  }
0x51f: {  	v20 =	vld [tilespmem:s31+$0xA0];
	v12 =	vadd.f32 v12, v21;
	v14 =	vadd.f32 v15, v14  }
0x520: {  	v15 =	vld [tilespmem:s17+$0xB0];
	v8 =	vadd.f32 v9, v8  }
0x521: {  	v9 =	vld [tilespmem:s31+$0xB0];
	v21 =	vperm.xlane v12, v4;
	v14 =	vadd.f32 v14, v16  }
0x522: {  	v16 =	vld [tilespmem:s17+$0xC0];
	v8 =	vadd.f32 v10, v8  }
0x523: {  	v10 =	vld [tilespmem:s31+$0xC0];
	v12 =	vadd.f32 v12, v21;
	v13 =	vadd.f32 v14, v13  }
0x524: {  	v14 =	vld [tilespmem:s17+$0xD0];
	v8 =	vadd.f32 v11, v8  }
0x525: {  	v11 =	vld [tilespmem:s31+$0xD0];
	[tilespmem:s0+$0xFFFFFF80] =	vst v12;
	v12 =	vperm.xlane v13, v0  }
0x526: {  	v21 =	vld [tilespmem:s17+$0xE0];
	v24 =	vperm.xlane v8, v0  }
0x527: {  	v25 =	vld [tilespmem:s31+$0xE0];
	v12 =	vadd.f32 v13, v12  }
0x528: {  	v13 =	vld [tilespmem:s17+$0xF0];
	v24 =	vadd.f32 v8, v24  }
0x529: {  	s12 =	sadd.s32 $0x4, s12;
	v26 =	vld [tilespmem:s31+$0xF0];
	v27 =	vperm.xlane v12, v2  }
0x52a: {  	p0 =	slt.u32 s12, $0x3C;
	v8 =	vld [tilespmem:s31+$0xFFFFFF00];
	v28 =	vperm.xlane v24, v2  }
0x52b: {  	v22 =	vmul.f32 v23, v22;
	v17 =	vmul.f32 v19, v17;
	v29 =	vld [tilespmem:s17+$0xFFFFFF10];
	v12 =	vadd.f32 v12, v27  }
0x52c: {  	v18 =	vmul.f32 v20, v18;
	v9 =	vmul.f32 v9, v15;
	v19 =	vld [tilespmem:s31+$0xFFFFFF10];
	v15 =	vadd.f32 v24, v28  }
0x52d: {  	v10 =	vmul.f32 v10, v16;
	v11 =	vmul.f32 v11, v14;
	v20 =	vld [tilespmem:s17+$0xFFFFFF20]  }
0x52e: {  	v16 =	vmul.f32 v25, v21;
	v14 =	vld [tilespmem:s31+$0xFFFFFF20];
	v13 =	vmul.f32 v26, v13  }
0x52f: {  	v17 =	vadd.f32 v17, v22;
	v18 =	vadd.f32 v9, v18;
	v22 =	vperm.xlane v15, v3;
	v21 =	vld [tilespmem:s17+$0xFFFFFF30]  }
0x530: {  	v10 =	vadd.f32 v11, v10;
	v23 =	vld [tilespmem:s31+$0xFFFFFF30];
	v11 =	vadd.f32 v13, v16;
	v13 =	vperm.xlane v12, v3  }
0x531: {  	v15 =	vadd.f32 v15, v22;
	v9 =	vmul.f32 v19, v29;
	v16 =	vld [tilespmem:s17+$0xFFFFFF40]  }
0x532: {  	v17 =	vadd.f32 v18, v17;
	v19 =	vld [tilespmem:s31+$0xFFFFFF40];
	v10 =	vadd.f32 v11, v10  }
0x533: {  	v18 =	vperm.xlane v15, v4;
	v12 =	vadd.f32 v12, v13;
	v11 =	vmul.f32 v14, v20;
	v14 =	vld [tilespmem:s17+$0xFFFFFF50]  }
0x534: {  	v13 =	vld [tilespmem:s31+$0xFFFFFF50];
	v17 =	vadd.f32 v10, v17  }
0x535: {  	v15 =	vadd.f32 v15, v18;
	v18 =	vperm.xlane v12, v4;
	v10 =	vmul.f32 v23, v21;
	v20 =	vld [tilespmem:s17+$0xFFFFFF60]  }
0x536: {  	v21 =	vld [tilespmem:s31+$0xFFFFFF60];
	v22 =	vperm.xlane v17, v0  }
0x537: {  	v16 =	vmul.f32 v19, v16;
	v19 =	vld [tilespmem:s17+$0xFFFFFF70];
	v10 =	vadd.f32 v10, v11;
	[tilespmem:s0+$0xFFFFFF00] =	vst v15;
	v11 =	vadd.f32 v12, v18  }
0x538: {  	v12 =	vld [tilespmem:s31+$0xFFFFFF70];
	v15 =	vadd.f32 v17, v22  }
0x539: {  	v13 =	vmul.f32 v13, v14;
	v14 =	vld [tilespmem:s17+$0xFFFFFF80];
	[tilespmem:s0+$0x0] =	vst v11  }
0x53a: {  	v11 =	vld [tilespmem:s31+$0xFFFFFF80];
	v17 =	vperm.xlane v15, v2  }
0x53b: {  	v18 =	vmul.f32 v21, v20;
	v13 =	vadd.f32 v13, v16;
	v16 =	vld [tilespmem:s17+$0xFFFFFF90]  }
0x53c: {  	v20 =	vld [tilespmem:s31+$0xFFFFFF90];
	v15 =	vadd.f32 v15, v17  }
0x53d: {  	v12 =	vmul.f32 v12, v19;
	v17 =	vld [tilespmem:s17+$0xFFFFFFA0]  }
0x53e: {  	v19 =	vld [tilespmem:s31+$0xFFFFFFA0];
	v21 =	vperm.xlane v15, v3  }
0x53f: {  	v12 =	vadd.f32 v12, v18;
	v14 =	vmul.f32 v11, v14;
	v18 =	vld [tilespmem:s17+$0xFFFFFFB0]  }
0x540: {  	v22 =	vld [tilespmem:s31+$0xFFFFFFB0];
	v15 =	vadd.f32 v15, v21  }
0x541: {  	v11 =	vadd.f32 v12, v13;
	v12 =	vmul.f32 v20, v16;
	v13 =	vld [tilespmem:s17+$0xFFFFFFC0]  }
0x542: {  	v16 =	vld [tilespmem:s31+$0xFFFFFFC0];
	v20 =	vperm.xlane v15, v4  }
0x543: {  	v17 =	vmul.f32 v19, v17;
	v19 =	vld [tilespmem:s17+$0xFFFFFFD0];
	v12 =	vadd.f32 v12, v14  }
0x544: {  	v14 =	vld [tilespmem:s31+$0xFFFFFFD0];
	v15 =	vadd.f32 v15, v20  }
0x545: {  	s0 =	sadd.s32 $0x200, s0;
	v18 =	vmul.f32 v22, v18;
	v20 =	vld [tilespmem:s17+$0xFFFFFFE0]  }
0x546: {  	v21 =	vld [tilespmem:s31+$0xFFFFFFE0];
	[tilespmem:s0+$0x80] =	vst v15  }
0x547: {  	v13 =	vmul.f32 v16, v13;
	v15 =	vld [tilespmem:s17+$0xFFFFFFF0];
	v16 =	vadd.f32 v18, v17  }
0x548: {  	v17 =	vld [tilespmem:s31+$0xFFFFFFF0]  }
0x549: {  	v14 =	vmul.f32 v14, v19;
	v12 =	vadd.f32 v16, v12;
	v16 =	vld [tilespmem:s17+$0x0]  }
0x54a: {  	v18 =	vld [tilespmem:s31+$0x0]  }
0x54b: {  	v19 =	vmul.f32 v21, v20;
	v13 =	vadd.f32 v14, v13;
	v14 =	vld [tilespmem:s17+$0x10]  }
0x54c: {  	v20 =	vld [tilespmem:s31+$0x10]  }
0x54d: {  	v15 =	vmul.f32 v17, v15;
	v17 =	vld [tilespmem:s17+$0x20]  }
0x54e: {  	v21 =	vld [tilespmem:s31+$0x20]  }
0x54f: {  	v15 =	vadd.f32 v15, v19;
	v16 =	vmul.f32 v18, v16;
	v18 =	vld [tilespmem:s17+$0x30]  }
0x550: {  	v19 =	vld [tilespmem:s31+$0x30]  }
0x551: {  	v13 =	vadd.f32 v15, v13;
	v14 =	vmul.f32 v20, v14;
	v15 =	vld [tilespmem:s17+$0x40]  }
0x552: {  	v20 =	vld [tilespmem:s31+$0x40]  }
0x553: {  	v12 =	vadd.f32 v13, v12;
	v13 =	vmul.f32 v21, v17;
	v21 =	vld [tilespmem:s17+$0x50];
	v22 =	vadd.f32 v14, v16  }
0x554: {  	v23 =	vld [tilespmem:s31+$0x50]  }
.Ltmp7:
0x555: {  	v17 =	vperm.xlane v12, v0;
	v18 =	vmul.f32 v19, v18;
	v14 =	vld [tilespmem:s17+$0x60];
	(pc) =	sbr.rel @p0 .LBB2_16-.Ltmp7, $4  }
0x556: {  	v16 =	vld [tilespmem:s31+$0x60]  }
0x557: {  	v12 =	vadd.f32 v12, v17;
	v17 =	vmul.f32 v20, v15;
	v15 =	vld [tilespmem:s17+$0x70];
	v13 =	vadd.f32 v18, v13  }
0x558: {  	v18 =	vld [tilespmem:s31+$0x70]  }
0x559: {  	v20 =	vld [tilespmem:s17+$0xFFFFFF00];
	v19 =	vperm.xlane v12, v2;
	v21 =	vmul.f32 v23, v21;
	v13 =	vadd.f32 v13, v22;
	s17 =	sadd.s32 $0x200, s17  }
0x55a: {  	_ =	sdelay $0x2  }
0x55b: {  	v14 =	vmul.f32 v16, v14;
	v15 =	vmul.f32 v18, v15  }
0x55c: {  	v8 =	vmul.f32 v8, v20  }
0x55d: {  	v53 =	vadd.f32 v21, v17;
	v14 =	vadd.f32 v15, v14  }
0x55e: {  	v8 =	vadd.f32 v9, v8  }
0x55f: {  	v9 =	vadd.f32 v14, v53  }
0x560: {  	v8 =	vadd.f32 v10, v8  }
0x561: {  	v9 =	vadd.f32 v9, v13  }
0x562: {  	v8 =	vadd.f32 v11, v8  }
0x563: {  	v55 =	vperm.xlane v9, v0  }
0x564: {  	v54 =	vperm.xlane v8, v0  }
0x565: {  	v9 =	vadd.f32 v9, v55  }
0x566: {  	v8 =	vadd.f32 v8, v54  }
0x567: {  	v57 =	vperm.xlane v9, v2  }
0x568: {  	v56 =	vadd.f32 v12, v19;
	v10 =	vperm.xlane v8, v2  }
0x569: {  	v9 =	vadd.f32 v9, v57  }
0x56a: {  	v58 =	vperm.xlane v56, v3;
	v8 =	vadd.f32 v8, v10  }
0x56b: {  	v60 =	vperm.xlane v9, v3  }
0x56c: {  	v10 =	vadd.f32 v56, v58;
	v59 =	vperm.xlane v8, v3  }
0x56d: {  	v9 =	vadd.f32 v9, v60  }
0x56e: {  	v61 =	vperm.xlane v10, v4;
	v8 =	vadd.f32 v8, v59  }
0x56f: {  	v63 =	vperm.xlane v9, v4  }
0x570: {  	v10 =	vadd.f32 v10, v61;
	v62 =	vperm.xlane v8, v4  }
0x571: {  	v9 =	vadd.f32 v9, v63  }
0x572: {  	[tilespmem:s0+$0xFFFFFF80] =	vst v10;
	v8 =	vadd.f32 v8, v62  }
0x573: {  	[tilespmem:s0+$0x0] =	vst v9  }
0x574: {  	[tilespmem:s0+$0xFFFFFF00] =	vst v8  }
0x575: {  	v8 =	vld.idx.msk [tilespmem:v1+s26+$0x0], $0xffff;
	_ =	sdelay $0x4  }
0x576: {  	[tilespmem:$0x125C0] =	vst v8  }
0x577: {  	v8 =	vld.idx.msk [tilespmem:v5+s26+$0x0], $0xffff;
	_ =	sdelay $0x4  }
0x578: {  	[tilespmem:$0x125D0] =	vst v8  }
0x579: {  	v8 =	vld.idx.msk [tilespmem:v6+s26+$0x0], $0xffff;
	_ =	sdelay $0x4  }
0x57a: {  	[tilespmem:$0x125E0] =	vst v8  }
0x57b: {  	v8 =	vld.idx.msk [tilespmem:v7+s26+$0x0], $0xffff;
	_ =	sdelay $0x2  }
0x57c: {  	s29 =	sadd.s32 $0x1, s29  }
0x57d: {  	p0 =	sne.s32 s29, s13  }
.Ltmp8:
0x57e: {  	[tilespmem:$0x125F0] =	vst v8;
	(pc) =	sbr.rel @p0 .LBB2_1-.Ltmp8, $4  }
0x57f: {  	[hbm4b:s5+s4] =	stream.linear.scatter [tilespmem:s28], [sflag:$0x5], $0x200, $0x38;
	[tilespmem:$0x12600] =	vst v63  }
0x580: {  	_ =	swait.ge [sflag:s14], $0x200  }
0x581: {  	[sflag:s14] =	ssyncset.done $0x0  }
0x582: {  	[sflag:s14] =	ssyncadd.s32 $0xFFFFFE00  }
0x583: {  	_ =	sfence.sel $0x180000  }
0x584: {  	[bflag:$0x0] =	sbarrier.arrive $0xFFFF  }
0x585: {  	_ =	strace $0x90000047  }
0x586: {  	s0 =	stileid.u32;
	[bflag:$0x2] =	sbarrier.arrive $0xFFFF  }
0x587: {  	p0 =	sne.s32 s0, $0x0;
	s0 =	rddreg [dreg:$0x5]  }
0x588: {  	s0 =	sadd.s32 @!p0 $0x100000, s0  }
0x589: {  	[sflag:s0] =	ssyncadd.tile.s32 @!p0 $0x1;
	_ =	shalt  }
.Lfunc_end2:
_tile_overlayer_lowered:
.L_overlay_start_2:
0x58a: {  	(tag) =	ssettag $0x2  }
0x58b: {  	s0 =	rddreg [dreg:$0x0];
	s2 =	stileid.u32  }
0x58c: {  	s1 =	rddreg [dreg:$0x1];
	p0 =	sne.s32 s2, $0x0  }
0x58d: {  	s3 =	rddreg [dreg:$0x2];
	[bflag:$0x3] =	sbarrier.arrive $0xFFFF;
	s2 =	simm.s32 @!p0 $0x1C05  }
0x58e: {  	[timem:s3], [sflag:s2] =	dma.local @!p0 [hbm:s0], s1  }
0x58f: {  	s0 =	simm.s32 @!p0 $0x5  }
0x590: {  	_ =	swait.ge @!p0 [sflag:s0], s1  }
0x591: {  	s1 =	ssub.s32 @!p0 $0x0, s1;
	[sflag:s0] =	ssyncset.done @!p0 $0x0  }
0x592: {  	[sflag:s0] =	ssyncadd.s32 @!p0 s1  }
0x593: {  	[bflag:$0x3] =	sbarrier.arrive $0xFFFF  }
0x594: {  	_ =	shalt  }

// kernel: kernel.7.cloned.1.call-start
scs
__scs_entry_jumppad:
0x0: {  	(pc) =	sbr.rel $0x88, $3  }
0x1: {  	(tag) =	ssettag $0x0;
	lr =	simm.s32 $0x1  }
0x2: {  	[smem:$0x3F9B] =	sst lr;
	_ =	strace $0xD0000000  }
0x3: {  	_ = 	snop  }
0x4: {  	_ = 	snop  }
0x5: {  	_ = 	snop  }
0x6: {  	_ = 	snop  }
0x7: {  	_ = 	snop  }
__scs_overlays_trampoline_lowered:
0x8: {  	[smem:$0x3FAA] =	sst s0  }
0x9: {  	[smem:$0x3FAB] =	sst s1  }
0xa: {  	[smem:$0x3FAC] =	sst s2  }
0xb: {  	[smem:$0x3FAD] =	sst s3  }
0xc: {  	[smem:$0x3FAE] =	sst s4  }
0xd: {  	[smem:$0x3FAF] =	sst s5  }
0xe: {  	[smem:$0x3FB0] =	sst s6  }
0xf: {  	[smem:$0x3FB1] =	sst s7  }
0x10: {  	[smem:$0x3FB2] =	sst s8  }
0x11: {  	[smem:$0x3FB3] =	sst s9;
	s0 =	simm.s32 @!p0 $0x0  }
0x12: {  	s1 =	sld [smem:$0x3F99];
	s0 =	simm.s32 @p0 $0x1  }
0x13: {  	[smem:$0x3FB4] =	sst s0;
	s0 =	simm.s32 @!p1 $0x0  }
0x14: {  	s2 =	sld [smem:$0x3F98];
	s0 =	simm.s32 @p1 $0x1  }
0x15: {  	[smem:$0x3FB5] =	sst s0;
	s0 =	simm.s32 @!p2 $0x0  }
0x16: {  	s3 =	sld [smem:$0x3FDB];
	s0 =	simm.s32 @p2 $0x1  }
0x17: {  	s4 =	simm.s32 $0x1BF5;
	[smem:$0x3FB7] =	sst s0  }
0x18: {  	s0 =	sld [smem:$0x3F9A];
	_ =	swait.ge [sflag:s4], $0x0  }
0x19: {  	s7 =	sld [smem:$0x3F9B]  }
0x1a: {  	s8 =	sadd.s32 $0xFFFFE003, lr  }
0x1b: {  	s9 =	sadd.s32 $0xFFFFFEF7, lr;
	s5 =	simm.s32 $0xFFFFFFFF;
	p2 =	slt.u32 s8, $0xFFFFF086  }
0x1c: {  	p1 =	slt.u32 s9, $0xF7A;
	s5 =	simm.s32 @!p2 $0x0  }
0x1d: {  	s5 =	simm.s32 @p1 $0x1;
	p0 =	seq.s32 s7, s2  }
0x1e: {  	s7 =	smul.u32 @!p0 $0xF7A, s2;
	p2 =	seq.s32 @!p0 s5, $0x0  }
0x1f: {  	s9 =	smul.u32 $0xF7A, s1;
	s8 =	simm.s32 @!p0 $0x1BF5;
	p2 =	por !p2, p0  }
0x20: {  	[sflag:s8] =	ssyncset.s32 @!p0 $0xFFFFF086;
	s6 =	sadd.s32 @!p0 s3, s7;
	s7 =	simm.s32 @!p0 $0x108  }
0x21: {  	s3 =	sadd.s32 s3, s9;
	s6 =	sadd.s32 @!p0 $0x88, s6;
	s7 =	simm.s32 @p2 $0x1082  }
0x22: {  	[simem:s7], [sflag:s8] =	dma.local @!p0 [hbm:s6], $0xF7A  }
0x23: {  	s9 =	sor.u32 $0xD0000000, s2;
	s6 =	simm.s32 $0x108;
	_ =	swait.ge @!p0 [sflag:s8], $0x0  }
0x24: {  	s3 =	sadd.s32 $0x88, s3;
	s6 =	simm.s32 @!p1 $0x1082;
	[sflag:s4] =	ssyncset.s32 $0xFFFFF086  }
0x25: {  	[simem:s6], [sflag:s4] =	dma.local [hbm:s3], $0xF7A  }
0x26: {  	[smem:$0x3F9B] =	sst s1;
	(tag) =	ssettag s2;
	_ =	strace s9  }
0x27: {  	s1 =	sld [smem:$0x3FAB]  }
0x28: {  	s2 =	sld [smem:$0x3FAC]  }
0x29: {  	s4 =	sld [smem:$0x3FAE]  }
0x2a: {  	p0 =	seq.s32 s5, $0x0;
	s5 =	sld [smem:$0x3FAF]  }
0x2b: {  	s6 =	sld [smem:$0x3FB0]  }
0x2c: {  	s7 =	sld [smem:$0x3FB1]  }
0x2d: {  	s3 =	simm.s32 $0x108;
	s8 =	sld [smem:$0x3FB2]  }
0x2e: {  	s3 =	simm.s32 @!p0 $0x1082;
	s9 =	sld [smem:$0x3FB3]  }
0x2f: {  	lr =	sadd.s32 s0, s3;
	s0 =	sld [smem:$0x3FAA]  }
0x30: {  	s3 =	sld [smem:$0x3FAD]  }
0x31: {  	[smem:$0x3FB6] =	sst s10  }
0x32: {  	s10 =	sld [smem:$0x3FB4];
	_ =	sdelay $0x3  }
0x33: {  	p0 =	seq.s32 s10, $0x1;
	s10 =	sld [smem:$0x3FB6];
	_ =	sdelay $0x3  }
0x34: {  	[smem:$0x3FB6] =	sst s10  }
0x35: {  	s10 =	sld [smem:$0x3FB5];
	_ =	sdelay $0x3  }
0x36: {  	p1 =	seq.s32 s10, $0x1;
	s10 =	sld [smem:$0x3FB6];
	_ =	sdelay $0x3  }
0x37: {  	[smem:$0x3FB6] =	sst s10  }
0x38: {  	s10 =	sld [smem:$0x3FB7]  }
0x39: {  	_ = 	snop;
	(pc) =	sbr.ind lr, $3  }
0x3a: {  	_ = 	snop  }
0x3b: {  	_ = 	snop  }
0x3c: {  	p2 =	seq.s32 s10, $0x1;
	s10 =	sld [smem:$0x3FB6]  }
0x3d: {  	_ =	shalt  }
0x3e: {  	_ =	shalt  }
0x3f: {  	_ =	shalt  }
0x40: {  	_ =	shalt  }
0x41: {  	_ =	shalt  }
0x42: {  	_ =	shalt  }
0x43: {  	_ =	shalt  }
0x44: {  	_ =	shalt  }
0x45: {  	_ =	shalt  }
0x46: {  	_ =	shalt  }
0x47: {  	_ =	shalt  }
0x48: {  	_ =	shalt  }
0x49: {  	_ =	shalt  }
0x4a: {  	_ =	shalt  }
0x4b: {  	_ =	shalt  }
0x4c: {  	_ =	shalt  }
0x4d: {  	_ =	shalt  }
0x4e: {  	_ =	shalt  }
0x4f: {  	_ =	shalt  }
0x50: {  	_ =	shalt  }
0x51: {  	_ =	shalt  }
0x52: {  	_ =	shalt  }
0x53: {  	_ =	shalt  }
0x54: {  	_ =	shalt  }
0x55: {  	_ =	shalt  }
0x56: {  	_ =	shalt  }
0x57: {  	_ =	shalt  }
0x58: {  	_ =	shalt  }
0x59: {  	_ =	shalt  }
0x5a: {  	_ =	shalt  }
0x5b: {  	_ =	shalt  }
0x5c: {  	_ =	shalt  }
0x5d: {  	_ =	shalt  }
0x5e: {  	_ =	shalt  }
0x5f: {  	_ =	shalt  }
0x60: {  	_ =	shalt  }
0x61: {  	_ =	shalt  }
0x62: {  	_ =	shalt  }
0x63: {  	_ =	shalt  }
0x64: {  	_ =	shalt  }
0x65: {  	_ =	shalt  }
0x66: {  	_ =	shalt  }
0x67: {  	_ =	shalt  }
0x68: {  	_ =	shalt  }
0x69: {  	_ =	shalt  }
0x6a: {  	_ =	shalt  }
0x6b: {  	_ =	shalt  }
0x6c: {  	_ =	shalt  }
0x6d: {  	_ =	shalt  }
0x6e: {  	_ =	shalt  }
0x6f: {  	_ =	shalt  }
0x70: {  	_ =	shalt  }
0x71: {  	_ =	shalt  }
0x72: {  	_ =	shalt  }
0x73: {  	_ =	shalt  }
0x74: {  	_ =	shalt  }
0x75: {  	_ =	shalt  }
0x76: {  	_ =	shalt  }
0x77: {  	_ =	shalt  }
0x78: {  	_ =	shalt  }
0x79: {  	_ =	shalt  }
0x7a: {  	_ =	shalt  }
0x7b: {  	_ =	shalt  }
0x7c: {  	_ =	shalt  }
0x7d: {  	_ =	shalt  }
0x7e: {  	_ =	shalt  }
0x7f: {  	_ =	shalt  }
0x80: {  	_ =	shalt  }
0x81: {  	_ =	shalt  }
0x82: {  	_ =	shalt  }
0x83: {  	_ =	shalt  }
0x84: {  	_ =	shalt  }
0x85: {  	_ =	shalt  }
0x86: {  	_ =	shalt  }
0x87: {  	_ =	shalt  }
.Lfunc_end0:
.L_simem_size_0:
called_computation.1_lowered:
.L_overlay_start_0:
0x88: {  	s2 =	sld [smem:$0x3FD9]  }
0x89: {  	s3 =	sld [smem:$0x3FFE];
	_ =	sdelay $0x1  }
0x8a: {  	s1 =	srdreg.scid  }
0x8b: {  	s0 =	sand.u32 $0x1, s1  }
0x8c: {  	s17 =	sshll.u32 s0, $0xA;
	s2 =	sadd.s32 s3, s2  }
0x8d: {  	s2 =	sadd.s32 s2, s17  }
0x8e: {  	[smem:$0x3FC2] =	sst s2  }
0x8f: {  	_ = 	snop  }
0x90: {  	s2 =	sld [smem:$0x3FC9]  }
0x91: {  	s18 =	sld [smem:$0x3FC8]  }
0x92: {  	s4 =	sld [smem:$0x3FD0];
	(tm) =	ssettm $0x1  }
0x93: {  	s5 =	sld [smem:$0x3FFB];
	_ =	sdelay $0x3  }
0x94: {  	_ =	strace s5  }
0x95: {  	s5 =	sld [smem:$0x3FFC];
	_ =	sdelay $0x3  }
0x96: {  	_ =	strace s5  }
0x97: {  	s5 =	sld [smem:$0x3FFD];
	_ =	sdelay $0x3  }
0x98: {  	_ =	strace s5  }
0x99: {  	_ =	strace $0x8FFFFFFF  }
0x9a: {  	s19 =	sld [smem:$0x3FDB];
	_ =	sdelay $0x1  }
0x9b: {  	s6 =	simm.s32 $_scs_section_size  }
0x9c: {  	s7 =	simm.s32 $_size__tile_overlayer_lowered;
	s8 =	simm.s32 $_tile_overlayer_lowered  }
0x9d: {  	s22 =	simm.s32 $0x1BFF;
	s21 =	sshll.u32 s8, $0x1;
	s5 =	sadd.s32 s6, s19  }
0x9e: {  	s9 =	simm.s32 $0x0;
	s20 =	sshll.u32 s7, $0x1;
	s7 =	sadd.s32 s21, s5  }
0x9f: {  	[timem:s9], [sflag:s22] =	dma.local [hbm:s7], s20  }
0xa0: {  	_ =	swait.ge [sflag:s22], s20  }
0xa1: {  	s6 =	ssub.s32 $0x0, s20;
	[sflag:s22] =	ssyncset.done $0x0  }
0xa2: {  	[sflag:s22] =	ssyncadd.s32 s6;
	_ =	sdelay $0x1  }
0xa3: {  	s23 =	simm.s32 $0x1B8B  }
0xa4: {  	_ =	swait.ge [sflag:s23], $0x1  }
0xa5: {  	[sflag:s23] =	ssyncset.done $0x0  }
0xa6: {  	s25 =	simm.s32 $0x1B8E;
	s24 =	sld [smem:$0x3FFE];
	[sflag:s23] =	ssyncadd.s32 $0xFFFFFFFF  }
0xa7: {  	s26 =	simm.s32 $execute0_lowered;
	[smem:$0x3FD2] =	sst s25  }
0xa8: {  	s7 =	sshll.u32 s26, $0x1;
	_ =	strace $0x80000049;
	[dreg:$0x1] =	wrdreg $0xFFFFFFFF  }
0xa9: {  	s28 =	simm.s32 $_size_execute0_lowered;
	s5 =	sadd.s32 s5, s7;
	[dreg:$0x0] =	wrdreg $0x0  }
0xaa: {  	s7 =	sshll.u32 s28, $0x1;
	[dreg:$0x2] =	wrdreg s5  }
0xab: {  	[dreg:$0x3] =	wrdreg s7  }
0xac: {  	[dreg:$0x4] =	wrdreg $0xC0  }
0xad: {  	_ =	task [dreg:s9], $0x5FFFF  }
0xae: {  	[dreg:$0x1] =	wrdreg $0xFFFFFFFF  }
0xaf: {  	[dreg:$0x0] =	wrdreg $0x60  }
0xb0: {  	[dreg:$0x2] =	wrdreg s2  }
0xb1: {  	[dreg:$0x3] =	wrdreg s18  }
0xb2: {  	[dreg:$0x4] =	wrdreg s24  }
0xb3: {  	[dreg:$0x5] =	wrdreg s4  }
0xb4: {  	[dreg:$0x6] =	wrdreg $0x9  }
0xb5: {  	_ =	task.clear_ibuf [dreg:s9], $0x7FFFF;
	_ =	strace $0x90000049  }
0xb6: {  	s29 =	simm.s32 $0x9;
	_ =	strace $0x8000004B  }
0xb7: {  	_ =	swait.ge [sflag:s29], $0x1  }
0xb8: {  	[sflag:s29] =	ssyncadd.s32 $0xFFFFFFFF  }
0xb9: {  	_ =	strace $0x9000004B  }
0xba: {  	_ =	sfence  }
0xbb: {  	s30 =	sld [smem:$0x0];
	_ =	sdelay $0x2  }
0xbc: {  	s31 =	sshll.u32 s1, $0xD;
	s1 =	sshrl.u32 s1, $0x2  }
0xbd: {  	s3 =	sand.u32 $0x4000, s31;
	s1 =	sadd.s32 s1, s30  }
0xbe: {  	s0 =	sor.u32 s3, s0;
	s1 =	sshll.u32 s1, $0x11  }
0xbf: {  	s0 =	sor.u32 s1, s0  }
0xc0: {  	s0 =	sadd.s32 $0x8F2B, s0  }
0xc1: {  	[sflag:s0] =	ssyncadd.remote.s32 $0x1  }
0xc2: {  	_ =	sfence.sel $0xFFFF  }
0xc3: {  	[dreg:$0x0] =	wrdreg $0xFFFFFFFF;
	(pc) =	sbr.abs _section_cstart, $3  }
0xc4: {  	[dreg:$0x1] =	wrdreg $0xFFFFFFFF  }
0xc5: {  	_ =	task.clear_ibuf [dreg:s9], $0x2FFFF;
	_ =	strace $0x9FFFFFFF  }
0xc6: {  	(tm) =	ssettm $0x7FFFFFFF  }
0xc7: {  	_ =	shalt  }
tec
execute0_lowered:
.L_overlay_start_1:
0x0: {  	(tag) =	ssettag $0x1  }
0x1: {  	s0 =	rddreg [dreg:$0x0]  }
0x2: {  	s1 =	rddreg [dreg:$0x1]  }
0x3: {  	s6 =	rddreg [dreg:$0x2]  }
0x4: {  	s10 =	rddreg [dreg:$0x3]  }
0x5: {  	s2 =	srdreg.scid;
	s4 =	stileid.u32;
	s14 =	simm.s32 $0x80  }
0x6: {  	s22 =	simm.s32 $0xA80;
	s23 =	simm.s32 $0x500;
	s24 =	simm.s32 $0x900  }
0x7: {  	s25 =	simm.s32 $0x700;
	s26 =	simm.s32 $0xB00;
	s28 =	simm.s32 $0x580  }
0x8: {  	s29 =	simm.s32 $0x980;
	s30 =	simm.s32 $0x780;
	s31 =	simm.s32 $0xB80  }
0x9: {  	s13 =	simm.s32 $0xE80;
	s15 =	simm.s32 $0x1;
	s16 =	simm.s32 $0x1300  }
0xa: {  	s17 =	simm.s32 $0x0;
	s3 =	sand.u32 $0x1, s2;
	s2 =	simm.s32 $0x0  }
0xb: {  	s4 =	sshll.u32 s4, $0x7;
	s5 =	sshll.u32 s3, $0x6;
	[smem:$0x7FF] =	sst s2  }
0xc: {  	s7 =	ssub.s32 $0x2, s3;
	s3 =	sadd.s32 $0xC00, s6;
	s11 =	sor.u32 s5, s4  }
0xd: {  	_ =	strace $0x8000004A;
	s4 =	sadd.s32 $0x1F400, s6;
	s8 =	sshrl.u32 s7, $0x1  }
0xe: {  	s5 =	sadd.s32 $0x3DE00, s6;
	s9 =	sadd.s32 s11, s6;
	s6 =	sadd.s32 $0x3DC00, s6  }
0xf: {  	s12 =	ssub.s32 s7, s8;
	s7 =	sadd.s32 s0, s11;
	s8 =	sadd.s32 s1, s11  }
0x10: {  	s10 =	sadd.s32 s10, s11;
	s0 =	simm.s32 $0x1100;
	s1 =	simm.s32 $0xC00  }
0x11: {  	s9 =	sadd.s32 $0x400, s9;
	s11 =	smax.u32 s12, $0x1;
	s12 =	simm.s32 $0x2  }
.LBB2_1:
0x12: {  	[tilespmem:s2], [sflag:$0x2] =	stream.linear.gather [hbm4b:s7+s2], $0x200, $0x38;
	[tilespmem:$0x1500] =	vst v63  }
0x13: {  	_ =	swait.ge [sflag:s12], $0x200  }
0x14: {  	[sflag:s12] =	ssyncset.done $0x0  }
0x15: {  	s18 =	simm.s32 $0x200;
	[sflag:s12] =	ssyncadd.s32 $0xFFFFFE00  }
0x16: {  	[tilespmem:s18], [sflag:$0x2] =	stream.linear.gather [hbm4b:s8+s2], $0x200, $0x38;
	[tilespmem:$0x1500] =	vst v63  }
0x17: {  	_ =	swait.ge [sflag:s12], $0x200  }
0x18: {  	[sflag:s12] =	ssyncset.done $0x0  }
0x19: {  	s18 =	simm.s32 $0x0;
	[sflag:s12] =	ssyncadd.s32 $0xFFFFFE00  }
0x1a: {  	v0 =	vld [tilespmem:s18+$0x200]  }
0x1b: {  	v1 =	vld [tilespmem:s18+$0x0]  }
0x1c: {  	s19 =	simm.s32 $0x40  }
.LBB2_2:
0x1d: {  	p0 =	sne.s32 s19, $0x7C0  }
.Ltmp0:
0x1e: {  	_ = 	snop;
	(pc) =	sbr.rel @p0 .LBB2_2-.Ltmp0, $4  }
0x1f: {  	s20 =	sshra.s32 s19, $0x2;
	vm0 =	vlt.s32 v0, $0xF3FFF  }
0x20: {  	vm1 =	vlt.s32 v1, $0xF3FFF;
	v2 =	vnsel vm0, $0xF3FFF, v0;
	v0 =	vld [tilespmem:s20+$0x200]  }
0x21: {  	v3 =	vnsel vm1, $0xF3FFF, v1;
	v1 =	vld [tilespmem:s20+$0x0];
	[tilespmem:s18+$0x600] =	vst v2  }
0x22: {  	s19 =	sadd.s32 $0x40, s19;
	[tilespmem:s18+$0x400] =	vst v3;
	s18 =	smov.u32 s20  }
0x23: {  	_ =	sdelay $0x1  }
0x24: {  	vm0 =	vlt.s32 v0, $0xF3FFF  }
0x25: {  	vm1 =	vlt.s32 v1, $0xF3FFF;
	v0 =	vnsel vm0, $0xF3FFF, v0  }
0x26: {  	v1 =	vnsel vm1, $0xF3FFF, v1;
	[tilespmem:s18+$0x600] =	vst v0  }
0x27: {  	s21 =	simm.s32 $0x400;
	s19 =	simm.s32 $0x800;
	[tilespmem:s18+$0x400] =	vst v1  }
0x28: {  	[tilespmem:s19], [sflag:$0x1] =	stream.indirect.gather [hbm4b:s3+s14], $0x1, s21, s14, $0xb8;
	[tilespmem:$0x1500] =	vst v63  }
0x29: {  	s20 =	simm.s32 $0x600;
	s21 =	simm.s32 $0xA00  }
0x2a: {  	[tilespmem:s21], [sflag:$0x1] =	stream.indirect.gather [hbm4b:s4+s14], $0x1, s20, s14, $0xb8;
	[tilespmem:$0x1500] =	vst v63  }
0x2b: {  	s20 =	simm.s32 $0x480;
	s21 =	simm.s32 $0x880  }
0x2c: {  	[tilespmem:s21], [sflag:$0x1] =	stream.indirect.gather [hbm4b:s3+s14], $0x1, s20, s14, $0xb8;
	[tilespmem:$0x1500] =	vst v63  }
0x2d: {  	s20 =	simm.s32 $0x680  }
0x2e: {  	[tilespmem:s22], [sflag:$0x1] =	stream.indirect.gather [hbm4b:s4+s14], $0x1, s20, s14, $0xb8;
	[tilespmem:$0x1500] =	vst v63  }
0x2f: {  	_ = 	snop  }
0x30: {  	[tilespmem:s24], [sflag:$0x1] =	stream.indirect.gather [hbm4b:s3+s14], $0x1, s23, s14, $0xb8;
	[tilespmem:$0x1500] =	vst v63  }
0x31: {  	_ = 	snop  }
0x32: {  	[tilespmem:s26], [sflag:$0x1] =	stream.indirect.gather [hbm4b:s4+s14], $0x1, s25, s14, $0xb8;
	[tilespmem:$0x1500] =	vst v63  }
0x33: {  	_ = 	snop  }
0x34: {  	[tilespmem:s29], [sflag:$0x1] =	stream.indirect.gather [hbm4b:s3+s14], $0x1, s28, s14, $0xb8;
	[tilespmem:$0x1500] =	vst v63  }
0x35: {  	_ = 	snop  }
0x36: {  	[tilespmem:s31], [sflag:$0x1] =	stream.indirect.gather [hbm4b:s4+s14], $0x1, s30, s14, $0xb8;
	[tilespmem:$0x1500] =	vst v63  }
0x37: {  	s21 =	simm.s32 $0x0  }
0x38: {  	[tilespmem:s0], [sflag:$0x2] =	stream.linear.gather [hbm4b:s9+s21], $0x200, $0x38;
	[tilespmem:$0x1500] =	vst v63  }
0x39: {  	_ =	swait.ge [sflag:s12], $0x200  }
0x3a: {  	[sflag:s12] =	ssyncset.done $0x0  }
0x3b: {  	[sflag:s12] =	ssyncadd.s32 $0xFFFFFE00  }
0x3c: {  	[tilespmem:s1], [sflag:$0x2] =	stream.linear.gather [hbm4b:s5+s21], $0x280, $0x38;
	[tilespmem:$0x1500] =	vst v63  }
0x3d: {  	_ =	swait.ge [sflag:s12], $0x280  }
0x3e: {  	[sflag:s12] =	ssyncset.done $0x0  }
0x3f: {  	[sflag:s12] =	ssyncadd.s32 $0xFFFFFD80  }
0x40: {  	[tilespmem:s13], [sflag:$0x2] =	stream.linear.gather [hbm4b:s6+s21], $0x280, $0x38;
	[tilespmem:$0x1500] =	vst v63  }
0x41: {  	_ =	swait.ge [sflag:s12], $0x280  }
0x42: {  	[sflag:s12] =	ssyncset.done $0x0  }
0x43: {  	[sflag:s12] =	ssyncadd.s32 $0xFFFFFD80  }
0x44: {  	_ =	swait.ge [sflag:s15], $0x80  }
0x45: {  	[sflag:s15] =	ssyncset.done $0x0  }
0x46: {  	[sflag:s15] =	ssyncadd.s32 $0xFFFFFF80  }
0x47: {  	_ =	swait.ge [sflag:s15], $0x80  }
0x48: {  	[sflag:s15] =	ssyncset.done $0x0  }
0x49: {  	[sflag:s15] =	ssyncadd.s32 $0xFFFFFF80  }
0x4a: {  	_ =	swait.ge [sflag:s15], $0x80  }
0x4b: {  	[sflag:s15] =	ssyncset.done $0x0  }
0x4c: {  	[sflag:s15] =	ssyncadd.s32 $0xFFFFFF80  }
0x4d: {  	_ =	swait.ge [sflag:s15], $0x80  }
0x4e: {  	[sflag:s15] =	ssyncset.done $0x0  }
0x4f: {  	[sflag:s15] =	ssyncadd.s32 $0xFFFFFF80  }
0x50: {  	_ =	swait.ge [sflag:s15], $0x80  }
0x51: {  	[sflag:s15] =	ssyncset.done $0x0  }
0x52: {  	[sflag:s15] =	ssyncadd.s32 $0xFFFFFF80  }
0x53: {  	_ =	swait.ge [sflag:s15], $0x80  }
0x54: {  	[sflag:s15] =	ssyncset.done $0x0  }
0x55: {  	[sflag:s15] =	ssyncadd.s32 $0xFFFFFF80  }
0x56: {  	_ =	swait.ge [sflag:s15], $0x80  }
0x57: {  	[sflag:s15] =	ssyncset.done $0x0  }
0x58: {  	[sflag:s15] =	ssyncadd.s32 $0xFFFFFF80  }
0x59: {  	_ =	swait.ge [sflag:s15], $0x80  }
0x5a: {  	[sflag:s15] =	ssyncset.done $0x0  }
0x5b: {  	s19 =	simm.s32 $0x0;
	[sflag:s15] =	ssyncadd.s32 $0xFFFFFF80  }
0x5c: {  	v2 =	vld [tilespmem:s19+$0x0];
	_ =	sdelay $0x2  }
0x5d: {  	v3 =	vld [tilespmem:s19+$0x200];
	_ =	sdelay $0x1  }
0x5e: {  	v0 =	vadd.s32 $0xFFF0C000, v2  }
0x5f: {  	vm11 =	vgt.s32 v0, $0x0  }
0x60: {  	v0 =	vnsel vm11, $0x0, v0  }
0x61: {  	v1 =	vadd.s32 $0xFFF0C000, v3;
	v4 =	vmin.u32 v0, $0x23F  }
0x62: {  	vm12 =	vgt.s32 v1, $0x0  }
0x63: {  	s18 =	simm.s32 $0x10;
	v7 =	vld [tilespmem:s19+$0x800];
	v0 =	vnsel vm12, $0x0, v1  }
0x64: {  	v1 =	vld [tilespmem:s18+$0x200];
	v5 =	vmin.u32 v0, $0x23F  }
0x65: {  	v0 =	vld [tilespmem:s18+$0x0]  }
0x66: {  	v4 =	vld.idx.msk [tilespmem:v4+s1+$0x0], $0xffff  }
0x67: {  	v6 =	vld [tilespmem:s19+$0x1100]  }
0x68: {  	v8 =	vld [tilespmem:s19+$0xA00]  }
0x69: {  	v5 =	vld.idx.msk [tilespmem:v5+s13+$0x0], $0xffff  }
0x6a: {  	vm13 =	vgt.s32 v2, $0xF3FFF;
	vm15 =	vgt.s32 v3, $0xF3FFF;
	v9 =	vadd.s32 $0xFFF0C000, v0  }
0x6b: {  	vm14 =	vgt.s32 v9, $0x0;
	v2 =	vsel vm13, v4, v7;
	v4 =	vadd.s32 $0xFFF0C000, v1  }
0x6c: {  	vm2 =	vgt.s32 v4, $0x0;
	v3 =	vadd.f32 v6, v2;
	v6 =	vnsel vm14, $0x0, v9  }
0x6d: {  	v7 =	vnsel vm2, $0x0, v4;
	v4 =	vmin.u32 v6, $0x23F  }
0x6e: {  	v8 =	vsel vm15, v5, v8  }
0x6f: {  	v2 =	vld [tilespmem:s18+$0x1100];
	v5 =	vmin.u32 v7, $0x23F;
	v6 =	vadd.f32 v3, v8  }
0x70: {  	s20 =	simm.s32 $0x20;
	s21 =	simm.s32 $0xC0;
	v3 =	vld [tilespmem:s18+$0x800]  }
.LBB2_4:
0x71: {  	p0 =	sne.s32 s21, $0x7C0;
	v7 =	vld [tilespmem:s20+$0x0];
	[tilespmem:s19+$0x1300] =	vst v6;
	s19 =	smov.u32 s18;
	s18 =	smov.u32 s20  }
0x72: {  	v4 =	vld.idx.msk [tilespmem:v4+s1+$0x0], $0xffff  }
0x73: {  	v6 =	vld [tilespmem:s18+$0x200]  }
0x74: {  	v5 =	vld.idx.msk [tilespmem:v5+s13+$0x0], $0xffff  }
0x75: {  	v8 =	vld [tilespmem:s19+$0xA00]  }
0x76: {  	v9 =	vadd.s32 $0xFFF0C000, v7  }
0x77: {  	vm1 =	vgt.s32 v0, $0xF3FFF;
	vm2 =	vgt.s32 v1, $0xF3FFF;
	v0 =	vmovc v7;
	vm0 =	vgt.s32 v9, $0x0  }
.Ltmp1:
0x78: {  	v3 =	vsel vm1, v4, v3;
	v7 =	vnsel vm0, $0x0, v9;
	v9 =	vadd.s32 $0xFFF0C000, v6;
	v1 =	vmovc v6;
	(pc) =	sbr.rel @p0 .LBB2_4-.Ltmp1, $4  }
0x79: {  	v3 =	vadd.f32 v2, v3;
	v4 =	vmin.u32 v7, $0x23F;
	vm0 =	vgt.s32 v9, $0x0  }
0x7a: {  	v2 =	vnsel vm0, $0x0, v9;
	v6 =	vsel vm2, v5, v8  }
0x7b: {  	v5 =	vmin.u32 v2, $0x23F;
	v2 =	vld [tilespmem:s18+$0x1100];
	v6 =	vadd.f32 v3, v6  }
0x7c: {  	s20 =	sshra.s32 s21, $0x2;
	s21 =	sadd.s32 $0x40, s21;
	v3 =	vld [tilespmem:s18+$0x800]  }
0x7d: {  	_ =	sdelay $0x1  }
0x7e: {  	v7 =	vld [tilespmem:s20+$0x0];
	[tilespmem:s19+$0x1300] =	vst v6  }
0x7f: {  	v6 =	vld [tilespmem:s20+$0x200]  }
0x80: {  	v4 =	vld.idx.msk [tilespmem:v4+s1+$0x0], $0xffff  }
0x81: {  	v5 =	vld.idx.msk [tilespmem:v5+s13+$0x0], $0xffff  }
0x82: {  	v8 =	vld [tilespmem:s18+$0xA00]  }
0x83: {  	v9 =	vadd.s32 $0xFFF0C000, v7  }
0x84: {  	vm1 =	vgt.s32 v0, $0xF3FFF;
	vm12 =	vgt.s32 v1, $0xF3FFF;
	vm0 =	vgt.s32 v9, $0x0  }
0x85: {  	v57 =	vadd.s32 $0xFFF0C000, v6;
	v58 =	vsel vm1, v4, v3;
	v56 =	vnsel vm0, $0x0, v9  }
0x86: {  	vm13 =	vgt.s32 v57, $0x0;
	v1 =	vadd.f32 v2, v58;
	v0 =	vmin.u32 v56, $0x23F  }
0x87: {  	v60 =	vsel vm12, v5, v8;
	v59 =	vnsel vm13, $0x0, v57  }
0x88: {  	v2 =	vmin.u32 v59, $0x23F;
	v1 =	vadd.f32 v1, v60  }
0x89: {  	v61 =	vld [tilespmem:s20+$0x1100]  }
0x8a: {  	v62 =	vld [tilespmem:s20+$0x800];
	[tilespmem:s18+$0x1300] =	vst v1  }
0x8b: {  	v0 =	vld.idx.msk [tilespmem:v0+s1+$0x0], $0xffff  }
0x8c: {  	v63 =	vld [tilespmem:s20+$0xA00]  }
0x8d: {  	v1 =	vld.idx.msk [tilespmem:v2+s13+$0x0], $0xffff;
	_ =	sdelay $0x1  }
0x8e: {  	vm14 =	vgt.s32 v7, $0xF3FFF  }
0x8f: {  	v0 =	vsel vm14, v0, v62  }
0x90: {  	vm15 =	vgt.s32 v6, $0xF3FFF;
	v0 =	vadd.f32 v61, v0  }
0x91: {  	v1 =	vsel vm15, v1, v63  }
0x92: {  	s17 =	sadd.s32 $0x1, s17;
	v0 =	vadd.f32 v0, v1  }
0x93: {  	p0 =	sne.s32 s17, s11  }
.Ltmp2:
0x94: {  	[tilespmem:s20+$0x1300] =	vst v0;
	(pc) =	sbr.rel @p0 .LBB2_1-.Ltmp2, $4  }
0x95: {  	[hbm4b:s10+s2] =	stream.linear.scatter [tilespmem:s16], [sflag:$0x2], $0x200, $0x38;
	[tilespmem:$0x1500] =	vst v63  }
0x96: {  	_ =	swait.ge [sflag:s12], $0x200  }
0x97: {  	[sflag:s12] =	ssyncset.done $0x0  }
0x98: {  	[sflag:s12] =	ssyncadd.s32 $0xFFFFFE00  }
0x99: {  	_ =	sfence.sel $0x180000  }
0x9a: {  	[bflag:$0x0] =	sbarrier.arrive $0xFFFF  }
0x9b: {  	_ =	strace $0x9000004A  }
0x9c: {  	s0 =	stileid.u32;
	[bflag:$0x2] =	sbarrier.arrive $0xFFFF  }
0x9d: {  	p0 =	sne.s32 s0, $0x0;
	s0 =	rddreg [dreg:$0x4]  }
0x9e: {  	s0 =	sadd.s32 @!p0 $0x100000, s0  }
0x9f: {  	[sflag:s0] =	ssyncadd.tile.s32 @!p0 $0x1;
	_ =	shalt  }
.Lfunc_end2:
_tile_overlayer_lowered:
.L_overlay_start_2:
0xa0: {  	(tag) =	ssettag $0x2  }
0xa1: {  	s0 =	rddreg [dreg:$0x0];
	s2 =	stileid.u32  }
0xa2: {  	s1 =	rddreg [dreg:$0x1];
	p0 =	sne.s32 s2, $0x0  }
0xa3: {  	s3 =	rddreg [dreg:$0x2];
	[bflag:$0x3] =	sbarrier.arrive $0xFFFF;
	s2 =	simm.s32 @!p0 $0x1C02  }
0xa4: {  	[timem:s3], [sflag:s2] =	dma.local @!p0 [hbm:s0], s1  }
0xa5: {  	s0 =	simm.s32 @!p0 $0x2  }
0xa6: {  	_ =	swait.ge @!p0 [sflag:s0], s1  }
0xa7: {  	s1 =	ssub.s32 @!p0 $0x0, s1;
	[sflag:s0] =	ssyncset.done @!p0 $0x0  }
0xa8: {  	[sflag:s0] =	ssyncadd.s32 @!p0 s1  }
0xa9: {  	[bflag:$0x3] =	sbarrier.arrive $0xFFFF  }
0xaa: {  	_ =	shalt  }

</sc_bundles>
